<compile_context>
chip_gen: v7x
topology: tpu7x:2x2x1
jax: 0.10.2.dev20260603
libtpu: 0.0.44.dev20260713+nightly
codegen_flags: <defaults>
</compile_context>

<pallas_src>
import jax
import jax.numpy as jnp
from jax import lax
from jax.experimental import pallas as pl
from jax.experimental.pallas import tpu as pltpu
from jax.experimental.pallas import tpu_sc as plsc

N = 10000
E = 320000
D = 128
H = 8
DK = 64
DV = 64
NC = 2
NS = 16
PP = H // NC
B = 80
ET = E // NS
NCH = ET // B
NR = N // NS
ZB = 125
SLAB_W = 80
BN = 1000


def _proj_body(x_ref, wq_ref, bq_ref, wkv_ref, bkv_ref, q_ref, kv_ref):
    xb = x_ref[...]
    q_ref[...] = jnp.dot(xb, wq_ref[...], precision=lax.Precision.HIGHEST,
                         preferred_element_type=jnp.float32) + bq_ref[...]
    kv_ref[...] = jnp.dot(xb, wkv_ref[...], precision=lax.Precision.HIGHEST,
                          preferred_element_type=jnp.float32) + bkv_ref[...]


def _proj_call(x, wqt, bq2, wkvt, bkv2):
    return pl.pallas_call(
        _proj_body,
        grid=(N // BN,),
        in_specs=[
            pl.BlockSpec((BN, D), lambda i: (i, 0)),
            pl.BlockSpec((D, H * DK), lambda i: (0, 0)),
            pl.BlockSpec((1, H * DK), lambda i: (0, 0)),
            pl.BlockSpec((D, 2 * H * DK), lambda i: (0, 0)),
            pl.BlockSpec((1, 2 * H * DK), lambda i: (0, 0)),
        ],
        out_specs=[
            pl.BlockSpec((BN, H * DK), lambda i: (i, 0)),
            pl.BlockSpec((BN, 2 * H * DK), lambda i: (i, 0)),
        ],
        out_shape=[
            jax.ShapeDtypeStruct((N, H * DK), jnp.float32),
            jax.ShapeDtypeStruct((N, 2 * H * DK), jnp.float32),
        ],
    )(x, wqt, bq2, wkvt, bkv2)


def _final_body(slab_ref, w_ref, b_ref, o_ref):
    acc = jnp.zeros((BN, D), jnp.float32)
    for h in range(H):
        blk = slab_ref[h]
        msgs = blk[:, 0:DV]
        s = blk[:, DV:DV + 1]
        rec = jnp.where(s > 0, 1.0 / s, 0.0)
        mn = msgs * rec
        acc = acc + jnp.dot(mn, w_ref[h * DV:(h + 1) * DV, :],
                            precision=lax.Precision.HIGHEST,
                            preferred_element_type=jnp.float32)
    o_ref[...] = acc + b_ref[...]


def _final_call(slab, wffp, bff2):
    return pl.pallas_call(
        _final_body,
        grid=(N // BN,),
        in_specs=[
            pl.BlockSpec((H, BN, SLAB_W), lambda i: (0, i, 0)),
            pl.BlockSpec((H * DV, D), lambda i: (0, 0)),
            pl.BlockSpec((1, D), lambda i: (0, 0)),
        ],
        out_specs=pl.BlockSpec((BN, D), lambda i: (i, 0)),
        out_shape=jax.ShapeDtypeStruct((N, D), jnp.float32),
    )(slab, wffp, bff2)


def _sc_body(recv_h, send_h, q8_h, kv8_h, out_h,
             idx_r0, idx_r1, idx_s0, idx_s1,
             qidx0, qidx1, kvidx0, kvidx1, scat0, scat1,
             qg0, qg1, kvg0, kvg1, msg0, msg1, zbuf, tsc, att_sc, slab,
             sidx0, sidx1, sg0, sg1, ssc0, ssc1):
    c_ax = lax.axis_index("c")
    s_ax = lax.axis_index("s")
    idx_r = (idx_r0, idx_r1)
    idx_s = (idx_s0, idx_s1)
    qidx = (qidx0, qidx1)
    kvidx = (kvidx0, kvidx1)
    scat = (scat0, scat1)
    qg = (qg0, qg1)
    kvg = (kvg0, kvg1)
    msg = (msg0, msg1)
    sidx = (sidx0, sidx1)
    sg = (sg0, sg1)
    ssc = (ssc0, ssc1)

    tile_base = s_ax * ET
    row0 = s_ax * NR

    def zb_row(i, carry):
        for k in range(SLAB_W // 16):
            zbuf[i, pl.ds(16 * k, 16)] = jnp.zeros((16,), jnp.float32)
        return carry

    lax.fori_loop(0, 25, zb_row, 0)

    def zmsg_row(i, carry):
        msg0[i, pl.ds(DV, 16)] = jnp.zeros((16,), jnp.float32)
        msg1[i, pl.ds(DV, 16)] = jnp.zeros((16,), jnp.float32)
        return carry

    lax.fori_loop(0, B, zmsg_row, 0)

    def load_idx(chunk, slot):
        base = tile_base + chunk * B
        pltpu.async_copy(recv_h.at[pl.ds(base, B)], idx_r[slot], sidx[slot])
        pltpu.async_copy(send_h.at[pl.ds(base, B)], idx_s[slot], sidx[slot])

    def wait_idx(slot):
        pltpu.make_async_copy(recv_h.at[pl.ds(0, B)], idx_r[slot],
                              sidx[slot]).wait()
        pltpu.make_async_copy(send_h.at[pl.ds(0, B)], idx_s[slot],
                              sidx[slot]).wait()

    def issue_gathers(g_dyn, slot):
        wait_idx(slot)
        for v in range(B // 16):
            sl = pl.ds(16 * v, 16)
            qidx[slot][sl] = idx_r[slot][sl] * H + g_dyn
            kvidx[slot][sl] = idx_s[slot][sl] * H + g_dyn
        pltpu.async_copy(q8_h.at[qidx[slot]], qg[slot], sg[slot])
        pltpu.async_copy(kv8_h.at[kvidx[slot]], kvg[slot], sg[slot])

    def wait_gathers(slot):
        pltpu.make_async_copy(q8_h.at[qidx[slot]], qg[slot], sg[slot]).wait()
        pltpu.make_async_copy(kv8_h.at[kvidx[slot]], kvg[slot],
                              sg[slot]).wait()

    def wait_scatter(slot):
        pltpu.make_async_copy(msg[slot], slab.at[scat[slot]],
                              ssc[slot]).wait()

    def compute(slot):
        qgr, kvr, msr = qg[slot], kvg[slot], msg[slot]
        for v in range(B // 16):
            sl = pl.ds(16 * v, 16)
            scat[slot][sl] = idx_r[slot][sl]

        lane = lax.iota(jnp.int32, 16)
        lane17 = lane * 17
        NG = B // 16

        def p1(gi, carry):
            base_v = lane + gi * 272
            for u in range(16):
                e = gi * 16 + u
                acc = qgr[e, pl.ds(0, 16)] * kvr[e, pl.ds(0, 16)]
                for k in range(1, 4):
                    acc = acc + (qgr[e, pl.ds(16 * k, 16)] *
                                 kvr[e, pl.ds(16 * k, 16)])
                plsc.store_scatter(tsc, [base_v + 17 * u], acc)
            return carry

        lax.fori_loop(0, NG, p1, 0)

        def p2(gi, carry):
            base_v = lane17 + gi * 272
            tot = plsc.load_gather(tsc, [base_v])
            for j in range(1, 16):
                tot = tot + plsc.load_gather(tsc, [base_v + j])
            att16 = jnp.exp(tot * jnp.float32(0.125))
            att_sc[pl.ds(gi * 16, 16)] = att16
            plsc.store_scatter(msr, [lane + gi * 16,
                                     jnp.full((16,), DV, jnp.int32)], att16)
            return carry

        lax.fori_loop(0, NG, p2, 0)

        def p3(gi, carry):
            eb = gi * 16
            for u in range(16):
                e = eb + u
                ab = plsc.load_gather(att_sc,
                                      [jnp.full((16,), u, jnp.int32) + eb])
                for k in range(4):
                    msr[e, pl.ds(16 * k, 16)] = (
                        ab * kvr[e, pl.ds(64 + 16 * k, 16)])
            return carry

        lax.fori_loop(0, NG, p3, 0)
        pltpu.async_copy(msg[slot], slab.at[scat[slot]], ssc[slot], add=True)

    def run_pass(p, carry):
        g_dyn = c_ax * PP + p
        for j in range(NR // 25):
            pltpu.sync_copy(zbuf, slab.at[pl.ds(row0 + j * 25, 25)])
        plsc.subcore_barrier()

        load_idx(jnp.int32(0), 0)
        load_idx(jnp.int32(1), 1)
        issue_gathers(g_dyn, 0)

        def substep(c, slot, oslot):
            @pl.when(c <= NCH - 2)
            def _():
                issue_gathers(g_dyn, oslot)

            wait_gathers(slot)

            @pl.when(c >= 2)
            def _():
                wait_scatter(slot)

            compute(slot)

            @pl.when(c <= NCH - 3)
            def _():
                load_idx(c + 2, slot)

        def pair_body(i, carry2):
            c0 = i * 2
            substep(c0, 0, 1)
            substep(c0 + 1, 1, 0)
            return carry2

        lax.fori_loop(0, NCH // 2, pair_body, 0)
        wait_scatter(0)
        wait_scatter(1)
        plsc.subcore_barrier()
        for j in range(NR // ZB):
            rows = pl.ds(row0 + j * ZB, ZB)
            pltpu.sync_copy(slab.at[rows], out_h.at[g_dyn, rows])
        plsc.subcore_barrier()
        return carry

    lax.fori_loop(0, PP, run_pass, 0)


def _sc_call(receivers, senders, q8r, kv8r):
    mesh = plsc.VectorSubcoreMesh(core_axis_name="c", subcore_axis_name="s",
                                  num_cores=NC, num_subcores=NS)
    f = pl.kernel(
        _sc_body,
        out_type=jax.ShapeDtypeStruct((H, N, SLAB_W), jnp.float32),
        mesh=mesh,
        scratch_types=[
            pltpu.VMEM((B,), jnp.int32), pltpu.VMEM((B,), jnp.int32),
            pltpu.VMEM((B,), jnp.int32), pltpu.VMEM((B,), jnp.int32),
            pltpu.VMEM((B,), jnp.int32), pltpu.VMEM((B,), jnp.int32),
            pltpu.VMEM((B,), jnp.int32), pltpu.VMEM((B,), jnp.int32),
            pltpu.VMEM((B,), jnp.int32), pltpu.VMEM((B,), jnp.int32),
            pltpu.VMEM((B, DK), jnp.float32),
            pltpu.VMEM((B, DK), jnp.float32),
            pltpu.VMEM((B, 2 * DK), jnp.float32),
            pltpu.VMEM((B, 2 * DK), jnp.float32),
            pltpu.VMEM((B, SLAB_W), jnp.float32),
            pltpu.VMEM((B, SLAB_W), jnp.float32),
            pltpu.VMEM((25, SLAB_W), jnp.float32),
            pltpu.VMEM((17 * B,), jnp.float32),
            pltpu.VMEM((B,), jnp.float32),
            pltpu.VMEM_SHARED((N, SLAB_W), jnp.float32),
            pltpu.SemaphoreType.DMA, pltpu.SemaphoreType.DMA,
            pltpu.SemaphoreType.DMA, pltpu.SemaphoreType.DMA,
            pltpu.SemaphoreType.DMA, pltpu.SemaphoreType.DMA,
        ],
        compiler_params=pltpu.CompilerParams(use_tc_tiling_on_sc=False,
                                             needs_layout_passes=False),
    )
    return f(receivers, senders, q8r, kv8r)


def kernel(x, edge_index, Wk, bk, Wq, bq, Wv, bv, Wff, bff):
    x = x.astype(jnp.float32)
    ei = edge_index.astype(jnp.int32)
    senders = ei[0]
    receivers = ei[1]

    wqt = Wq.T
    bq2 = bq.reshape(1, H * DK)
    wkv = jnp.stack([Wk.reshape(H, DK, D), Wv.reshape(H, DV, D)],
                    axis=1).reshape(2 * H * DK, D)
    bkv2 = jnp.stack([bk.reshape(H, DK), bv.reshape(H, DV)],
                     axis=1).reshape(1, 2 * H * DK)

    q8, kv8 = _proj_call(x, wqt, bq2, wkv.T, bkv2)
    q8r = q8.reshape(H * N, DK)
    kv8r = kv8.reshape(H * N, 2 * DK)

    slab = _sc_call(receivers, senders, q8r, kv8r)
    out = _final_call(slab, Wff.T, bff.reshape(1, D))
    return out

# --- scband reference (transcript-rebuilt; emitter-appended) ---
"""Pipeline reference for scband-attention-block-601295421822 (READ-ONLY COPY).

The authoritative reference and input builder live on the scoring server;
editing this copy changes nothing except your own understanding.
"""

import jax, jax.numpy as jnp
import numpy as np
import math

N = 10000
E = 320000
D = 128   # d_Embedding
H = 8     # heads
DK = 64   # per-head key/query dim
DV = 64   # per-head value dim


def setup_inputs(seed: int = 0) -> dict:
    key = jax.random.key(seed)
    ks = jax.random.split(key, 12)
    x = jax.random.normal(ks[0], (N, D), dtype=jnp.float32)
    edge_index = jax.random.randint(ks[1], (2, E), 0, N)
    # learned parameters (nn.Linear convention: y = x @ W.T + b)
    Wk = jax.random.normal(ks[2], (H * DK, D), dtype=jnp.float32) * 0.02
    bk = jax.random.normal(ks[3], (H * DK,), dtype=jnp.float32) * 0.02
    Wq = jax.random.normal(ks[4], (H * DK, D), dtype=jnp.float32) * 0.02
    bq = jax.random.normal(ks[5], (H * DK,), dtype=jnp.float32) * 0.02
    Wv = jax.random.normal(ks[6], (H * DV, D), dtype=jnp.float32) * 0.02
    bv = jax.random.normal(ks[7], (H * DV,), dtype=jnp.float32) * 0.02
    Wff = jax.random.normal(ks[8], (D, H * DV), dtype=jnp.float32) * 0.02
    bff = jax.random.normal(ks[9], (D,), dtype=jnp.float32) * 0.02
    return {"x": x, "edge_index": edge_index, "Wk": Wk, "bk": bk,
            "Wq": Wq, "bq": bq, "Wv": Wv, "bv": bv, "Wff": Wff, "bff": bff}


def reference(x, edge_index, Wk, bk, Wq, bq, Wv, bv, Wff, bff):
    n = x.shape[0]
    # make_heads projections -> (N, H, d)
    K = (x @ Wk.T + bk).reshape(n, H, DK)
    Q = (x @ Wq.T + bq).reshape(n, H, DK)
    V = (x @ Wv.T + bv).reshape(n, H, DV)
    senders = edge_index[0]
    receivers = edge_index[1]
    # attention logits per edge, per head: (E, H)
    att = jnp.sum(Q[receivers] * K[senders], axis=-1) / math.sqrt(DK)
    att = jnp.exp(att + 3.0 - jnp.max(att))
    # normalize_strength: scatter-add per receiver node
    ssum = jnp.zeros((n, H), dtype=att.dtype).at[receivers].add(att)
    att = att / ssum[receivers]
    att = jnp.where(jnp.isnan(att), 0.0, att)
    # dropout=0.0 -> bernoulli(ones) == ones, identity (faithful to eval-equivalent config)
    # weighted messages: einsum '..., ...c -> ...c'
    msg = att[..., None] * V[senders]
    out = jnp.zeros_like(V).at[receivers].add(msg)
    # aggregate_heads: flatten heads then linear
    out = out.reshape(n, H * DV) @ Wff.T + bff
    return out

if __name__ == "__main__":
    import jax
    _d = setup_inputs()
    print(jax.jit(kernel)(*tuple(_d.values())))

</pallas_src>

<mosaic_0001>
#map = affine_map<(d0, d1) -> (0)>
#map1 = affine_map<(d0, d1) -> (0, 0)>
#map2 = affine_map<(d0, d1) -> (0, 0, 0)>
module attributes {stable_mosaic.version = 14 : i64} {
  func.func @_sc_body(%arg0: i32, %arg1: i32, %arg2: memref<320000xi32, #tpu.memory_space<hbm>>, %arg3: memref<320000xi32, #tpu.memory_space<hbm>>, %arg4: memref<80000x64xf32, #tpu.memory_space<hbm>>, %arg5: memref<80000x128xf32, #tpu.memory_space<hbm>>, %arg6: memref<8x10000x80xf32, #tpu.memory_space<hbm>>, %arg7: memref<80xi32, #tpu.memory_space<vmem>>, %arg8: memref<80xi32, #tpu.memory_space<vmem>>, %arg9: memref<80xi32, #tpu.memory_space<vmem>>, %arg10: memref<80xi32, #tpu.memory_space<vmem>>, %arg11: memref<80xi32, #tpu.memory_space<vmem>>, %arg12: memref<80xi32, #tpu.memory_space<vmem>>, %arg13: memref<80xi32, #tpu.memory_space<vmem>>, %arg14: memref<80xi32, #tpu.memory_space<vmem>>, %arg15: memref<80xi32, #tpu.memory_space<vmem>>, %arg16: memref<80xi32, #tpu.memory_space<vmem>>, %arg17: memref<80x64xf32, #tpu.memory_space<vmem>>, %arg18: memref<80x64xf32, #tpu.memory_space<vmem>>, %arg19: memref<80x128xf32, #tpu.memory_space<vmem>>, %arg20: memref<80x128xf32, #tpu.memory_space<vmem>>, %arg21: memref<80x80xf32, #tpu.memory_space<vmem>>, %arg22: memref<80x80xf32, #tpu.memory_space<vmem>>, %arg23: memref<25x80xf32, #tpu.memory_space<vmem>>, %arg24: memref<1360xf32, #tpu.memory_space<vmem>>, %arg25: memref<80xf32, #tpu.memory_space<vmem>>, %arg26: memref<10000x80xf32, #tpu.memory_space<vmem_shared>>, %arg27: memref<!tpu.dma_semaphore, #tpu.memory_space<semaphore_mem>>, %arg28: memref<!tpu.dma_semaphore, #tpu.memory_space<semaphore_mem>>, %arg29: memref<!tpu.dma_semaphore, #tpu.memory_space<semaphore_mem>>, %arg30: memref<!tpu.dma_semaphore, #tpu.memory_space<semaphore_mem>>, %arg31: memref<!tpu.dma_semaphore, #tpu.memory_space<semaphore_mem>>, %arg32: memref<!tpu.dma_semaphore, #tpu.memory_space<semaphore_mem>>) attributes {dimension_semantics = [#tpu.dimension_semantics<core_parallel>, #tpu.dimension_semantics<subcore_parallel>], iteration_bounds = array<i64: 2, 16>, scalar_prefetch = 0 : i64, scratch_operands = 26 : i64, tpu.core_type = #tpu.core_type<sc_vector_subcore>, window_params = [{transform_indices = #map}, {transform_indices = #map}, {transform_indices = #map1}, {transform_indices = #map1}, {transform_indices = #map2}]} {
    %mul3A = arith.constant 20000 : i32
    %mul3A_0 = arith.muli %arg1, %mul3A : i32
    %mul3A_1 = arith.constant 625 : i32
    %mul3A_2 = arith.muli %arg1, %mul3A_1 : i32
    %scan3A = arith.constant 0 : i32
    %scan3A_3 = arith.constant 0 : i32
    %scan3A_4 = arith.constant 25 : i32
    %scan3A_5 = arith.addi %scan3A_3, %scan3A_4 : i32
    %scan3A_6 = arith.constant 1 : i32
    scf.for %scan3A_20 = %scan3A_3 to %scan3A_5 step %scan3A_6  : i32 {
      %broadcast_in_dim3A = arith.constant 0.000000e+00 : f32
      %broadcast_in_dim3A_21 = vector.broadcast %broadcast_in_dim3A : f32 to vector<16xf32>
      %swap3A = arith.index_cast %scan3A_20 : i32 to index
      %swap3A_22 = arith.constant 0 : index
      %swap3A_23 = tpu.vector_load %arg23[%swap3A, %swap3A_22] {strides = array<i32>} : memref<25x80xf32, #tpu.memory_space<vmem>>, vector<16xf32>,
      tpu.vector_store %arg23[%swap3A, %swap3A_22], %broadcast_in_dim3A_21 {strides = array<i32>} : memref<25x80xf32, #tpu.memory_space<vmem>>, vector<16xf32>,
      %broadcast_in_dim3A_24 = arith.constant 0.000000e+00 : f32
      %broadcast_in_dim3A_25 = vector.broadcast %broadcast_in_dim3A_24 : f32 to vector<16xf32>
      %swap3A_26 = arith.index_cast %scan3A_20 : i32 to index
      %swap3A_27 = arith.constant 16 : index
      %swap3A_28 = tpu.vector_load %arg23[%swap3A_26, %swap3A_27] {strides = array<i32>} : memref<25x80xf32, #tpu.memory_space<vmem>>, vector<16xf32>,
      tpu.vector_store %arg23[%swap3A_26, %swap3A_27], %broadcast_in_dim3A_25 {strides = array<i32>} : memref<25x80xf32, #tpu.memory_space<vmem>>, vector<16xf32>,
      %broadcast_in_dim3A_29 = arith.constant 0.000000e+00 : f32
      %broadcast_in_dim3A_30 = vector.broadcast %broadcast_in_dim3A_29 : f32 to vector<16xf32>
      %swap3A_31 = arith.index_cast %scan3A_20 : i32 to index
      %swap3A_32 = arith.constant 32 : index
      %swap3A_33 = tpu.vector_load %arg23[%swap3A_31, %swap3A_32] {strides = array<i32>} : memref<25x80xf32, #tpu.memory_space<vmem>>, vector<16xf32>,
      tpu.vector_store %arg23[%swap3A_31, %swap3A_32], %broadcast_in_dim3A_30 {strides = array<i32>} : memref<25x80xf32, #tpu.memory_space<vmem>>, vector<16xf32>,
      %broadcast_in_dim3A_34 = arith.constant 0.000000e+00 : f32
      %broadcast_in_dim3A_35 = vector.broadcast %broadcast_in_dim3A_34 : f32 to vector<16xf32>
      %swap3A_36 = arith.index_cast %scan3A_20 : i32 to index
      %swap3A_37 = arith.constant 48 : index
      %swap3A_38 = tpu.vector_load %arg23[%swap3A_36, %swap3A_37] {strides = array<i32>} : memref<25x80xf32, #tpu.memory_space<vmem>>, vector<16xf32>,
      tpu.vector_store %arg23[%swap3A_36, %swap3A_37], %broadcast_in_dim3A_35 {strides = array<i32>} : memref<25x80xf32, #tpu.memory_space<vmem>>, vector<16xf32>,
      %broadcast_in_dim3A_39 = arith.constant 0.000000e+00 : f32
      %broadcast_in_dim3A_40 = vector.broadcast %broadcast_in_dim3A_39 : f32 to vector<16xf32>
      %swap3A_41 = arith.index_cast %scan3A_20 : i32 to index
      %swap3A_42 = arith.constant 64 : index
      %swap3A_43 = tpu.vector_load %arg23[%swap3A_41, %swap3A_42] {strides = array<i32>} : memref<25x80xf32, #tpu.memory_space<vmem>>, vector<16xf32>,
      tpu.vector_store %arg23[%swap3A_41, %swap3A_42], %broadcast_in_dim3A_40 {strides = array<i32>} : memref<25x80xf32, #tpu.memory_space<vmem>>, vector<16xf32>,
    }
    %scan3A_7 = arith.constant 25 : i32
    %scan3A_8 = arith.constant 0 : i32
    %scan3A_9 = arith.constant 0 : i32
    %scan3A_10 = arith.constant 80 : i32
    %scan3A_11 = arith.addi %scan3A_9, %scan3A_10 : i32
    %scan3A_12 = arith.constant 1 : i32
    scf.for %scan3A_20 = %scan3A_9 to %scan3A_11 step %scan3A_12  : i32 {
      %broadcast_in_dim3A = arith.constant 0.000000e+00 : f32
      %broadcast_in_dim3A_21 = vector.broadcast %broadcast_in_dim3A : f32 to vector<16xf32>
      %swap3A = arith.index_cast %scan3A_20 : i32 to index
      %swap3A_22 = arith.constant 64 : index
      %swap3A_23 = tpu.vector_load %arg21[%swap3A, %swap3A_22] {strides = array<i32>} : memref<80x80xf32, #tpu.memory_space<vmem>>, vector<16xf32>,
      tpu.vector_store %arg21[%swap3A, %swap3A_22], %broadcast_in_dim3A_21 {strides = array<i32>} : memref<80x80xf32, #tpu.memory_space<vmem>>, vector<16xf32>,
      %broadcast_in_dim3A_24 = arith.constant 0.000000e+00 : f32
      %broadcast_in_dim3A_25 = vector.broadcast %broadcast_in_dim3A_24 : f32 to vector<16xf32>
      %swap3A_26 = arith.index_cast %scan3A_20 : i32 to index
      %swap3A_27 = arith.constant 64 : index
      %swap3A_28 = tpu.vector_load %arg22[%swap3A_26, %swap3A_27] {strides = array<i32>} : memref<80x80xf32, #tpu.memory_space<vmem>>, vector<16xf32>,
      tpu.vector_store %arg22[%swap3A_26, %swap3A_27], %broadcast_in_dim3A_25 {strides = array<i32>} : memref<80x80xf32, #tpu.memory_space<vmem>>, vector<16xf32>,
    }
    %scan3A_13 = arith.constant 80 : i32
    %scan3A_14 = arith.constant 0 : i32
    %scan3A_15 = arith.constant 0 : i32
    %scan3A_16 = arith.constant 4 : i32
    %scan3A_17 = arith.addi %scan3A_15, %scan3A_16 : i32
    %scan3A_18 = arith.constant 1 : i32
    scf.for %scan3A_20 = %scan3A_15 to %scan3A_17 step %scan3A_18  : i32 {
      %mul3A_21 = arith.constant 4 : i32
      %mul3A_22 = arith.muli %arg0, %mul3A_21 : i32
      %add3A = arith.addi %mul3A_22, %scan3A_20 : i32
      %add3A_23 = arith.constant 0 : i32
      %add3A_24 = arith.addi %mul3A_2, %add3A_23 : i32
      "tpu.region"() ({
        %run_scoped3A = tpu.sem_alloc : memref<!tpu.dma_semaphore, #tpu.memory_space<semaphore_mem>>
        %dma_start3A_213 = arith.constant 0 : i32
        %dma_start3A_214 = tpu.memref_slice %arg26[%add3A_24, %dma_start3A_213] : memref<10000x80xf32, #tpu.memory_space<vmem_shared>> -> memref<25x80xf32, #tpu.memory_space<vmem_shared>>
        %dma_start3A_215 = arith.constant 0 : i32
        %dma_start3A_216 = tpu.memref_slice %arg26[%add3A_24, %dma_start3A_215] : memref<10000x80xf32, #tpu.memory_space<vmem_shared>> -> memref<25x80xf32, #tpu.memory_space<vmem_shared>>
        tpu.enqueue_dma source(%arg23 : memref<25x80xf32, #tpu.memory_space<vmem>>) target(%dma_start3A_216 : memref<25x80xf32, #tpu.memory_space<vmem_shared>>) target_semaphore(%run_scoped3A : memref<!tpu.dma_semaphore, #tpu.memory_space<semaphore_mem>>)
        %dma_wait3A_217 = arith.constant 0 : i32
        %dma_wait3A_218 = tpu.memref_slice %arg26[%add3A_24, %dma_wait3A_217] : memref<10000x80xf32, #tpu.memory_space<vmem_shared>> -> memref<25x80xf32, #tpu.memory_space<vmem_shared>>
        %dma_wait3A_219 = arith.constant 0 : i32
        %dma_wait3A_220 = tpu.memref_slice %arg26[%add3A_24, %dma_wait3A_219] : memref<10000x80xf32, #tpu.memory_space<vmem_shared>> -> memref<25x80xf32, #tpu.memory_space<vmem_shared>>
        tpu.wait_dma2 semaphore(%run_scoped3A : memref<!tpu.dma_semaphore, #tpu.memory_space<semaphore_mem>>) src(%arg23 : memref<25x80xf32, #tpu.memory_space<vmem>>) dst(%dma_wait3A_220 : memref<25x80xf32, #tpu.memory_space<vmem_shared>>)
        tpu.yield
      }) : () -> ()
      %add3A_25 = arith.constant 25 : i32
      %add3A_26 = arith.addi %mul3A_2, %add3A_25 : i32
      "tpu.region"() ({
        %run_scoped3A = tpu.sem_alloc : memref<!tpu.dma_semaphore, #tpu.memory_space<semaphore_mem>>
        %dma_start3A_213 = arith.constant 0 : i32
        %dma_start3A_214 = tpu.memref_slice %arg26[%add3A_26, %dma_start3A_213] : memref<10000x80xf32, #tpu.memory_space<vmem_shared>> -> memref<25x80xf32, #tpu.memory_space<vmem_shared>>
        %dma_start3A_215 = arith.constant 0 : i32
        %dma_start3A_216 = tpu.memref_slice %arg26[%add3A_26, %dma_start3A_215] : memref<10000x80xf32, #tpu.memory_space<vmem_shared>> -> memref<25x80xf32, #tpu.memory_space<vmem_shared>>
        tpu.enqueue_dma source(%arg23 : memref<25x80xf32, #tpu.memory_space<vmem>>) target(%dma_start3A_216 : memref<25x80xf32, #tpu.memory_space<vmem_shared>>) target_semaphore(%run_scoped3A : memref<!tpu.dma_semaphore, #tpu.memory_space<semaphore_mem>>)
        %dma_wait3A_217 = arith.constant 0 : i32
        %dma_wait3A_218 = tpu.memref_slice %arg26[%add3A_26, %dma_wait3A_217] : memref<10000x80xf32, #tpu.memory_space<vmem_shared>> -> memref<25x80xf32, #tpu.memory_space<vmem_shared>>
        %dma_wait3A_219 = arith.constant 0 : i32
        %dma_wait3A_220 = tpu.memref_slice %arg26[%add3A_26, %dma_wait3A_219] : memref<10000x80xf32, #tpu.memory_space<vmem_shared>> -> memref<25x80xf32, #tpu.memory_space<vmem_shared>>
        tpu.wait_dma2 semaphore(%run_scoped3A : memref<!tpu.dma_semaphore, #tpu.memory_space<semaphore_mem>>) src(%arg23 : memref<25x80xf32, #tpu.memory_space<vmem>>) dst(%dma_wait3A_220 : memref<25x80xf32, #tpu.memory_space<vmem_shared>>)
        tpu.yield
      }) : () -> ()
      %add3A_27 = arith.constant 50 : i32
      %add3A_28 = arith.addi %mul3A_2, %add3A_27 : i32
      "tpu.region"() ({
        %run_scoped3A = tpu.sem_alloc : memref<!tpu.dma_semaphore, #tpu.memory_space<semaphore_mem>>
        %dma_start3A_213 = arith.constant 0 : i32
        %dma_start3A_214 = tpu.memref_slice %arg26[%add3A_28, %dma_start3A_213] : memref<10000x80xf32, #tpu.memory_space<vmem_shared>> -> memref<25x80xf32, #tpu.memory_space<vmem_shared>>
        %dma_start3A_215 = arith.constant 0 : i32
        %dma_start3A_216 = tpu.memref_slice %arg26[%add3A_28, %dma_start3A_215] : memref<10000x80xf32, #tpu.memory_space<vmem_shared>> -> memref<25x80xf32, #tpu.memory_space<vmem_shared>>
        tpu.enqueue_dma source(%arg23 : memref<25x80xf32, #tpu.memory_space<vmem>>) target(%dma_start3A_216 : memref<25x80xf32, #tpu.memory_space<vmem_shared>>) target_semaphore(%run_scoped3A : memref<!tpu.dma_semaphore, #tpu.memory_space<semaphore_mem>>)
        %dma_wait3A_217 = arith.constant 0 : i32
        %dma_wait3A_218 = tpu.memref_slice %arg26[%add3A_28, %dma_wait3A_217] : memref<10000x80xf32, #tpu.memory_space<vmem_shared>> -> memref<25x80xf32, #tpu.memory_space<vmem_shared>>
        %dma_wait3A_219 = arith.constant 0 : i32
        %dma_wait3A_220 = tpu.memref_slice %arg26[%add3A_28, %dma_wait3A_219] : memref<10000x80xf32, #tpu.memory_space<vmem_shared>> -> memref<25x80xf32, #tpu.memory_space<vmem_shared>>
        tpu.wait_dma2 semaphore(%run_scoped3A : memref<!tpu.dma_semaphore, #tpu.memory_space<semaphore_mem>>) src(%arg23 : memref<25x80xf32, #tpu.memory_space<vmem>>) dst(%dma_wait3A_220 : memref<25x80xf32, #tpu.memory_space<vmem_shared>>)
        tpu.yield
      }) : () -> ()
      %add3A_29 = arith.constant 75 : i32
      %add3A_30 = arith.addi %mul3A_2, %add3A_29 : i32
      "tpu.region"() ({
        %run_scoped3A = tpu.sem_alloc : memref<!tpu.dma_semaphore, #tpu.memory_space<semaphore_mem>>
        %dma_start3A_213 = arith.constant 0 : i32
        %dma_start3A_214 = tpu.memref_slice %arg26[%add3A_30, %dma_start3A_213] : memref<10000x80xf32, #tpu.memory_space<vmem_shared>> -> memref<25x80xf32, #tpu.memory_space<vmem_shared>>
        %dma_start3A_215 = arith.constant 0 : i32
        %dma_start3A_216 = tpu.memref_slice %arg26[%add3A_30, %dma_start3A_215] : memref<10000x80xf32, #tpu.memory_space<vmem_shared>> -> memref<25x80xf32, #tpu.memory_space<vmem_shared>>
        tpu.enqueue_dma source(%arg23 : memref<25x80xf32, #tpu.memory_space<vmem>>) target(%dma_start3A_216 : memref<25x80xf32, #tpu.memory_space<vmem_shared>>) target_semaphore(%run_scoped3A : memref<!tpu.dma_semaphore, #tpu.memory_space<semaphore_mem>>)
        %dma_wait3A_217 = arith.constant 0 : i32
        %dma_wait3A_218 = tpu.memref_slice %arg26[%add3A_30, %dma_wait3A_217] : memref<10000x80xf32, #tpu.memory_space<vmem_shared>> -> memref<25x80xf32, #tpu.memory_space<vmem_shared>>
        %dma_wait3A_219 = arith.constant 0 : i32
        %dma_wait3A_220 = tpu.memref_slice %arg26[%add3A_30, %dma_wait3A_219] : memref<10000x80xf32, #tpu.memory_space<vmem_shared>> -> memref<25x80xf32, #tpu.memory_space<vmem_shared>>
        tpu.wait_dma2 semaphore(%run_scoped3A : memref<!tpu.dma_semaphore, #tpu.memory_space<semaphore_mem>>) src(%arg23 : memref<25x80xf32, #tpu.memory_space<vmem>>) dst(%dma_wait3A_220 : memref<25x80xf32, #tpu.memory_space<vmem_shared>>)
        tpu.yield
      }) : () -> ()
      %add3A_31 = arith.constant 100 : i32
      %add3A_32 = arith.addi %mul3A_2, %add3A_31 : i32
      "tpu.region"() ({
        %run_scoped3A = tpu.sem_alloc : memref<!tpu.dma_semaphore, #tpu.memory_space<semaphore_mem>>
        %dma_start3A_213 = arith.constant 0 : i32
        %dma_start3A_214 = tpu.memref_slice %arg26[%add3A_32, %dma_start3A_213] : memref<10000x80xf32, #tpu.memory_space<vmem_shared>> -> memref<25x80xf32, #tpu.memory_space<vmem_shared>>
        %dma_start3A_215 = arith.constant 0 : i32
        %dma_start3A_216 = tpu.memref_slice %arg26[%add3A_32, %dma_start3A_215] : memref<10000x80xf32, #tpu.memory_space<vmem_shared>> -> memref<25x80xf32, #tpu.memory_space<vmem_shared>>
        tpu.enqueue_dma source(%arg23 : memref<25x80xf32, #tpu.memory_space<vmem>>) target(%dma_start3A_216 : memref<25x80xf32, #tpu.memory_space<vmem_shared>>) target_semaphore(%run_scoped3A : memref<!tpu.dma_semaphore, #tpu.memory_space<semaphore_mem>>)
        %dma_wait3A_217 = arith.constant 0 : i32
        %dma_wait3A_218 = tpu.memref_slice %arg26[%add3A_32, %dma_wait3A_217] : memref<10000x80xf32, #tpu.memory_space<vmem_shared>> -> memref<25x80xf32, #tpu.memory_space<vmem_shared>>
        %dma_wait3A_219 = arith.constant 0 : i32
        %dma_wait3A_220 = tpu.memref_slice %arg26[%add3A_32, %dma_wait3A_219] : memref<10000x80xf32, #tpu.memory_space<vmem_shared>> -> memref<25x80xf32, #tpu.memory_space<vmem_shared>>
        tpu.wait_dma2 semaphore(%run_scoped3A : memref<!tpu.dma_semaphore, #tpu.memory_space<semaphore_mem>>) src(%arg23 : memref<25x80xf32, #tpu.memory_space<vmem>>) dst(%dma_wait3A_220 : memref<25x80xf32, #tpu.memory_space<vmem_shared>>)
        tpu.yield
      }) : () -> ()
      %add3A_33 = arith.constant 125 : i32
      %add3A_34 = arith.addi %mul3A_2, %add3A_33 : i32
      "tpu.region"() ({
        %run_scoped3A = tpu.sem_alloc : memref<!tpu.dma_semaphore, #tpu.memory_space<semaphore_mem>>
        %dma_start3A_213 = arith.constant 0 : i32
        %dma_start3A_214 = tpu.memref_slice %arg26[%add3A_34, %dma_start3A_213] : memref<10000x80xf32, #tpu.memory_space<vmem_shared>> -> memref<25x80xf32, #tpu.memory_space<vmem_shared>>
        %dma_start3A_215 = arith.constant 0 : i32
        %dma_start3A_216 = tpu.memref_slice %arg26[%add3A_34, %dma_start3A_215] : memref<10000x80xf32, #tpu.memory_space<vmem_shared>> -> memref<25x80xf32, #tpu.memory_space<vmem_shared>>
        tpu.enqueue_dma source(%arg23 : memref<25x80xf32, #tpu.memory_space<vmem>>) target(%dma_start3A_216 : memref<25x80xf32, #tpu.memory_space<vmem_shared>>) target_semaphore(%run_scoped3A : memref<!tpu.dma_semaphore, #tpu.memory_space<semaphore_mem>>)
        %dma_wait3A_217 = arith.constant 0 : i32
        %dma_wait3A_218 = tpu.memref_slice %arg26[%add3A_34, %dma_wait3A_217] : memref<10000x80xf32, #tpu.memory_space<vmem_shared>> -> memref<25x80xf32, #tpu.memory_space<vmem_shared>>
        %dma_wait3A_219 = arith.constant 0 : i32
        %dma_wait3A_220 = tpu.memref_slice %arg26[%add3A_34, %dma_wait3A_219] : memref<10000x80xf32, #tpu.memory_space<vmem_shared>> -> memref<25x80xf32, #tpu.memory_space<vmem_shared>>
        tpu.wait_dma2 semaphore(%run_scoped3A : memref<!tpu.dma_semaphore, #tpu.memory_space<semaphore_mem>>) src(%arg23 : memref<25x80xf32, #tpu.memory_space<vmem>>) dst(%dma_wait3A_220 : memref<25x80xf32, #tpu.memory_space<vmem_shared>>)
        tpu.yield
      }) : () -> ()
      %add3A_35 = arith.constant 150 : i32
      %add3A_36 = arith.addi %mul3A_2, %add3A_35 : i32
      "tpu.region"() ({
        %run_scoped3A = tpu.sem_alloc : memref<!tpu.dma_semaphore, #tpu.memory_space<semaphore_mem>>
        %dma_start3A_213 = arith.constant 0 : i32
        %dma_start3A_214 = tpu.memref_slice %arg26[%add3A_36, %dma_start3A_213] : memref<10000x80xf32, #tpu.memory_space<vmem_shared>> -> memref<25x80xf32, #tpu.memory_space<vmem_shared>>
        %dma_start3A_215 = arith.constant 0 : i32
        %dma_start3A_216 = tpu.memref_slice %arg26[%add3A_36, %dma_start3A_215] : memref<10000x80xf32, #tpu.memory_space<vmem_shared>> -> memref<25x80xf32, #tpu.memory_space<vmem_shared>>
        tpu.enqueue_dma source(%arg23 : memref<25x80xf32, #tpu.memory_space<vmem>>) target(%dma_start3A_216 : memref<25x80xf32, #tpu.memory_space<vmem_shared>>) target_semaphore(%run_scoped3A : memref<!tpu.dma_semaphore, #tpu.memory_space<semaphore_mem>>)
        %dma_wait3A_217 = arith.constant 0 : i32
        %dma_wait3A_218 = tpu.memref_slice %arg26[%add3A_36, %dma_wait3A_217] : memref<10000x80xf32, #tpu.memory_space<vmem_shared>> -> memref<25x80xf32, #tpu.memory_space<vmem_shared>>
        %dma_wait3A_219 = arith.constant 0 : i32
        %dma_wait3A_220 = tpu.memref_slice %arg26[%add3A_36, %dma_wait3A_219] : memref<10000x80xf32, #tpu.memory_space<vmem_shared>> -> memref<25x80xf32, #tpu.memory_space<vmem_shared>>
        tpu.wait_dma2 semaphore(%run_scoped3A : memref<!tpu.dma_semaphore, #tpu.memory_space<semaphore_mem>>) src(%arg23 : memref<25x80xf32, #tpu.memory_space<vmem>>) dst(%dma_wait3A_220 : memref<25x80xf32, #tpu.memory_space<vmem_shared>>)
        tpu.yield
      }) : () -> ()
      %add3A_37 = arith.constant 175 : i32
      %add3A_38 = arith.addi %mul3A_2, %add3A_37 : i32
      "tpu.region"() ({
        %run_scoped3A = tpu.sem_alloc : memref<!tpu.dma_semaphore, #tpu.memory_space<semaphore_mem>>
        %dma_start3A_213 = arith.constant 0 : i32
        %dma_start3A_214 = tpu.memref_slice %arg26[%add3A_38, %dma_start3A_213] : memref<10000x80xf32, #tpu.memory_space<vmem_shared>> -> memref<25x80xf32, #tpu.memory_space<vmem_shared>>
        %dma_start3A_215 = arith.constant 0 : i32
        %dma_start3A_216 = tpu.memref_slice %arg26[%add3A_38, %dma_start3A_215] : memref<10000x80xf32, #tpu.memory_space<vmem_shared>> -> memref<25x80xf32, #tpu.memory_space<vmem_shared>>
        tpu.enqueue_dma source(%arg23 : memref<25x80xf32, #tpu.memory_space<vmem>>) target(%dma_start3A_216 : memref<25x80xf32, #tpu.memory_space<vmem_shared>>) target_semaphore(%run_scoped3A : memref<!tpu.dma_semaphore, #tpu.memory_space<semaphore_mem>>)
        %dma_wait3A_217 = arith.constant 0 : i32
        %dma_wait3A_218 = tpu.memref_slice %arg26[%add3A_38, %dma_wait3A_217] : memref<10000x80xf32, #tpu.memory_space<vmem_shared>> -> memref<25x80xf32, #tpu.memory_space<vmem_shared>>
        %dma_wait3A_219 = arith.constant 0 : i32
        %dma_wait3A_220 = tpu.memref_slice %arg26[%add3A_38, %dma_wait3A_219] : memref<10000x80xf32, #tpu.memory_space<vmem_shared>> -> memref<25x80xf32, #tpu.memory_space<vmem_shared>>
        tpu.wait_dma2 semaphore(%run_scoped3A : memref<!tpu.dma_semaphore, #tpu.memory_space<semaphore_mem>>) src(%arg23 : memref<25x80xf32, #tpu.memory_space<vmem>>) dst(%dma_wait3A_220 : memref<25x80xf32, #tpu.memory_space<vmem_shared>>)
        tpu.yield
      }) : () -> ()
      %add3A_39 = arith.constant 200 : i32
      %add3A_40 = arith.addi %mul3A_2, %add3A_39 : i32
      "tpu.region"() ({
        %run_scoped3A = tpu.sem_alloc : memref<!tpu.dma_semaphore, #tpu.memory_space<semaphore_mem>>
        %dma_start3A_213 = arith.constant 0 : i32
        %dma_start3A_214 = tpu.memref_slice %arg26[%add3A_40, %dma_start3A_213] : memref<10000x80xf32, #tpu.memory_space<vmem_shared>> -> memref<25x80xf32, #tpu.memory_space<vmem_shared>>
        %dma_start3A_215 = arith.constant 0 : i32
        %dma_start3A_216 = tpu.memref_slice %arg26[%add3A_40, %dma_start3A_215] : memref<10000x80xf32, #tpu.memory_space<vmem_shared>> -> memref<25x80xf32, #tpu.memory_space<vmem_shared>>
        tpu.enqueue_dma source(%arg23 : memref<25x80xf32, #tpu.memory_space<vmem>>) target(%dma_start3A_216 : memref<25x80xf32, #tpu.memory_space<vmem_shared>>) target_semaphore(%run_scoped3A : memref<!tpu.dma_semaphore, #tpu.memory_space<semaphore_mem>>)
        %dma_wait3A_217 = arith.constant 0 : i32
        %dma_wait3A_218 = tpu.memref_slice %arg26[%add3A_40, %dma_wait3A_217] : memref<10000x80xf32, #tpu.memory_space<vmem_shared>> -> memref<25x80xf32, #tpu.memory_space<vmem_shared>>
        %dma_wait3A_219 = arith.constant 0 : i32
        %dma_wait3A_220 = tpu.memref_slice %arg26[%add3A_40, %dma_wait3A_219] : memref<10000x80xf32, #tpu.memory_space<vmem_shared>> -> memref<25x80xf32, #tpu.memory_space<vmem_shared>>
        tpu.wait_dma2 semaphore(%run_scoped3A : memref<!tpu.dma_semaphore, #tpu.memory_space<semaphore_mem>>) src(%arg23 : memref<25x80xf32, #tpu.memory_space<vmem>>) dst(%dma_wait3A_220 : memref<25x80xf32, #tpu.memory_space<vmem_shared>>)
        tpu.yield
      }) : () -> ()
      %add3A_41 = arith.constant 225 : i32
      %add3A_42 = arith.addi %mul3A_2, %add3A_41 : i32
      "tpu.region"() ({
        %run_scoped3A = tpu.sem_alloc : memref<!tpu.dma_semaphore, #tpu.memory_space<semaphore_mem>>
        %dma_start3A_213 = arith.constant 0 : i32
        %dma_start3A_214 = tpu.memref_slice %arg26[%add3A_42, %dma_start3A_213] : memref<10000x80xf32, #tpu.memory_space<vmem_shared>> -> memref<25x80xf32, #tpu.memory_space<vmem_shared>>
        %dma_start3A_215 = arith.constant 0 : i32
        %dma_start3A_216 = tpu.memref_slice %arg26[%add3A_42, %dma_start3A_215] : memref<10000x80xf32, #tpu.memory_space<vmem_shared>> -> memref<25x80xf32, #tpu.memory_space<vmem_shared>>
        tpu.enqueue_dma source(%arg23 : memref<25x80xf32, #tpu.memory_space<vmem>>) target(%dma_start3A_216 : memref<25x80xf32, #tpu.memory_space<vmem_shared>>) target_semaphore(%run_scoped3A : memref<!tpu.dma_semaphore, #tpu.memory_space<semaphore_mem>>)
        %dma_wait3A_217 = arith.constant 0 : i32
        %dma_wait3A_218 = tpu.memref_slice %arg26[%add3A_42, %dma_wait3A_217] : memref<10000x80xf32, #tpu.memory_space<vmem_shared>> -> memref<25x80xf32, #tpu.memory_space<vmem_shared>>
        %dma_wait3A_219 = arith.constant 0 : i32
        %dma_wait3A_220 = tpu.memref_slice %arg26[%add3A_42, %dma_wait3A_219] : memref<10000x80xf32, #tpu.memory_space<vmem_shared>> -> memref<25x80xf32, #tpu.memory_space<vmem_shared>>
        tpu.wait_dma2 semaphore(%run_scoped3A : memref<!tpu.dma_semaphore, #tpu.memory_space<semaphore_mem>>) src(%arg23 : memref<25x80xf32, #tpu.memory_space<vmem>>) dst(%dma_wait3A_220 : memref<25x80xf32, #tpu.memory_space<vmem_shared>>)
        tpu.yield
      }) : () -> ()
      %add3A_43 = arith.constant 250 : i32
      %add3A_44 = arith.addi %mul3A_2, %add3A_43 : i32
      "tpu.region"() ({
        %run_scoped3A = tpu.sem_alloc : memref<!tpu.dma_semaphore, #tpu.memory_space<semaphore_mem>>
        %dma_start3A_213 = arith.constant 0 : i32
        %dma_start3A_214 = tpu.memref_slice %arg26[%add3A_44, %dma_start3A_213] : memref<10000x80xf32, #tpu.memory_space<vmem_shared>> -> memref<25x80xf32, #tpu.memory_space<vmem_shared>>
        %dma_start3A_215 = arith.constant 0 : i32
        %dma_start3A_216 = tpu.memref_slice %arg26[%add3A_44, %dma_start3A_215] : memref<10000x80xf32, #tpu.memory_space<vmem_shared>> -> memref<25x80xf32, #tpu.memory_space<vmem_shared>>
        tpu.enqueue_dma source(%arg23 : memref<25x80xf32, #tpu.memory_space<vmem>>) target(%dma_start3A_216 : memref<25x80xf32, #tpu.memory_space<vmem_shared>>) target_semaphore(%run_scoped3A : memref<!tpu.dma_semaphore, #tpu.memory_space<semaphore_mem>>)
        %dma_wait3A_217 = arith.constant 0 : i32
        %dma_wait3A_218 = tpu.memref_slice %arg26[%add3A_44, %dma_wait3A_217] : memref<10000x80xf32, #tpu.memory_space<vmem_shared>> -> memref<25x80xf32, #tpu.memory_space<vmem_shared>>
        %dma_wait3A_219 = arith.constant 0 : i32
        %dma_wait3A_220 = tpu.memref_slice %arg26[%add3A_44, %dma_wait3A_219] : memref<10000x80xf32, #tpu.memory_space<vmem_shared>> -> memref<25x80xf32, #tpu.memory_space<vmem_shared>>
        tpu.wait_dma2 semaphore(%run_scoped3A : memref<!tpu.dma_semaphore, #tpu.memory_space<semaphore_mem>>) src(%arg23 : memref<25x80xf32, #tpu.memory_space<vmem>>) dst(%dma_wait3A_220 : memref<25x80xf32, #tpu.memory_space<vmem_shared>>)
        tpu.yield
      }) : () -> ()
      %add3A_45 = arith.constant 275 : i32
      %add3A_46 = arith.addi %mul3A_2, %add3A_45 : i32
      "tpu.region"() ({
        %run_scoped3A = tpu.sem_alloc : memref<!tpu.dma_semaphore, #tpu.memory_space<semaphore_mem>>
        %dma_start3A_213 = arith.constant 0 : i32
        %dma_start3A_214 = tpu.memref_slice %arg26[%add3A_46, %dma_start3A_213] : memref<10000x80xf32, #tpu.memory_space<vmem_shared>> -> memref<25x80xf32, #tpu.memory_space<vmem_shared>>
        %dma_start3A_215 = arith.constant 0 : i32
        %dma_start3A_216 = tpu.memref_slice %arg26[%add3A_46, %dma_start3A_215] : memref<10000x80xf32, #tpu.memory_space<vmem_shared>> -> memref<25x80xf32, #tpu.memory_space<vmem_shared>>
        tpu.enqueue_dma source(%arg23 : memref<25x80xf32, #tpu.memory_space<vmem>>) target(%dma_start3A_216 : memref<25x80xf32, #tpu.memory_space<vmem_shared>>) target_semaphore(%run_scoped3A : memref<!tpu.dma_semaphore, #tpu.memory_space<semaphore_mem>>)
        %dma_wait3A_217 = arith.constant 0 : i32
        %dma_wait3A_218 = tpu.memref_slice %arg26[%add3A_46, %dma_wait3A_217] : memref<10000x80xf32, #tpu.memory_space<vmem_shared>> -> memref<25x80xf32, #tpu.memory_space<vmem_shared>>
        %dma_wait3A_219 = arith.constant 0 : i32
        %dma_wait3A_220 = tpu.memref_slice %arg26[%add3A_46, %dma_wait3A_219] : memref<10000x80xf32, #tpu.memory_space<vmem_shared>> -> memref<25x80xf32, #tpu.memory_space<vmem_shared>>
        tpu.wait_dma2 semaphore(%run_scoped3A : memref<!tpu.dma_semaphore, #tpu.memory_space<semaphore_mem>>) src(%arg23 : memref<25x80xf32, #tpu.memory_space<vmem>>) dst(%dma_wait3A_220 : memref<25x80xf32, #tpu.memory_space<vmem_shared>>)
        tpu.yield
      }) : () -> ()
      %add3A_47 = arith.constant 300 : i32
      %add3A_48 = arith.addi %mul3A_2, %add3A_47 : i32
      "tpu.region"() ({
        %run_scoped3A = tpu.sem_alloc : memref<!tpu.dma_semaphore, #tpu.memory_space<semaphore_mem>>
        %dma_start3A_213 = arith.constant 0 : i32
        %dma_start3A_214 = tpu.memref_slice %arg26[%add3A_48, %dma_start3A_213] : memref<10000x80xf32, #tpu.memory_space<vmem_shared>> -> memref<25x80xf32, #tpu.memory_space<vmem_shared>>
        %dma_start3A_215 = arith.constant 0 : i32
        %dma_start3A_216 = tpu.memref_slice %arg26[%add3A_48, %dma_start3A_215] : memref<10000x80xf32, #tpu.memory_space<vmem_shared>> -> memref<25x80xf32, #tpu.memory_space<vmem_shared>>
        tpu.enqueue_dma source(%arg23 : memref<25x80xf32, #tpu.memory_space<vmem>>) target(%dma_start3A_216 : memref<25x80xf32, #tpu.memory_space<vmem_shared>>) target_semaphore(%run_scoped3A : memref<!tpu.dma_semaphore, #tpu.memory_space<semaphore_mem>>)
        %dma_wait3A_217 = arith.constant 0 : i32
        %dma_wait3A_218 = tpu.memref_slice %arg26[%add3A_48, %dma_wait3A_217] : memref<10000x80xf32, #tpu.memory_space<vmem_shared>> -> memref<25x80xf32, #tpu.memory_space<vmem_shared>>
        %dma_wait3A_219 = arith.constant 0 : i32
        %dma_wait3A_220 = tpu.memref_slice %arg26[%add3A_48, %dma_wait3A_219] : memref<10000x80xf32, #tpu.memory_space<vmem_shared>> -> memref<25x80xf32, #tpu.memory_space<vmem_shared>>
        tpu.wait_dma2 semaphore(%run_scoped3A : memref<!tpu.dma_semaphore, #tpu.memory_space<semaphore_mem>>) src(%arg23 : memref<25x80xf32, #tpu.memory_space<vmem>>) dst(%dma_wait3A_220 : memref<25x80xf32, #tpu.memory_space<vmem_shared>>)
        tpu.yield
      }) : () -> ()
      %add3A_49 = arith.constant 325 : i32
      %add3A_50 = arith.addi %mul3A_2, %add3A_49 : i32
      "tpu.region"() ({
        %run_scoped3A = tpu.sem_alloc : memref<!tpu.dma_semaphore, #tpu.memory_space<semaphore_mem>>
        %dma_start3A_213 = arith.constant 0 : i32
        %dma_start3A_214 = tpu.memref_slice %arg26[%add3A_50, %dma_start3A_213] : memref<10000x80xf32, #tpu.memory_space<vmem_shared>> -> memref<25x80xf32, #tpu.memory_space<vmem_shared>>
        %dma_start3A_215 = arith.constant 0 : i32
        %dma_start3A_216 = tpu.memref_slice %arg26[%add3A_50, %dma_start3A_215] : memref<10000x80xf32, #tpu.memory_space<vmem_shared>> -> memref<25x80xf32, #tpu.memory_space<vmem_shared>>
        tpu.enqueue_dma source(%arg23 : memref<25x80xf32, #tpu.memory_space<vmem>>) target(%dma_start3A_216 : memref<25x80xf32, #tpu.memory_space<vmem_shared>>) target_semaphore(%run_scoped3A : memref<!tpu.dma_semaphore, #tpu.memory_space<semaphore_mem>>)
        %dma_wait3A_217 = arith.constant 0 : i32
        %dma_wait3A_218 = tpu.memref_slice %arg26[%add3A_50, %dma_wait3A_217] : memref<10000x80xf32, #tpu.memory_space<vmem_shared>> -> memref<25x80xf32, #tpu.memory_space<vmem_shared>>
        %dma_wait3A_219 = arith.constant 0 : i32
        %dma_wait3A_220 = tpu.memref_slice %arg26[%add3A_50, %dma_wait3A_219] : memref<10000x80xf32, #tpu.memory_space<vmem_shared>> -> memref<25x80xf32, #tpu.memory_space<vmem_shared>>
        tpu.wait_dma2 semaphore(%run_scoped3A : memref<!tpu.dma_semaphore, #tpu.memory_space<semaphore_mem>>) src(%arg23 : memref<25x80xf32, #tpu.memory_space<vmem>>) dst(%dma_wait3A_220 : memref<25x80xf32, #tpu.memory_space<vmem_shared>>)
        tpu.yield
      }) : () -> ()
      %add3A_51 = arith.constant 350 : i32
      %add3A_52 = arith.addi %mul3A_2, %add3A_51 : i32
      "tpu.region"() ({
        %run_scoped3A = tpu.sem_alloc : memref<!tpu.dma_semaphore, #tpu.memory_space<semaphore_mem>>
        %dma_start3A_213 = arith.constant 0 : i32
        %dma_start3A_214 = tpu.memref_slice %arg26[%add3A_52, %dma_start3A_213] : memref<10000x80xf32, #tpu.memory_space<vmem_shared>> -> memref<25x80xf32, #tpu.memory_space<vmem_shared>>
        %dma_start3A_215 = arith.constant 0 : i32
        %dma_start3A_216 = tpu.memref_slice %arg26[%add3A_52, %dma_start3A_215] : memref<10000x80xf32, #tpu.memory_space<vmem_shared>> -> memref<25x80xf32, #tpu.memory_space<vmem_shared>>
        tpu.enqueue_dma source(%arg23 : memref<25x80xf32, #tpu.memory_space<vmem>>) target(%dma_start3A_216 : memref<25x80xf32, #tpu.memory_space<vmem_shared>>) target_semaphore(%run_scoped3A : memref<!tpu.dma_semaphore, #tpu.memory_space<semaphore_mem>>)
        %dma_wait3A_217 = arith.constant 0 : i32
        %dma_wait3A_218 = tpu.memref_slice %arg26[%add3A_52, %dma_wait3A_217] : memref<10000x80xf32, #tpu.memory_space<vmem_shared>> -> memref<25x80xf32, #tpu.memory_space<vmem_shared>>
        %dma_wait3A_219 = arith.constant 0 : i32
        %dma_wait3A_220 = tpu.memref_slice %arg26[%add3A_52, %dma_wait3A_219] : memref<10000x80xf32, #tpu.memory_space<vmem_shared>> -> memref<25x80xf32, #tpu.memory_space<vmem_shared>>
        tpu.wait_dma2 semaphore(%run_scoped3A : memref<!tpu.dma_semaphore, #tpu.memory_space<semaphore_mem>>) src(%arg23 : memref<25x80xf32, #tpu.memory_space<vmem>>) dst(%dma_wait3A_220 : memref<25x80xf32, #tpu.memory_space<vmem_shared>>)
        tpu.yield
      }) : () -> ()
      %add3A_53 = arith.constant 375 : i32
      %add3A_54 = arith.addi %mul3A_2, %add3A_53 : i32
      "tpu.region"() ({
        %run_scoped3A = tpu.sem_alloc : memref<!tpu.dma_semaphore, #tpu.memory_space<semaphore_mem>>
        %dma_start3A_213 = arith.constant 0 : i32
        %dma_start3A_214 = tpu.memref_slice %arg26[%add3A_54, %dma_start3A_213] : memref<10000x80xf32, #tpu.memory_space<vmem_shared>> -> memref<25x80xf32, #tpu.memory_space<vmem_shared>>
        %dma_start3A_215 = arith.constant 0 : i32
        %dma_start3A_216 = tpu.memref_slice %arg26[%add3A_54, %dma_start3A_215] : memref<10000x80xf32, #tpu.memory_space<vmem_shared>> -> memref<25x80xf32, #tpu.memory_space<vmem_shared>>
        tpu.enqueue_dma source(%arg23 : memref<25x80xf32, #tpu.memory_space<vmem>>) target(%dma_start3A_216 : memref<25x80xf32, #tpu.memory_space<vmem_shared>>) target_semaphore(%run_scoped3A : memref<!tpu.dma_semaphore, #tpu.memory_space<semaphore_mem>>)
        %dma_wait3A_217 = arith.constant 0 : i32
        %dma_wait3A_218 = tpu.memref_slice %arg26[%add3A_54, %dma_wait3A_217] : memref<10000x80xf32, #tpu.memory_space<vmem_shared>> -> memref<25x80xf32, #tpu.memory_space<vmem_shared>>
        %dma_wait3A_219 = arith.constant 0 : i32
        %dma_wait3A_220 = tpu.memref_slice %arg26[%add3A_54, %dma_wait3A_219] : memref<10000x80xf32, #tpu.memory_space<vmem_shared>> -> memref<25x80xf32, #tpu.memory_space<vmem_shared>>
        tpu.wait_dma2 semaphore(%run_scoped3A : memref<!tpu.dma_semaphore, #tpu.memory_space<semaphore_mem>>) src(%arg23 : memref<25x80xf32, #tpu.memory_space<vmem>>) dst(%dma_wait3A_220 : memref<25x80xf32, #tpu.memory_space<vmem_shared>>)
        tpu.yield
      }) : () -> ()
      %add3A_55 = arith.constant 400 : i32
      %add3A_56 = arith.addi %mul3A_2, %add3A_55 : i32
      "tpu.region"() ({
        %run_scoped3A = tpu.sem_alloc : memref<!tpu.dma_semaphore, #tpu.memory_space<semaphore_mem>>
        %dma_start3A_213 = arith.constant 0 : i32
        %dma_start3A_214 = tpu.memref_slice %arg26[%add3A_56, %dma_start3A_213] : memref<10000x80xf32, #tpu.memory_space<vmem_shared>> -> memref<25x80xf32, #tpu.memory_space<vmem_shared>>
        %dma_start3A_215 = arith.constant 0 : i32
        %dma_start3A_216 = tpu.memref_slice %arg26[%add3A_56, %dma_start3A_215] : memref<10000x80xf32, #tpu.memory_space<vmem_shared>> -> memref<25x80xf32, #tpu.memory_space<vmem_shared>>
        tpu.enqueue_dma source(%arg23 : memref<25x80xf32, #tpu.memory_space<vmem>>) target(%dma_start3A_216 : memref<25x80xf32, #tpu.memory_space<vmem_shared>>) target_semaphore(%run_scoped3A : memref<!tpu.dma_semaphore, #tpu.memory_space<semaphore_mem>>)
        %dma_wait3A_217 = arith.constant 0 : i32
        %dma_wait3A_218 = tpu.memref_slice %arg26[%add3A_56, %dma_wait3A_217] : memref<10000x80xf32, #tpu.memory_space<vmem_shared>> -> memref<25x80xf32, #tpu.memory_space<vmem_shared>>
        %dma_wait3A_219 = arith.constant 0 : i32
        %dma_wait3A_220 = tpu.memref_slice %arg26[%add3A_56, %dma_wait3A_219] : memref<10000x80xf32, #tpu.memory_space<vmem_shared>> -> memref<25x80xf32, #tpu.memory_space<vmem_shared>>
        tpu.wait_dma2 semaphore(%run_scoped3A : memref<!tpu.dma_semaphore, #tpu.memory_space<semaphore_mem>>) src(%arg23 : memref<25x80xf32, #tpu.memory_space<vmem>>) dst(%dma_wait3A_220 : memref<25x80xf32, #tpu.memory_space<vmem_shared>>)
        tpu.yield
      }) : () -> ()
      %add3A_57 = arith.constant 425 : i32
      %add3A_58 = arith.addi %mul3A_2, %add3A_57 : i32
      "tpu.region"() ({
        %run_scoped3A = tpu.sem_alloc : memref<!tpu.dma_semaphore, #tpu.memory_space<semaphore_mem>>
        %dma_start3A_213 = arith.constant 0 : i32
        %dma_start3A_214 = tpu.memref_slice %arg26[%add3A_58, %dma_start3A_213] : memref<10000x80xf32, #tpu.memory_space<vmem_shared>> -> memref<25x80xf32, #tpu.memory_space<vmem_shared>>
        %dma_start3A_215 = arith.constant 0 : i32
        %dma_start3A_216 = tpu.memref_slice %arg26[%add3A_58, %dma_start3A_215] : memref<10000x80xf32, #tpu.memory_space<vmem_shared>> -> memref<25x80xf32, #tpu.memory_space<vmem_shared>>
        tpu.enqueue_dma source(%arg23 : memref<25x80xf32, #tpu.memory_space<vmem>>) target(%dma_start3A_216 : memref<25x80xf32, #tpu.memory_space<vmem_shared>>) target_semaphore(%run_scoped3A : memref<!tpu.dma_semaphore, #tpu.memory_space<semaphore_mem>>)
        %dma_wait3A_217 = arith.constant 0 : i32
        %dma_wait3A_218 = tpu.memref_slice %arg26[%add3A_58, %dma_wait3A_217] : memref<10000x80xf32, #tpu.memory_space<vmem_shared>> -> memref<25x80xf32, #tpu.memory_space<vmem_shared>>
        %dma_wait3A_219 = arith.constant 0 : i32
        %dma_wait3A_220 = tpu.memref_slice %arg26[%add3A_58, %dma_wait3A_219] : memref<10000x80xf32, #tpu.memory_space<vmem_shared>> -> memref<25x80xf32, #tpu.memory_space<vmem_shared>>
        tpu.wait_dma2 semaphore(%run_scoped3A : memref<!tpu.dma_semaphore, #tpu.memory_space<semaphore_mem>>) src(%arg23 : memref<25x80xf32, #tpu.memory_space<vmem>>) dst(%dma_wait3A_220 : memref<25x80xf32, #tpu.memory_space<vmem_shared>>)
        tpu.yield
      }) : () -> ()
      %add3A_59 = arith.constant 450 : i32
      %add3A_60 = arith.addi %mul3A_2, %add3A_59 : i32
      "tpu.region"() ({
        %run_scoped3A = tpu.sem_alloc : memref<!tpu.dma_semaphore, #tpu.memory_space<semaphore_mem>>
        %dma_start3A_213 = arith.constant 0 : i32
        %dma_start3A_214 = tpu.memref_slice %arg26[%add3A_60, %dma_start3A_213] : memref<10000x80xf32, #tpu.memory_space<vmem_shared>> -> memref<25x80xf32, #tpu.memory_space<vmem_shared>>
        %dma_start3A_215 = arith.constant 0 : i32
        %dma_start3A_216 = tpu.memref_slice %arg26[%add3A_60, %dma_start3A_215] : memref<10000x80xf32, #tpu.memory_space<vmem_shared>> -> memref<25x80xf32, #tpu.memory_space<vmem_shared>>
        tpu.enqueue_dma source(%arg23 : memref<25x80xf32, #tpu.memory_space<vmem>>) target(%dma_start3A_216 : memref<25x80xf32, #tpu.memory_space<vmem_shared>>) target_semaphore(%run_scoped3A : memref<!tpu.dma_semaphore, #tpu.memory_space<semaphore_mem>>)
        %dma_wait3A_217 = arith.constant 0 : i32
        %dma_wait3A_218 = tpu.memref_slice %arg26[%add3A_60, %dma_wait3A_217] : memref<10000x80xf32, #tpu.memory_space<vmem_shared>> -> memref<25x80xf32, #tpu.memory_space<vmem_shared>>
        %dma_wait3A_219 = arith.constant 0 : i32
        %dma_wait3A_220 = tpu.memref_slice %arg26[%add3A_60, %dma_wait3A_219] : memref<10000x80xf32, #tpu.memory_space<vmem_shared>> -> memref<25x80xf32, #tpu.memory_space<vmem_shared>>
        tpu.wait_dma2 semaphore(%run_scoped3A : memref<!tpu.dma_semaphore, #tpu.memory_space<semaphore_mem>>) src(%arg23 : memref<25x80xf32, #tpu.memory_space<vmem>>) dst(%dma_wait3A_220 : memref<25x80xf32, #tpu.memory_space<vmem_shared>>)
        tpu.yield
      }) : () -> ()
      %add3A_61 = arith.constant 475 : i32
      %add3A_62 = arith.addi %mul3A_2, %add3A_61 : i32
      "tpu.region"() ({
        %run_scoped3A = tpu.sem_alloc : memref<!tpu.dma_semaphore, #tpu.memory_space<semaphore_mem>>
        %dma_start3A_213 = arith.constant 0 : i32
        %dma_start3A_214 = tpu.memref_slice %arg26[%add3A_62, %dma_start3A_213] : memref<10000x80xf32, #tpu.memory_space<vmem_shared>> -> memref<25x80xf32, #tpu.memory_space<vmem_shared>>
        %dma_start3A_215 = arith.constant 0 : i32
        %dma_start3A_216 = tpu.memref_slice %arg26[%add3A_62, %dma_start3A_215] : memref<10000x80xf32, #tpu.memory_space<vmem_shared>> -> memref<25x80xf32, #tpu.memory_space<vmem_shared>>
        tpu.enqueue_dma source(%arg23 : memref<25x80xf32, #tpu.memory_space<vmem>>) target(%dma_start3A_216 : memref<25x80xf32, #tpu.memory_space<vmem_shared>>) target_semaphore(%run_scoped3A : memref<!tpu.dma_semaphore, #tpu.memory_space<semaphore_mem>>)
        %dma_wait3A_217 = arith.constant 0 : i32
        %dma_wait3A_218 = tpu.memref_slice %arg26[%add3A_62, %dma_wait3A_217] : memref<10000x80xf32, #tpu.memory_space<vmem_shared>> -> memref<25x80xf32, #tpu.memory_space<vmem_shared>>
        %dma_wait3A_219 = arith.constant 0 : i32
        %dma_wait3A_220 = tpu.memref_slice %arg26[%add3A_62, %dma_wait3A_219] : memref<10000x80xf32, #tpu.memory_space<vmem_shared>> -> memref<25x80xf32, #tpu.memory_space<vmem_shared>>
        tpu.wait_dma2 semaphore(%run_scoped3A : memref<!tpu.dma_semaphore, #tpu.memory_space<semaphore_mem>>) src(%arg23 : memref<25x80xf32, #tpu.memory_space<vmem>>) dst(%dma_wait3A_220 : memref<25x80xf32, #tpu.memory_space<vmem_shared>>)
        tpu.yield
      }) : () -> ()
      %add3A_63 = arith.constant 500 : i32
      %add3A_64 = arith.addi %mul3A_2, %add3A_63 : i32
      "tpu.region"() ({
        %run_scoped3A = tpu.sem_alloc : memref<!tpu.dma_semaphore, #tpu.memory_space<semaphore_mem>>
        %dma_start3A_213 = arith.constant 0 : i32
        %dma_start3A_214 = tpu.memref_slice %arg26[%add3A_64, %dma_start3A_213] : memref<10000x80xf32, #tpu.memory_space<vmem_shared>> -> memref<25x80xf32, #tpu.memory_space<vmem_shared>>
        %dma_start3A_215 = arith.constant 0 : i32
        %dma_start3A_216 = tpu.memref_slice %arg26[%add3A_64, %dma_start3A_215] : memref<10000x80xf32, #tpu.memory_space<vmem_shared>> -> memref<25x80xf32, #tpu.memory_space<vmem_shared>>
        tpu.enqueue_dma source(%arg23 : memref<25x80xf32, #tpu.memory_space<vmem>>) target(%dma_start3A_216 : memref<25x80xf32, #tpu.memory_space<vmem_shared>>) target_semaphore(%run_scoped3A : memref<!tpu.dma_semaphore, #tpu.memory_space<semaphore_mem>>)
        %dma_wait3A_217 = arith.constant 0 : i32
        %dma_wait3A_218 = tpu.memref_slice %arg26[%add3A_64, %dma_wait3A_217] : memref<10000x80xf32, #tpu.memory_space<vmem_shared>> -> memref<25x80xf32, #tpu.memory_space<vmem_shared>>
        %dma_wait3A_219 = arith.constant 0 : i32
        %dma_wait3A_220 = tpu.memref_slice %arg26[%add3A_64, %dma_wait3A_219] : memref<10000x80xf32, #tpu.memory_space<vmem_shared>> -> memref<25x80xf32, #tpu.memory_space<vmem_shared>>
        tpu.wait_dma2 semaphore(%run_scoped3A : memref<!tpu.dma_semaphore, #tpu.memory_space<semaphore_mem>>) src(%arg23 : memref<25x80xf32, #tpu.memory_space<vmem>>) dst(%dma_wait3A_220 : memref<25x80xf32, #tpu.memory_space<vmem_shared>>)
        tpu.yield
      }) : () -> ()
      %add3A_65 = arith.constant 525 : i32
      %add3A_66 = arith.addi %mul3A_2, %add3A_65 : i32
      "tpu.region"() ({
        %run_scoped3A = tpu.sem_alloc : memref<!tpu.dma_semaphore, #tpu.memory_space<semaphore_mem>>
        %dma_start3A_213 = arith.constant 0 : i32
        %dma_start3A_214 = tpu.memref_slice %arg26[%add3A_66, %dma_start3A_213] : memref<10000x80xf32, #tpu.memory_space<vmem_shared>> -> memref<25x80xf32, #tpu.memory_space<vmem_shared>>
        %dma_start3A_215 = arith.constant 0 : i32
        %dma_start3A_216 = tpu.memref_slice %arg26[%add3A_66, %dma_start3A_215] : memref<10000x80xf32, #tpu.memory_space<vmem_shared>> -> memref<25x80xf32, #tpu.memory_space<vmem_shared>>
        tpu.enqueue_dma source(%arg23 : memref<25x80xf32, #tpu.memory_space<vmem>>) target(%dma_start3A_216 : memref<25x80xf32, #tpu.memory_space<vmem_shared>>) target_semaphore(%run_scoped3A : memref<!tpu.dma_semaphore, #tpu.memory_space<semaphore_mem>>)
        %dma_wait3A_217 = arith.constant 0 : i32
        %dma_wait3A_218 = tpu.memref_slice %arg26[%add3A_66, %dma_wait3A_217] : memref<10000x80xf32, #tpu.memory_space<vmem_shared>> -> memref<25x80xf32, #tpu.memory_space<vmem_shared>>
        %dma_wait3A_219 = arith.constant 0 : i32
        %dma_wait3A_220 = tpu.memref_slice %arg26[%add3A_66, %dma_wait3A_219] : memref<10000x80xf32, #tpu.memory_space<vmem_shared>> -> memref<25x80xf32, #tpu.memory_space<vmem_shared>>
        tpu.wait_dma2 semaphore(%run_scoped3A : memref<!tpu.dma_semaphore, #tpu.memory_space<semaphore_mem>>) src(%arg23 : memref<25x80xf32, #tpu.memory_space<vmem>>) dst(%dma_wait3A_220 : memref<25x80xf32, #tpu.memory_space<vmem_shared>>)
        tpu.yield
      }) : () -> ()
      %add3A_67 = arith.constant 550 : i32
      %add3A_68 = arith.addi %mul3A_2, %add3A_67 : i32
      "tpu.region"() ({
        %run_scoped3A = tpu.sem_alloc : memref<!tpu.dma_semaphore, #tpu.memory_space<semaphore_mem>>
        %dma_start3A_213 = arith.constant 0 : i32
        %dma_start3A_214 = tpu.memref_slice %arg26[%add3A_68, %dma_start3A_213] : memref<10000x80xf32, #tpu.memory_space<vmem_shared>> -> memref<25x80xf32, #tpu.memory_space<vmem_shared>>
        %dma_start3A_215 = arith.constant 0 : i32
        %dma_start3A_216 = tpu.memref_slice %arg26[%add3A_68, %dma_start3A_215] : memref<10000x80xf32, #tpu.memory_space<vmem_shared>> -> memref<25x80xf32, #tpu.memory_space<vmem_shared>>
        tpu.enqueue_dma source(%arg23 : memref<25x80xf32, #tpu.memory_space<vmem>>) target(%dma_start3A_216 : memref<25x80xf32, #tpu.memory_space<vmem_shared>>) target_semaphore(%run_scoped3A : memref<!tpu.dma_semaphore, #tpu.memory_space<semaphore_mem>>)
        %dma_wait3A_217 = arith.constant 0 : i32
        %dma_wait3A_218 = tpu.memref_slice %arg26[%add3A_68, %dma_wait3A_217] : memref<10000x80xf32, #tpu.memory_space<vmem_shared>> -> memref<25x80xf32, #tpu.memory_space<vmem_shared>>
        %dma_wait3A_219 = arith.constant 0 : i32
        %dma_wait3A_220 = tpu.memref_slice %arg26[%add3A_68, %dma_wait3A_219] : memref<10000x80xf32, #tpu.memory_space<vmem_shared>> -> memref<25x80xf32, #tpu.memory_space<vmem_shared>>
        tpu.wait_dma2 semaphore(%run_scoped3A : memref<!tpu.dma_semaphore, #tpu.memory_space<semaphore_mem>>) src(%arg23 : memref<25x80xf32, #tpu.memory_space<vmem>>) dst(%dma_wait3A_220 : memref<25x80xf32, #tpu.memory_space<vmem_shared>>)
        tpu.yield
      }) : () -> ()
      %add3A_69 = arith.constant 575 : i32
      %add3A_70 = arith.addi %mul3A_2, %add3A_69 : i32
      "tpu.region"() ({
        %run_scoped3A = tpu.sem_alloc : memref<!tpu.dma_semaphore, #tpu.memory_space<semaphore_mem>>
        %dma_start3A_213 = arith.constant 0 : i32
        %dma_start3A_214 = tpu.memref_slice %arg26[%add3A_70, %dma_start3A_213] : memref<10000x80xf32, #tpu.memory_space<vmem_shared>> -> memref<25x80xf32, #tpu.memory_space<vmem_shared>>
        %dma_start3A_215 = arith.constant 0 : i32
        %dma_start3A_216 = tpu.memref_slice %arg26[%add3A_70, %dma_start3A_215] : memref<10000x80xf32, #tpu.memory_space<vmem_shared>> -> memref<25x80xf32, #tpu.memory_space<vmem_shared>>
        tpu.enqueue_dma source(%arg23 : memref<25x80xf32, #tpu.memory_space<vmem>>) target(%dma_start3A_216 : memref<25x80xf32, #tpu.memory_space<vmem_shared>>) target_semaphore(%run_scoped3A : memref<!tpu.dma_semaphore, #tpu.memory_space<semaphore_mem>>)
        %dma_wait3A_217 = arith.constant 0 : i32
        %dma_wait3A_218 = tpu.memref_slice %arg26[%add3A_70, %dma_wait3A_217] : memref<10000x80xf32, #tpu.memory_space<vmem_shared>> -> memref<25x80xf32, #tpu.memory_space<vmem_shared>>
        %dma_wait3A_219 = arith.constant 0 : i32
        %dma_wait3A_220 = tpu.memref_slice %arg26[%add3A_70, %dma_wait3A_219] : memref<10000x80xf32, #tpu.memory_space<vmem_shared>> -> memref<25x80xf32, #tpu.memory_space<vmem_shared>>
        tpu.wait_dma2 semaphore(%run_scoped3A : memref<!tpu.dma_semaphore, #tpu.memory_space<semaphore_mem>>) src(%arg23 : memref<25x80xf32, #tpu.memory_space<vmem>>) dst(%dma_wait3A_220 : memref<25x80xf32, #tpu.memory_space<vmem_shared>>)
        tpu.yield
      }) : () -> ()
      %add3A_71 = arith.constant 600 : i32
      %add3A_72 = arith.addi %mul3A_2, %add3A_71 : i32
      "tpu.region"() ({
        %run_scoped3A = tpu.sem_alloc : memref<!tpu.dma_semaphore, #tpu.memory_space<semaphore_mem>>
        %dma_start3A_213 = arith.constant 0 : i32
        %dma_start3A_214 = tpu.memref_slice %arg26[%add3A_72, %dma_start3A_213] : memref<10000x80xf32, #tpu.memory_space<vmem_shared>> -> memref<25x80xf32, #tpu.memory_space<vmem_shared>>
        %dma_start3A_215 = arith.constant 0 : i32
        %dma_start3A_216 = tpu.memref_slice %arg26[%add3A_72, %dma_start3A_215] : memref<10000x80xf32, #tpu.memory_space<vmem_shared>> -> memref<25x80xf32, #tpu.memory_space<vmem_shared>>
        tpu.enqueue_dma source(%arg23 : memref<25x80xf32, #tpu.memory_space<vmem>>) target(%dma_start3A_216 : memref<25x80xf32, #tpu.memory_space<vmem_shared>>) target_semaphore(%run_scoped3A : memref<!tpu.dma_semaphore, #tpu.memory_space<semaphore_mem>>)
        %dma_wait3A_217 = arith.constant 0 : i32
        %dma_wait3A_218 = tpu.memref_slice %arg26[%add3A_72, %dma_wait3A_217] : memref<10000x80xf32, #tpu.memory_space<vmem_shared>> -> memref<25x80xf32, #tpu.memory_space<vmem_shared>>
        %dma_wait3A_219 = arith.constant 0 : i32
        %dma_wait3A_220 = tpu.memref_slice %arg26[%add3A_72, %dma_wait3A_219] : memref<10000x80xf32, #tpu.memory_space<vmem_shared>> -> memref<25x80xf32, #tpu.memory_space<vmem_shared>>
        tpu.wait_dma2 semaphore(%run_scoped3A : memref<!tpu.dma_semaphore, #tpu.memory_space<semaphore_mem>>) src(%arg23 : memref<25x80xf32, #tpu.memory_space<vmem>>) dst(%dma_wait3A_220 : memref<25x80xf32, #tpu.memory_space<vmem_shared>>)
        tpu.yield
      }) : () -> ()
      %barrier3A = arith.constant 0 : index
      tpu.barrier barrier_id(%barrier3A)
      %mul3A_73 = arith.constant 0 : i32
      %mul3A_74 = arith.constant 80 : i32
      %mul3A_75 = arith.muli %mul3A_73, %mul3A_74 : i32
      %add3A_76 = arith.addi %mul3A_0, %mul3A_75 : i32
      %dma_start3A = tpu.memref_slice %arg2[%add3A_76] : memref<320000xi32, #tpu.memory_space<hbm>> -> memref<80xi32, #tpu.memory_space<hbm>>
      %dma_start3A_77 = tpu.memref_slice %arg2[%add3A_76] : memref<320000xi32, #tpu.memory_space<hbm>> -> memref<80xi32, #tpu.memory_space<hbm>>
      tpu.enqueue_dma source(%dma_start3A_77 : memref<80xi32, #tpu.memory_space<hbm>>) target(%arg7 : memref<80xi32, #tpu.memory_space<vmem>>) target_semaphore(%arg27 : memref<!tpu.dma_semaphore, #tpu.memory_space<semaphore_mem>>)
      %dma_start3A_78 = tpu.memref_slice %arg3[%add3A_76] : memref<320000xi32, #tpu.memory_space<hbm>> -> memref<80xi32, #tpu.memory_space<hbm>>
      %dma_start3A_79 = tpu.memref_slice %arg3[%add3A_76] : memref<320000xi32, #tpu.memory_space<hbm>> -> memref<80xi32, #tpu.memory_space<hbm>>
      tpu.enqueue_dma source(%dma_start3A_79 : memref<80xi32, #tpu.memory_space<hbm>>) target(%arg9 : memref<80xi32, #tpu.memory_space<vmem>>) target_semaphore(%arg27 : memref<!tpu.dma_semaphore, #tpu.memory_space<semaphore_mem>>)
      %mul3A_80 = arith.constant 1 : i32
      %mul3A_81 = arith.constant 80 : i32
      %mul3A_82 = arith.muli %mul3A_80, %mul3A_81 : i32
      %add3A_83 = arith.addi %mul3A_0, %mul3A_82 : i32
      %dma_start3A_84 = tpu.memref_slice %arg2[%add3A_83] : memref<320000xi32, #tpu.memory_space<hbm>> -> memref<80xi32, #tpu.memory_space<hbm>>
      %dma_start3A_85 = tpu.memref_slice %arg2[%add3A_83] : memref<320000xi32, #tpu.memory_space<hbm>> -> memref<80xi32, #tpu.memory_space<hbm>>
      tpu.enqueue_dma source(%dma_start3A_85 : memref<80xi32, #tpu.memory_space<hbm>>) target(%arg8 : memref<80xi32, #tpu.memory_space<vmem>>) target_semaphore(%arg28 : memref<!tpu.dma_semaphore, #tpu.memory_space<semaphore_mem>>)
      %dma_start3A_86 = tpu.memref_slice %arg3[%add3A_83] : memref<320000xi32, #tpu.memory_space<hbm>> -> memref<80xi32, #tpu.memory_space<hbm>>
      %dma_start3A_87 = tpu.memref_slice %arg3[%add3A_83] : memref<320000xi32, #tpu.memory_space<hbm>> -> memref<80xi32, #tpu.memory_space<hbm>>
      tpu.enqueue_dma source(%dma_start3A_87 : memref<80xi32, #tpu.memory_space<hbm>>) target(%arg10 : memref<80xi32, #tpu.memory_space<vmem>>) target_semaphore(%arg28 : memref<!tpu.dma_semaphore, #tpu.memory_space<semaphore_mem>>)
      %dma_wait3A = arith.constant 0 : i32
      %dma_wait3A_88 = tpu.memref_slice %arg2[%dma_wait3A] : memref<320000xi32, #tpu.memory_space<hbm>> -> memref<80xi32, #tpu.memory_space<hbm>>
      %dma_wait3A_89 = arith.constant 0 : i32
      %dma_wait3A_90 = tpu.memref_slice %arg2[%dma_wait3A_89] : memref<320000xi32, #tpu.memory_space<hbm>> -> memref<80xi32, #tpu.memory_space<hbm>>
      tpu.wait_dma2 semaphore(%arg27 : memref<!tpu.dma_semaphore, #tpu.memory_space<semaphore_mem>>) src(%dma_wait3A_90 : memref<80xi32, #tpu.memory_space<hbm>>) dst(%arg7 : memref<80xi32, #tpu.memory_space<vmem>>)
      %dma_wait3A_91 = arith.constant 0 : i32
      %dma_wait3A_92 = tpu.memref_slice %arg3[%dma_wait3A_91] : memref<320000xi32, #tpu.memory_space<hbm>> -> memref<80xi32, #tpu.memory_space<hbm>>
      %dma_wait3A_93 = arith.constant 0 : i32
      %dma_wait3A_94 = tpu.memref_slice %arg3[%dma_wait3A_93] : memref<320000xi32, #tpu.memory_space<hbm>> -> memref<80xi32, #tpu.memory_space<hbm>>
      tpu.wait_dma2 semaphore(%arg27 : memref<!tpu.dma_semaphore, #tpu.memory_space<semaphore_mem>>) src(%dma_wait3A_94 : memref<80xi32, #tpu.memory_space<hbm>>) dst(%arg9 : memref<80xi32, #tpu.memory_space<vmem>>)
      %get3A = arith.constant 0 : index
      %get3A_95 = tpu.vector_load %arg7[%get3A] {strides = array<i32>} : memref<80xi32, #tpu.memory_space<vmem>>, vector<16xi32>,
      %mul3A_96 = arith.constant 8 : i32
      %mul3A_97 = vector.broadcast %mul3A_96 : i32 to vector<16xi32>
      %mul3A_98 = arith.muli %get3A_95, %mul3A_97 : vector<16xi32>
      %add3A_99 = vector.broadcast %add3A : i32 to vector<16xi32>
      %add3A_100 = arith.addi %mul3A_98, %add3A_99 : vector<16xi32>
      %swap3A = arith.constant 0 : index
      %swap3A_101 = tpu.vector_load %arg11[%swap3A] {strides = array<i32>} : memref<80xi32, #tpu.memory_space<vmem>>, vector<16xi32>,
      tpu.vector_store %arg11[%swap3A], %add3A_100 {strides = array<i32>} : memref<80xi32, #tpu.memory_space<vmem>>, vector<16xi32>,
      %get3A_102 = arith.constant 0 : index
      %get3A_103 = tpu.vector_load %arg9[%get3A_102] {strides = array<i32>} : memref<80xi32, #tpu.memory_space<vmem>>, vector<16xi32>,
      %mul3A_104 = arith.constant 8 : i32
      %mul3A_105 = vector.broadcast %mul3A_104 : i32 to vector<16xi32>
      %mul3A_106 = arith.muli %get3A_103, %mul3A_105 : vector<16xi32>
      %add3A_107 = vector.broadcast %add3A : i32 to vector<16xi32>
      %add3A_108 = arith.addi %mul3A_106, %add3A_107 : vector<16xi32>
      %swap3A_109 = arith.constant 0 : index
      %swap3A_110 = tpu.vector_load %arg13[%swap3A_109] {strides = array<i32>} : memref<80xi32, #tpu.memory_space<vmem>>, vector<16xi32>,
      tpu.vector_store %arg13[%swap3A_109], %add3A_108 {strides = array<i32>} : memref<80xi32, #tpu.memory_space<vmem>>, vector<16xi32>,
      %get3A_111 = arith.constant 16 : index
      %get3A_112 = tpu.vector_load %arg7[%get3A_111] {strides = array<i32>} : memref<80xi32, #tpu.memory_space<vmem>>, vector<16xi32>,
      %mul3A_113 = arith.constant 8 : i32
      %mul3A_114 = vector.broadcast %mul3A_113 : i32 to vector<16xi32>
      %mul3A_115 = arith.muli %get3A_112, %mul3A_114 : vector<16xi32>
      %add3A_116 = vector.broadcast %add3A : i32 to vector<16xi32>
      %add3A_117 = arith.addi %mul3A_115, %add3A_116 : vector<16xi32>
      %swap3A_118 = arith.constant 16 : index
      %swap3A_119 = tpu.vector_load %arg11[%swap3A_118] {strides = array<i32>} : memref<80xi32, #tpu.memory_space<vmem>>, vector<16xi32>,
      tpu.vector_store %arg11[%swap3A_118], %add3A_117 {strides = array<i32>} : memref<80xi32, #tpu.memory_space<vmem>>, vector<16xi32>,
      %get3A_120 = arith.constant 16 : index
      %get3A_121 = tpu.vector_load %arg9[%get3A_120] {strides = array<i32>} : memref<80xi32, #tpu.memory_space<vmem>>, vector<16xi32>,
      %mul3A_122 = arith.constant 8 : i32
      %mul3A_123 = vector.broadcast %mul3A_122 : i32 to vector<16xi32>
      %mul3A_124 = arith.muli %get3A_121, %mul3A_123 : vector<16xi32>
      %add3A_125 = vector.broadcast %add3A : i32 to vector<16xi32>
      %add3A_126 = arith.addi %mul3A_124, %add3A_125 : vector<16xi32>
      %swap3A_127 = arith.constant 16 : index
      %swap3A_128 = tpu.vector_load %arg13[%swap3A_127] {strides = array<i32>} : memref<80xi32, #tpu.memory_space<vmem>>, vector<16xi32>,
      tpu.vector_store %arg13[%swap3A_127], %add3A_126 {strides = array<i32>} : memref<80xi32, #tpu.memory_space<vmem>>, vector<16xi32>,
      %get3A_129 = arith.constant 32 : index
      %get3A_130 = tpu.vector_load %arg7[%get3A_129] {strides = array<i32>} : memref<80xi32, #tpu.memory_space<vmem>>, vector<16xi32>,
      %mul3A_131 = arith.constant 8 : i32
      %mul3A_132 = vector.broadcast %mul3A_131 : i32 to vector<16xi32>
      %mul3A_133 = arith.muli %get3A_130, %mul3A_132 : vector<16xi32>
      %add3A_134 = vector.broadcast %add3A : i32 to vector<16xi32>
      %add3A_135 = arith.addi %mul3A_133, %add3A_134 : vector<16xi32>
      %swap3A_136 = arith.constant 32 : index
      %swap3A_137 = tpu.vector_load %arg11[%swap3A_136] {strides = array<i32>} : memref<80xi32, #tpu.memory_space<vmem>>, vector<16xi32>,
      tpu.vector_store %arg11[%swap3A_136], %add3A_135 {strides = array<i32>} : memref<80xi32, #tpu.memory_space<vmem>>, vector<16xi32>,
      %get3A_138 = arith.constant 32 : index
      %get3A_139 = tpu.vector_load %arg9[%get3A_138] {strides = array<i32>} : memref<80xi32, #tpu.memory_space<vmem>>, vector<16xi32>,
      %mul3A_140 = arith.constant 8 : i32
      %mul3A_141 = vector.broadcast %mul3A_140 : i32 to vector<16xi32>
      %mul3A_142 = arith.muli %get3A_139, %mul3A_141 : vector<16xi32>
      %add3A_143 = vector.broadcast %add3A : i32 to vector<16xi32>
      %add3A_144 = arith.addi %mul3A_142, %add3A_143 : vector<16xi32>
      %swap3A_145 = arith.constant 32 : index
      %swap3A_146 = tpu.vector_load %arg13[%swap3A_145] {strides = array<i32>} : memref<80xi32, #tpu.memory_space<vmem>>, vector<16xi32>,
      tpu.vector_store %arg13[%swap3A_145], %add3A_144 {strides = array<i32>} : memref<80xi32, #tpu.memory_space<vmem>>, vector<16xi32>,
      %get3A_147 = arith.constant 48 : index
      %get3A_148 = tpu.vector_load %arg7[%get3A_147] {strides = array<i32>} : memref<80xi32, #tpu.memory_space<vmem>>, vector<16xi32>,
      %mul3A_149 = arith.constant 8 : i32
      %mul3A_150 = vector.broadcast %mul3A_149 : i32 to vector<16xi32>
      %mul3A_151 = arith.muli %get3A_148, %mul3A_150 : vector<16xi32>
      %add3A_152 = vector.broadcast %add3A : i32 to vector<16xi32>
      %add3A_153 = arith.addi %mul3A_151, %add3A_152 : vector<16xi32>
      %swap3A_154 = arith.constant 48 : index
      %swap3A_155 = tpu.vector_load %arg11[%swap3A_154] {strides = array<i32>} : memref<80xi32, #tpu.memory_space<vmem>>, vector<16xi32>,
      tpu.vector_store %arg11[%swap3A_154], %add3A_153 {strides = array<i32>} : memref<80xi32, #tpu.memory_space<vmem>>, vector<16xi32>,
      %get3A_156 = arith.constant 48 : index
      %get3A_157 = tpu.vector_load %arg9[%get3A_156] {strides = array<i32>} : memref<80xi32, #tpu.memory_space<vmem>>, vector<16xi32>,
      %mul3A_158 = arith.constant 8 : i32
      %mul3A_159 = vector.broadcast %mul3A_158 : i32 to vector<16xi32>
      %mul3A_160 = arith.muli %get3A_157, %mul3A_159 : vector<16xi32>
      %add3A_161 = vector.broadcast %add3A : i32 to vector<16xi32>
      %add3A_162 = arith.addi %mul3A_160, %add3A_161 : vector<16xi32>
      %swap3A_163 = arith.constant 48 : index
      %swap3A_164 = tpu.vector_load %arg13[%swap3A_163] {strides = array<i32>} : memref<80xi32, #tpu.memory_space<vmem>>, vector<16xi32>,
      tpu.vector_store %arg13[%swap3A_163], %add3A_162 {strides = array<i32>} : memref<80xi32, #tpu.memory_space<vmem>>, vector<16xi32>,
      %get3A_165 = arith.constant 64 : index
      %get3A_166 = tpu.vector_load %arg7[%get3A_165] {strides = array<i32>} : memref<80xi32, #tpu.memory_space<vmem>>, vector<16xi32>,
      %mul3A_167 = arith.constant 8 : i32
      %mul3A_168 = vector.broadcast %mul3A_167 : i32 to vector<16xi32>
      %mul3A_169 = arith.muli %get3A_166, %mul3A_168 : vector<16xi32>
      %add3A_170 = vector.broadcast %add3A : i32 to vector<16xi32>
      %add3A_171 = arith.addi %mul3A_169, %add3A_170 : vector<16xi32>
      %swap3A_172 = arith.constant 64 : index
      %swap3A_173 = tpu.vector_load %arg11[%swap3A_172] {strides = array<i32>} : memref<80xi32, #tpu.memory_space<vmem>>, vector<16xi32>,
      tpu.vector_store %arg11[%swap3A_172], %add3A_171 {strides = array<i32>} : memref<80xi32, #tpu.memory_space<vmem>>, vector<16xi32>,
      %get3A_174 = arith.constant 64 : index
      %get3A_175 = tpu.vector_load %arg9[%get3A_174] {strides = array<i32>} : memref<80xi32, #tpu.memory_space<vmem>>, vector<16xi32>,
      %mul3A_176 = arith.constant 8 : i32
      %mul3A_177 = vector.broadcast %mul3A_176 : i32 to vector<16xi32>
      %mul3A_178 = arith.muli %get3A_175, %mul3A_177 : vector<16xi32>
      %add3A_179 = vector.broadcast %add3A : i32 to vector<16xi32>
      %add3A_180 = arith.addi %mul3A_178, %add3A_179 : vector<16xi32>
      %swap3A_181 = arith.constant 64 : index
      %swap3A_182 = tpu.vector_load %arg13[%swap3A_181] {strides = array<i32>} : memref<80xi32, #tpu.memory_space<vmem>>, vector<16xi32>,
      tpu.vector_store %arg13[%swap3A_181], %add3A_180 {strides = array<i32>} : memref<80xi32, #tpu.memory_space<vmem>>, vector<16xi32>,
      %dma_start3A_183 = arith.constant 0 : i32
      %dma_start3A_184 = arith.constant 0 : i32
      %dma_start3A_185 = tpu.memref_slice %arg4[%dma_start3A_183, %dma_start3A_184] : memref<80000x64xf32, #tpu.memory_space<hbm>> -> memref<80000x64xf32, #tpu.memory_space<hbm>>
      tpu.enqueue_indirect_dma source(%dma_start3A_185 : memref<80000x64xf32, #tpu.memory_space<hbm>>) target(%arg17 : memref<80x64xf32, #tpu.memory_space<vmem>>) offsets(%arg11 : memref<80xi32, #tpu.memory_space<vmem>>) semaphore(%arg29 : memref<!tpu.dma_semaphore, #tpu.memory_space<semaphore_mem>>)
      %dma_start3A_186 = arith.constant 0 : i32
      %dma_start3A_187 = arith.constant 0 : i32
      %dma_start3A_188 = tpu.memref_slice %arg5[%dma_start3A_186, %dma_start3A_187] : memref<80000x128xf32, #tpu.memory_space<hbm>> -> memref<80000x128xf32, #tpu.memory_space<hbm>>
      tpu.enqueue_indirect_dma source(%dma_start3A_188 : memref<80000x128xf32, #tpu.memory_space<hbm>>) target(%arg19 : memref<80x128xf32, #tpu.memory_space<vmem>>) offsets(%arg13 : memref<80xi32, #tpu.memory_space<vmem>>) semaphore(%arg29 : memref<!tpu.dma_semaphore, #tpu.memory_space<semaphore_mem>>)
      %scan3A_189 = arith.constant 0 : i32
      %scan3A_190 = arith.constant 0 : i32
      %scan3A_191 = arith.constant 125 : i32
      %scan3A_192 = arith.addi %scan3A_190, %scan3A_191 : i32
      %scan3A_193 = arith.constant 1 : i32
      scf.for %scan3A_213 = %scan3A_190 to %scan3A_192 step %scan3A_193  : i32 {
        %mul3A_214 = arith.constant 2 : i32
        %mul3A_215 = arith.muli %scan3A_213, %mul3A_214 : i32
        %le3A = arith.constant 248 : i32
        %le3A_216 = arith.cmpi sle, %mul3A_215, %le3A : i32
        %convert_element_type3A = arith.extui %le3A_216 : i1 to i32
        %cond3A = arith.constant 0 : i32
        %cond3A_217 = arith.cmpi ne, %convert_element_type3A, %cond3A : i32
        scf.if %cond3A_217 {
          %dma_wait3A_345 = arith.constant 0 : i32
          %dma_wait3A_346 = tpu.memref_slice %arg2[%dma_wait3A_345] : memref<320000xi32, #tpu.memory_space<hbm>> -> memref<80xi32, #tpu.memory_space<hbm>>
          %dma_wait3A_347 = arith.constant 0 : i32
          %dma_wait3A_348 = tpu.memref_slice %arg2[%dma_wait3A_347] : memref<320000xi32, #tpu.memory_space<hbm>> -> memref<80xi32, #tpu.memory_space<hbm>>
          tpu.wait_dma2 semaphore(%arg28 : memref<!tpu.dma_semaphore, #tpu.memory_space<semaphore_mem>>) src(%dma_wait3A_348 : memref<80xi32, #tpu.memory_space<hbm>>) dst(%arg8 : memref<80xi32, #tpu.memory_space<vmem>>)
          %dma_wait3A_349 = arith.constant 0 : i32
          %dma_wait3A_350 = tpu.memref_slice %arg3[%dma_wait3A_349] : memref<320000xi32, #tpu.memory_space<hbm>> -> memref<80xi32, #tpu.memory_space<hbm>>
          %dma_wait3A_351 = arith.constant 0 : i32
          %dma_wait3A_352 = tpu.memref_slice %arg3[%dma_wait3A_351] : memref<320000xi32, #tpu.memory_space<hbm>> -> memref<80xi32, #tpu.memory_space<hbm>>
          tpu.wait_dma2 semaphore(%arg28 : memref<!tpu.dma_semaphore, #tpu.memory_space<semaphore_mem>>) src(%dma_wait3A_352 : memref<80xi32, #tpu.memory_space<hbm>>) dst(%arg10 : memref<80xi32, #tpu.memory_space<vmem>>)
          %get3A_353 = arith.constant 0 : index
          %get3A_354 = tpu.vector_load %arg8[%get3A_353] {strides = array<i32>} : memref<80xi32, #tpu.memory_space<vmem>>, vector<16xi32>,
          %mul3A_355 = arith.constant 8 : i32
          %mul3A_356 = vector.broadcast %mul3A_355 : i32 to vector<16xi32>
          %mul3A_357 = arith.muli %get3A_354, %mul3A_356 : vector<16xi32>
          %add3A_358 = vector.broadcast %add3A : i32 to vector<16xi32>
          %add3A_359 = arith.addi %mul3A_357, %add3A_358 : vector<16xi32>
          %swap3A_360 = arith.constant 0 : index
          %swap3A_361 = tpu.vector_load %arg12[%swap3A_360] {strides = array<i32>} : memref<80xi32, #tpu.memory_space<vmem>>, vector<16xi32>,
          tpu.vector_store %arg12[%swap3A_360], %add3A_359 {strides = array<i32>} : memref<80xi32, #tpu.memory_space<vmem>>, vector<16xi32>,
          %get3A_362 = arith.constant 0 : index
          %get3A_363 = tpu.vector_load %arg10[%get3A_362] {strides = array<i32>} : memref<80xi32, #tpu.memory_space<vmem>>, vector<16xi32>,
          %mul3A_364 = arith.constant 8 : i32
          %mul3A_365 = vector.broadcast %mul3A_364 : i32 to vector<16xi32>
          %mul3A_366 = arith.muli %get3A_363, %mul3A_365 : vector<16xi32>
          %add3A_367 = vector.broadcast %add3A : i32 to vector<16xi32>
          %add3A_368 = arith.addi %mul3A_366, %add3A_367 : vector<16xi32>
          %swap3A_369 = arith.constant 0 : index
          %swap3A_370 = tpu.vector_load %arg14[%swap3A_369] {strides = array<i32>} : memref<80xi32, #tpu.memory_space<vmem>>, vector<16xi32>,
          tpu.vector_store %arg14[%swap3A_369], %add3A_368 {strides = array<i32>} : memref<80xi32, #tpu.memory_space<vmem>>, vector<16xi32>,
          %get3A_371 = arith.constant 16 : index
          %get3A_372 = tpu.vector_load %arg8[%get3A_371] {strides = array<i32>} : memref<80xi32, #tpu.memory_space<vmem>>, vector<16xi32>,
          %mul3A_373 = arith.constant 8 : i32
          %mul3A_374 = vector.broadcast %mul3A_373 : i32 to vector<16xi32>
          %mul3A_375 = arith.muli %get3A_372, %mul3A_374 : vector<16xi32>
          %add3A_376 = vector.broadcast %add3A : i32 to vector<16xi32>
          %add3A_377 = arith.addi %mul3A_375, %add3A_376 : vector<16xi32>
          %swap3A_378 = arith.constant 16 : index
          %swap3A_379 = tpu.vector_load %arg12[%swap3A_378] {strides = array<i32>} : memref<80xi32, #tpu.memory_space<vmem>>, vector<16xi32>,
          tpu.vector_store %arg12[%swap3A_378], %add3A_377 {strides = array<i32>} : memref<80xi32, #tpu.memory_space<vmem>>, vector<16xi32>,
          %get3A_380 = arith.constant 16 : index
          %get3A_381 = tpu.vector_load %arg10[%get3A_380] {strides = array<i32>} : memref<80xi32, #tpu.memory_space<vmem>>, vector<16xi32>,
          %mul3A_382 = arith.constant 8 : i32
          %mul3A_383 = vector.broadcast %mul3A_382 : i32 to vector<16xi32>
          %mul3A_384 = arith.muli %get3A_381, %mul3A_383 : vector<16xi32>
          %add3A_385 = vector.broadcast %add3A : i32 to vector<16xi32>
          %add3A_386 = arith.addi %mul3A_384, %add3A_385 : vector<16xi32>
          %swap3A_387 = arith.constant 16 : index
          %swap3A_388 = tpu.vector_load %arg14[%swap3A_387] {strides = array<i32>} : memref<80xi32, #tpu.memory_space<vmem>>, vector<16xi32>,
          tpu.vector_store %arg14[%swap3A_387], %add3A_386 {strides = array<i32>} : memref<80xi32, #tpu.memory_space<vmem>>, vector<16xi32>,
          %get3A_389 = arith.constant 32 : index
          %get3A_390 = tpu.vector_load %arg8[%get3A_389] {strides = array<i32>} : memref<80xi32, #tpu.memory_space<vmem>>, vector<16xi32>,
          %mul3A_391 = arith.constant 8 : i32
          %mul3A_392 = vector.broadcast %mul3A_391 : i32 to vector<16xi32>
          %mul3A_393 = arith.muli %get3A_390, %mul3A_392 : vector<16xi32>
          %add3A_394 = vector.broadcast %add3A : i32 to vector<16xi32>
          %add3A_395 = arith.addi %mul3A_393, %add3A_394 : vector<16xi32>
          %swap3A_396 = arith.constant 32 : index
          %swap3A_397 = tpu.vector_load %arg12[%swap3A_396] {strides = array<i32>} : memref<80xi32, #tpu.memory_space<vmem>>, vector<16xi32>,
          tpu.vector_store %arg12[%swap3A_396], %add3A_395 {strides = array<i32>} : memref<80xi32, #tpu.memory_space<vmem>>, vector<16xi32>,
          %get3A_398 = arith.constant 32 : index
          %get3A_399 = tpu.vector_load %arg10[%get3A_398] {strides = array<i32>} : memref<80xi32, #tpu.memory_space<vmem>>, vector<16xi32>,
          %mul3A_400 = arith.constant 8 : i32
          %mul3A_401 = vector.broadcast %mul3A_400 : i32 to vector<16xi32>
          %mul3A_402 = arith.muli %get3A_399, %mul3A_401 : vector<16xi32>
          %add3A_403 = vector.broadcast %add3A : i32 to vector<16xi32>
          %add3A_404 = arith.addi %mul3A_402, %add3A_403 : vector<16xi32>
          %swap3A_405 = arith.constant 32 : index
          %swap3A_406 = tpu.vector_load %arg14[%swap3A_405] {strides = array<i32>} : memref<80xi32, #tpu.memory_space<vmem>>, vector<16xi32>,
          tpu.vector_store %arg14[%swap3A_405], %add3A_404 {strides = array<i32>} : memref<80xi32, #tpu.memory_space<vmem>>, vector<16xi32>,
          %get3A_407 = arith.constant 48 : index
          %get3A_408 = tpu.vector_load %arg8[%get3A_407] {strides = array<i32>} : memref<80xi32, #tpu.memory_space<vmem>>, vector<16xi32>,
          %mul3A_409 = arith.constant 8 : i32
          %mul3A_410 = vector.broadcast %mul3A_409 : i32 to vector<16xi32>
          %mul3A_411 = arith.muli %get3A_408, %mul3A_410 : vector<16xi32>
          %add3A_412 = vector.broadcast %add3A : i32 to vector<16xi32>
          %add3A_413 = arith.addi %mul3A_411, %add3A_412 : vector<16xi32>
          %swap3A_414 = arith.constant 48 : index
          %swap3A_415 = tpu.vector_load %arg12[%swap3A_414] {strides = array<i32>} : memref<80xi32, #tpu.memory_space<vmem>>, vector<16xi32>,
          tpu.vector_store %arg12[%swap3A_414], %add3A_413 {strides = array<i32>} : memref<80xi32, #tpu.memory_space<vmem>>, vector<16xi32>,
          %get3A_416 = arith.constant 48 : index
          %get3A_417 = tpu.vector_load %arg10[%get3A_416] {strides = array<i32>} : memref<80xi32, #tpu.memory_space<vmem>>, vector<16xi32>,
          %mul3A_418 = arith.constant 8 : i32
          %mul3A_419 = vector.broadcast %mul3A_418 : i32 to vector<16xi32>
          %mul3A_420 = arith.muli %get3A_417, %mul3A_419 : vector<16xi32>
          %add3A_421 = vector.broadcast %add3A : i32 to vector<16xi32>
          %add3A_422 = arith.addi %mul3A_420, %add3A_421 : vector<16xi32>
          %swap3A_423 = arith.constant 48 : index
          %swap3A_424 = tpu.vector_load %arg14[%swap3A_423] {strides = array<i32>} : memref<80xi32, #tpu.memory_space<vmem>>, vector<16xi32>,
          tpu.vector_store %arg14[%swap3A_423], %add3A_422 {strides = array<i32>} : memref<80xi32, #tpu.memory_space<vmem>>, vector<16xi32>,
          %get3A_425 = arith.constant 64 : index
          %get3A_426 = tpu.vector_load %arg8[%get3A_425] {strides = array<i32>} : memref<80xi32, #tpu.memory_space<vmem>>, vector<16xi32>,
          %mul3A_427 = arith.constant 8 : i32
          %mul3A_428 = vector.broadcast %mul3A_427 : i32 to vector<16xi32>
          %mul3A_429 = arith.muli %get3A_426, %mul3A_428 : vector<16xi32>
          %add3A_430 = vector.broadcast %add3A : i32 to vector<16xi32>
          %add3A_431 = arith.addi %mul3A_429, %add3A_430 : vector<16xi32>
          %swap3A_432 = arith.constant 64 : index
          %swap3A_433 = tpu.vector_load %arg12[%swap3A_432] {strides = array<i32>} : memref<80xi32, #tpu.memory_space<vmem>>, vector<16xi32>,
          tpu.vector_store %arg12[%swap3A_432], %add3A_431 {strides = array<i32>} : memref<80xi32, #tpu.memory_space<vmem>>, vector<16xi32>,
          %get3A_434 = arith.constant 64 : index
          %get3A_435 = tpu.vector_load %arg10[%get3A_434] {strides = array<i32>} : memref<80xi32, #tpu.memory_space<vmem>>, vector<16xi32>,
          %mul3A_436 = arith.constant 8 : i32
          %mul3A_437 = vector.broadcast %mul3A_436 : i32 to vector<16xi32>
          %mul3A_438 = arith.muli %get3A_435, %mul3A_437 : vector<16xi32>
          %add3A_439 = vector.broadcast %add3A : i32 to vector<16xi32>
          %add3A_440 = arith.addi %mul3A_438, %add3A_439 : vector<16xi32>
          %swap3A_441 = arith.constant 64 : index
          %swap3A_442 = tpu.vector_load %arg14[%swap3A_441] {strides = array<i32>} : memref<80xi32, #tpu.memory_space<vmem>>, vector<16xi32>,
          tpu.vector_store %arg14[%swap3A_441], %add3A_440 {strides = array<i32>} : memref<80xi32, #tpu.memory_space<vmem>>, vector<16xi32>,
          %dma_start3A_443 = arith.constant 0 : i32
          %dma_start3A_444 = arith.constant 0 : i32
          %dma_start3A_445 = tpu.memref_slice %arg4[%dma_start3A_443, %dma_start3A_444] : memref<80000x64xf32, #tpu.memory_space<hbm>> -> memref<80000x64xf32, #tpu.memory_space<hbm>>
          tpu.enqueue_indirect_dma source(%dma_start3A_445 : memref<80000x64xf32, #tpu.memory_space<hbm>>) target(%arg18 : memref<80x64xf32, #tpu.memory_space<vmem>>) offsets(%arg12 : memref<80xi32, #tpu.memory_space<vmem>>) semaphore(%arg30 : memref<!tpu.dma_semaphore, #tpu.memory_space<semaphore_mem>>)
          %dma_start3A_446 = arith.constant 0 : i32
          %dma_start3A_447 = arith.constant 0 : i32
          %dma_start3A_448 = tpu.memref_slice %arg5[%dma_start3A_446, %dma_start3A_447] : memref<80000x128xf32, #tpu.memory_space<hbm>> -> memref<80000x128xf32, #tpu.memory_space<hbm>>
          tpu.enqueue_indirect_dma source(%dma_start3A_448 : memref<80000x128xf32, #tpu.memory_space<hbm>>) target(%arg20 : memref<80x128xf32, #tpu.memory_space<vmem>>) offsets(%arg14 : memref<80xi32, #tpu.memory_space<vmem>>) semaphore(%arg30 : memref<!tpu.dma_semaphore, #tpu.memory_space<semaphore_mem>>)
        } else {
        }
        %dma_wait3A_218 = arith.constant 0 : i32
        %dma_wait3A_219 = arith.constant 0 : i32
        %dma_wait3A_220 = tpu.memref_slice %arg4[%dma_wait3A_218, %dma_wait3A_219] : memref<80000x64xf32, #tpu.memory_space<hbm>> -> memref<80000x64xf32, #tpu.memory_space<hbm>>
        tpu.wait_indirect_dma semaphore(%arg29 : memref<!tpu.dma_semaphore, #tpu.memory_space<semaphore_mem>>) src(%dma_wait3A_220 : memref<80000x64xf32, #tpu.memory_space<hbm>>) dst(%arg17 : memref<80x64xf32, #tpu.memory_space<vmem>>)
        %dma_wait3A_221 = arith.constant 0 : i32
        %dma_wait3A_222 = arith.constant 0 : i32
        %dma_wait3A_223 = tpu.memref_slice %arg5[%dma_wait3A_221, %dma_wait3A_222] : memref<80000x128xf32, #tpu.memory_space<hbm>> -> memref<80000x128xf32, #tpu.memory_space<hbm>>
        tpu.wait_indirect_dma semaphore(%arg29 : memref<!tpu.dma_semaphore, #tpu.memory_space<semaphore_mem>>) src(%dma_wait3A_223 : memref<80000x128xf32, #tpu.memory_space<hbm>>) dst(%arg19 : memref<80x128xf32, #tpu.memory_space<vmem>>)
        %ge3A = arith.constant 2 : i32
        %ge3A_224 = arith.cmpi sge, %mul3A_215, %ge3A : i32
        %convert_element_type3A_225 = arith.extui %ge3A_224 : i1 to i32
        %cond3A_226 = arith.constant 0 : i32
        %cond3A_227 = arith.cmpi ne, %convert_element_type3A_225, %cond3A_226 : i32
        scf.if %cond3A_227 {
          %dma_wait3A_345 = arith.constant 0 : i32
          %dma_wait3A_346 = arith.constant 0 : i32
          %dma_wait3A_347 = tpu.memref_slice %arg26[%dma_wait3A_345, %dma_wait3A_346] : memref<10000x80xf32, #tpu.memory_space<vmem_shared>> -> memref<10000x80xf32, #tpu.memory_space<vmem_shared>>
          tpu.wait_indirect_dma semaphore(%arg31 : memref<!tpu.dma_semaphore, #tpu.memory_space<semaphore_mem>>) src(%arg21 : memref<80x80xf32, #tpu.memory_space<vmem>>) dst(%dma_wait3A_347 : memref<10000x80xf32, #tpu.memory_space<vmem_shared>>)
        } else {
        }
        %get3A_228 = arith.constant 0 : index
        %get3A_229 = tpu.vector_load %arg7[%get3A_228] {strides = array<i32>} : memref<80xi32, #tpu.memory_space<vmem>>, vector<16xi32>,
        %swap3A_230 = arith.constant 0 : index
        %swap3A_231 = tpu.vector_load %arg15[%swap3A_230] {strides = array<i32>} : memref<80xi32, #tpu.memory_space<vmem>>, vector<16xi32>,
        tpu.vector_store %arg15[%swap3A_230], %get3A_229 {strides = array<i32>} : memref<80xi32, #tpu.memory_space<vmem>>, vector<16xi32>,
        %get3A_232 = arith.constant 16 : index
        %get3A_233 = tpu.vector_load %arg7[%get3A_232] {strides = array<i32>} : memref<80xi32, #tpu.memory_space<vmem>>, vector<16xi32>,
        %swap3A_234 = arith.constant 16 : index
        %swap3A_235 = tpu.vector_load %arg15[%swap3A_234] {strides = array<i32>} : memref<80xi32, #tpu.memory_space<vmem>>, vector<16xi32>,
        tpu.vector_store %arg15[%swap3A_234], %get3A_233 {strides = array<i32>} : memref<80xi32, #tpu.memory_space<vmem>>, vector<16xi32>,
        %get3A_236 = arith.constant 32 : index
        %get3A_237 = tpu.vector_load %arg7[%get3A_236] {strides = array<i32>} : memref<80xi32, #tpu.memory_space<vmem>>, vector<16xi32>,
        %swap3A_238 = arith.constant 32 : index
        %swap3A_239 = tpu.vector_load %arg15[%swap3A_238] {strides = array<i32>} : memref<80xi32, #tpu.memory_space<vmem>>, vector<16xi32>,
        tpu.vector_store %arg15[%swap3A_238], %get3A_237 {strides = array<i32>} : memref<80xi32, #tpu.memory_space<vmem>>, vector<16xi32>,
        %get3A_240 = arith.constant 48 : index
        %get3A_241 = tpu.vector_load %arg7[%get3A_240] {strides = array<i32>} : memref<80xi32, #tpu.memory_space<vmem>>, vector<16xi32>,
        %swap3A_242 = arith.constant 48 : index
        %swap3A_243 = tpu.vector_load %arg15[%swap3A_242] {strides = array<i32>} : memref<80xi32, #tpu.memory_space<vmem>>, vector<16xi32>,
        tpu.vector_store %arg15[%swap3A_242], %get3A_241 {strides = array<i32>} : memref<80xi32, #tpu.memory_space<vmem>>, vector<16xi32>,
        %get3A_244 = arith.constant 64 : index
        %get3A_245 = tpu.vector_load %arg7[%get3A_244] {strides = array<i32>} : memref<80xi32, #tpu.memory_space<vmem>>, vector<16xi32>,
        %swap3A_246 = arith.constant 64 : index
        %swap3A_247 = tpu.vector_load %arg15[%swap3A_246] {strides = array<i32>} : memref<80xi32, #tpu.memory_space<vmem>>, vector<16xi32>,
        tpu.vector_store %arg15[%swap3A_246], %get3A_245 {strides = array<i32>} : memref<80xi32, #tpu.memory_space<vmem>>, vector<16xi32>,
        %iota3A = tpu.iota {dimensions = array<i32: 0>} : vector<16xi32>
        %mul3A_248 = arith.constant 17 : i32
        %mul3A_249 = vector.broadcast %mul3A_248 : i32 to vector<16xi32>
        %mul3A_250 = arith.muli %iota3A, %mul3A_249 : vector<16xi32>
        %scan3A_251 = arith.constant 0 : i32
        %scan3A_252 = arith.constant 0 : i32
        %scan3A_253 = arith.constant 5 : i32
        %scan3A_254 = arith.addi %scan3A_252, %scan3A_253 : i32
        %scan3A_255 = arith.constant 1 : i32
        scf.for %scan3A_345 = %scan3A_252 to %scan3A_254 step %scan3A_255  : i32 {
          %mul3A_346 = arith.constant 272 : i32
          %mul3A_347 = arith.muli %scan3A_345, %mul3A_346 : i32
          %add3A_348 = vector.broadcast %mul3A_347 : i32 to vector<16xi32>
          %add3A_349 = arith.addi %iota3A, %add3A_348 : vector<16xi32>
          %mul3A_350 = arith.constant 16 : i32
          %mul3A_351 = arith.muli %scan3A_345, %mul3A_350 : i32
          %add3A_352 = arith.constant 0 : i32
          %add3A_353 = arith.addi %mul3A_351, %add3A_352 : i32
          %get3A_354 = arith.index_cast %add3A_353 : i32 to index
          %get3A_355 = arith.constant 0 : index
          %get3A_356 = tpu.vector_load %arg17[%get3A_354, %get3A_355] {strides = array<i32>} : memref<80x64xf32, #tpu.memory_space<vmem>>, vector<16xf32>,
          %get3A_357 = arith.index_cast %add3A_353 : i32 to index
          %get3A_358 = arith.constant 0 : index
          %get3A_359 = tpu.vector_load %arg19[%get3A_357, %get3A_358] {strides = array<i32>} : memref<80x128xf32, #tpu.memory_space<vmem>>, vector<16xf32>,
          %mul3A_360 = arith.mulf %get3A_356, %get3A_359 : vector<16xf32>
          %get3A_361 = arith.index_cast %add3A_353 : i32 to index
          %get3A_362 = arith.constant 16 : index
          %get3A_363 = tpu.vector_load %arg17[%get3A_361, %get3A_362] {strides = array<i32>} : memref<80x64xf32, #tpu.memory_space<vmem>>, vector<16xf32>,
          %get3A_364 = arith.index_cast %add3A_353 : i32 to index
          %get3A_365 = arith.constant 16 : index
          %get3A_366 = tpu.vector_load %arg19[%get3A_364, %get3A_365] {strides = array<i32>} : memref<80x128xf32, #tpu.memory_space<vmem>>, vector<16xf32>,
          %mul3A_367 = arith.mulf %get3A_363, %get3A_366 : vector<16xf32>
          %add3A_368 = arith.addf %mul3A_360, %mul3A_367 : vector<16xf32>
          %get3A_369 = arith.index_cast %add3A_353 : i32 to index
          %get3A_370 = arith.constant 32 : index
          %get3A_371 = tpu.vector_load %arg17[%get3A_369, %get3A_370] {strides = array<i32>} : memref<80x64xf32, #tpu.memory_space<vmem>>, vector<16xf32>,
          %get3A_372 = arith.index_cast %add3A_353 : i32 to index
          %get3A_373 = arith.constant 32 : index
          %get3A_374 = tpu.vector_load %arg19[%get3A_372, %get3A_373] {strides = array<i32>} : memref<80x128xf32, #tpu.memory_space<vmem>>, vector<16xf32>,
          %mul3A_375 = arith.mulf %get3A_371, %get3A_374 : vector<16xf32>
          %add3A_376 = arith.addf %add3A_368, %mul3A_375 : vector<16xf32>
          %get3A_377 = arith.index_cast %add3A_353 : i32 to index
          %get3A_378 = arith.constant 48 : index
          %get3A_379 = tpu.vector_load %arg17[%get3A_377, %get3A_378] {strides = array<i32>} : memref<80x64xf32, #tpu.memory_space<vmem>>, vector<16xf32>,
          %get3A_380 = arith.index_cast %add3A_353 : i32 to index
          %get3A_381 = arith.constant 48 : index
          %get3A_382 = tpu.vector_load %arg19[%get3A_380, %get3A_381] {strides = array<i32>} : memref<80x128xf32, #tpu.memory_space<vmem>>, vector<16xf32>,
          %mul3A_383 = arith.mulf %get3A_379, %get3A_382 : vector<16xf32>
          %add3A_384 = arith.addf %add3A_376, %mul3A_383 : vector<16xf32>
          %add3A_385 = arith.constant 0 : i32
          %add3A_386 = vector.broadcast %add3A_385 : i32 to vector<16xi32>
          %add3A_387 = arith.addi %add3A_349, %add3A_386 : vector<16xi32>
          tpu.vector_store_idx %arg24[%add3A_387], %add3A_384 : memref<1360xf32, #tpu.memory_space<vmem>>[vector<16xi32>], vector<16xf32>,
          %mul3A_388 = arith.constant 16 : i32
          %mul3A_389 = arith.muli %scan3A_345, %mul3A_388 : i32
          %add3A_390 = arith.constant 1 : i32
          %add3A_391 = arith.addi %mul3A_389, %add3A_390 : i32
          %get3A_392 = arith.index_cast %add3A_391 : i32 to index
          %get3A_393 = arith.constant 0 : index
          %get3A_394 = tpu.vector_load %arg17[%get3A_392, %get3A_393] {strides = array<i32>} : memref<80x64xf32, #tpu.memory_space<vmem>>, vector<16xf32>,
          %get3A_395 = arith.index_cast %add3A_391 : i32 to index
          %get3A_396 = arith.constant 0 : index
          %get3A_397 = tpu.vector_load %arg19[%get3A_395, %get3A_396] {strides = array<i32>} : memref<80x128xf32, #tpu.memory_space<vmem>>, vector<16xf32>,
          %mul3A_398 = arith.mulf %get3A_394, %get3A_397 : vector<16xf32>
          %get3A_399 = arith.index_cast %add3A_391 : i32 to index
          %get3A_400 = arith.constant 16 : index
          %get3A_401 = tpu.vector_load %arg17[%get3A_399, %get3A_400] {strides = array<i32>} : memref<80x64xf32, #tpu.memory_space<vmem>>, vector<16xf32>,
          %get3A_402 = arith.index_cast %add3A_391 : i32 to index
          %get3A_403 = arith.constant 16 : index
          %get3A_404 = tpu.vector_load %arg19[%get3A_402, %get3A_403] {strides = array<i32>} : memref<80x128xf32, #tpu.memory_space<vmem>>, vector<16xf32>,
          %mul3A_405 = arith.mulf %get3A_401, %get3A_404 : vector<16xf32>
          %add3A_406 = arith.addf %mul3A_398, %mul3A_405 : vector<16xf32>
          %get3A_407 = arith.index_cast %add3A_391 : i32 to index
          %get3A_408 = arith.constant 32 : index
          %get3A_409 = tpu.vector_load %arg17[%get3A_407, %get3A_408] {strides = array<i32>} : memref<80x64xf32, #tpu.memory_space<vmem>>, vector<16xf32>,
          %get3A_410 = arith.index_cast %add3A_391 : i32 to index
          %get3A_411 = arith.constant 32 : index
          %get3A_412 = tpu.vector_load %arg19[%get3A_410, %get3A_411] {strides = array<i32>} : memref<80x128xf32, #tpu.memory_space<vmem>>, vector<16xf32>,
          %mul3A_413 = arith.mulf %get3A_409, %get3A_412 : vector<16xf32>
          %add3A_414 = arith.addf %add3A_406, %mul3A_413 : vector<16xf32>
          %get3A_415 = arith.index_cast %add3A_391 : i32 to index
          %get3A_416 = arith.constant 48 : index
          %get3A_417 = tpu.vector_load %arg17[%get3A_415, %get3A_416] {strides = array<i32>} : memref<80x64xf32, #tpu.memory_space<vmem>>, vector<16xf32>,
          %get3A_418 = arith.index_cast %add3A_391 : i32 to index
          %get3A_419 = arith.constant 48 : index
          %get3A_420 = tpu.vector_load %arg19[%get3A_418, %get3A_419] {strides = array<i32>} : memref<80x128xf32, #tpu.memory_space<vmem>>, vector<16xf32>,
          %mul3A_421 = arith.mulf %get3A_417, %get3A_420 : vector<16xf32>
          %add3A_422 = arith.addf %add3A_414, %mul3A_421 : vector<16xf32>
          %add3A_423 = arith.constant 17 : i32
          %add3A_424 = vector.broadcast %add3A_423 : i32 to vector<16xi32>
          %add3A_425 = arith.addi %add3A_349, %add3A_424 : vector<16xi32>
          tpu.vector_store_idx %arg24[%add3A_425], %add3A_422 : memref<1360xf32, #tpu.memory_space<vmem>>[vector<16xi32>], vector<16xf32>,
          %mul3A_426 = arith.constant 16 : i32
          %mul3A_427 = arith.muli %scan3A_345, %mul3A_426 : i32
          %add3A_428 = arith.constant 2 : i32
          %add3A_429 = arith.addi %mul3A_427, %add3A_428 : i32
          %get3A_430 = arith.index_cast %add3A_429 : i32 to index
          %get3A_431 = arith.constant 0 : index
          %get3A_432 = tpu.vector_load %arg17[%get3A_430, %get3A_431] {strides = array<i32>} : memref<80x64xf32, #tpu.memory_space<vmem>>, vector<16xf32>,
          %get3A_433 = arith.index_cast %add3A_429 : i32 to index
          %get3A_434 = arith.constant 0 : index
          %get3A_435 = tpu.vector_load %arg19[%get3A_433, %get3A_434] {strides = array<i32>} : memref<80x128xf32, #tpu.memory_space<vmem>>, vector<16xf32>,
          %mul3A_436 = arith.mulf %get3A_432, %get3A_435 : vector<16xf32>
          %get3A_437 = arith.index_cast %add3A_429 : i32 to index
          %get3A_438 = arith.constant 16 : index
          %get3A_439 = tpu.vector_load %arg17[%get3A_437, %get3A_438] {strides = array<i32>} : memref<80x64xf32, #tpu.memory_space<vmem>>, vector<16xf32>,
          %get3A_440 = arith.index_cast %add3A_429 : i32 to index
          %get3A_441 = arith.constant 16 : index
          %get3A_442 = tpu.vector_load %arg19[%get3A_440, %get3A_441] {strides = array<i32>} : memref<80x128xf32, #tpu.memory_space<vmem>>, vector<16xf32>,
          %mul3A_443 = arith.mulf %get3A_439, %get3A_442 : vector<16xf32>
          %add3A_444 = arith.addf %mul3A_436, %mul3A_443 : vector<16xf32>
          %get3A_445 = arith.index_cast %add3A_429 : i32 to index
          %get3A_446 = arith.constant 32 : index
          %get3A_447 = tpu.vector_load %arg17[%get3A_445, %get3A_446] {strides = array<i32>} : memref<80x64xf32, #tpu.memory_space<vmem>>, vector<16xf32>,
          %get3A_448 = arith.index_cast %add3A_429 : i32 to index
          %get3A_449 = arith.constant 32 : index
          %get3A_450 = tpu.vector_load %arg19[%get3A_448, %get3A_449] {strides = array<i32>} : memref<80x128xf32, #tpu.memory_space<vmem>>, vector<16xf32>,
          %mul3A_451 = arith.mulf %get3A_447, %get3A_450 : vector<16xf32>
          %add3A_452 = arith.addf %add3A_444, %mul3A_451 : vector<16xf32>
          %get3A_453 = arith.index_cast %add3A_429 : i32 to index
          %get3A_454 = arith.constant 48 : index
          %get3A_455 = tpu.vector_load %arg17[%get3A_453, %get3A_454] {strides = array<i32>} : memref<80x64xf32, #tpu.memory_space<vmem>>, vector<16xf32>,
          %get3A_456 = arith.index_cast %add3A_429 : i32 to index
          %get3A_457 = arith.constant 48 : index
          %get3A_458 = tpu.vector_load %arg19[%get3A_456, %get3A_457] {strides = array<i32>} : memref<80x128xf32, #tpu.memory_space<vmem>>, vector<16xf32>,
          %mul3A_459 = arith.mulf %get3A_455, %get3A_458 : vector<16xf32>
          %add3A_460 = arith.addf %add3A_452, %mul3A_459 : vector<16xf32>
          %add3A_461 = arith.constant 34 : i32
          %add3A_462 = vector.broadcast %add3A_461 : i32 to vector<16xi32>
          %add3A_463 = arith.addi %add3A_349, %add3A_462 : vector<16xi32>
          tpu.vector_store_idx %arg24[%add3A_463], %add3A_460 : memref<1360xf32, #tpu.memory_space<vmem>>[vector<16xi32>], vector<16xf32>,
          %mul3A_464 = arith.constant 16 : i32
          %mul3A_465 = arith.muli %scan3A_345, %mul3A_464 : i32
          %add3A_466 = arith.constant 3 : i32
          %add3A_467 = arith.addi %mul3A_465, %add3A_466 : i32
          %get3A_468 = arith.index_cast %add3A_467 : i32 to index
          %get3A_469 = arith.constant 0 : index
          %get3A_470 = tpu.vector_load %arg17[%get3A_468, %get3A_469] {strides = array<i32>} : memref<80x64xf32, #tpu.memory_space<vmem>>, vector<16xf32>,
          %get3A_471 = arith.index_cast %add3A_467 : i32 to index
          %get3A_472 = arith.constant 0 : index
          %get3A_473 = tpu.vector_load %arg19[%get3A_471, %get3A_472] {strides = array<i32>} : memref<80x128xf32, #tpu.memory_space<vmem>>, vector<16xf32>,
          %mul3A_474 = arith.mulf %get3A_470, %get3A_473 : vector<16xf32>
          %get3A_475 = arith.index_cast %add3A_467 : i32 to index
          %get3A_476 = arith.constant 16 : index
          %get3A_477 = tpu.vector_load %arg17[%get3A_475, %get3A_476] {strides = array<i32>} : memref<80x64xf32, #tpu.memory_space<vmem>>, vector<16xf32>,
          %get3A_478 = arith.index_cast %add3A_467 : i32 to index
          %get3A_479 = arith.constant 16 : index
          %get3A_480 = tpu.vector_load %arg19[%get3A_478, %get3A_479] {strides = array<i32>} : memref<80x128xf32, #tpu.memory_space<vmem>>, vector<16xf32>,
          %mul3A_481 = arith.mulf %get3A_477, %get3A_480 : vector<16xf32>
          %add3A_482 = arith.addf %mul3A_474, %mul3A_481 : vector<16xf32>
          %get3A_483 = arith.index_cast %add3A_467 : i32 to index
          %get3A_484 = arith.constant 32 : index
          %get3A_485 = tpu.vector_load %arg17[%get3A_483, %get3A_484] {strides = array<i32>} : memref<80x64xf32, #tpu.memory_space<vmem>>, vector<16xf32>,
          %get3A_486 = arith.index_cast %add3A_467 : i32 to index
          %get3A_487 = arith.constant 32 : index
          %get3A_488 = tpu.vector_load %arg19[%get3A_486, %get3A_487] {strides = array<i32>} : memref<80x128xf32, #tpu.memory_space<vmem>>, vector<16xf32>,
          %mul3A_489 = arith.mulf %get3A_485, %get3A_488 : vector<16xf32>
          %add3A_490 = arith.addf %add3A_482, %mul3A_489 : vector<16xf32>
          %get3A_491 = arith.index_cast %add3A_467 : i32 to index
          %get3A_492 = arith.constant 48 : index
          %get3A_493 = tpu.vector_load %arg17[%get3A_491, %get3A_492] {strides = array<i32>} : memref<80x64xf32, #tpu.memory_space<vmem>>, vector<16xf32>,
          %get3A_494 = arith.index_cast %add3A_467 : i32 to index
          %get3A_495 = arith.constant 48 : index
          %get3A_496 = tpu.vector_load %arg19[%get3A_494, %get3A_495] {strides = array<i32>} : memref<80x128xf32, #tpu.memory_space<vmem>>, vector<16xf32>,
          %mul3A_497 = arith.mulf %get3A_493, %get3A_496 : vector<16xf32>
          %add3A_498 = arith.addf %add3A_490, %mul3A_497 : vector<16xf32>
          %add3A_499 = arith.constant 51 : i32
          %add3A_500 = vector.broadcast %add3A_499 : i32 to vector<16xi32>
          %add3A_501 = arith.addi %add3A_349, %add3A_500 : vector<16xi32>
          tpu.vector_store_idx %arg24[%add3A_501], %add3A_498 : memref<1360xf32, #tpu.memory_space<vmem>>[vector<16xi32>], vector<16xf32>,
          %mul3A_502 = arith.constant 16 : i32
          %mul3A_503 = arith.muli %scan3A_345, %mul3A_502 : i32
          %add3A_504 = arith.constant 4 : i32
          %add3A_505 = arith.addi %mul3A_503, %add3A_504 : i32
          %get3A_506 = arith.index_cast %add3A_505 : i32 to index
          %get3A_507 = arith.constant 0 : index
          %get3A_508 = tpu.vector_load %arg17[%get3A_506, %get3A_507] {strides = array<i32>} : memref<80x64xf32, #tpu.memory_space<vmem>>, vector<16xf32>,
          %get3A_509 = arith.index_cast %add3A_505 : i32 to index
          %get3A_510 = arith.constant 0 : index
          %get3A_511 = tpu.vector_load %arg19[%get3A_509, %get3A_510] {strides = array<i32>} : memref<80x128xf32, #tpu.memory_space<vmem>>, vector<16xf32>,
          %mul3A_512 = arith.mulf %get3A_508, %get3A_511 : vector<16xf32>
          %get3A_513 = arith.index_cast %add3A_505 : i32 to index
          %get3A_514 = arith.constant 16 : index
          %get3A_515 = tpu.vector_load %arg17[%get3A_513, %get3A_514] {strides = array<i32>} : memref<80x64xf32, #tpu.memory_space<vmem>>, vector<16xf32>,
          %get3A_516 = arith.index_cast %add3A_505 : i32 to index
          %get3A_517 = arith.constant 16 : index
          %get3A_518 = tpu.vector_load %arg19[%get3A_516, %get3A_517] {strides = array<i32>} : memref<80x128xf32, #tpu.memory_space<vmem>>, vector<16xf32>,
          %mul3A_519 = arith.mulf %get3A_515, %get3A_518 : vector<16xf32>
          %add3A_520 = arith.addf %mul3A_512, %mul3A_519 : vector<16xf32>
          %get3A_521 = arith.index_cast %add3A_505 : i32 to index
          %get3A_522 = arith.constant 32 : index
          %get3A_523 = tpu.vector_load %arg17[%get3A_521, %get3A_522] {strides = array<i32>} : memref<80x64xf32, #tpu.memory_space<vmem>>, vector<16xf32>,
          %get3A_524 = arith.index_cast %add3A_505 : i32 to index
          %get3A_525 = arith.constant 32 : index
          %get3A_526 = tpu.vector_load %arg19[%get3A_524, %get3A_525] {strides = array<i32>} : memref<80x128xf32, #tpu.memory_space<vmem>>, vector<16xf32>,
          %mul3A_527 = arith.mulf %get3A_523, %get3A_526 : vector<16xf32>
          %add3A_528 = arith.addf %add3A_520, %mul3A_527 : vector<16xf32>
          %get3A_529 = arith.index_cast %add3A_505 : i32 to index
          %get3A_530 = arith.constant 48 : index
          %get3A_531 = tpu.vector_load %arg17[%get3A_529, %get3A_530] {strides = array<i32>} : memref<80x64xf32, #tpu.memory_space<vmem>>, vector<16xf32>,
          %get3A_532 = arith.index_cast %add3A_505 : i32 to index
          %get3A_533 = arith.constant 48 : index
          %get3A_534 = tpu.vector_load %arg19[%get3A_532, %get3A_533] {strides = array<i32>} : memref<80x128xf32, #tpu.memory_space<vmem>>, vector<16xf32>,
          %mul3A_535 = arith.mulf %get3A_531, %get3A_534 : vector<16xf32>
          %add3A_536 = arith.addf %add3A_528, %mul3A_535 : vector<16xf32>
          %add3A_537 = arith.constant 68 : i32
          %add3A_538 = vector.broadcast %add3A_537 : i32 to vector<16xi32>
          %add3A_539 = arith.addi %add3A_349, %add3A_538 : vector<16xi32>
          tpu.vector_store_idx %arg24[%add3A_539], %add3A_536 : memref<1360xf32, #tpu.memory_space<vmem>>[vector<16xi32>], vector<16xf32>,
          %mul3A_540 = arith.constant 16 : i32
          %mul3A_541 = arith.muli %scan3A_345, %mul3A_540 : i32
          %add3A_542 = arith.constant 5 : i32
          %add3A_543 = arith.addi %mul3A_541, %add3A_542 : i32
          %get3A_544 = arith.index_cast %add3A_543 : i32 to index
          %get3A_545 = arith.constant 0 : index
          %get3A_546 = tpu.vector_load %arg17[%get3A_544, %get3A_545] {strides = array<i32>} : memref<80x64xf32, #tpu.memory_space<vmem>>, vector<16xf32>,
          %get3A_547 = arith.index_cast %add3A_543 : i32 to index
          %get3A_548 = arith.constant 0 : index
          %get3A_549 = tpu.vector_load %arg19[%get3A_547, %get3A_548] {strides = array<i32>} : memref<80x128xf32, #tpu.memory_space<vmem>>, vector<16xf32>,
          %mul3A_550 = arith.mulf %get3A_546, %get3A_549 : vector<16xf32>
          %get3A_551 = arith.index_cast %add3A_543 : i32 to index
          %get3A_552 = arith.constant 16 : index
          %get3A_553 = tpu.vector_load %arg17[%get3A_551, %get3A_552] {strides = array<i32>} : memref<80x64xf32, #tpu.memory_space<vmem>>, vector<16xf32>,
          %get3A_554 = arith.index_cast %add3A_543 : i32 to index
          %get3A_555 = arith.constant 16 : index
          %get3A_556 = tpu.vector_load %arg19[%get3A_554, %get3A_555] {strides = array<i32>} : memref<80x128xf32, #tpu.memory_space<vmem>>, vector<16xf32>,
          %mul3A_557 = arith.mulf %get3A_553, %get3A_556 : vector<16xf32>
          %add3A_558 = arith.addf %mul3A_550, %mul3A_557 : vector<16xf32>
          %get3A_559 = arith.index_cast %add3A_543 : i32 to index
          %get3A_560 = arith.constant 32 : index
          %get3A_561 = tpu.vector_load %arg17[%get3A_559, %get3A_560] {strides = array<i32>} : memref<80x64xf32, #tpu.memory_space<vmem>>, vector<16xf32>,
          %get3A_562 = arith.index_cast %add3A_543 : i32 to index
          %get3A_563 = arith.constant 32 : index
          %get3A_564 = tpu.vector_load %arg19[%get3A_562, %get3A_563] {strides = array<i32>} : memref<80x128xf32, #tpu.memory_space<vmem>>, vector<16xf32>,
          %mul3A_565 = arith.mulf %get3A_561, %get3A_564 : vector<16xf32>
          %add3A_566 = arith.addf %add3A_558, %mul3A_565 : vector<16xf32>
          %get3A_567 = arith.index_cast %add3A_543 : i32 to index
          %get3A_568 = arith.constant 48 : index
          %get3A_569 = tpu.vector_load %arg17[%get3A_567, %get3A_568] {strides = array<i32>} : memref<80x64xf32, #tpu.memory_space<vmem>>, vector<16xf32>,
          %get3A_570 = arith.index_cast %add3A_543 : i32 to index
          %get3A_571 = arith.constant 48 : index
          %get3A_572 = tpu.vector_load %arg19[%get3A_570, %get3A_571] {strides = array<i32>} : memref<80x128xf32, #tpu.memory_space<vmem>>, vector<16xf32>,
          %mul3A_573 = arith.mulf %get3A_569, %get3A_572 : vector<16xf32>
          %add3A_574 = arith.addf %add3A_566, %mul3A_573 : vector<16xf32>
          %add3A_575 = arith.constant 85 : i32
          %add3A_576 = vector.broadcast %add3A_575 : i32 to vector<16xi32>
          %add3A_577 = arith.addi %add3A_349, %add3A_576 : vector<16xi32>
          tpu.vector_store_idx %arg24[%add3A_577], %add3A_574 : memref<1360xf32, #tpu.memory_space<vmem>>[vector<16xi32>], vector<16xf32>,
          %mul3A_578 = arith.constant 16 : i32
          %mul3A_579 = arith.muli %scan3A_345, %mul3A_578 : i32
          %add3A_580 = arith.constant 6 : i32
          %add3A_581 = arith.addi %mul3A_579, %add3A_580 : i32
          %get3A_582 = arith.index_cast %add3A_581 : i32 to index
          %get3A_583 = arith.constant 0 : index
          %get3A_584 = tpu.vector_load %arg17[%get3A_582, %get3A_583] {strides = array<i32>} : memref<80x64xf32, #tpu.memory_space<vmem>>, vector<16xf32>,
          %get3A_585 = arith.index_cast %add3A_581 : i32 to index
          %get3A_586 = arith.constant 0 : index
          %get3A_587 = tpu.vector_load %arg19[%get3A_585, %get3A_586] {strides = array<i32>} : memref<80x128xf32, #tpu.memory_space<vmem>>, vector<16xf32>,
          %mul3A_588 = arith.mulf %get3A_584, %get3A_587 : vector<16xf32>
          %get3A_589 = arith.index_cast %add3A_581 : i32 to index
          %get3A_590 = arith.constant 16 : index
          %get3A_591 = tpu.vector_load %arg17[%get3A_589, %get3A_590] {strides = array<i32>} : memref<80x64xf32, #tpu.memory_space<vmem>>, vector<16xf32>,
          %get3A_592 = arith.index_cast %add3A_581 : i32 to index
          %get3A_593 = arith.constant 16 : index
          %get3A_594 = tpu.vector_load %arg19[%get3A_592, %get3A_593] {strides = array<i32>} : memref<80x128xf32, #tpu.memory_space<vmem>>, vector<16xf32>,
          %mul3A_595 = arith.mulf %get3A_591, %get3A_594 : vector<16xf32>
          %add3A_596 = arith.addf %mul3A_588, %mul3A_595 : vector<16xf32>
          %get3A_597 = arith.index_cast %add3A_581 : i32 to index
          %get3A_598 = arith.constant 32 : index
          %get3A_599 = tpu.vector_load %arg17[%get3A_597, %get3A_598] {strides = array<i32>} : memref<80x64xf32, #tpu.memory_space<vmem>>, vector<16xf32>,
          %get3A_600 = arith.index_cast %add3A_581 : i32 to index
          %get3A_601 = arith.constant 32 : index
          %get3A_602 = tpu.vector_load %arg19[%get3A_600, %get3A_601] {strides = array<i32>} : memref<80x128xf32, #tpu.memory_space<vmem>>, vector<16xf32>,
          %mul3A_603 = arith.mulf %get3A_599, %get3A_602 : vector<16xf32>
          %add3A_604 = arith.addf %add3A_596, %mul3A_603 : vector<16xf32>
          %get3A_605 = arith.index_cast %add3A_581 : i32 to index
          %get3A_606 = arith.constant 48 : index
          %get3A_607 = tpu.vector_load %arg17[%get3A_605, %get3A_606] {strides = array<i32>} : memref<80x64xf32, #tpu.memory_space<vmem>>, vector<16xf32>,
          %get3A_608 = arith.index_cast %add3A_581 : i32 to index
          %get3A_609 = arith.constant 48 : index
          %get3A_610 = tpu.vector_load %arg19[%get3A_608, %get3A_609] {strides = array<i32>} : memref<80x128xf32, #tpu.memory_space<vmem>>, vector<16xf32>,
          %mul3A_611 = arith.mulf %get3A_607, %get3A_610 : vector<16xf32>
          %add3A_612 = arith.addf %add3A_604, %mul3A_611 : vector<16xf32>
          %add3A_613 = arith.constant 102 : i32
          %add3A_614 = vector.broadcast %add3A_613 : i32 to vector<16xi32>
          %add3A_615 = arith.addi %add3A_349, %add3A_614 : vector<16xi32>
          tpu.vector_store_idx %arg24[%add3A_615], %add3A_612 : memref<1360xf32, #tpu.memory_space<vmem>>[vector<16xi32>], vector<16xf32>,
          %mul3A_616 = arith.constant 16 : i32
          %mul3A_617 = arith.muli %scan3A_345, %mul3A_616 : i32
          %add3A_618 = arith.constant 7 : i32
          %add3A_619 = arith.addi %mul3A_617, %add3A_618 : i32
          %get3A_620 = arith.index_cast %add3A_619 : i32 to index
          %get3A_621 = arith.constant 0 : index
          %get3A_622 = tpu.vector_load %arg17[%get3A_620, %get3A_621] {strides = array<i32>} : memref<80x64xf32, #tpu.memory_space<vmem>>, vector<16xf32>,
          %get3A_623 = arith.index_cast %add3A_619 : i32 to index
          %get3A_624 = arith.constant 0 : index
          %get3A_625 = tpu.vector_load %arg19[%get3A_623, %get3A_624] {strides = array<i32>} : memref<80x128xf32, #tpu.memory_space<vmem>>, vector<16xf32>,
          %mul3A_626 = arith.mulf %get3A_622, %get3A_625 : vector<16xf32>
          %get3A_627 = arith.index_cast %add3A_619 : i32 to index
          %get3A_628 = arith.constant 16 : index
          %get3A_629 = tpu.vector_load %arg17[%get3A_627, %get3A_628] {strides = array<i32>} : memref<80x64xf32, #tpu.memory_space<vmem>>, vector<16xf32>,
          %get3A_630 = arith.index_cast %add3A_619 : i32 to index
          %get3A_631 = arith.constant 16 : index
          %get3A_632 = tpu.vector_load %arg19[%get3A_630, %get3A_631] {strides = array<i32>} : memref<80x128xf32, #tpu.memory_space<vmem>>, vector<16xf32>,
          %mul3A_633 = arith.mulf %get3A_629, %get3A_632 : vector<16xf32>
          %add3A_634 = arith.addf %mul3A_626, %mul3A_633 : vector<16xf32>
          %get3A_635 = arith.index_cast %add3A_619 : i32 to index
          %get3A_636 = arith.constant 32 : index
          %get3A_637 = tpu.vector_load %arg17[%get3A_635, %get3A_636] {strides = array<i32>} : memref<80x64xf32, #tpu.memory_space<vmem>>, vector<16xf32>,
          %get3A_638 = arith.index_cast %add3A_619 : i32 to index
          %get3A_639 = arith.constant 32 : index
          %get3A_640 = tpu.vector_load %arg19[%get3A_638, %get3A_639] {strides = array<i32>} : memref<80x128xf32, #tpu.memory_space<vmem>>, vector<16xf32>,
          %mul3A_641 = arith.mulf %get3A_637, %get3A_640 : vector<16xf32>
          %add3A_642 = arith.addf %add3A_634, %mul3A_641 : vector<16xf32>
          %get3A_643 = arith.index_cast %add3A_619 : i32 to index
          %get3A_644 = arith.constant 48 : index
          %get3A_645 = tpu.vector_load %arg17[%get3A_643, %get3A_644] {strides = array<i32>} : memref<80x64xf32, #tpu.memory_space<vmem>>, vector<16xf32>,
          %get3A_646 = arith.index_cast %add3A_619 : i32 to index
          %get3A_647 = arith.constant 48 : index
          %get3A_648 = tpu.vector_load %arg19[%get3A_646, %get3A_647] {strides = array<i32>} : memref<80x128xf32, #tpu.memory_space<vmem>>, vector<16xf32>,
          %mul3A_649 = arith.mulf %get3A_645, %get3A_648 : vector<16xf32>
          %add3A_650 = arith.addf %add3A_642, %mul3A_649 : vector<16xf32>
          %add3A_651 = arith.constant 119 : i32
          %add3A_652 = vector.broadcast %add3A_651 : i32 to vector<16xi32>
          %add3A_653 = arith.addi %add3A_349, %add3A_652 : vector<16xi32>
          tpu.vector_store_idx %arg24[%add3A_653], %add3A_650 : memref<1360xf32, #tpu.memory_space<vmem>>[vector<16xi32>], vector<16xf32>,
          %mul3A_654 = arith.constant 16 : i32
          %mul3A_655 = arith.muli %scan3A_345, %mul3A_654 : i32
          %add3A_656 = arith.constant 8 : i32
          %add3A_657 = arith.addi %mul3A_655, %add3A_656 : i32
          %get3A_658 = arith.index_cast %add3A_657 : i32 to index
          %get3A_659 = arith.constant 0 : index
          %get3A_660 = tpu.vector_load %arg17[%get3A_658, %get3A_659] {strides = array<i32>} : memref<80x64xf32, #tpu.memory_space<vmem>>, vector<16xf32>,
          %get3A_661 = arith.index_cast %add3A_657 : i32 to index
          %get3A_662 = arith.constant 0 : index
          %get3A_663 = tpu.vector_load %arg19[%get3A_661, %get3A_662] {strides = array<i32>} : memref<80x128xf32, #tpu.memory_space<vmem>>, vector<16xf32>,
          %mul3A_664 = arith.mulf %get3A_660, %get3A_663 : vector<16xf32>
          %get3A_665 = arith.index_cast %add3A_657 : i32 to index
          %get3A_666 = arith.constant 16 : index
          %get3A_667 = tpu.vector_load %arg17[%get3A_665, %get3A_666] {strides = array<i32>} : memref<80x64xf32, #tpu.memory_space<vmem>>, vector<16xf32>,
          %get3A_668 = arith.index_cast %add3A_657 : i32 to index
          %get3A_669 = arith.constant 16 : index
          %get3A_670 = tpu.vector_load %arg19[%get3A_668, %get3A_669] {strides = array<i32>} : memref<80x128xf32, #tpu.memory_space<vmem>>, vector<16xf32>,
          %mul3A_671 = arith.mulf %get3A_667, %get3A_670 : vector<16xf32>
          %add3A_672 = arith.addf %mul3A_664, %mul3A_671 : vector<16xf32>
          %get3A_673 = arith.index_cast %add3A_657 : i32 to index
          %get3A_674 = arith.constant 32 : index
          %get3A_675 = tpu.vector_load %arg17[%get3A_673, %get3A_674] {strides = array<i32>} : memref<80x64xf32, #tpu.memory_space<vmem>>, vector<16xf32>,
          %get3A_676 = arith.index_cast %add3A_657 : i32 to index
          %get3A_677 = arith.constant 32 : index
          %get3A_678 = tpu.vector_load %arg19[%get3A_676, %get3A_677] {strides = array<i32>} : memref<80x128xf32, #tpu.memory_space<vmem>>, vector<16xf32>,
          %mul3A_679 = arith.mulf %get3A_675, %get3A_678 : vector<16xf32>
          %add3A_680 = arith.addf %add3A_672, %mul3A_679 : vector<16xf32>
          %get3A_681 = arith.index_cast %add3A_657 : i32 to index
          %get3A_682 = arith.constant 48 : index
          %get3A_683 = tpu.vector_load %arg17[%get3A_681, %get3A_682] {strides = array<i32>} : memref<80x64xf32, #tpu.memory_space<vmem>>, vector<16xf32>,
          %get3A_684 = arith.index_cast %add3A_657 : i32 to index
          %get3A_685 = arith.constant 48 : index
          %get3A_686 = tpu.vector_load %arg19[%get3A_684, %get3A_685] {strides = array<i32>} : memref<80x128xf32, #tpu.memory_space<vmem>>, vector<16xf32>,
          %mul3A_687 = arith.mulf %get3A_683, %get3A_686 : vector<16xf32>
          %add3A_688 = arith.addf %add3A_680, %mul3A_687 : vector<16xf32>
          %add3A_689 = arith.constant 136 : i32
          %add3A_690 = vector.broadcast %add3A_689 : i32 to vector<16xi32>
          %add3A_691 = arith.addi %add3A_349, %add3A_690 : vector<16xi32>
          tpu.vector_store_idx %arg24[%add3A_691], %add3A_688 : memref<1360xf32, #tpu.memory_space<vmem>>[vector<16xi32>], vector<16xf32>,
          %mul3A_692 = arith.constant 16 : i32
          %mul3A_693 = arith.muli %scan3A_345, %mul3A_692 : i32
          %add3A_694 = arith.constant 9 : i32
          %add3A_695 = arith.addi %mul3A_693, %add3A_694 : i32
          %get3A_696 = arith.index_cast %add3A_695 : i32 to index
          %get3A_697 = arith.constant 0 : index
          %get3A_698 = tpu.vector_load %arg17[%get3A_696, %get3A_697] {strides = array<i32>} : memref<80x64xf32, #tpu.memory_space<vmem>>, vector<16xf32>,
          %get3A_699 = arith.index_cast %add3A_695 : i32 to index
          %get3A_700 = arith.constant 0 : index
          %get3A_701 = tpu.vector_load %arg19[%get3A_699, %get3A_700] {strides = array<i32>} : memref<80x128xf32, #tpu.memory_space<vmem>>, vector<16xf32>,
          %mul3A_702 = arith.mulf %get3A_698, %get3A_701 : vector<16xf32>
          %get3A_703 = arith.index_cast %add3A_695 : i32 to index
          %get3A_704 = arith.constant 16 : index
          %get3A_705 = tpu.vector_load %arg17[%get3A_703, %get3A_704] {strides = array<i32>} : memref<80x64xf32, #tpu.memory_space<vmem>>, vector<16xf32>,
          %get3A_706 = arith.index_cast %add3A_695 : i32 to index
          %get3A_707 = arith.constant 16 : index
          %get3A_708 = tpu.vector_load %arg19[%get3A_706, %get3A_707] {strides = array<i32>} : memref<80x128xf32, #tpu.memory_space<vmem>>, vector<16xf32>,
          %mul3A_709 = arith.mulf %get3A_705, %get3A_708 : vector<16xf32>
          %add3A_710 = arith.addf %mul3A_702, %mul3A_709 : vector<16xf32>
          %get3A_711 = arith.index_cast %add3A_695 : i32 to index
          %get3A_712 = arith.constant 32 : index
          %get3A_713 = tpu.vector_load %arg17[%get3A_711, %get3A_712] {strides = array<i32>} : memref<80x64xf32, #tpu.memory_space<vmem>>, vector<16xf32>,
          %get3A_714 = arith.index_cast %add3A_695 : i32 to index
          %get3A_715 = arith.constant 32 : index
          %get3A_716 = tpu.vector_load %arg19[%get3A_714, %get3A_715] {strides = array<i32>} : memref<80x128xf32, #tpu.memory_space<vmem>>, vector<16xf32>,
          %mul3A_717 = arith.mulf %get3A_713, %get3A_716 : vector<16xf32>
          %add3A_718 = arith.addf %add3A_710, %mul3A_717 : vector<16xf32>
          %get3A_719 = arith.index_cast %add3A_695 : i32 to index
          %get3A_720 = arith.constant 48 : index
          %get3A_721 = tpu.vector_load %arg17[%get3A_719, %get3A_720] {strides = array<i32>} : memref<80x64xf32, #tpu.memory_space<vmem>>, vector<16xf32>,
          %get3A_722 = arith.index_cast %add3A_695 : i32 to index
          %get3A_723 = arith.constant 48 : index
          %get3A_724 = tpu.vector_load %arg19[%get3A_722, %get3A_723] {strides = array<i32>} : memref<80x128xf32, #tpu.memory_space<vmem>>, vector<16xf32>,
          %mul3A_725 = arith.mulf %get3A_721, %get3A_724 : vector<16xf32>
          %add3A_726 = arith.addf %add3A_718, %mul3A_725 : vector<16xf32>
          %add3A_727 = arith.constant 153 : i32
          %add3A_728 = vector.broadcast %add3A_727 : i32 to vector<16xi32>
          %add3A_729 = arith.addi %add3A_349, %add3A_728 : vector<16xi32>
          tpu.vector_store_idx %arg24[%add3A_729], %add3A_726 : memref<1360xf32, #tpu.memory_space<vmem>>[vector<16xi32>], vector<16xf32>,
          %mul3A_730 = arith.constant 16 : i32
          %mul3A_731 = arith.muli %scan3A_345, %mul3A_730 : i32
          %add3A_732 = arith.constant 10 : i32
          %add3A_733 = arith.addi %mul3A_731, %add3A_732 : i32
          %get3A_734 = arith.index_cast %add3A_733 : i32 to index
          %get3A_735 = arith.constant 0 : index
          %get3A_736 = tpu.vector_load %arg17[%get3A_734, %get3A_735] {strides = array<i32>} : memref<80x64xf32, #tpu.memory_space<vmem>>, vector<16xf32>,
          %get3A_737 = arith.index_cast %add3A_733 : i32 to index
          %get3A_738 = arith.constant 0 : index
          %get3A_739 = tpu.vector_load %arg19[%get3A_737, %get3A_738] {strides = array<i32>} : memref<80x128xf32, #tpu.memory_space<vmem>>, vector<16xf32>,
          %mul3A_740 = arith.mulf %get3A_736, %get3A_739 : vector<16xf32>
          %get3A_741 = arith.index_cast %add3A_733 : i32 to index
          %get3A_742 = arith.constant 16 : index
          %get3A_743 = tpu.vector_load %arg17[%get3A_741, %get3A_742] {strides = array<i32>} : memref<80x64xf32, #tpu.memory_space<vmem>>, vector<16xf32>,
          %get3A_744 = arith.index_cast %add3A_733 : i32 to index
          %get3A_745 = arith.constant 16 : index
          %get3A_746 = tpu.vector_load %arg19[%get3A_744, %get3A_745] {strides = array<i32>} : memref<80x128xf32, #tpu.memory_space<vmem>>, vector<16xf32>,
          %mul3A_747 = arith.mulf %get3A_743, %get3A_746 : vector<16xf32>
          %add3A_748 = arith.addf %mul3A_740, %mul3A_747 : vector<16xf32>
          %get3A_749 = arith.index_cast %add3A_733 : i32 to index
          %get3A_750 = arith.constant 32 : index
          %get3A_751 = tpu.vector_load %arg17[%get3A_749, %get3A_750] {strides = array<i32>} : memref<80x64xf32, #tpu.memory_space<vmem>>, vector<16xf32>,
          %get3A_752 = arith.index_cast %add3A_733 : i32 to index
          %get3A_753 = arith.constant 32 : index
          %get3A_754 = tpu.vector_load %arg19[%get3A_752, %get3A_753] {strides = array<i32>} : memref<80x128xf32, #tpu.memory_space<vmem>>, vector<16xf32>,
          %mul3A_755 = arith.mulf %get3A_751, %get3A_754 : vector<16xf32>
          %add3A_756 = arith.addf %add3A_748, %mul3A_755 : vector<16xf32>
          %get3A_757 = arith.index_cast %add3A_733 : i32 to index
          %get3A_758 = arith.constant 48 : index
          %get3A_759 = tpu.vector_load %arg17[%get3A_757, %get3A_758] {strides = array<i32>} : memref<80x64xf32, #tpu.memory_space<vmem>>, vector<16xf32>,
          %get3A_760 = arith.index_cast %add3A_733 : i32 to index
          %get3A_761 = arith.constant 48 : index
          %get3A_762 = tpu.vector_load %arg19[%get3A_760, %get3A_761] {strides = array<i32>} : memref<80x128xf32, #tpu.memory_space<vmem>>, vector<16xf32>,
          %mul3A_763 = arith.mulf %get3A_759, %get3A_762 : vector<16xf32>
          %add3A_764 = arith.addf %add3A_756, %mul3A_763 : vector<16xf32>
          %add3A_765 = arith.constant 170 : i32
          %add3A_766 = vector.broadcast %add3A_765 : i32 to vector<16xi32>
          %add3A_767 = arith.addi %add3A_349, %add3A_766 : vector<16xi32>
          tpu.vector_store_idx %arg24[%add3A_767], %add3A_764 : memref<1360xf32, #tpu.memory_space<vmem>>[vector<16xi32>], vector<16xf32>,
          %mul3A_768 = arith.constant 16 : i32
          %mul3A_769 = arith.muli %scan3A_345, %mul3A_768 : i32
          %add3A_770 = arith.constant 11 : i32
          %add3A_771 = arith.addi %mul3A_769, %add3A_770 : i32
          %get3A_772 = arith.index_cast %add3A_771 : i32 to index
          %get3A_773 = arith.constant 0 : index
          %get3A_774 = tpu.vector_load %arg17[%get3A_772, %get3A_773] {strides = array<i32>} : memref<80x64xf32, #tpu.memory_space<vmem>>, vector<16xf32>,
          %get3A_775 = arith.index_cast %add3A_771 : i32 to index
          %get3A_776 = arith.constant 0 : index
          %get3A_777 = tpu.vector_load %arg19[%get3A_775, %get3A_776] {strides = array<i32>} : memref<80x128xf32, #tpu.memory_space<vmem>>, vector<16xf32>,
          %mul3A_778 = arith.mulf %get3A_774, %get3A_777 : vector<16xf32>
          %get3A_779 = arith.index_cast %add3A_771 : i32 to index
          %get3A_780 = arith.constant 16 : index
          %get3A_781 = tpu.vector_load %arg17[%get3A_779, %get3A_780] {strides = array<i32>} : memref<80x64xf32, #tpu.memory_space<vmem>>, vector<16xf32>,
          %get3A_782 = arith.index_cast %add3A_771 : i32 to index
          %get3A_783 = arith.constant 16 : index
          %get3A_784 = tpu.vector_load %arg19[%get3A_782, %get3A_783] {strides = array<i32>} : memref<80x128xf32, #tpu.memory_space<vmem>>, vector<16xf32>,
          %mul3A_785 = arith.mulf %get3A_781, %get3A_784 : vector<16xf32>
          %add3A_786 = arith.addf %mul3A_778, %mul3A_785 : vector<16xf32>
          %get3A_787 = arith.index_cast %add3A_771 : i32 to index
          %get3A_788 = arith.constant 32 : index
          %get3A_789 = tpu.vector_load %arg17[%get3A_787, %get3A_788] {strides = array<i32>} : memref<80x64xf32, #tpu.memory_space<vmem>>, vector<16xf32>,
          %get3A_790 = arith.index_cast %add3A_771 : i32 to index
          %get3A_791 = arith.constant 32 : index
          %get3A_792 = tpu.vector_load %arg19[%get3A_790, %get3A_791] {strides = array<i32>} : memref<80x128xf32, #tpu.memory_space<vmem>>, vector<16xf32>,
          %mul3A_793 = arith.mulf %get3A_789, %get3A_792 : vector<16xf32>
          %add3A_794 = arith.addf %add3A_786, %mul3A_793 : vector<16xf32>
          %get3A_795 = arith.index_cast %add3A_771 : i32 to index
          %get3A_796 = arith.constant 48 : index
          %get3A_797 = tpu.vector_load %arg17[%get3A_795, %get3A_796] {strides = array<i32>} : memref<80x64xf32, #tpu.memory_space<vmem>>, vector<16xf32>,
          %get3A_798 = arith.index_cast %add3A_771 : i32 to index
          %get3A_799 = arith.constant 48 : index
          %get3A_800 = tpu.vector_load %arg19[%get3A_798, %get3A_799] {strides = array<i32>} : memref<80x128xf32, #tpu.memory_space<vmem>>, vector<16xf32>,
          %mul3A_801 = arith.mulf %get3A_797, %get3A_800 : vector<16xf32>
          %add3A_802 = arith.addf %add3A_794, %mul3A_801 : vector<16xf32>
          %add3A_803 = arith.constant 187 : i32
          %add3A_804 = vector.broadcast %add3A_803 : i32 to vector<16xi32>
          %add3A_805 = arith.addi %add3A_349, %add3A_804 : vector<16xi32>
          tpu.vector_store_idx %arg24[%add3A_805], %add3A_802 : memref<1360xf32, #tpu.memory_space<vmem>>[vector<16xi32>], vector<16xf32>,
          %mul3A_806 = arith.constant 16 : i32
          %mul3A_807 = arith.muli %scan3A_345, %mul3A_806 : i32
          %add3A_808 = arith.constant 12 : i32
          %add3A_809 = arith.addi %mul3A_807, %add3A_808 : i32
          %get3A_810 = arith.index_cast %add3A_809 : i32 to index
          %get3A_811 = arith.constant 0 : index
          %get3A_812 = tpu.vector_load %arg17[%get3A_810, %get3A_811] {strides = array<i32>} : memref<80x64xf32, #tpu.memory_space<vmem>>, vector<16xf32>,
          %get3A_813 = arith.index_cast %add3A_809 : i32 to index
          %get3A_814 = arith.constant 0 : index
          %get3A_815 = tpu.vector_load %arg19[%get3A_813, %get3A_814] {strides = array<i32>} : memref<80x128xf32, #tpu.memory_space<vmem>>, vector<16xf32>,
          %mul3A_816 = arith.mulf %get3A_812, %get3A_815 : vector<16xf32>
          %get3A_817 = arith.index_cast %add3A_809 : i32 to index
          %get3A_818 = arith.constant 16 : index
          %get3A_819 = tpu.vector_load %arg17[%get3A_817, %get3A_818] {strides = array<i32>} : memref<80x64xf32, #tpu.memory_space<vmem>>, vector<16xf32>,
          %get3A_820 = arith.index_cast %add3A_809 : i32 to index
          %get3A_821 = arith.constant 16 : index
          %get3A_822 = tpu.vector_load %arg19[%get3A_820, %get3A_821] {strides = array<i32>} : memref<80x128xf32, #tpu.memory_space<vmem>>, vector<16xf32>,
          %mul3A_823 = arith.mulf %get3A_819, %get3A_822 : vector<16xf32>
          %add3A_824 = arith.addf %mul3A_816, %mul3A_823 : vector<16xf32>
          %get3A_825 = arith.index_cast %add3A_809 : i32 to index
          %get3A_826 = arith.constant 32 : index
          %get3A_827 = tpu.vector_load %arg17[%get3A_825, %get3A_826] {strides = array<i32>} : memref<80x64xf32, #tpu.memory_space<vmem>>, vector<16xf32>,
          %get3A_828 = arith.index_cast %add3A_809 : i32 to index
          %get3A_829 = arith.constant 32 : index
          %get3A_830 = tpu.vector_load %arg19[%get3A_828, %get3A_829] {strides = array<i32>} : memref<80x128xf32, #tpu.memory_space<vmem>>, vector<16xf32>,
          %mul3A_831 = arith.mulf %get3A_827, %get3A_830 : vector<16xf32>
          %add3A_832 = arith.addf %add3A_824, %mul3A_831 : vector<16xf32>
          %get3A_833 = arith.index_cast %add3A_809 : i32 to index
          %get3A_834 = arith.constant 48 : index
          %get3A_835 = tpu.vector_load %arg17[%get3A_833, %get3A_834] {strides = array<i32>} : memref<80x64xf32, #tpu.memory_space<vmem>>, vector<16xf32>,
          %get3A_836 = arith.index_cast %add3A_809 : i32 to index
          %get3A_837 = arith.constant 48 : index
          %get3A_838 = tpu.vector_load %arg19[%get3A_836, %get3A_837] {strides = array<i32>} : memref<80x128xf32, #tpu.memory_space<vmem>>, vector<16xf32>,
          %mul3A_839 = arith.mulf %get3A_835, %get3A_838 : vector<16xf32>
          %add3A_840 = arith.addf %add3A_832, %mul3A_839 : vector<16xf32>
          %add3A_841 = arith.constant 204 : i32
          %add3A_842 = vector.broadcast %add3A_841 : i32 to vector<16xi32>
          %add3A_843 = arith.addi %add3A_349, %add3A_842 : vector<16xi32>
          tpu.vector_store_idx %arg24[%add3A_843], %add3A_840 : memref<1360xf32, #tpu.memory_space<vmem>>[vector<16xi32>], vector<16xf32>,
          %mul3A_844 = arith.constant 16 : i32
          %mul3A_845 = arith.muli %scan3A_345, %mul3A_844 : i32
          %add3A_846 = arith.constant 13 : i32
          %add3A_847 = arith.addi %mul3A_845, %add3A_846 : i32
          %get3A_848 = arith.index_cast %add3A_847 : i32 to index
          %get3A_849 = arith.constant 0 : index
          %get3A_850 = tpu.vector_load %arg17[%get3A_848, %get3A_849] {strides = array<i32>} : memref<80x64xf32, #tpu.memory_space<vmem>>, vector<16xf32>,
          %get3A_851 = arith.index_cast %add3A_847 : i32 to index
          %get3A_852 = arith.constant 0 : index
          %get3A_853 = tpu.vector_load %arg19[%get3A_851, %get3A_852] {strides = array<i32>} : memref<80x128xf32, #tpu.memory_space<vmem>>, vector<16xf32>,
          %mul3A_854 = arith.mulf %get3A_850, %get3A_853 : vector<16xf32>
          %get3A_855 = arith.index_cast %add3A_847 : i32 to index
          %get3A_856 = arith.constant 16 : index
          %get3A_857 = tpu.vector_load %arg17[%get3A_855, %get3A_856] {strides = array<i32>} : memref<80x64xf32, #tpu.memory_space<vmem>>, vector<16xf32>,
          %get3A_858 = arith.index_cast %add3A_847 : i32 to index
          %get3A_859 = arith.constant 16 : index
          %get3A_860 = tpu.vector_load %arg19[%get3A_858, %get3A_859] {strides = array<i32>} : memref<80x128xf32, #tpu.memory_space<vmem>>, vector<16xf32>,
          %mul3A_861 = arith.mulf %get3A_857, %get3A_860 : vector<16xf32>
          %add3A_862 = arith.addf %mul3A_854, %mul3A_861 : vector<16xf32>
          %get3A_863 = arith.index_cast %add3A_847 : i32 to index
          %get3A_864 = arith.constant 32 : index
          %get3A_865 = tpu.vector_load %arg17[%get3A_863, %get3A_864] {strides = array<i32>} : memref<80x64xf32, #tpu.memory_space<vmem>>, vector<16xf32>,
          %get3A_866 = arith.index_cast %add3A_847 : i32 to index
          %get3A_867 = arith.constant 32 : index
          %get3A_868 = tpu.vector_load %arg19[%get3A_866, %get3A_867] {strides = array<i32>} : memref<80x128xf32, #tpu.memory_space<vmem>>, vector<16xf32>,
          %mul3A_869 = arith.mulf %get3A_865, %get3A_868 : vector<16xf32>
          %add3A_870 = arith.addf %add3A_862, %mul3A_869 : vector<16xf32>
          %get3A_871 = arith.index_cast %add3A_847 : i32 to index
          %get3A_872 = arith.constant 48 : index
          %get3A_873 = tpu.vector_load %arg17[%get3A_871, %get3A_872] {strides = array<i32>} : memref<80x64xf32, #tpu.memory_space<vmem>>, vector<16xf32>,
          %get3A_874 = arith.index_cast %add3A_847 : i32 to index
          %get3A_875 = arith.constant 48 : index
          %get3A_876 = tpu.vector_load %arg19[%get3A_874, %get3A_875] {strides = array<i32>} : memref<80x128xf32, #tpu.memory_space<vmem>>, vector<16xf32>,
          %mul3A_877 = arith.mulf %get3A_873, %get3A_876 : vector<16xf32>
          %add3A_878 = arith.addf %add3A_870, %mul3A_877 : vector<16xf32>
          %add3A_879 = arith.constant 221 : i32
          %add3A_880 = vector.broadcast %add3A_879 : i32 to vector<16xi32>
          %add3A_881 = arith.addi %add3A_349, %add3A_880 : vector<16xi32>
          tpu.vector_store_idx %arg24[%add3A_881], %add3A_878 : memref<1360xf32, #tpu.memory_space<vmem>>[vector<16xi32>], vector<16xf32>,
          %mul3A_882 = arith.constant 16 : i32
          %mul3A_883 = arith.muli %scan3A_345, %mul3A_882 : i32
          %add3A_884 = arith.constant 14 : i32
          %add3A_885 = arith.addi %mul3A_883, %add3A_884 : i32
          %get3A_886 = arith.index_cast %add3A_885 : i32 to index
          %get3A_887 = arith.constant 0 : index
          %get3A_888 = tpu.vector_load %arg17[%get3A_886, %get3A_887] {strides = array<i32>} : memref<80x64xf32, #tpu.memory_space<vmem>>, vector<16xf32>,
          %get3A_889 = arith.index_cast %add3A_885 : i32 to index
          %get3A_890 = arith.constant 0 : index
          %get3A_891 = tpu.vector_load %arg19[%get3A_889, %get3A_890] {strides = array<i32>} : memref<80x128xf32, #tpu.memory_space<vmem>>, vector<16xf32>,
          %mul3A_892 = arith.mulf %get3A_888, %get3A_891 : vector<16xf32>
          %get3A_893 = arith.index_cast %add3A_885 : i32 to index
          %get3A_894 = arith.constant 16 : index
          %get3A_895 = tpu.vector_load %arg17[%get3A_893, %get3A_894] {strides = array<i32>} : memref<80x64xf32, #tpu.memory_space<vmem>>, vector<16xf32>,
          %get3A_896 = arith.index_cast %add3A_885 : i32 to index
          %get3A_897 = arith.constant 16 : index
          %get3A_898 = tpu.vector_load %arg19[%get3A_896, %get3A_897] {strides = array<i32>} : memref<80x128xf32, #tpu.memory_space<vmem>>, vector<16xf32>,
          %mul3A_899 = arith.mulf %get3A_895, %get3A_898 : vector<16xf32>
          %add3A_900 = arith.addf %mul3A_892, %mul3A_899 : vector<16xf32>
          %get3A_901 = arith.index_cast %add3A_885 : i32 to index
          %get3A_902 = arith.constant 32 : index
          %get3A_903 = tpu.vector_load %arg17[%get3A_901, %get3A_902] {strides = array<i32>} : memref<80x64xf32, #tpu.memory_space<vmem>>, vector<16xf32>,
          %get3A_904 = arith.index_cast %add3A_885 : i32 to index
          %get3A_905 = arith.constant 32 : index
          %get3A_906 = tpu.vector_load %arg19[%get3A_904, %get3A_905] {strides = array<i32>} : memref<80x128xf32, #tpu.memory_space<vmem>>, vector<16xf32>,
          %mul3A_907 = arith.mulf %get3A_903, %get3A_906 : vector<16xf32>
          %add3A_908 = arith.addf %add3A_900, %mul3A_907 : vector<16xf32>
          %get3A_909 = arith.index_cast %add3A_885 : i32 to index
          %get3A_910 = arith.constant 48 : index
          %get3A_911 = tpu.vector_load %arg17[%get3A_909, %get3A_910] {strides = array<i32>} : memref<80x64xf32, #tpu.memory_space<vmem>>, vector<16xf32>,
          %get3A_912 = arith.index_cast %add3A_885 : i32 to index
          %get3A_913 = arith.constant 48 : index
          %get3A_914 = tpu.vector_load %arg19[%get3A_912, %get3A_913] {strides = array<i32>} : memref<80x128xf32, #tpu.memory_space<vmem>>, vector<16xf32>,
          %mul3A_915 = arith.mulf %get3A_911, %get3A_914 : vector<16xf32>
          %add3A_916 = arith.addf %add3A_908, %mul3A_915 : vector<16xf32>
          %add3A_917 = arith.constant 238 : i32
          %add3A_918 = vector.broadcast %add3A_917 : i32 to vector<16xi32>
          %add3A_919 = arith.addi %add3A_349, %add3A_918 : vector<16xi32>
          tpu.vector_store_idx %arg24[%add3A_919], %add3A_916 : memref<1360xf32, #tpu.memory_space<vmem>>[vector<16xi32>], vector<16xf32>,
          %mul3A_920 = arith.constant 16 : i32
          %mul3A_921 = arith.muli %scan3A_345, %mul3A_920 : i32
          %add3A_922 = arith.constant 15 : i32
          %add3A_923 = arith.addi %mul3A_921, %add3A_922 : i32
          %get3A_924 = arith.index_cast %add3A_923 : i32 to index
          %get3A_925 = arith.constant 0 : index
          %get3A_926 = tpu.vector_load %arg17[%get3A_924, %get3A_925] {strides = array<i32>} : memref<80x64xf32, #tpu.memory_space<vmem>>, vector<16xf32>,
          %get3A_927 = arith.index_cast %add3A_923 : i32 to index
          %get3A_928 = arith.constant 0 : index
          %get3A_929 = tpu.vector_load %arg19[%get3A_927, %get3A_928] {strides = array<i32>} : memref<80x128xf32, #tpu.memory_space<vmem>>, vector<16xf32>,
          %mul3A_930 = arith.mulf %get3A_926, %get3A_929 : vector<16xf32>
          %get3A_931 = arith.index_cast %add3A_923 : i32 to index
          %get3A_932 = arith.constant 16 : index
          %get3A_933 = tpu.vector_load %arg17[%get3A_931, %get3A_932] {strides = array<i32>} : memref<80x64xf32, #tpu.memory_space<vmem>>, vector<16xf32>,
          %get3A_934 = arith.index_cast %add3A_923 : i32 to index
          %get3A_935 = arith.constant 16 : index
          %get3A_936 = tpu.vector_load %arg19[%get3A_934, %get3A_935] {strides = array<i32>} : memref<80x128xf32, #tpu.memory_space<vmem>>, vector<16xf32>,
          %mul3A_937 = arith.mulf %get3A_933, %get3A_936 : vector<16xf32>
          %add3A_938 = arith.addf %mul3A_930, %mul3A_937 : vector<16xf32>
          %get3A_939 = arith.index_cast %add3A_923 : i32 to index
          %get3A_940 = arith.constant 32 : index
          %get3A_941 = tpu.vector_load %arg17[%get3A_939, %get3A_940] {strides = array<i32>} : memref<80x64xf32, #tpu.memory_space<vmem>>, vector<16xf32>,
          %get3A_942 = arith.index_cast %add3A_923 : i32 to index
          %get3A_943 = arith.constant 32 : index
          %get3A_944 = tpu.vector_load %arg19[%get3A_942, %get3A_943] {strides = array<i32>} : memref<80x128xf32, #tpu.memory_space<vmem>>, vector<16xf32>,
          %mul3A_945 = arith.mulf %get3A_941, %get3A_944 : vector<16xf32>
          %add3A_946 = arith.addf %add3A_938, %mul3A_945 : vector<16xf32>
          %get3A_947 = arith.index_cast %add3A_923 : i32 to index
          %get3A_948 = arith.constant 48 : index
          %get3A_949 = tpu.vector_load %arg17[%get3A_947, %get3A_948] {strides = array<i32>} : memref<80x64xf32, #tpu.memory_space<vmem>>, vector<16xf32>,
          %get3A_950 = arith.index_cast %add3A_923 : i32 to index
          %get3A_951 = arith.constant 48 : index
          %get3A_952 = tpu.vector_load %arg19[%get3A_950, %get3A_951] {strides = array<i32>} : memref<80x128xf32, #tpu.memory_space<vmem>>, vector<16xf32>,
          %mul3A_953 = arith.mulf %get3A_949, %get3A_952 : vector<16xf32>
          %add3A_954 = arith.addf %add3A_946, %mul3A_953 : vector<16xf32>
          %add3A_955 = arith.constant 255 : i32
          %add3A_956 = vector.broadcast %add3A_955 : i32 to vector<16xi32>
          %add3A_957 = arith.addi %add3A_349, %add3A_956 : vector<16xi32>
          tpu.vector_store_idx %arg24[%add3A_957], %add3A_954 : memref<1360xf32, #tpu.memory_space<vmem>>[vector<16xi32>], vector<16xf32>,
        }
        %scan3A_256 = arith.constant 5 : i32
        %scan3A_257 = arith.constant 0 : i32
        %scan3A_258 = arith.constant 0 : i32
        %scan3A_259 = arith.constant 5 : i32
        %scan3A_260 = arith.addi %scan3A_258, %scan3A_259 : i32
        %scan3A_261 = arith.constant 1 : i32
        scf.for %scan3A_345 = %scan3A_258 to %scan3A_260 step %scan3A_261  : i32 {
          %mul3A_346 = arith.constant 272 : i32
          %mul3A_347 = arith.muli %scan3A_345, %mul3A_346 : i32
          %add3A_348 = vector.broadcast %mul3A_347 : i32 to vector<16xi32>
          %add3A_349 = arith.addi %mul3A_250, %add3A_348 : vector<16xi32>
          %gather3A = tpu.vector_load_idx %arg24[%add3A_349] : memref<1360xf32, #tpu.memory_space<vmem>>[vector<16xi32>], vector<16xf32>,
          %add3A_350 = arith.constant 1 : i32
          %add3A_351 = vector.broadcast %add3A_350 : i32 to vector<16xi32>
          %add3A_352 = arith.addi %add3A_349, %add3A_351 : vector<16xi32>
          %gather3A_353 = tpu.vector_load_idx %arg24[%add3A_352] : memref<1360xf32, #tpu.memory_space<vmem>>[vector<16xi32>], vector<16xf32>,
          %add3A_354 = arith.addf %gather3A, %gather3A_353 : vector<16xf32>
          %add3A_355 = arith.constant 2 : i32
          %add3A_356 = vector.broadcast %add3A_355 : i32 to vector<16xi32>
          %add3A_357 = arith.addi %add3A_349, %add3A_356 : vector<16xi32>
          %gather3A_358 = tpu.vector_load_idx %arg24[%add3A_357] : memref<1360xf32, #tpu.memory_space<vmem>>[vector<16xi32>], vector<16xf32>,
          %add3A_359 = arith.addf %add3A_354, %gather3A_358 : vector<16xf32>
          %add3A_360 = arith.constant 3 : i32
          %add3A_361 = vector.broadcast %add3A_360 : i32 to vector<16xi32>
          %add3A_362 = arith.addi %add3A_349, %add3A_361 : vector<16xi32>
          %gather3A_363 = tpu.vector_load_idx %arg24[%add3A_362] : memref<1360xf32, #tpu.memory_space<vmem>>[vector<16xi32>], vector<16xf32>,
          %add3A_364 = arith.addf %add3A_359, %gather3A_363 : vector<16xf32>
          %add3A_365 = arith.constant 4 : i32
          %add3A_366 = vector.broadcast %add3A_365 : i32 to vector<16xi32>
          %add3A_367 = arith.addi %add3A_349, %add3A_366 : vector<16xi32>
          %gather3A_368 = tpu.vector_load_idx %arg24[%add3A_367] : memref<1360xf32, #tpu.memory_space<vmem>>[vector<16xi32>], vector<16xf32>,
          %add3A_369 = arith.addf %add3A_364, %gather3A_368 : vector<16xf32>
          %add3A_370 = arith.constant 5 : i32
          %add3A_371 = vector.broadcast %add3A_370 : i32 to vector<16xi32>
          %add3A_372 = arith.addi %add3A_349, %add3A_371 : vector<16xi32>
          %gather3A_373 = tpu.vector_load_idx %arg24[%add3A_372] : memref<1360xf32, #tpu.memory_space<vmem>>[vector<16xi32>], vector<16xf32>,
          %add3A_374 = arith.addf %add3A_369, %gather3A_373 : vector<16xf32>
          %add3A_375 = arith.constant 6 : i32
          %add3A_376 = vector.broadcast %add3A_375 : i32 to vector<16xi32>
          %add3A_377 = arith.addi %add3A_349, %add3A_376 : vector<16xi32>
          %gather3A_378 = tpu.vector_load_idx %arg24[%add3A_377] : memref<1360xf32, #tpu.memory_space<vmem>>[vector<16xi32>], vector<16xf32>,
          %add3A_379 = arith.addf %add3A_374, %gather3A_378 : vector<16xf32>
          %add3A_380 = arith.constant 7 : i32
          %add3A_381 = vector.broadcast %add3A_380 : i32 to vector<16xi32>
          %add3A_382 = arith.addi %add3A_349, %add3A_381 : vector<16xi32>
          %gather3A_383 = tpu.vector_load_idx %arg24[%add3A_382] : memref<1360xf32, #tpu.memory_space<vmem>>[vector<16xi32>], vector<16xf32>,
          %add3A_384 = arith.addf %add3A_379, %gather3A_383 : vector<16xf32>
          %add3A_385 = arith.constant 8 : i32
          %add3A_386 = vector.broadcast %add3A_385 : i32 to vector<16xi32>
          %add3A_387 = arith.addi %add3A_349, %add3A_386 : vector<16xi32>
          %gather3A_388 = tpu.vector_load_idx %arg24[%add3A_387] : memref<1360xf32, #tpu.memory_space<vmem>>[vector<16xi32>], vector<16xf32>,
          %add3A_389 = arith.addf %add3A_384, %gather3A_388 : vector<16xf32>
          %add3A_390 = arith.constant 9 : i32
          %add3A_391 = vector.broadcast %add3A_390 : i32 to vector<16xi32>
          %add3A_392 = arith.addi %add3A_349, %add3A_391 : vector<16xi32>
          %gather3A_393 = tpu.vector_load_idx %arg24[%add3A_392] : memref<1360xf32, #tpu.memory_space<vmem>>[vector<16xi32>], vector<16xf32>,
          %add3A_394 = arith.addf %add3A_389, %gather3A_393 : vector<16xf32>
          %add3A_395 = arith.constant 10 : i32
          %add3A_396 = vector.broadcast %add3A_395 : i32 to vector<16xi32>
          %add3A_397 = arith.addi %add3A_349, %add3A_396 : vector<16xi32>
          %gather3A_398 = tpu.vector_load_idx %arg24[%add3A_397] : memref<1360xf32, #tpu.memory_space<vmem>>[vector<16xi32>], vector<16xf32>,
          %add3A_399 = arith.addf %add3A_394, %gather3A_398 : vector<16xf32>
          %add3A_400 = arith.constant 11 : i32
          %add3A_401 = vector.broadcast %add3A_400 : i32 to vector<16xi32>
          %add3A_402 = arith.addi %add3A_349, %add3A_401 : vector<16xi32>
          %gather3A_403 = tpu.vector_load_idx %arg24[%add3A_402] : memref<1360xf32, #tpu.memory_space<vmem>>[vector<16xi32>], vector<16xf32>,
          %add3A_404 = arith.addf %add3A_399, %gather3A_403 : vector<16xf32>
          %add3A_405 = arith.constant 12 : i32
          %add3A_406 = vector.broadcast %add3A_405 : i32 to vector<16xi32>
          %add3A_407 = arith.addi %add3A_349, %add3A_406 : vector<16xi32>
          %gather3A_408 = tpu.vector_load_idx %arg24[%add3A_407] : memref<1360xf32, #tpu.memory_space<vmem>>[vector<16xi32>], vector<16xf32>,
          %add3A_409 = arith.addf %add3A_404, %gather3A_408 : vector<16xf32>
          %add3A_410 = arith.constant 13 : i32
          %add3A_411 = vector.broadcast %add3A_410 : i32 to vector<16xi32>
          %add3A_412 = arith.addi %add3A_349, %add3A_411 : vector<16xi32>
          %gather3A_413 = tpu.vector_load_idx %arg24[%add3A_412] : memref<1360xf32, #tpu.memory_space<vmem>>[vector<16xi32>], vector<16xf32>,
          %add3A_414 = arith.addf %add3A_409, %gather3A_413 : vector<16xf32>
          %add3A_415 = arith.constant 14 : i32
          %add3A_416 = vector.broadcast %add3A_415 : i32 to vector<16xi32>
          %add3A_417 = arith.addi %add3A_349, %add3A_416 : vector<16xi32>
          %gather3A_418 = tpu.vector_load_idx %arg24[%add3A_417] : memref<1360xf32, #tpu.memory_space<vmem>>[vector<16xi32>], vector<16xf32>,
          %add3A_419 = arith.addf %add3A_414, %gather3A_418 : vector<16xf32>
          %add3A_420 = arith.constant 15 : i32
          %add3A_421 = vector.broadcast %add3A_420 : i32 to vector<16xi32>
          %add3A_422 = arith.addi %add3A_349, %add3A_421 : vector<16xi32>
          %gather3A_423 = tpu.vector_load_idx %arg24[%add3A_422] : memref<1360xf32, #tpu.memory_space<vmem>>[vector<16xi32>], vector<16xf32>,
          %add3A_424 = arith.addf %add3A_419, %gather3A_423 : vector<16xf32>
          %mul3A_425 = arith.constant 1.250000e-01 : f32
          %mul3A_426 = vector.broadcast %mul3A_425 : f32 to vector<16xf32>
          %mul3A_427 = arith.mulf %add3A_424, %mul3A_426 : vector<16xf32>
          %exp3A = math.exp %mul3A_427 : vector<16xf32>
          %mul3A_428 = arith.constant 16 : i32
          %mul3A_429 = arith.muli %scan3A_345, %mul3A_428 : i32
          %swap3A_430 = arith.index_cast %mul3A_429 : i32 to index
          %swap3A_431 = tpu.vector_load %arg25[%swap3A_430] {strides = array<i32>} : memref<80xf32, #tpu.memory_space<vmem>>, vector<16xf32>,
          tpu.vector_store %arg25[%swap3A_430], %exp3A {strides = array<i32>} : memref<80xf32, #tpu.memory_space<vmem>>, vector<16xf32>,
          %mul3A_432 = arith.constant 16 : i32
          %mul3A_433 = arith.muli %scan3A_345, %mul3A_432 : i32
          %add3A_434 = vector.broadcast %mul3A_433 : i32 to vector<16xi32>
          %add3A_435 = arith.addi %iota3A, %add3A_434 : vector<16xi32>
          %broadcast_in_dim3A = arith.constant 64 : i32
          %broadcast_in_dim3A_436 = vector.broadcast %broadcast_in_dim3A : i32 to vector<16xi32>
          tpu.vector_store_idx %arg21[%add3A_435, %broadcast_in_dim3A_436], %exp3A : memref<80x80xf32, #tpu.memory_space<vmem>>[vector<16xi32>, vector<16xi32>], vector<16xf32>,
        }
        %scan3A_262 = arith.constant 5 : i32
        %scan3A_263 = arith.constant 0 : i32
        %scan3A_264 = arith.constant 0 : i32
        %scan3A_265 = arith.constant 5 : i32
        %scan3A_266 = arith.addi %scan3A_264, %scan3A_265 : i32
        %scan3A_267 = arith.constant 1 : i32
        scf.for %scan3A_345 = %scan3A_264 to %scan3A_266 step %scan3A_267  : i32 {
          %mul3A_346 = arith.constant 16 : i32
          %mul3A_347 = arith.muli %scan3A_345, %mul3A_346 : i32
          %add3A_348 = arith.constant 0 : i32
          %add3A_349 = arith.addi %mul3A_347, %add3A_348 : i32
          %broadcast_in_dim3A = arith.constant 0 : i32
          %broadcast_in_dim3A_350 = vector.broadcast %broadcast_in_dim3A : i32 to vector<16xi32>
          %add3A_351 = vector.broadcast %mul3A_347 : i32 to vector<16xi32>
          %add3A_352 = arith.addi %broadcast_in_dim3A_350, %add3A_351 : vector<16xi32>
          %gather3A = tpu.vector_load_idx %arg25[%add3A_352] : memref<80xf32, #tpu.memory_space<vmem>>[vector<16xi32>], vector<16xf32>,
          %get3A_353 = arith.index_cast %add3A_349 : i32 to index
          %get3A_354 = arith.constant 64 : index
          %get3A_355 = tpu.vector_load %arg19[%get3A_353, %get3A_354] {strides = array<i32>} : memref<80x128xf32, #tpu.memory_space<vmem>>, vector<16xf32>,
          %mul3A_356 = arith.mulf %gather3A, %get3A_355 : vector<16xf32>
          %swap3A_357 = arith.index_cast %add3A_349 : i32 to index
          %swap3A_358 = arith.constant 0 : index
          %swap3A_359 = tpu.vector_load %arg21[%swap3A_357, %swap3A_358] {strides = array<i32>} : memref<80x80xf32, #tpu.memory_space<vmem>>, vector<16xf32>,
          tpu.vector_store %arg21[%swap3A_357, %swap3A_358], %mul3A_356 {strides = array<i32>} : memref<80x80xf32, #tpu.memory_space<vmem>>, vector<16xf32>,
          %get3A_360 = arith.index_cast %add3A_349 : i32 to index
          %get3A_361 = arith.constant 80 : index
          %get3A_362 = tpu.vector_load %arg19[%get3A_360, %get3A_361] {strides = array<i32>} : memref<80x128xf32, #tpu.memory_space<vmem>>, vector<16xf32>,
          %mul3A_363 = arith.mulf %gather3A, %get3A_362 : vector<16xf32>
          %swap3A_364 = arith.index_cast %add3A_349 : i32 to index
          %swap3A_365 = arith.constant 16 : index
          %swap3A_366 = tpu.vector_load %arg21[%swap3A_364, %swap3A_365] {strides = array<i32>} : memref<80x80xf32, #tpu.memory_space<vmem>>, vector<16xf32>,
          tpu.vector_store %arg21[%swap3A_364, %swap3A_365], %mul3A_363 {strides = array<i32>} : memref<80x80xf32, #tpu.memory_space<vmem>>, vector<16xf32>,
          %get3A_367 = arith.index_cast %add3A_349 : i32 to index
          %get3A_368 = arith.constant 96 : index
          %get3A_369 = tpu.vector_load %arg19[%get3A_367, %get3A_368] {strides = array<i32>} : memref<80x128xf32, #tpu.memory_space<vmem>>, vector<16xf32>,
          %mul3A_370 = arith.mulf %gather3A, %get3A_369 : vector<16xf32>
          %swap3A_371 = arith.index_cast %add3A_349 : i32 to index
          %swap3A_372 = arith.constant 32 : index
          %swap3A_373 = tpu.vector_load %arg21[%swap3A_371, %swap3A_372] {strides = array<i32>} : memref<80x80xf32, #tpu.memory_space<vmem>>, vector<16xf32>,
          tpu.vector_store %arg21[%swap3A_371, %swap3A_372], %mul3A_370 {strides = array<i32>} : memref<80x80xf32, #tpu.memory_space<vmem>>, vector<16xf32>,
          %get3A_374 = arith.index_cast %add3A_349 : i32 to index
          %get3A_375 = arith.constant 112 : index
          %get3A_376 = tpu.vector_load %arg19[%get3A_374, %get3A_375] {strides = array<i32>} : memref<80x128xf32, #tpu.memory_space<vmem>>, vector<16xf32>,
          %mul3A_377 = arith.mulf %gather3A, %get3A_376 : vector<16xf32>
          %swap3A_378 = arith.index_cast %add3A_349 : i32 to index
          %swap3A_379 = arith.constant 48 : index
          %swap3A_380 = tpu.vector_load %arg21[%swap3A_378, %swap3A_379] {strides = array<i32>} : memref<80x80xf32, #tpu.memory_space<vmem>>, vector<16xf32>,
          tpu.vector_store %arg21[%swap3A_378, %swap3A_379], %mul3A_377 {strides = array<i32>} : memref<80x80xf32, #tpu.memory_space<vmem>>, vector<16xf32>,
          %add3A_381 = arith.constant 1 : i32
          %add3A_382 = arith.addi %mul3A_347, %add3A_381 : i32
          %broadcast_in_dim3A_383 = arith.constant 1 : i32
          %broadcast_in_dim3A_384 = vector.broadcast %broadcast_in_dim3A_383 : i32 to vector<16xi32>
          %add3A_385 = vector.broadcast %mul3A_347 : i32 to vector<16xi32>
          %add3A_386 = arith.addi %broadcast_in_dim3A_384, %add3A_385 : vector<16xi32>
          %gather3A_387 = tpu.vector_load_idx %arg25[%add3A_386] : memref<80xf32, #tpu.memory_space<vmem>>[vector<16xi32>], vector<16xf32>,
          %get3A_388 = arith.index_cast %add3A_382 : i32 to index
          %get3A_389 = arith.constant 64 : index
          %get3A_390 = tpu.vector_load %arg19[%get3A_388, %get3A_389] {strides = array<i32>} : memref<80x128xf32, #tpu.memory_space<vmem>>, vector<16xf32>,
          %mul3A_391 = arith.mulf %gather3A_387, %get3A_390 : vector<16xf32>
          %swap3A_392 = arith.index_cast %add3A_382 : i32 to index
          %swap3A_393 = arith.constant 0 : index
          %swap3A_394 = tpu.vector_load %arg21[%swap3A_392, %swap3A_393] {strides = array<i32>} : memref<80x80xf32, #tpu.memory_space<vmem>>, vector<16xf32>,
          tpu.vector_store %arg21[%swap3A_392, %swap3A_393], %mul3A_391 {strides = array<i32>} : memref<80x80xf32, #tpu.memory_space<vmem>>, vector<16xf32>,
          %get3A_395 = arith.index_cast %add3A_382 : i32 to index
          %get3A_396 = arith.constant 80 : index
          %get3A_397 = tpu.vector_load %arg19[%get3A_395, %get3A_396] {strides = array<i32>} : memref<80x128xf32, #tpu.memory_space<vmem>>, vector<16xf32>,
          %mul3A_398 = arith.mulf %gather3A_387, %get3A_397 : vector<16xf32>
          %swap3A_399 = arith.index_cast %add3A_382 : i32 to index
          %swap3A_400 = arith.constant 16 : index
          %swap3A_401 = tpu.vector_load %arg21[%swap3A_399, %swap3A_400] {strides = array<i32>} : memref<80x80xf32, #tpu.memory_space<vmem>>, vector<16xf32>,
          tpu.vector_store %arg21[%swap3A_399, %swap3A_400], %mul3A_398 {strides = array<i32>} : memref<80x80xf32, #tpu.memory_space<vmem>>, vector<16xf32>,
          %get3A_402 = arith.index_cast %add3A_382 : i32 to index
          %get3A_403 = arith.constant 96 : index
          %get3A_404 = tpu.vector_load %arg19[%get3A_402, %get3A_403] {strides = array<i32>} : memref<80x128xf32, #tpu.memory_space<vmem>>, vector<16xf32>,
          %mul3A_405 = arith.mulf %gather3A_387, %get3A_404 : vector<16xf32>
          %swap3A_406 = arith.index_cast %add3A_382 : i32 to index
          %swap3A_407 = arith.constant 32 : index
          %swap3A_408 = tpu.vector_load %arg21[%swap3A_406, %swap3A_407] {strides = array<i32>} : memref<80x80xf32, #tpu.memory_space<vmem>>, vector<16xf32>,
          tpu.vector_store %arg21[%swap3A_406, %swap3A_407], %mul3A_405 {strides = array<i32>} : memref<80x80xf32, #tpu.memory_space<vmem>>, vector<16xf32>,
          %get3A_409 = arith.index_cast %add3A_382 : i32 to index
          %get3A_410 = arith.constant 112 : index
          %get3A_411 = tpu.vector_load %arg19[%get3A_409, %get3A_410] {strides = array<i32>} : memref<80x128xf32, #tpu.memory_space<vmem>>, vector<16xf32>,
          %mul3A_412 = arith.mulf %gather3A_387, %get3A_411 : vector<16xf32>
          %swap3A_413 = arith.index_cast %add3A_382 : i32 to index
          %swap3A_414 = arith.constant 48 : index
          %swap3A_415 = tpu.vector_load %arg21[%swap3A_413, %swap3A_414] {strides = array<i32>} : memref<80x80xf32, #tpu.memory_space<vmem>>, vector<16xf32>,
          tpu.vector_store %arg21[%swap3A_413, %swap3A_414], %mul3A_412 {strides = array<i32>} : memref<80x80xf32, #tpu.memory_space<vmem>>, vector<16xf32>,
          %add3A_416 = arith.constant 2 : i32
          %add3A_417 = arith.addi %mul3A_347, %add3A_416 : i32
          %broadcast_in_dim3A_418 = arith.constant 2 : i32
          %broadcast_in_dim3A_419 = vector.broadcast %broadcast_in_dim3A_418 : i32 to vector<16xi32>
          %add3A_420 = vector.broadcast %mul3A_347 : i32 to vector<16xi32>
          %add3A_421 = arith.addi %broadcast_in_dim3A_419, %add3A_420 : vector<16xi32>
          %gather3A_422 = tpu.vector_load_idx %arg25[%add3A_421] : memref<80xf32, #tpu.memory_space<vmem>>[vector<16xi32>], vector<16xf32>,
          %get3A_423 = arith.index_cast %add3A_417 : i32 to index
          %get3A_424 = arith.constant 64 : index
          %get3A_425 = tpu.vector_load %arg19[%get3A_423, %get3A_424] {strides = array<i32>} : memref<80x128xf32, #tpu.memory_space<vmem>>, vector<16xf32>,
          %mul3A_426 = arith.mulf %gather3A_422, %get3A_425 : vector<16xf32>
          %swap3A_427 = arith.index_cast %add3A_417 : i32 to index
          %swap3A_428 = arith.constant 0 : index
          %swap3A_429 = tpu.vector_load %arg21[%swap3A_427, %swap3A_428] {strides = array<i32>} : memref<80x80xf32, #tpu.memory_space<vmem>>, vector<16xf32>,
          tpu.vector_store %arg21[%swap3A_427, %swap3A_428], %mul3A_426 {strides = array<i32>} : memref<80x80xf32, #tpu.memory_space<vmem>>, vector<16xf32>,
          %get3A_430 = arith.index_cast %add3A_417 : i32 to index
          %get3A_431 = arith.constant 80 : index
          %get3A_432 = tpu.vector_load %arg19[%get3A_430, %get3A_431] {strides = array<i32>} : memref<80x128xf32, #tpu.memory_space<vmem>>, vector<16xf32>,
          %mul3A_433 = arith.mulf %gather3A_422, %get3A_432 : vector<16xf32>
          %swap3A_434 = arith.index_cast %add3A_417 : i32 to index
          %swap3A_435 = arith.constant 16 : index
          %swap3A_436 = tpu.vector_load %arg21[%swap3A_434, %swap3A_435] {strides = array<i32>} : memref<80x80xf32, #tpu.memory_space<vmem>>, vector<16xf32>,
          tpu.vector_store %arg21[%swap3A_434, %swap3A_435], %mul3A_433 {strides = array<i32>} : memref<80x80xf32, #tpu.memory_space<vmem>>, vector<16xf32>,
          %get3A_437 = arith.index_cast %add3A_417 : i32 to index
          %get3A_438 = arith.constant 96 : index
          %get3A_439 = tpu.vector_load %arg19[%get3A_437, %get3A_438] {strides = array<i32>} : memref<80x128xf32, #tpu.memory_space<vmem>>, vector<16xf32>,
          %mul3A_440 = arith.mulf %gather3A_422, %get3A_439 : vector<16xf32>
          %swap3A_441 = arith.index_cast %add3A_417 : i32 to index
          %swap3A_442 = arith.constant 32 : index
          %swap3A_443 = tpu.vector_load %arg21[%swap3A_441, %swap3A_442] {strides = array<i32>} : memref<80x80xf32, #tpu.memory_space<vmem>>, vector<16xf32>,
          tpu.vector_store %arg21[%swap3A_441, %swap3A_442], %mul3A_440 {strides = array<i32>} : memref<80x80xf32, #tpu.memory_space<vmem>>, vector<16xf32>,
          %get3A_444 = arith.index_cast %add3A_417 : i32 to index
          %get3A_445 = arith.constant 112 : index
          %get3A_446 = tpu.vector_load %arg19[%get3A_444, %get3A_445] {strides = array<i32>} : memref<80x128xf32, #tpu.memory_space<vmem>>, vector<16xf32>,
          %mul3A_447 = arith.mulf %gather3A_422, %get3A_446 : vector<16xf32>
          %swap3A_448 = arith.index_cast %add3A_417 : i32 to index
          %swap3A_449 = arith.constant 48 : index
          %swap3A_450 = tpu.vector_load %arg21[%swap3A_448, %swap3A_449] {strides = array<i32>} : memref<80x80xf32, #tpu.memory_space<vmem>>, vector<16xf32>,
          tpu.vector_store %arg21[%swap3A_448, %swap3A_449], %mul3A_447 {strides = array<i32>} : memref<80x80xf32, #tpu.memory_space<vmem>>, vector<16xf32>,
          %add3A_451 = arith.constant 3 : i32
          %add3A_452 = arith.addi %mul3A_347, %add3A_451 : i32
          %broadcast_in_dim3A_453 = arith.constant 3 : i32
          %broadcast_in_dim3A_454 = vector.broadcast %broadcast_in_dim3A_453 : i32 to vector<16xi32>
          %add3A_455 = vector.broadcast %mul3A_347 : i32 to vector<16xi32>
          %add3A_456 = arith.addi %broadcast_in_dim3A_454, %add3A_455 : vector<16xi32>
          %gather3A_457 = tpu.vector_load_idx %arg25[%add3A_456] : memref<80xf32, #tpu.memory_space<vmem>>[vector<16xi32>], vector<16xf32>,
          %get3A_458 = arith.index_cast %add3A_452 : i32 to index
          %get3A_459 = arith.constant 64 : index
          %get3A_460 = tpu.vector_load %arg19[%get3A_458, %get3A_459] {strides = array<i32>} : memref<80x128xf32, #tpu.memory_space<vmem>>, vector<16xf32>,
          %mul3A_461 = arith.mulf %gather3A_457, %get3A_460 : vector<16xf32>
          %swap3A_462 = arith.index_cast %add3A_452 : i32 to index
          %swap3A_463 = arith.constant 0 : index
          %swap3A_464 = tpu.vector_load %arg21[%swap3A_462, %swap3A_463] {strides = array<i32>} : memref<80x80xf32, #tpu.memory_space<vmem>>, vector<16xf32>,
          tpu.vector_store %arg21[%swap3A_462, %swap3A_463], %mul3A_461 {strides = array<i32>} : memref<80x80xf32, #tpu.memory_space<vmem>>, vector<16xf32>,
          %get3A_465 = arith.index_cast %add3A_452 : i32 to index
          %get3A_466 = arith.constant 80 : index
          %get3A_467 = tpu.vector_load %arg19[%get3A_465, %get3A_466] {strides = array<i32>} : memref<80x128xf32, #tpu.memory_space<vmem>>, vector<16xf32>,
          %mul3A_468 = arith.mulf %gather3A_457, %get3A_467 : vector<16xf32>
          %swap3A_469 = arith.index_cast %add3A_452 : i32 to index
          %swap3A_470 = arith.constant 16 : index
          %swap3A_471 = tpu.vector_load %arg21[%swap3A_469, %swap3A_470] {strides = array<i32>} : memref<80x80xf32, #tpu.memory_space<vmem>>, vector<16xf32>,
          tpu.vector_store %arg21[%swap3A_469, %swap3A_470], %mul3A_468 {strides = array<i32>} : memref<80x80xf32, #tpu.memory_space<vmem>>, vector<16xf32>,
          %get3A_472 = arith.index_cast %add3A_452 : i32 to index
          %get3A_473 = arith.constant 96 : index
          %get3A_474 = tpu.vector_load %arg19[%get3A_472, %get3A_473] {strides = array<i32>} : memref<80x128xf32, #tpu.memory_space<vmem>>, vector<16xf32>,
          %mul3A_475 = arith.mulf %gather3A_457, %get3A_474 : vector<16xf32>
          %swap3A_476 = arith.index_cast %add3A_452 : i32 to index
          %swap3A_477 = arith.constant 32 : index
          %swap3A_478 = tpu.vector_load %arg21[%swap3A_476, %swap3A_477] {strides = array<i32>} : memref<80x80xf32, #tpu.memory_space<vmem>>, vector<16xf32>,
          tpu.vector_store %arg21[%swap3A_476, %swap3A_477], %mul3A_475 {strides = array<i32>} : memref<80x80xf32, #tpu.memory_space<vmem>>, vector<16xf32>,
          %get3A_479 = arith.index_cast %add3A_452 : i32 to index
          %get3A_480 = arith.constant 112 : index
          %get3A_481 = tpu.vector_load %arg19[%get3A_479, %get3A_480] {strides = array<i32>} : memref<80x128xf32, #tpu.memory_space<vmem>>, vector<16xf32>,
          %mul3A_482 = arith.mulf %gather3A_457, %get3A_481 : vector<16xf32>
          %swap3A_483 = arith.index_cast %add3A_452 : i32 to index
          %swap3A_484 = arith.constant 48 : index
          %swap3A_485 = tpu.vector_load %arg21[%swap3A_483, %swap3A_484] {strides = array<i32>} : memref<80x80xf32, #tpu.memory_space<vmem>>, vector<16xf32>,
          tpu.vector_store %arg21[%swap3A_483, %swap3A_484], %mul3A_482 {strides = array<i32>} : memref<80x80xf32, #tpu.memory_space<vmem>>, vector<16xf32>,
          %add3A_486 = arith.constant 4 : i32
          %add3A_487 = arith.addi %mul3A_347, %add3A_486 : i32
          %broadcast_in_dim3A_488 = arith.constant 4 : i32
          %broadcast_in_dim3A_489 = vector.broadcast %broadcast_in_dim3A_488 : i32 to vector<16xi32>
          %add3A_490 = vector.broadcast %mul3A_347 : i32 to vector<16xi32>
          %add3A_491 = arith.addi %broadcast_in_dim3A_489, %add3A_490 : vector<16xi32>
          %gather3A_492 = tpu.vector_load_idx %arg25[%add3A_491] : memref<80xf32, #tpu.memory_space<vmem>>[vector<16xi32>], vector<16xf32>,
          %get3A_493 = arith.index_cast %add3A_487 : i32 to index
          %get3A_494 = arith.constant 64 : index
          %get3A_495 = tpu.vector_load %arg19[%get3A_493, %get3A_494] {strides = array<i32>} : memref<80x128xf32, #tpu.memory_space<vmem>>, vector<16xf32>,
          %mul3A_496 = arith.mulf %gather3A_492, %get3A_495 : vector<16xf32>
          %swap3A_497 = arith.index_cast %add3A_487 : i32 to index
          %swap3A_498 = arith.constant 0 : index
          %swap3A_499 = tpu.vector_load %arg21[%swap3A_497, %swap3A_498] {strides = array<i32>} : memref<80x80xf32, #tpu.memory_space<vmem>>, vector<16xf32>,
          tpu.vector_store %arg21[%swap3A_497, %swap3A_498], %mul3A_496 {strides = array<i32>} : memref<80x80xf32, #tpu.memory_space<vmem>>, vector<16xf32>,
          %get3A_500 = arith.index_cast %add3A_487 : i32 to index
          %get3A_501 = arith.constant 80 : index
          %get3A_502 = tpu.vector_load %arg19[%get3A_500, %get3A_501] {strides = array<i32>} : memref<80x128xf32, #tpu.memory_space<vmem>>, vector<16xf32>,
          %mul3A_503 = arith.mulf %gather3A_492, %get3A_502 : vector<16xf32>
          %swap3A_504 = arith.index_cast %add3A_487 : i32 to index
          %swap3A_505 = arith.constant 16 : index
          %swap3A_506 = tpu.vector_load %arg21[%swap3A_504, %swap3A_505] {strides = array<i32>} : memref<80x80xf32, #tpu.memory_space<vmem>>, vector<16xf32>,
          tpu.vector_store %arg21[%swap3A_504, %swap3A_505], %mul3A_503 {strides = array<i32>} : memref<80x80xf32, #tpu.memory_space<vmem>>, vector<16xf32>,
          %get3A_507 = arith.index_cast %add3A_487 : i32 to index
          %get3A_508 = arith.constant 96 : index
          %get3A_509 = tpu.vector_load %arg19[%get3A_507, %get3A_508] {strides = array<i32>} : memref<80x128xf32, #tpu.memory_space<vmem>>, vector<16xf32>,
          %mul3A_510 = arith.mulf %gather3A_492, %get3A_509 : vector<16xf32>
          %swap3A_511 = arith.index_cast %add3A_487 : i32 to index
          %swap3A_512 = arith.constant 32 : index
          %swap3A_513 = tpu.vector_load %arg21[%swap3A_511, %swap3A_512] {strides = array<i32>} : memref<80x80xf32, #tpu.memory_space<vmem>>, vector<16xf32>,
          tpu.vector_store %arg21[%swap3A_511, %swap3A_512], %mul3A_510 {strides = array<i32>} : memref<80x80xf32, #tpu.memory_space<vmem>>, vector<16xf32>,
          %get3A_514 = arith.index_cast %add3A_487 : i32 to index
          %get3A_515 = arith.constant 112 : index
          %get3A_516 = tpu.vector_load %arg19[%get3A_514, %get3A_515] {strides = array<i32>} : memref<80x128xf32, #tpu.memory_space<vmem>>, vector<16xf32>,
          %mul3A_517 = arith.mulf %gather3A_492, %get3A_516 : vector<16xf32>
          %swap3A_518 = arith.index_cast %add3A_487 : i32 to index
          %swap3A_519 = arith.constant 48 : index
          %swap3A_520 = tpu.vector_load %arg21[%swap3A_518, %swap3A_519] {strides = array<i32>} : memref<80x80xf32, #tpu.memory_space<vmem>>, vector<16xf32>,
          tpu.vector_store %arg21[%swap3A_518, %swap3A_519], %mul3A_517 {strides = array<i32>} : memref<80x80xf32, #tpu.memory_space<vmem>>, vector<16xf32>,
          %add3A_521 = arith.constant 5 : i32
          %add3A_522 = arith.addi %mul3A_347, %add3A_521 : i32
          %broadcast_in_dim3A_523 = arith.constant 5 : i32
          %broadcast_in_dim3A_524 = vector.broadcast %broadcast_in_dim3A_523 : i32 to vector<16xi32>
          %add3A_525 = vector.broadcast %mul3A_347 : i32 to vector<16xi32>
          %add3A_526 = arith.addi %broadcast_in_dim3A_524, %add3A_525 : vector<16xi32>
          %gather3A_527 = tpu.vector_load_idx %arg25[%add3A_526] : memref<80xf32, #tpu.memory_space<vmem>>[vector<16xi32>], vector<16xf32>,
          %get3A_528 = arith.index_cast %add3A_522 : i32 to index
          %get3A_529 = arith.constant 64 : index
          %get3A_530 = tpu.vector_load %arg19[%get3A_528, %get3A_529] {strides = array<i32>} : memref<80x128xf32, #tpu.memory_space<vmem>>, vector<16xf32>,
          %mul3A_531 = arith.mulf %gather3A_527, %get3A_530 : vector<16xf32>
          %swap3A_532 = arith.index_cast %add3A_522 : i32 to index
          %swap3A_533 = arith.constant 0 : index
          %swap3A_534 = tpu.vector_load %arg21[%swap3A_532, %swap3A_533] {strides = array<i32>} : memref<80x80xf32, #tpu.memory_space<vmem>>, vector<16xf32>,
          tpu.vector_store %arg21[%swap3A_532, %swap3A_533], %mul3A_531 {strides = array<i32>} : memref<80x80xf32, #tpu.memory_space<vmem>>, vector<16xf32>,
          %get3A_535 = arith.index_cast %add3A_522 : i32 to index
          %get3A_536 = arith.constant 80 : index
          %get3A_537 = tpu.vector_load %arg19[%get3A_535, %get3A_536] {strides = array<i32>} : memref<80x128xf32, #tpu.memory_space<vmem>>, vector<16xf32>,
          %mul3A_538 = arith.mulf %gather3A_527, %get3A_537 : vector<16xf32>
          %swap3A_539 = arith.index_cast %add3A_522 : i32 to index
          %swap3A_540 = arith.constant 16 : index
          %swap3A_541 = tpu.vector_load %arg21[%swap3A_539, %swap3A_540] {strides = array<i32>} : memref<80x80xf32, #tpu.memory_space<vmem>>, vector<16xf32>,
          tpu.vector_store %arg21[%swap3A_539, %swap3A_540], %mul3A_538 {strides = array<i32>} : memref<80x80xf32, #tpu.memory_space<vmem>>, vector<16xf32>,
          %get3A_542 = arith.index_cast %add3A_522 : i32 to index
          %get3A_543 = arith.constant 96 : index
          %get3A_544 = tpu.vector_load %arg19[%get3A_542, %get3A_543] {strides = array<i32>} : memref<80x128xf32, #tpu.memory_space<vmem>>, vector<16xf32>,
          %mul3A_545 = arith.mulf %gather3A_527, %get3A_544 : vector<16xf32>
          %swap3A_546 = arith.index_cast %add3A_522 : i32 to index
          %swap3A_547 = arith.constant 32 : index
          %swap3A_548 = tpu.vector_load %arg21[%swap3A_546, %swap3A_547] {strides = array<i32>} : memref<80x80xf32, #tpu.memory_space<vmem>>, vector<16xf32>,
          tpu.vector_store %arg21[%swap3A_546, %swap3A_547], %mul3A_545 {strides = array<i32>} : memref<80x80xf32, #tpu.memory_space<vmem>>, vector<16xf32>,
          %get3A_549 = arith.index_cast %add3A_522 : i32 to index
          %get3A_550 = arith.constant 112 : index
          %get3A_551 = tpu.vector_load %arg19[%get3A_549, %get3A_550] {strides = array<i32>} : memref<80x128xf32, #tpu.memory_space<vmem>>, vector<16xf32>,
          %mul3A_552 = arith.mulf %gather3A_527, %get3A_551 : vector<16xf32>
          %swap3A_553 = arith.index_cast %add3A_522 : i32 to index
          %swap3A_554 = arith.constant 48 : index
          %swap3A_555 = tpu.vector_load %arg21[%swap3A_553, %swap3A_554] {strides = array<i32>} : memref<80x80xf32, #tpu.memory_space<vmem>>, vector<16xf32>,
          tpu.vector_store %arg21[%swap3A_553, %swap3A_554], %mul3A_552 {strides = array<i32>} : memref<80x80xf32, #tpu.memory_space<vmem>>, vector<16xf32>,
          %add3A_556 = arith.constant 6 : i32
          %add3A_557 = arith.addi %mul3A_347, %add3A_556 : i32
          %broadcast_in_dim3A_558 = arith.constant 6 : i32
          %broadcast_in_dim3A_559 = vector.broadcast %broadcast_in_dim3A_558 : i32 to vector<16xi32>
          %add3A_560 = vector.broadcast %mul3A_347 : i32 to vector<16xi32>
          %add3A_561 = arith.addi %broadcast_in_dim3A_559, %add3A_560 : vector<16xi32>
          %gather3A_562 = tpu.vector_load_idx %arg25[%add3A_561] : memref<80xf32, #tpu.memory_space<vmem>>[vector<16xi32>], vector<16xf32>,
          %get3A_563 = arith.index_cast %add3A_557 : i32 to index
          %get3A_564 = arith.constant 64 : index
          %get3A_565 = tpu.vector_load %arg19[%get3A_563, %get3A_564] {strides = array<i32>} : memref<80x128xf32, #tpu.memory_space<vmem>>, vector<16xf32>,
          %mul3A_566 = arith.mulf %gather3A_562, %get3A_565 : vector<16xf32>
          %swap3A_567 = arith.index_cast %add3A_557 : i32 to index
          %swap3A_568 = arith.constant 0 : index
          %swap3A_569 = tpu.vector_load %arg21[%swap3A_567, %swap3A_568] {strides = array<i32>} : memref<80x80xf32, #tpu.memory_space<vmem>>, vector<16xf32>,
          tpu.vector_store %arg21[%swap3A_567, %swap3A_568], %mul3A_566 {strides = array<i32>} : memref<80x80xf32, #tpu.memory_space<vmem>>, vector<16xf32>,
          %get3A_570 = arith.index_cast %add3A_557 : i32 to index
          %get3A_571 = arith.constant 80 : index
          %get3A_572 = tpu.vector_load %arg19[%get3A_570, %get3A_571] {strides = array<i32>} : memref<80x128xf32, #tpu.memory_space<vmem>>, vector<16xf32>,
          %mul3A_573 = arith.mulf %gather3A_562, %get3A_572 : vector<16xf32>
          %swap3A_574 = arith.index_cast %add3A_557 : i32 to index
          %swap3A_575 = arith.constant 16 : index
          %swap3A_576 = tpu.vector_load %arg21[%swap3A_574, %swap3A_575] {strides = array<i32>} : memref<80x80xf32, #tpu.memory_space<vmem>>, vector<16xf32>,
          tpu.vector_store %arg21[%swap3A_574, %swap3A_575], %mul3A_573 {strides = array<i32>} : memref<80x80xf32, #tpu.memory_space<vmem>>, vector<16xf32>,
          %get3A_577 = arith.index_cast %add3A_557 : i32 to index
          %get3A_578 = arith.constant 96 : index
          %get3A_579 = tpu.vector_load %arg19[%get3A_577, %get3A_578] {strides = array<i32>} : memref<80x128xf32, #tpu.memory_space<vmem>>, vector<16xf32>,
          %mul3A_580 = arith.mulf %gather3A_562, %get3A_579 : vector<16xf32>
          %swap3A_581 = arith.index_cast %add3A_557 : i32 to index
          %swap3A_582 = arith.constant 32 : index
          %swap3A_583 = tpu.vector_load %arg21[%swap3A_581, %swap3A_582] {strides = array<i32>} : memref<80x80xf32, #tpu.memory_space<vmem>>, vector<16xf32>,
          tpu.vector_store %arg21[%swap3A_581, %swap3A_582], %mul3A_580 {strides = array<i32>} : memref<80x80xf32, #tpu.memory_space<vmem>>, vector<16xf32>,
          %get3A_584 = arith.index_cast %add3A_557 : i32 to index
          %get3A_585 = arith.constant 112 : index
          %get3A_586 = tpu.vector_load %arg19[%get3A_584, %get3A_585] {strides = array<i32>} : memref<80x128xf32, #tpu.memory_space<vmem>>, vector<16xf32>,
          %mul3A_587 = arith.mulf %gather3A_562, %get3A_586 : vector<16xf32>
          %swap3A_588 = arith.index_cast %add3A_557 : i32 to index
          %swap3A_589 = arith.constant 48 : index
          %swap3A_590 = tpu.vector_load %arg21[%swap3A_588, %swap3A_589] {strides = array<i32>} : memref<80x80xf32, #tpu.memory_space<vmem>>, vector<16xf32>,
          tpu.vector_store %arg21[%swap3A_588, %swap3A_589], %mul3A_587 {strides = array<i32>} : memref<80x80xf32, #tpu.memory_space<vmem>>, vector<16xf32>,
          %add3A_591 = arith.constant 7 : i32
          %add3A_592 = arith.addi %mul3A_347, %add3A_591 : i32
          %broadcast_in_dim3A_593 = arith.constant 7 : i32
          %broadcast_in_dim3A_594 = vector.broadcast %broadcast_in_dim3A_593 : i32 to vector<16xi32>
          %add3A_595 = vector.broadcast %mul3A_347 : i32 to vector<16xi32>
          %add3A_596 = arith.addi %broadcast_in_dim3A_594, %add3A_595 : vector<16xi32>
          %gather3A_597 = tpu.vector_load_idx %arg25[%add3A_596] : memref<80xf32, #tpu.memory_space<vmem>>[vector<16xi32>], vector<16xf32>,
          %get3A_598 = arith.index_cast %add3A_592 : i32 to index
          %get3A_599 = arith.constant 64 : index
          %get3A_600 = tpu.vector_load %arg19[%get3A_598, %get3A_599] {strides = array<i32>} : memref<80x128xf32, #tpu.memory_space<vmem>>, vector<16xf32>,
          %mul3A_601 = arith.mulf %gather3A_597, %get3A_600 : vector<16xf32>
          %swap3A_602 = arith.index_cast %add3A_592 : i32 to index
          %swap3A_603 = arith.constant 0 : index
          %swap3A_604 = tpu.vector_load %arg21[%swap3A_602, %swap3A_603] {strides = array<i32>} : memref<80x80xf32, #tpu.memory_space<vmem>>, vector<16xf32>,
          tpu.vector_store %arg21[%swap3A_602, %swap3A_603], %mul3A_601 {strides = array<i32>} : memref<80x80xf32, #tpu.memory_space<vmem>>, vector<16xf32>,
          %get3A_605 = arith.index_cast %add3A_592 : i32 to index
          %get3A_606 = arith.constant 80 : index
          %get3A_607 = tpu.vector_load %arg19[%get3A_605, %get3A_606] {strides = array<i32>} : memref<80x128xf32, #tpu.memory_space<vmem>>, vector<16xf32>,
          %mul3A_608 = arith.mulf %gather3A_597, %get3A_607 : vector<16xf32>
          %swap3A_609 = arith.index_cast %add3A_592 : i32 to index
          %swap3A_610 = arith.constant 16 : index
          %swap3A_611 = tpu.vector_load %arg21[%swap3A_609, %swap3A_610] {strides = array<i32>} : memref<80x80xf32, #tpu.memory_space<vmem>>, vector<16xf32>,
          tpu.vector_store %arg21[%swap3A_609, %swap3A_610], %mul3A_608 {strides = array<i32>} : memref<80x80xf32, #tpu.memory_space<vmem>>, vector<16xf32>,
          %get3A_612 = arith.index_cast %add3A_592 : i32 to index
          %get3A_613 = arith.constant 96 : index
          %get3A_614 = tpu.vector_load %arg19[%get3A_612, %get3A_613] {strides = array<i32>} : memref<80x128xf32, #tpu.memory_space<vmem>>, vector<16xf32>,
          %mul3A_615 = arith.mulf %gather3A_597, %get3A_614 : vector<16xf32>
          %swap3A_616 = arith.index_cast %add3A_592 : i32 to index
          %swap3A_617 = arith.constant 32 : index
          %swap3A_618 = tpu.vector_load %arg21[%swap3A_616, %swap3A_617] {strides = array<i32>} : memref<80x80xf32, #tpu.memory_space<vmem>>, vector<16xf32>,
          tpu.vector_store %arg21[%swap3A_616, %swap3A_617], %mul3A_615 {strides = array<i32>} : memref<80x80xf32, #tpu.memory_space<vmem>>, vector<16xf32>,
          %get3A_619 = arith.index_cast %add3A_592 : i32 to index
          %get3A_620 = arith.constant 112 : index
          %get3A_621 = tpu.vector_load %arg19[%get3A_619, %get3A_620] {strides = array<i32>} : memref<80x128xf32, #tpu.memory_space<vmem>>, vector<16xf32>,
          %mul3A_622 = arith.mulf %gather3A_597, %get3A_621 : vector<16xf32>
          %swap3A_623 = arith.index_cast %add3A_592 : i32 to index
          %swap3A_624 = arith.constant 48 : index
          %swap3A_625 = tpu.vector_load %arg21[%swap3A_623, %swap3A_624] {strides = array<i32>} : memref<80x80xf32, #tpu.memory_space<vmem>>, vector<16xf32>,
          tpu.vector_store %arg21[%swap3A_623, %swap3A_624], %mul3A_622 {strides = array<i32>} : memref<80x80xf32, #tpu.memory_space<vmem>>, vector<16xf32>,
          %add3A_626 = arith.constant 8 : i32
          %add3A_627 = arith.addi %mul3A_347, %add3A_626 : i32
          %broadcast_in_dim3A_628 = arith.constant 8 : i32
          %broadcast_in_dim3A_629 = vector.broadcast %broadcast_in_dim3A_628 : i32 to vector<16xi32>
          %add3A_630 = vector.broadcast %mul3A_347 : i32 to vector<16xi32>
          %add3A_631 = arith.addi %broadcast_in_dim3A_629, %add3A_630 : vector<16xi32>
          %gather3A_632 = tpu.vector_load_idx %arg25[%add3A_631] : memref<80xf32, #tpu.memory_space<vmem>>[vector<16xi32>], vector<16xf32>,
          %get3A_633 = arith.index_cast %add3A_627 : i32 to index
          %get3A_634 = arith.constant 64 : index
          %get3A_635 = tpu.vector_load %arg19[%get3A_633, %get3A_634] {strides = array<i32>} : memref<80x128xf32, #tpu.memory_space<vmem>>, vector<16xf32>,
          %mul3A_636 = arith.mulf %gather3A_632, %get3A_635 : vector<16xf32>
          %swap3A_637 = arith.index_cast %add3A_627 : i32 to index
          %swap3A_638 = arith.constant 0 : index
          %swap3A_639 = tpu.vector_load %arg21[%swap3A_637, %swap3A_638] {strides = array<i32>} : memref<80x80xf32, #tpu.memory_space<vmem>>, vector<16xf32>,
          tpu.vector_store %arg21[%swap3A_637, %swap3A_638], %mul3A_636 {strides = array<i32>} : memref<80x80xf32, #tpu.memory_space<vmem>>, vector<16xf32>,
          %get3A_640 = arith.index_cast %add3A_627 : i32 to index
          %get3A_641 = arith.constant 80 : index
          %get3A_642 = tpu.vector_load %arg19[%get3A_640, %get3A_641] {strides = array<i32>} : memref<80x128xf32, #tpu.memory_space<vmem>>, vector<16xf32>,
          %mul3A_643 = arith.mulf %gather3A_632, %get3A_642 : vector<16xf32>
          %swap3A_644 = arith.index_cast %add3A_627 : i32 to index
          %swap3A_645 = arith.constant 16 : index
          %swap3A_646 = tpu.vector_load %arg21[%swap3A_644, %swap3A_645] {strides = array<i32>} : memref<80x80xf32, #tpu.memory_space<vmem>>, vector<16xf32>,
          tpu.vector_store %arg21[%swap3A_644, %swap3A_645], %mul3A_643 {strides = array<i32>} : memref<80x80xf32, #tpu.memory_space<vmem>>, vector<16xf32>,
          %get3A_647 = arith.index_cast %add3A_627 : i32 to index
          %get3A_648 = arith.constant 96 : index
          %get3A_649 = tpu.vector_load %arg19[%get3A_647, %get3A_648] {strides = array<i32>} : memref<80x128xf32, #tpu.memory_space<vmem>>, vector<16xf32>,
          %mul3A_650 = arith.mulf %gather3A_632, %get3A_649 : vector<16xf32>
          %swap3A_651 = arith.index_cast %add3A_627 : i32 to index
          %swap3A_652 = arith.constant 32 : index
          %swap3A_653 = tpu.vector_load %arg21[%swap3A_651, %swap3A_652] {strides = array<i32>} : memref<80x80xf32, #tpu.memory_space<vmem>>, vector<16xf32>,
          tpu.vector_store %arg21[%swap3A_651, %swap3A_652], %mul3A_650 {strides = array<i32>} : memref<80x80xf32, #tpu.memory_space<vmem>>, vector<16xf32>,
          %get3A_654 = arith.index_cast %add3A_627 : i32 to index
          %get3A_655 = arith.constant 112 : index
          %get3A_656 = tpu.vector_load %arg19[%get3A_654, %get3A_655] {strides = array<i32>} : memref<80x128xf32, #tpu.memory_space<vmem>>, vector<16xf32>,
          %mul3A_657 = arith.mulf %gather3A_632, %get3A_656 : vector<16xf32>
          %swap3A_658 = arith.index_cast %add3A_627 : i32 to index
          %swap3A_659 = arith.constant 48 : index
          %swap3A_660 = tpu.vector_load %arg21[%swap3A_658, %swap3A_659] {strides = array<i32>} : memref<80x80xf32, #tpu.memory_space<vmem>>, vector<16xf32>,
          tpu.vector_store %arg21[%swap3A_658, %swap3A_659], %mul3A_657 {strides = array<i32>} : memref<80x80xf32, #tpu.memory_space<vmem>>, vector<16xf32>,
          %add3A_661 = arith.constant 9 : i32
          %add3A_662 = arith.addi %mul3A_347, %add3A_661 : i32
          %broadcast_in_dim3A_663 = arith.constant 9 : i32
          %broadcast_in_dim3A_664 = vector.broadcast %broadcast_in_dim3A_663 : i32 to vector<16xi32>
          %add3A_665 = vector.broadcast %mul3A_347 : i32 to vector<16xi32>
          %add3A_666 = arith.addi %broadcast_in_dim3A_664, %add3A_665 : vector<16xi32>
          %gather3A_667 = tpu.vector_load_idx %arg25[%add3A_666] : memref<80xf32, #tpu.memory_space<vmem>>[vector<16xi32>], vector<16xf32>,
          %get3A_668 = arith.index_cast %add3A_662 : i32 to index
          %get3A_669 = arith.constant 64 : index
          %get3A_670 = tpu.vector_load %arg19[%get3A_668, %get3A_669] {strides = array<i32>} : memref<80x128xf32, #tpu.memory_space<vmem>>, vector<16xf32>,
          %mul3A_671 = arith.mulf %gather3A_667, %get3A_670 : vector<16xf32>
          %swap3A_672 = arith.index_cast %add3A_662 : i32 to index
          %swap3A_673 = arith.constant 0 : index
          %swap3A_674 = tpu.vector_load %arg21[%swap3A_672, %swap3A_673] {strides = array<i32>} : memref<80x80xf32, #tpu.memory_space<vmem>>, vector<16xf32>,
          tpu.vector_store %arg21[%swap3A_672, %swap3A_673], %mul3A_671 {strides = array<i32>} : memref<80x80xf32, #tpu.memory_space<vmem>>, vector<16xf32>,
          %get3A_675 = arith.index_cast %add3A_662 : i32 to index
          %get3A_676 = arith.constant 80 : index
          %get3A_677 = tpu.vector_load %arg19[%get3A_675, %get3A_676] {strides = array<i32>} : memref<80x128xf32, #tpu.memory_space<vmem>>, vector<16xf32>,
          %mul3A_678 = arith.mulf %gather3A_667, %get3A_677 : vector<16xf32>
          %swap3A_679 = arith.index_cast %add3A_662 : i32 to index
          %swap3A_680 = arith.constant 16 : index
          %swap3A_681 = tpu.vector_load %arg21[%swap3A_679, %swap3A_680] {strides = array<i32>} : memref<80x80xf32, #tpu.memory_space<vmem>>, vector<16xf32>,
          tpu.vector_store %arg21[%swap3A_679, %swap3A_680], %mul3A_678 {strides = array<i32>} : memref<80x80xf32, #tpu.memory_space<vmem>>, vector<16xf32>,
          %get3A_682 = arith.index_cast %add3A_662 : i32 to index
          %get3A_683 = arith.constant 96 : index
          %get3A_684 = tpu.vector_load %arg19[%get3A_682, %get3A_683] {strides = array<i32>} : memref<80x128xf32, #tpu.memory_space<vmem>>, vector<16xf32>,
          %mul3A_685 = arith.mulf %gather3A_667, %get3A_684 : vector<16xf32>
          %swap3A_686 = arith.index_cast %add3A_662 : i32 to index
          %swap3A_687 = arith.constant 32 : index
          %swap3A_688 = tpu.vector_load %arg21[%swap3A_686, %swap3A_687] {strides = array<i32>} : memref<80x80xf32, #tpu.memory_space<vmem>>, vector<16xf32>,
          tpu.vector_store %arg21[%swap3A_686, %swap3A_687], %mul3A_685 {strides = array<i32>} : memref<80x80xf32, #tpu.memory_space<vmem>>, vector<16xf32>,
          %get3A_689 = arith.index_cast %add3A_662 : i32 to index
          %get3A_690 = arith.constant 112 : index
          %get3A_691 = tpu.vector_load %arg19[%get3A_689, %get3A_690] {strides = array<i32>} : memref<80x128xf32, #tpu.memory_space<vmem>>, vector<16xf32>,
          %mul3A_692 = arith.mulf %gather3A_667, %get3A_691 : vector<16xf32>
          %swap3A_693 = arith.index_cast %add3A_662 : i32 to index
          %swap3A_694 = arith.constant 48 : index
          %swap3A_695 = tpu.vector_load %arg21[%swap3A_693, %swap3A_694] {strides = array<i32>} : memref<80x80xf32, #tpu.memory_space<vmem>>, vector<16xf32>,
          tpu.vector_store %arg21[%swap3A_693, %swap3A_694], %mul3A_692 {strides = array<i32>} : memref<80x80xf32, #tpu.memory_space<vmem>>, vector<16xf32>,
          %add3A_696 = arith.constant 10 : i32
          %add3A_697 = arith.addi %mul3A_347, %add3A_696 : i32
          %broadcast_in_dim3A_698 = arith.constant 10 : i32
          %broadcast_in_dim3A_699 = vector.broadcast %broadcast_in_dim3A_698 : i32 to vector<16xi32>
          %add3A_700 = vector.broadcast %mul3A_347 : i32 to vector<16xi32>
          %add3A_701 = arith.addi %broadcast_in_dim3A_699, %add3A_700 : vector<16xi32>
          %gather3A_702 = tpu.vector_load_idx %arg25[%add3A_701] : memref<80xf32, #tpu.memory_space<vmem>>[vector<16xi32>], vector<16xf32>,
          %get3A_703 = arith.index_cast %add3A_697 : i32 to index
          %get3A_704 = arith.constant 64 : index
          %get3A_705 = tpu.vector_load %arg19[%get3A_703, %get3A_704] {strides = array<i32>} : memref<80x128xf32, #tpu.memory_space<vmem>>, vector<16xf32>,
          %mul3A_706 = arith.mulf %gather3A_702, %get3A_705 : vector<16xf32>
          %swap3A_707 = arith.index_cast %add3A_697 : i32 to index
          %swap3A_708 = arith.constant 0 : index
          %swap3A_709 = tpu.vector_load %arg21[%swap3A_707, %swap3A_708] {strides = array<i32>} : memref<80x80xf32, #tpu.memory_space<vmem>>, vector<16xf32>,
          tpu.vector_store %arg21[%swap3A_707, %swap3A_708], %mul3A_706 {strides = array<i32>} : memref<80x80xf32, #tpu.memory_space<vmem>>, vector<16xf32>,
          %get3A_710 = arith.index_cast %add3A_697 : i32 to index
          %get3A_711 = arith.constant 80 : index
          %get3A_712 = tpu.vector_load %arg19[%get3A_710, %get3A_711] {strides = array<i32>} : memref<80x128xf32, #tpu.memory_space<vmem>>, vector<16xf32>,
          %mul3A_713 = arith.mulf %gather3A_702, %get3A_712 : vector<16xf32>
          %swap3A_714 = arith.index_cast %add3A_697 : i32 to index
          %swap3A_715 = arith.constant 16 : index
          %swap3A_716 = tpu.vector_load %arg21[%swap3A_714, %swap3A_715] {strides = array<i32>} : memref<80x80xf32, #tpu.memory_space<vmem>>, vector<16xf32>,
          tpu.vector_store %arg21[%swap3A_714, %swap3A_715], %mul3A_713 {strides = array<i32>} : memref<80x80xf32, #tpu.memory_space<vmem>>, vector<16xf32>,
          %get3A_717 = arith.index_cast %add3A_697 : i32 to index
          %get3A_718 = arith.constant 96 : index
          %get3A_719 = tpu.vector_load %arg19[%get3A_717, %get3A_718] {strides = array<i32>} : memref<80x128xf32, #tpu.memory_space<vmem>>, vector<16xf32>,
          %mul3A_720 = arith.mulf %gather3A_702, %get3A_719 : vector<16xf32>
          %swap3A_721 = arith.index_cast %add3A_697 : i32 to index
          %swap3A_722 = arith.constant 32 : index
          %swap3A_723 = tpu.vector_load %arg21[%swap3A_721, %swap3A_722] {strides = array<i32>} : memref<80x80xf32, #tpu.memory_space<vmem>>, vector<16xf32>,
          tpu.vector_store %arg21[%swap3A_721, %swap3A_722], %mul3A_720 {strides = array<i32>} : memref<80x80xf32, #tpu.memory_space<vmem>>, vector<16xf32>,
          %get3A_724 = arith.index_cast %add3A_697 : i32 to index
          %get3A_725 = arith.constant 112 : index
          %get3A_726 = tpu.vector_load %arg19[%get3A_724, %get3A_725] {strides = array<i32>} : memref<80x128xf32, #tpu.memory_space<vmem>>, vector<16xf32>,
          %mul3A_727 = arith.mulf %gather3A_702, %get3A_726 : vector<16xf32>
          %swap3A_728 = arith.index_cast %add3A_697 : i32 to index
          %swap3A_729 = arith.constant 48 : index
          %swap3A_730 = tpu.vector_load %arg21[%swap3A_728, %swap3A_729] {strides = array<i32>} : memref<80x80xf32, #tpu.memory_space<vmem>>, vector<16xf32>,
          tpu.vector_store %arg21[%swap3A_728, %swap3A_729], %mul3A_727 {strides = array<i32>} : memref<80x80xf32, #tpu.memory_space<vmem>>, vector<16xf32>,
          %add3A_731 = arith.constant 11 : i32
          %add3A_732 = arith.addi %mul3A_347, %add3A_731 : i32
          %broadcast_in_dim3A_733 = arith.constant 11 : i32
          %broadcast_in_dim3A_734 = vector.broadcast %broadcast_in_dim3A_733 : i32 to vector<16xi32>
          %add3A_735 = vector.broadcast %mul3A_347 : i32 to vector<16xi32>
          %add3A_736 = arith.addi %broadcast_in_dim3A_734, %add3A_735 : vector<16xi32>
          %gather3A_737 = tpu.vector_load_idx %arg25[%add3A_736] : memref<80xf32, #tpu.memory_space<vmem>>[vector<16xi32>], vector<16xf32>,
          %get3A_738 = arith.index_cast %add3A_732 : i32 to index
          %get3A_739 = arith.constant 64 : index
          %get3A_740 = tpu.vector_load %arg19[%get3A_738, %get3A_739] {strides = array<i32>} : memref<80x128xf32, #tpu.memory_space<vmem>>, vector<16xf32>,
          %mul3A_741 = arith.mulf %gather3A_737, %get3A_740 : vector<16xf32>
          %swap3A_742 = arith.index_cast %add3A_732 : i32 to index
          %swap3A_743 = arith.constant 0 : index
          %swap3A_744 = tpu.vector_load %arg21[%swap3A_742, %swap3A_743] {strides = array<i32>} : memref<80x80xf32, #tpu.memory_space<vmem>>, vector<16xf32>,
          tpu.vector_store %arg21[%swap3A_742, %swap3A_743], %mul3A_741 {strides = array<i32>} : memref<80x80xf32, #tpu.memory_space<vmem>>, vector<16xf32>,
          %get3A_745 = arith.index_cast %add3A_732 : i32 to index
          %get3A_746 = arith.constant 80 : index
          %get3A_747 = tpu.vector_load %arg19[%get3A_745, %get3A_746] {strides = array<i32>} : memref<80x128xf32, #tpu.memory_space<vmem>>, vector<16xf32>,
          %mul3A_748 = arith.mulf %gather3A_737, %get3A_747 : vector<16xf32>
          %swap3A_749 = arith.index_cast %add3A_732 : i32 to index
          %swap3A_750 = arith.constant 16 : index
          %swap3A_751 = tpu.vector_load %arg21[%swap3A_749, %swap3A_750] {strides = array<i32>} : memref<80x80xf32, #tpu.memory_space<vmem>>, vector<16xf32>,
          tpu.vector_store %arg21[%swap3A_749, %swap3A_750], %mul3A_748 {strides = array<i32>} : memref<80x80xf32, #tpu.memory_space<vmem>>, vector<16xf32>,
          %get3A_752 = arith.index_cast %add3A_732 : i32 to index
          %get3A_753 = arith.constant 96 : index
          %get3A_754 = tpu.vector_load %arg19[%get3A_752, %get3A_753] {strides = array<i32>} : memref<80x128xf32, #tpu.memory_space<vmem>>, vector<16xf32>,
          %mul3A_755 = arith.mulf %gather3A_737, %get3A_754 : vector<16xf32>
          %swap3A_756 = arith.index_cast %add3A_732 : i32 to index
          %swap3A_757 = arith.constant 32 : index
          %swap3A_758 = tpu.vector_load %arg21[%swap3A_756, %swap3A_757] {strides = array<i32>} : memref<80x80xf32, #tpu.memory_space<vmem>>, vector<16xf32>,
          tpu.vector_store %arg21[%swap3A_756, %swap3A_757], %mul3A_755 {strides = array<i32>} : memref<80x80xf32, #tpu.memory_space<vmem>>, vector<16xf32>,
          %get3A_759 = arith.index_cast %add3A_732 : i32 to index
          %get3A_760 = arith.constant 112 : index
          %get3A_761 = tpu.vector_load %arg19[%get3A_759, %get3A_760] {strides = array<i32>} : memref<80x128xf32, #tpu.memory_space<vmem>>, vector<16xf32>,
          %mul3A_762 = arith.mulf %gather3A_737, %get3A_761 : vector<16xf32>
          %swap3A_763 = arith.index_cast %add3A_732 : i32 to index
          %swap3A_764 = arith.constant 48 : index
          %swap3A_765 = tpu.vector_load %arg21[%swap3A_763, %swap3A_764] {strides = array<i32>} : memref<80x80xf32, #tpu.memory_space<vmem>>, vector<16xf32>,
          tpu.vector_store %arg21[%swap3A_763, %swap3A_764], %mul3A_762 {strides = array<i32>} : memref<80x80xf32, #tpu.memory_space<vmem>>, vector<16xf32>,
          %add3A_766 = arith.constant 12 : i32
          %add3A_767 = arith.addi %mul3A_347, %add3A_766 : i32
          %broadcast_in_dim3A_768 = arith.constant 12 : i32
          %broadcast_in_dim3A_769 = vector.broadcast %broadcast_in_dim3A_768 : i32 to vector<16xi32>
          %add3A_770 = vector.broadcast %mul3A_347 : i32 to vector<16xi32>
          %add3A_771 = arith.addi %broadcast_in_dim3A_769, %add3A_770 : vector<16xi32>
          %gather3A_772 = tpu.vector_load_idx %arg25[%add3A_771] : memref<80xf32, #tpu.memory_space<vmem>>[vector<16xi32>], vector<16xf32>,
          %get3A_773 = arith.index_cast %add3A_767 : i32 to index
          %get3A_774 = arith.constant 64 : index
          %get3A_775 = tpu.vector_load %arg19[%get3A_773, %get3A_774] {strides = array<i32>} : memref<80x128xf32, #tpu.memory_space<vmem>>, vector<16xf32>,
          %mul3A_776 = arith.mulf %gather3A_772, %get3A_775 : vector<16xf32>
          %swap3A_777 = arith.index_cast %add3A_767 : i32 to index
          %swap3A_778 = arith.constant 0 : index
          %swap3A_779 = tpu.vector_load %arg21[%swap3A_777, %swap3A_778] {strides = array<i32>} : memref<80x80xf32, #tpu.memory_space<vmem>>, vector<16xf32>,
          tpu.vector_store %arg21[%swap3A_777, %swap3A_778], %mul3A_776 {strides = array<i32>} : memref<80x80xf32, #tpu.memory_space<vmem>>, vector<16xf32>,
          %get3A_780 = arith.index_cast %add3A_767 : i32 to index
          %get3A_781 = arith.constant 80 : index
          %get3A_782 = tpu.vector_load %arg19[%get3A_780, %get3A_781] {strides = array<i32>} : memref<80x128xf32, #tpu.memory_space<vmem>>, vector<16xf32>,
          %mul3A_783 = arith.mulf %gather3A_772, %get3A_782 : vector<16xf32>
          %swap3A_784 = arith.index_cast %add3A_767 : i32 to index
          %swap3A_785 = arith.constant 16 : index
          %swap3A_786 = tpu.vector_load %arg21[%swap3A_784, %swap3A_785] {strides = array<i32>} : memref<80x80xf32, #tpu.memory_space<vmem>>, vector<16xf32>,
          tpu.vector_store %arg21[%swap3A_784, %swap3A_785], %mul3A_783 {strides = array<i32>} : memref<80x80xf32, #tpu.memory_space<vmem>>, vector<16xf32>,
          %get3A_787 = arith.index_cast %add3A_767 : i32 to index
          %get3A_788 = arith.constant 96 : index
          %get3A_789 = tpu.vector_load %arg19[%get3A_787, %get3A_788] {strides = array<i32>} : memref<80x128xf32, #tpu.memory_space<vmem>>, vector<16xf32>,
          %mul3A_790 = arith.mulf %gather3A_772, %get3A_789 : vector<16xf32>
          %swap3A_791 = arith.index_cast %add3A_767 : i32 to index
          %swap3A_792 = arith.constant 32 : index
          %swap3A_793 = tpu.vector_load %arg21[%swap3A_791, %swap3A_792] {strides = array<i32>} : memref<80x80xf32, #tpu.memory_space<vmem>>, vector<16xf32>,
          tpu.vector_store %arg21[%swap3A_791, %swap3A_792], %mul3A_790 {strides = array<i32>} : memref<80x80xf32, #tpu.memory_space<vmem>>, vector<16xf32>,
          %get3A_794 = arith.index_cast %add3A_767 : i32 to index
          %get3A_795 = arith.constant 112 : index
          %get3A_796 = tpu.vector_load %arg19[%get3A_794, %get3A_795] {strides = array<i32>} : memref<80x128xf32, #tpu.memory_space<vmem>>, vector<16xf32>,
          %mul3A_797 = arith.mulf %gather3A_772, %get3A_796 : vector<16xf32>
          %swap3A_798 = arith.index_cast %add3A_767 : i32 to index
          %swap3A_799 = arith.constant 48 : index
          %swap3A_800 = tpu.vector_load %arg21[%swap3A_798, %swap3A_799] {strides = array<i32>} : memref<80x80xf32, #tpu.memory_space<vmem>>, vector<16xf32>,
          tpu.vector_store %arg21[%swap3A_798, %swap3A_799], %mul3A_797 {strides = array<i32>} : memref<80x80xf32, #tpu.memory_space<vmem>>, vector<16xf32>,
          %add3A_801 = arith.constant 13 : i32
          %add3A_802 = arith.addi %mul3A_347, %add3A_801 : i32
          %broadcast_in_dim3A_803 = arith.constant 13 : i32
          %broadcast_in_dim3A_804 = vector.broadcast %broadcast_in_dim3A_803 : i32 to vector<16xi32>
          %add3A_805 = vector.broadcast %mul3A_347 : i32 to vector<16xi32>
          %add3A_806 = arith.addi %broadcast_in_dim3A_804, %add3A_805 : vector<16xi32>
          %gather3A_807 = tpu.vector_load_idx %arg25[%add3A_806] : memref<80xf32, #tpu.memory_space<vmem>>[vector<16xi32>], vector<16xf32>,
          %get3A_808 = arith.index_cast %add3A_802 : i32 to index
          %get3A_809 = arith.constant 64 : index
          %get3A_810 = tpu.vector_load %arg19[%get3A_808, %get3A_809] {strides = array<i32>} : memref<80x128xf32, #tpu.memory_space<vmem>>, vector<16xf32>,
          %mul3A_811 = arith.mulf %gather3A_807, %get3A_810 : vector<16xf32>
          %swap3A_812 = arith.index_cast %add3A_802 : i32 to index
          %swap3A_813 = arith.constant 0 : index
          %swap3A_814 = tpu.vector_load %arg21[%swap3A_812, %swap3A_813] {strides = array<i32>} : memref<80x80xf32, #tpu.memory_space<vmem>>, vector<16xf32>,
          tpu.vector_store %arg21[%swap3A_812, %swap3A_813], %mul3A_811 {strides = array<i32>} : memref<80x80xf32, #tpu.memory_space<vmem>>, vector<16xf32>,
          %get3A_815 = arith.index_cast %add3A_802 : i32 to index
          %get3A_816 = arith.constant 80 : index
          %get3A_817 = tpu.vector_load %arg19[%get3A_815, %get3A_816] {strides = array<i32>} : memref<80x128xf32, #tpu.memory_space<vmem>>, vector<16xf32>,
          %mul3A_818 = arith.mulf %gather3A_807, %get3A_817 : vector<16xf32>
          %swap3A_819 = arith.index_cast %add3A_802 : i32 to index
          %swap3A_820 = arith.constant 16 : index
          %swap3A_821 = tpu.vector_load %arg21[%swap3A_819, %swap3A_820] {strides = array<i32>} : memref<80x80xf32, #tpu.memory_space<vmem>>, vector<16xf32>,
          tpu.vector_store %arg21[%swap3A_819, %swap3A_820], %mul3A_818 {strides = array<i32>} : memref<80x80xf32, #tpu.memory_space<vmem>>, vector<16xf32>,
          %get3A_822 = arith.index_cast %add3A_802 : i32 to index
          %get3A_823 = arith.constant 96 : index
          %get3A_824 = tpu.vector_load %arg19[%get3A_822, %get3A_823] {strides = array<i32>} : memref<80x128xf32, #tpu.memory_space<vmem>>, vector<16xf32>,
          %mul3A_825 = arith.mulf %gather3A_807, %get3A_824 : vector<16xf32>
          %swap3A_826 = arith.index_cast %add3A_802 : i32 to index
          %swap3A_827 = arith.constant 32 : index
          %swap3A_828 = tpu.vector_load %arg21[%swap3A_826, %swap3A_827] {strides = array<i32>} : memref<80x80xf32, #tpu.memory_space<vmem>>, vector<16xf32>,
          tpu.vector_store %arg21[%swap3A_826, %swap3A_827], %mul3A_825 {strides = array<i32>} : memref<80x80xf32, #tpu.memory_space<vmem>>, vector<16xf32>,
          %get3A_829 = arith.index_cast %add3A_802 : i32 to index
          %get3A_830 = arith.constant 112 : index
          %get3A_831 = tpu.vector_load %arg19[%get3A_829, %get3A_830] {strides = array<i32>} : memref<80x128xf32, #tpu.memory_space<vmem>>, vector<16xf32>,
          %mul3A_832 = arith.mulf %gather3A_807, %get3A_831 : vector<16xf32>
          %swap3A_833 = arith.index_cast %add3A_802 : i32 to index
          %swap3A_834 = arith.constant 48 : index
          %swap3A_835 = tpu.vector_load %arg21[%swap3A_833, %swap3A_834] {strides = array<i32>} : memref<80x80xf32, #tpu.memory_space<vmem>>, vector<16xf32>,
          tpu.vector_store %arg21[%swap3A_833, %swap3A_834], %mul3A_832 {strides = array<i32>} : memref<80x80xf32, #tpu.memory_space<vmem>>, vector<16xf32>,
          %add3A_836 = arith.constant 14 : i32
          %add3A_837 = arith.addi %mul3A_347, %add3A_836 : i32
          %broadcast_in_dim3A_838 = arith.constant 14 : i32
          %broadcast_in_dim3A_839 = vector.broadcast %broadcast_in_dim3A_838 : i32 to vector<16xi32>
          %add3A_840 = vector.broadcast %mul3A_347 : i32 to vector<16xi32>
          %add3A_841 = arith.addi %broadcast_in_dim3A_839, %add3A_840 : vector<16xi32>
          %gather3A_842 = tpu.vector_load_idx %arg25[%add3A_841] : memref<80xf32, #tpu.memory_space<vmem>>[vector<16xi32>], vector<16xf32>,
          %get3A_843 = arith.index_cast %add3A_837 : i32 to index
          %get3A_844 = arith.constant 64 : index
          %get3A_845 = tpu.vector_load %arg19[%get3A_843, %get3A_844] {strides = array<i32>} : memref<80x128xf32, #tpu.memory_space<vmem>>, vector<16xf32>,
          %mul3A_846 = arith.mulf %gather3A_842, %get3A_845 : vector<16xf32>
          %swap3A_847 = arith.index_cast %add3A_837 : i32 to index
          %swap3A_848 = arith.constant 0 : index
          %swap3A_849 = tpu.vector_load %arg21[%swap3A_847, %swap3A_848] {strides = array<i32>} : memref<80x80xf32, #tpu.memory_space<vmem>>, vector<16xf32>,
          tpu.vector_store %arg21[%swap3A_847, %swap3A_848], %mul3A_846 {strides = array<i32>} : memref<80x80xf32, #tpu.memory_space<vmem>>, vector<16xf32>,
          %get3A_850 = arith.index_cast %add3A_837 : i32 to index
          %get3A_851 = arith.constant 80 : index
          %get3A_852 = tpu.vector_load %arg19[%get3A_850, %get3A_851] {strides = array<i32>} : memref<80x128xf32, #tpu.memory_space<vmem>>, vector<16xf32>,
          %mul3A_853 = arith.mulf %gather3A_842, %get3A_852 : vector<16xf32>
          %swap3A_854 = arith.index_cast %add3A_837 : i32 to index
          %swap3A_855 = arith.constant 16 : index
          %swap3A_856 = tpu.vector_load %arg21[%swap3A_854, %swap3A_855] {strides = array<i32>} : memref<80x80xf32, #tpu.memory_space<vmem>>, vector<16xf32>,
          tpu.vector_store %arg21[%swap3A_854, %swap3A_855], %mul3A_853 {strides = array<i32>} : memref<80x80xf32, #tpu.memory_space<vmem>>, vector<16xf32>,
          %get3A_857 = arith.index_cast %add3A_837 : i32 to index
          %get3A_858 = arith.constant 96 : index
          %get3A_859 = tpu.vector_load %arg19[%get3A_857, %get3A_858] {strides = array<i32>} : memref<80x128xf32, #tpu.memory_space<vmem>>, vector<16xf32>,
          %mul3A_860 = arith.mulf %gather3A_842, %get3A_859 : vector<16xf32>
          %swap3A_861 = arith.index_cast %add3A_837 : i32 to index
          %swap3A_862 = arith.constant 32 : index
          %swap3A_863 = tpu.vector_load %arg21[%swap3A_861, %swap3A_862] {strides = array<i32>} : memref<80x80xf32, #tpu.memory_space<vmem>>, vector<16xf32>,
          tpu.vector_store %arg21[%swap3A_861, %swap3A_862], %mul3A_860 {strides = array<i32>} : memref<80x80xf32, #tpu.memory_space<vmem>>, vector<16xf32>,
          %get3A_864 = arith.index_cast %add3A_837 : i32 to index
          %get3A_865 = arith.constant 112 : index
          %get3A_866 = tpu.vector_load %arg19[%get3A_864, %get3A_865] {strides = array<i32>} : memref<80x128xf32, #tpu.memory_space<vmem>>, vector<16xf32>,
          %mul3A_867 = arith.mulf %gather3A_842, %get3A_866 : vector<16xf32>
          %swap3A_868 = arith.index_cast %add3A_837 : i32 to index
          %swap3A_869 = arith.constant 48 : index
          %swap3A_870 = tpu.vector_load %arg21[%swap3A_868, %swap3A_869] {strides = array<i32>} : memref<80x80xf32, #tpu.memory_space<vmem>>, vector<16xf32>,
          tpu.vector_store %arg21[%swap3A_868, %swap3A_869], %mul3A_867 {strides = array<i32>} : memref<80x80xf32, #tpu.memory_space<vmem>>, vector<16xf32>,
          %add3A_871 = arith.constant 15 : i32
          %add3A_872 = arith.addi %mul3A_347, %add3A_871 : i32
          %broadcast_in_dim3A_873 = arith.constant 15 : i32
          %broadcast_in_dim3A_874 = vector.broadcast %broadcast_in_dim3A_873 : i32 to vector<16xi32>
          %add3A_875 = vector.broadcast %mul3A_347 : i32 to vector<16xi32>
          %add3A_876 = arith.addi %broadcast_in_dim3A_874, %add3A_875 : vector<16xi32>
          %gather3A_877 = tpu.vector_load_idx %arg25[%add3A_876] : memref<80xf32, #tpu.memory_space<vmem>>[vector<16xi32>], vector<16xf32>,
          %get3A_878 = arith.index_cast %add3A_872 : i32 to index
          %get3A_879 = arith.constant 64 : index
          %get3A_880 = tpu.vector_load %arg19[%get3A_878, %get3A_879] {strides = array<i32>} : memref<80x128xf32, #tpu.memory_space<vmem>>, vector<16xf32>,
          %mul3A_881 = arith.mulf %gather3A_877, %get3A_880 : vector<16xf32>
          %swap3A_882 = arith.index_cast %add3A_872 : i32 to index
          %swap3A_883 = arith.constant 0 : index
          %swap3A_884 = tpu.vector_load %arg21[%swap3A_882, %swap3A_883] {strides = array<i32>} : memref<80x80xf32, #tpu.memory_space<vmem>>, vector<16xf32>,
          tpu.vector_store %arg21[%swap3A_882, %swap3A_883], %mul3A_881 {strides = array<i32>} : memref<80x80xf32, #tpu.memory_space<vmem>>, vector<16xf32>,
          %get3A_885 = arith.index_cast %add3A_872 : i32 to index
          %get3A_886 = arith.constant 80 : index
          %get3A_887 = tpu.vector_load %arg19[%get3A_885, %get3A_886] {strides = array<i32>} : memref<80x128xf32, #tpu.memory_space<vmem>>, vector<16xf32>,
          %mul3A_888 = arith.mulf %gather3A_877, %get3A_887 : vector<16xf32>
          %swap3A_889 = arith.index_cast %add3A_872 : i32 to index
          %swap3A_890 = arith.constant 16 : index
          %swap3A_891 = tpu.vector_load %arg21[%swap3A_889, %swap3A_890] {strides = array<i32>} : memref<80x80xf32, #tpu.memory_space<vmem>>, vector<16xf32>,
          tpu.vector_store %arg21[%swap3A_889, %swap3A_890], %mul3A_888 {strides = array<i32>} : memref<80x80xf32, #tpu.memory_space<vmem>>, vector<16xf32>,
          %get3A_892 = arith.index_cast %add3A_872 : i32 to index
          %get3A_893 = arith.constant 96 : index
          %get3A_894 = tpu.vector_load %arg19[%get3A_892, %get3A_893] {strides = array<i32>} : memref<80x128xf32, #tpu.memory_space<vmem>>, vector<16xf32>,
          %mul3A_895 = arith.mulf %gather3A_877, %get3A_894 : vector<16xf32>
          %swap3A_896 = arith.index_cast %add3A_872 : i32 to index
          %swap3A_897 = arith.constant 32 : index
          %swap3A_898 = tpu.vector_load %arg21[%swap3A_896, %swap3A_897] {strides = array<i32>} : memref<80x80xf32, #tpu.memory_space<vmem>>, vector<16xf32>,
          tpu.vector_store %arg21[%swap3A_896, %swap3A_897], %mul3A_895 {strides = array<i32>} : memref<80x80xf32, #tpu.memory_space<vmem>>, vector<16xf32>,
          %get3A_899 = arith.index_cast %add3A_872 : i32 to index
          %get3A_900 = arith.constant 112 : index
          %get3A_901 = tpu.vector_load %arg19[%get3A_899, %get3A_900] {strides = array<i32>} : memref<80x128xf32, #tpu.memory_space<vmem>>, vector<16xf32>,
          %mul3A_902 = arith.mulf %gather3A_877, %get3A_901 : vector<16xf32>
          %swap3A_903 = arith.index_cast %add3A_872 : i32 to index
          %swap3A_904 = arith.constant 48 : index
          %swap3A_905 = tpu.vector_load %arg21[%swap3A_903, %swap3A_904] {strides = array<i32>} : memref<80x80xf32, #tpu.memory_space<vmem>>, vector<16xf32>,
          tpu.vector_store %arg21[%swap3A_903, %swap3A_904], %mul3A_902 {strides = array<i32>} : memref<80x80xf32, #tpu.memory_space<vmem>>, vector<16xf32>,
        }
        %scan3A_268 = arith.constant 5 : i32
        %dma_start3A_269 = arith.constant 0 : i32
        %dma_start3A_270 = arith.constant 0 : i32
        %dma_start3A_271 = tpu.memref_slice %arg26[%dma_start3A_269, %dma_start3A_270] : memref<10000x80xf32, #tpu.memory_space<vmem_shared>> -> memref<10000x80xf32, #tpu.memory_space<vmem_shared>>
        tpu.enqueue_indirect_dma source(%arg21 : memref<80x80xf32, #tpu.memory_space<vmem>>) target(%dma_start3A_271 : memref<10000x80xf32, #tpu.memory_space<vmem_shared>>) offsets(%arg15 : memref<80xi32, #tpu.memory_space<vmem>>) semaphore(%arg31 : memref<!tpu.dma_semaphore, #tpu.memory_space<semaphore_mem>>) {add = true}
        %le3A_272 = arith.constant 247 : i32
        %le3A_273 = arith.cmpi sle, %mul3A_215, %le3A_272 : i32
        %convert_element_type3A_274 = arith.extui %le3A_273 : i1 to i32
        %cond3A_275 = arith.constant 0 : i32
        %cond3A_276 = arith.cmpi ne, %convert_element_type3A_274, %cond3A_275 : i32
        scf.if %cond3A_276 {
          %add3A_345 = arith.constant 2 : i32
          %add3A_346 = arith.addi %mul3A_215, %add3A_345 : i32
          %mul3A_347 = arith.constant 80 : i32
          %mul3A_348 = arith.muli %add3A_346, %mul3A_347 : i32
          %add3A_349 = arith.addi %mul3A_0, %mul3A_348 : i32
          %dma_start3A_350 = tpu.memref_slice %arg2[%add3A_349] : memref<320000xi32, #tpu.memory_space<hbm>> -> memref<80xi32, #tpu.memory_space<hbm>>
          %dma_start3A_351 = tpu.memref_slice %arg2[%add3A_349] : memref<320000xi32, #tpu.memory_space<hbm>> -> memref<80xi32, #tpu.memory_space<hbm>>
          tpu.enqueue_dma source(%dma_start3A_351 : memref<80xi32, #tpu.memory_space<hbm>>) target(%arg7 : memref<80xi32, #tpu.memory_space<vmem>>) target_semaphore(%arg27 : memref<!tpu.dma_semaphore, #tpu.memory_space<semaphore_mem>>)
          %dma_start3A_352 = tpu.memref_slice %arg3[%add3A_349] : memref<320000xi32, #tpu.memory_space<hbm>> -> memref<80xi32, #tpu.memory_space<hbm>>
          %dma_start3A_353 = tpu.memref_slice %arg3[%add3A_349] : memref<320000xi32, #tpu.memory_space<hbm>> -> memref<80xi32, #tpu.memory_space<hbm>>
          tpu.enqueue_dma source(%dma_start3A_353 : memref<80xi32, #tpu.memory_space<hbm>>) target(%arg9 : memref<80xi32, #tpu.memory_space<vmem>>) target_semaphore(%arg27 : memref<!tpu.dma_semaphore, #tpu.memory_space<semaphore_mem>>)
        } else {
        }
        %add3A_277 = arith.constant 1 : i32
        %add3A_278 = arith.addi %mul3A_215, %add3A_277 : i32
        %le3A_279 = arith.constant 248 : i32
        %le3A_280 = arith.cmpi sle, %add3A_278, %le3A_279 : i32
        %convert_element_type3A_281 = arith.extui %le3A_280 : i1 to i32
        %cond3A_282 = arith.constant 0 : i32
        %cond3A_283 = arith.cmpi ne, %convert_element_type3A_281, %cond3A_282 : i32
        scf.if %cond3A_283 {
          %dma_wait3A_345 = arith.constant 0 : i32
          %dma_wait3A_346 = tpu.memref_slice %arg2[%dma_wait3A_345] : memref<320000xi32, #tpu.memory_space<hbm>> -> memref<80xi32, #tpu.memory_space<hbm>>
          %dma_wait3A_347 = arith.constant 0 : i32
          %dma_wait3A_348 = tpu.memref_slice %arg2[%dma_wait3A_347] : memref<320000xi32, #tpu.memory_space<hbm>> -> memref<80xi32, #tpu.memory_space<hbm>>
          tpu.wait_dma2 semaphore(%arg27 : memref<!tpu.dma_semaphore, #tpu.memory_space<semaphore_mem>>) src(%dma_wait3A_348 : memref<80xi32, #tpu.memory_space<hbm>>) dst(%arg7 : memref<80xi32, #tpu.memory_space<vmem>>)
          %dma_wait3A_349 = arith.constant 0 : i32
          %dma_wait3A_350 = tpu.memref_slice %arg3[%dma_wait3A_349] : memref<320000xi32, #tpu.memory_space<hbm>> -> memref<80xi32, #tpu.memory_space<hbm>>
          %dma_wait3A_351 = arith.constant 0 : i32
          %dma_wait3A_352 = tpu.memref_slice %arg3[%dma_wait3A_351] : memref<320000xi32, #tpu.memory_space<hbm>> -> memref<80xi32, #tpu.memory_space<hbm>>
          tpu.wait_dma2 semaphore(%arg27 : memref<!tpu.dma_semaphore, #tpu.memory_space<semaphore_mem>>) src(%dma_wait3A_352 : memref<80xi32, #tpu.memory_space<hbm>>) dst(%arg9 : memref<80xi32, #tpu.memory_space<vmem>>)
          %get3A_353 = arith.constant 0 : index
          %get3A_354 = tpu.vector_load %arg7[%get3A_353] {strides = array<i32>} : memref<80xi32, #tpu.memory_space<vmem>>, vector<16xi32>,
          %mul3A_355 = arith.constant 8 : i32
          %mul3A_356 = vector.broadcast %mul3A_355 : i32 to vector<16xi32>
          %mul3A_357 = arith.muli %get3A_354, %mul3A_356 : vector<16xi32>
          %add3A_358 = vector.broadcast %add3A : i32 to vector<16xi32>
          %add3A_359 = arith.addi %mul3A_357, %add3A_358 : vector<16xi32>
          %swap3A_360 = arith.constant 0 : index
          %swap3A_361 = tpu.vector_load %arg11[%swap3A_360] {strides = array<i32>} : memref<80xi32, #tpu.memory_space<vmem>>, vector<16xi32>,
          tpu.vector_store %arg11[%swap3A_360], %add3A_359 {strides = array<i32>} : memref<80xi32, #tpu.memory_space<vmem>>, vector<16xi32>,
          %get3A_362 = arith.constant 0 : index
          %get3A_363 = tpu.vector_load %arg9[%get3A_362] {strides = array<i32>} : memref<80xi32, #tpu.memory_space<vmem>>, vector<16xi32>,
          %mul3A_364 = arith.constant 8 : i32
          %mul3A_365 = vector.broadcast %mul3A_364 : i32 to vector<16xi32>
          %mul3A_366 = arith.muli %get3A_363, %mul3A_365 : vector<16xi32>
          %add3A_367 = vector.broadcast %add3A : i32 to vector<16xi32>
          %add3A_368 = arith.addi %mul3A_366, %add3A_367 : vector<16xi32>
          %swap3A_369 = arith.constant 0 : index
          %swap3A_370 = tpu.vector_load %arg13[%swap3A_369] {strides = array<i32>} : memref<80xi32, #tpu.memory_space<vmem>>, vector<16xi32>,
          tpu.vector_store %arg13[%swap3A_369], %add3A_368 {strides = array<i32>} : memref<80xi32, #tpu.memory_space<vmem>>, vector<16xi32>,
          %get3A_371 = arith.constant 16 : index
          %get3A_372 = tpu.vector_load %arg7[%get3A_371] {strides = array<i32>} : memref<80xi32, #tpu.memory_space<vmem>>, vector<16xi32>,
          %mul3A_373 = arith.constant 8 : i32
          %mul3A_374 = vector.broadcast %mul3A_373 : i32 to vector<16xi32>
          %mul3A_375 = arith.muli %get3A_372, %mul3A_374 : vector<16xi32>
          %add3A_376 = vector.broadcast %add3A : i32 to vector<16xi32>
          %add3A_377 = arith.addi %mul3A_375, %add3A_376 : vector<16xi32>
          %swap3A_378 = arith.constant 16 : index
          %swap3A_379 = tpu.vector_load %arg11[%swap3A_378] {strides = array<i32>} : memref<80xi32, #tpu.memory_space<vmem>>, vector<16xi32>,
          tpu.vector_store %arg11[%swap3A_378], %add3A_377 {strides = array<i32>} : memref<80xi32, #tpu.memory_space<vmem>>, vector<16xi32>,
          %get3A_380 = arith.constant 16 : index
          %get3A_381 = tpu.vector_load %arg9[%get3A_380] {strides = array<i32>} : memref<80xi32, #tpu.memory_space<vmem>>, vector<16xi32>,
          %mul3A_382 = arith.constant 8 : i32
          %mul3A_383 = vector.broadcast %mul3A_382 : i32 to vector<16xi32>
          %mul3A_384 = arith.muli %get3A_381, %mul3A_383 : vector<16xi32>
          %add3A_385 = vector.broadcast %add3A : i32 to vector<16xi32>
          %add3A_386 = arith.addi %mul3A_384, %add3A_385 : vector<16xi32>
          %swap3A_387 = arith.constant 16 : index
          %swap3A_388 = tpu.vector_load %arg13[%swap3A_387] {strides = array<i32>} : memref<80xi32, #tpu.memory_space<vmem>>, vector<16xi32>,
          tpu.vector_store %arg13[%swap3A_387], %add3A_386 {strides = array<i32>} : memref<80xi32, #tpu.memory_space<vmem>>, vector<16xi32>,
          %get3A_389 = arith.constant 32 : index
          %get3A_390 = tpu.vector_load %arg7[%get3A_389] {strides = array<i32>} : memref<80xi32, #tpu.memory_space<vmem>>, vector<16xi32>,
          %mul3A_391 = arith.constant 8 : i32
          %mul3A_392 = vector.broadcast %mul3A_391 : i32 to vector<16xi32>
          %mul3A_393 = arith.muli %get3A_390, %mul3A_392 : vector<16xi32>
          %add3A_394 = vector.broadcast %add3A : i32 to vector<16xi32>
          %add3A_395 = arith.addi %mul3A_393, %add3A_394 : vector<16xi32>
          %swap3A_396 = arith.constant 32 : index
          %swap3A_397 = tpu.vector_load %arg11[%swap3A_396] {strides = array<i32>} : memref<80xi32, #tpu.memory_space<vmem>>, vector<16xi32>,
          tpu.vector_store %arg11[%swap3A_396], %add3A_395 {strides = array<i32>} : memref<80xi32, #tpu.memory_space<vmem>>, vector<16xi32>,
          %get3A_398 = arith.constant 32 : index
          %get3A_399 = tpu.vector_load %arg9[%get3A_398] {strides = array<i32>} : memref<80xi32, #tpu.memory_space<vmem>>, vector<16xi32>,
          %mul3A_400 = arith.constant 8 : i32
          %mul3A_401 = vector.broadcast %mul3A_400 : i32 to vector<16xi32>
          %mul3A_402 = arith.muli %get3A_399, %mul3A_401 : vector<16xi32>
          %add3A_403 = vector.broadcast %add3A : i32 to vector<16xi32>
          %add3A_404 = arith.addi %mul3A_402, %add3A_403 : vector<16xi32>
          %swap3A_405 = arith.constant 32 : index
          %swap3A_406 = tpu.vector_load %arg13[%swap3A_405] {strides = array<i32>} : memref<80xi32, #tpu.memory_space<vmem>>, vector<16xi32>,
          tpu.vector_store %arg13[%swap3A_405], %add3A_404 {strides = array<i32>} : memref<80xi32, #tpu.memory_space<vmem>>, vector<16xi32>,
          %get3A_407 = arith.constant 48 : index
          %get3A_408 = tpu.vector_load %arg7[%get3A_407] {strides = array<i32>} : memref<80xi32, #tpu.memory_space<vmem>>, vector<16xi32>,
          %mul3A_409 = arith.constant 8 : i32
          %mul3A_410 = vector.broadcast %mul3A_409 : i32 to vector<16xi32>
          %mul3A_411 = arith.muli %get3A_408, %mul3A_410 : vector<16xi32>
          %add3A_412 = vector.broadcast %add3A : i32 to vector<16xi32>
          %add3A_413 = arith.addi %mul3A_411, %add3A_412 : vector<16xi32>
          %swap3A_414 = arith.constant 48 : index
          %swap3A_415 = tpu.vector_load %arg11[%swap3A_414] {strides = array<i32>} : memref<80xi32, #tpu.memory_space<vmem>>, vector<16xi32>,
          tpu.vector_store %arg11[%swap3A_414], %add3A_413 {strides = array<i32>} : memref<80xi32, #tpu.memory_space<vmem>>, vector<16xi32>,
          %get3A_416 = arith.constant 48 : index
          %get3A_417 = tpu.vector_load %arg9[%get3A_416] {strides = array<i32>} : memref<80xi32, #tpu.memory_space<vmem>>, vector<16xi32>,
          %mul3A_418 = arith.constant 8 : i32
          %mul3A_419 = vector.broadcast %mul3A_418 : i32 to vector<16xi32>
          %mul3A_420 = arith.muli %get3A_417, %mul3A_419 : vector<16xi32>
          %add3A_421 = vector.broadcast %add3A : i32 to vector<16xi32>
          %add3A_422 = arith.addi %mul3A_420, %add3A_421 : vector<16xi32>
          %swap3A_423 = arith.constant 48 : index
          %swap3A_424 = tpu.vector_load %arg13[%swap3A_423] {strides = array<i32>} : memref<80xi32, #tpu.memory_space<vmem>>, vector<16xi32>,
          tpu.vector_store %arg13[%swap3A_423], %add3A_422 {strides = array<i32>} : memref<80xi32, #tpu.memory_space<vmem>>, vector<16xi32>,
          %get3A_425 = arith.constant 64 : index
          %get3A_426 = tpu.vector_load %arg7[%get3A_425] {strides = array<i32>} : memref<80xi32, #tpu.memory_space<vmem>>, vector<16xi32>,
          %mul3A_427 = arith.constant 8 : i32
          %mul3A_428 = vector.broadcast %mul3A_427 : i32 to vector<16xi32>
          %mul3A_429 = arith.muli %get3A_426, %mul3A_428 : vector<16xi32>
          %add3A_430 = vector.broadcast %add3A : i32 to vector<16xi32>
          %add3A_431 = arith.addi %mul3A_429, %add3A_430 : vector<16xi32>
          %swap3A_432 = arith.constant 64 : index
          %swap3A_433 = tpu.vector_load %arg11[%swap3A_432] {strides = array<i32>} : memref<80xi32, #tpu.memory_space<vmem>>, vector<16xi32>,
          tpu.vector_store %arg11[%swap3A_432], %add3A_431 {strides = array<i32>} : memref<80xi32, #tpu.memory_space<vmem>>, vector<16xi32>,
          %get3A_434 = arith.constant 64 : index
          %get3A_435 = tpu.vector_load %arg9[%get3A_434] {strides = array<i32>} : memref<80xi32, #tpu.memory_space<vmem>>, vector<16xi32>,
          %mul3A_436 = arith.constant 8 : i32
          %mul3A_437 = vector.broadcast %mul3A_436 : i32 to vector<16xi32>
          %mul3A_438 = arith.muli %get3A_435, %mul3A_437 : vector<16xi32>
          %add3A_439 = vector.broadcast %add3A : i32 to vector<16xi32>
          %add3A_440 = arith.addi %mul3A_438, %add3A_439 : vector<16xi32>
          %swap3A_441 = arith.constant 64 : index
          %swap3A_442 = tpu.vector_load %arg13[%swap3A_441] {strides = array<i32>} : memref<80xi32, #tpu.memory_space<vmem>>, vector<16xi32>,
          tpu.vector_store %arg13[%swap3A_441], %add3A_440 {strides = array<i32>} : memref<80xi32, #tpu.memory_space<vmem>>, vector<16xi32>,
          %dma_start3A_443 = arith.constant 0 : i32
          %dma_start3A_444 = arith.constant 0 : i32
          %dma_start3A_445 = tpu.memref_slice %arg4[%dma_start3A_443, %dma_start3A_444] : memref<80000x64xf32, #tpu.memory_space<hbm>> -> memref<80000x64xf32, #tpu.memory_space<hbm>>
          tpu.enqueue_indirect_dma source(%dma_start3A_445 : memref<80000x64xf32, #tpu.memory_space<hbm>>) target(%arg17 : memref<80x64xf32, #tpu.memory_space<vmem>>) offsets(%arg11 : memref<80xi32, #tpu.memory_space<vmem>>) semaphore(%arg29 : memref<!tpu.dma_semaphore, #tpu.memory_space<semaphore_mem>>)
          %dma_start3A_446 = arith.constant 0 : i32
          %dma_start3A_447 = arith.constant 0 : i32
          %dma_start3A_448 = tpu.memref_slice %arg5[%dma_start3A_446, %dma_start3A_447] : memref<80000x128xf32, #tpu.memory_space<hbm>> -> memref<80000x128xf32, #tpu.memory_space<hbm>>
          tpu.enqueue_indirect_dma source(%dma_start3A_448 : memref<80000x128xf32, #tpu.memory_space<hbm>>) target(%arg19 : memref<80x128xf32, #tpu.memory_space<vmem>>) offsets(%arg13 : memref<80xi32, #tpu.memory_space<vmem>>) semaphore(%arg29 : memref<!tpu.dma_semaphore, #tpu.memory_space<semaphore_mem>>)
        } else {
        }
        %dma_wait3A_284 = arith.constant 0 : i32
        %dma_wait3A_285 = arith.constant 0 : i32
        %dma_wait3A_286 = tpu.memref_slice %arg4[%dma_wait3A_284, %dma_wait3A_285] : memref<80000x64xf32, #tpu.memory_space<hbm>> -> memref<80000x64xf32, #tpu.memory_space<hbm>>
        tpu.wait_indirect_dma semaphore(%arg30 : memref<!tpu.dma_semaphore, #tpu.memory_space<semaphore_mem>>) src(%dma_wait3A_286 : memref<80000x64xf32, #tpu.memory_space<hbm>>) dst(%arg18 : memref<80x64xf32, #tpu.memory_space<vmem>>)
        %dma_wait3A_287 = arith.constant 0 : i32
        %dma_wait3A_288 = arith.constant 0 : i32
        %dma_wait3A_289 = tpu.memref_slice %arg5[%dma_wait3A_287, %dma_wait3A_288] : memref<80000x128xf32, #tpu.memory_space<hbm>> -> memref<80000x128xf32, #tpu.memory_space<hbm>>
        tpu.wait_indirect_dma semaphore(%arg30 : memref<!tpu.dma_semaphore, #tpu.memory_space<semaphore_mem>>) src(%dma_wait3A_289 : memref<80000x128xf32, #tpu.memory_space<hbm>>) dst(%arg20 : memref<80x128xf32, #tpu.memory_space<vmem>>)
        %ge3A_290 = arith.constant 2 : i32
        %ge3A_291 = arith.cmpi sge, %add3A_278, %ge3A_290 : i32
        %convert_element_type3A_292 = arith.extui %ge3A_291 : i1 to i32
        %cond3A_293 = arith.constant 0 : i32
        %cond3A_294 = arith.cmpi ne, %convert_element_type3A_292, %cond3A_293 : i32
        scf.if %cond3A_294 {
          %dma_wait3A_345 = arith.constant 0 : i32
          %dma_wait3A_346 = arith.constant 0 : i32
          %dma_wait3A_347 = tpu.memref_slice %arg26[%dma_wait3A_345, %dma_wait3A_346] : memref<10000x80xf32, #tpu.memory_space<vmem_shared>> -> memref<10000x80xf32, #tpu.memory_space<vmem_shared>>
          tpu.wait_indirect_dma semaphore(%arg32 : memref<!tpu.dma_semaphore, #tpu.memory_space<semaphore_mem>>) src(%arg22 : memref<80x80xf32, #tpu.memory_space<vmem>>) dst(%dma_wait3A_347 : memref<10000x80xf32, #tpu.memory_space<vmem_shared>>)
        } else {
        }
        %get3A_295 = arith.constant 0 : index
        %get3A_296 = tpu.vector_load %arg8[%get3A_295] {strides = array<i32>} : memref<80xi32, #tpu.memory_space<vmem>>, vector<16xi32>,
        %swap3A_297 = arith.constant 0 : index
        %swap3A_298 = tpu.vector_load %arg16[%swap3A_297] {strides = array<i32>} : memref<80xi32, #tpu.memory_space<vmem>>, vector<16xi32>,
        tpu.vector_store %arg16[%swap3A_297], %get3A_296 {strides = array<i32>} : memref<80xi32, #tpu.memory_space<vmem>>, vector<16xi32>,
        %get3A_299 = arith.constant 16 : index
        %get3A_300 = tpu.vector_load %arg8[%get3A_299] {strides = array<i32>} : memref<80xi32, #tpu.memory_space<vmem>>, vector<16xi32>,
        %swap3A_301 = arith.constant 16 : index
        %swap3A_302 = tpu.vector_load %arg16[%swap3A_301] {strides = array<i32>} : memref<80xi32, #tpu.memory_space<vmem>>, vector<16xi32>,
        tpu.vector_store %arg16[%swap3A_301], %get3A_300 {strides = array<i32>} : memref<80xi32, #tpu.memory_space<vmem>>, vector<16xi32>,
        %get3A_303 = arith.constant 32 : index
        %get3A_304 = tpu.vector_load %arg8[%get3A_303] {strides = array<i32>} : memref<80xi32, #tpu.memory_space<vmem>>, vector<16xi32>,
        %swap3A_305 = arith.constant 32 : index
        %swap3A_306 = tpu.vector_load %arg16[%swap3A_305] {strides = array<i32>} : memref<80xi32, #tpu.memory_space<vmem>>, vector<16xi32>,
        tpu.vector_store %arg16[%swap3A_305], %get3A_304 {strides = array<i32>} : memref<80xi32, #tpu.memory_space<vmem>>, vector<16xi32>,
        %get3A_307 = arith.constant 48 : index
        %get3A_308 = tpu.vector_load %arg8[%get3A_307] {strides = array<i32>} : memref<80xi32, #tpu.memory_space<vmem>>, vector<16xi32>,
        %swap3A_309 = arith.constant 48 : index
        %swap3A_310 = tpu.vector_load %arg16[%swap3A_309] {strides = array<i32>} : memref<80xi32, #tpu.memory_space<vmem>>, vector<16xi32>,
        tpu.vector_store %arg16[%swap3A_309], %get3A_308 {strides = array<i32>} : memref<80xi32, #tpu.memory_space<vmem>>, vector<16xi32>,
        %get3A_311 = arith.constant 64 : index
        %get3A_312 = tpu.vector_load %arg8[%get3A_311] {strides = array<i32>} : memref<80xi32, #tpu.memory_space<vmem>>, vector<16xi32>,
        %swap3A_313 = arith.constant 64 : index
        %swap3A_314 = tpu.vector_load %arg16[%swap3A_313] {strides = array<i32>} : memref<80xi32, #tpu.memory_space<vmem>>, vector<16xi32>,
        tpu.vector_store %arg16[%swap3A_313], %get3A_312 {strides = array<i32>} : memref<80xi32, #tpu.memory_space<vmem>>, vector<16xi32>,
        %iota3A_315 = tpu.iota {dimensions = array<i32: 0>} : vector<16xi32>
        %mul3A_316 = arith.constant 17 : i32
        %mul3A_317 = vector.broadcast %mul3A_316 : i32 to vector<16xi32>
        %mul3A_318 = arith.muli %iota3A_315, %mul3A_317 : vector<16xi32>
        %scan3A_319 = arith.constant 0 : i32
        %scan3A_320 = arith.constant 0 : i32
        %scan3A_321 = arith.constant 5 : i32
        %scan3A_322 = arith.addi %scan3A_320, %scan3A_321 : i32
        %scan3A_323 = arith.constant 1 : i32
        scf.for %scan3A_345 = %scan3A_320 to %scan3A_322 step %scan3A_323  : i32 {
          %mul3A_346 = arith.constant 272 : i32
          %mul3A_347 = arith.muli %scan3A_345, %mul3A_346 : i32
          %add3A_348 = vector.broadcast %mul3A_347 : i32 to vector<16xi32>
          %add3A_349 = arith.addi %iota3A_315, %add3A_348 : vector<16xi32>
          %mul3A_350 = arith.constant 16 : i32
          %mul3A_351 = arith.muli %scan3A_345, %mul3A_350 : i32
          %add3A_352 = arith.constant 0 : i32
          %add3A_353 = arith.addi %mul3A_351, %add3A_352 : i32
          %get3A_354 = arith.index_cast %add3A_353 : i32 to index
          %get3A_355 = arith.constant 0 : index
          %get3A_356 = tpu.vector_load %arg18[%get3A_354, %get3A_355] {strides = array<i32>} : memref<80x64xf32, #tpu.memory_space<vmem>>, vector<16xf32>,
          %get3A_357 = arith.index_cast %add3A_353 : i32 to index
          %get3A_358 = arith.constant 0 : index
          %get3A_359 = tpu.vector_load %arg20[%get3A_357, %get3A_358] {strides = array<i32>} : memref<80x128xf32, #tpu.memory_space<vmem>>, vector<16xf32>,
          %mul3A_360 = arith.mulf %get3A_356, %get3A_359 : vector<16xf32>
          %get3A_361 = arith.index_cast %add3A_353 : i32 to index
          %get3A_362 = arith.constant 16 : index
          %get3A_363 = tpu.vector_load %arg18[%get3A_361, %get3A_362] {strides = array<i32>} : memref<80x64xf32, #tpu.memory_space<vmem>>, vector<16xf32>,
          %get3A_364 = arith.index_cast %add3A_353 : i32 to index
          %get3A_365 = arith.constant 16 : index
          %get3A_366 = tpu.vector_load %arg20[%get3A_364, %get3A_365] {strides = array<i32>} : memref<80x128xf32, #tpu.memory_space<vmem>>, vector<16xf32>,
          %mul3A_367 = arith.mulf %get3A_363, %get3A_366 : vector<16xf32>
          %add3A_368 = arith.addf %mul3A_360, %mul3A_367 : vector<16xf32>
          %get3A_369 = arith.index_cast %add3A_353 : i32 to index
          %get3A_370 = arith.constant 32 : index
          %get3A_371 = tpu.vector_load %arg18[%get3A_369, %get3A_370] {strides = array<i32>} : memref<80x64xf32, #tpu.memory_space<vmem>>, vector<16xf32>,
          %get3A_372 = arith.index_cast %add3A_353 : i32 to index
          %get3A_373 = arith.constant 32 : index
          %get3A_374 = tpu.vector_load %arg20[%get3A_372, %get3A_373] {strides = array<i32>} : memref<80x128xf32, #tpu.memory_space<vmem>>, vector<16xf32>,
          %mul3A_375 = arith.mulf %get3A_371, %get3A_374 : vector<16xf32>
          %add3A_376 = arith.addf %add3A_368, %mul3A_375 : vector<16xf32>
          %get3A_377 = arith.index_cast %add3A_353 : i32 to index
          %get3A_378 = arith.constant 48 : index
          %get3A_379 = tpu.vector_load %arg18[%get3A_377, %get3A_378] {strides = array<i32>} : memref<80x64xf32, #tpu.memory_space<vmem>>, vector<16xf32>,
          %get3A_380 = arith.index_cast %add3A_353 : i32 to index
          %get3A_381 = arith.constant 48 : index
          %get3A_382 = tpu.vector_load %arg20[%get3A_380, %get3A_381] {strides = array<i32>} : memref<80x128xf32, #tpu.memory_space<vmem>>, vector<16xf32>,
          %mul3A_383 = arith.mulf %get3A_379, %get3A_382 : vector<16xf32>
          %add3A_384 = arith.addf %add3A_376, %mul3A_383 : vector<16xf32>
          %add3A_385 = arith.constant 0 : i32
          %add3A_386 = vector.broadcast %add3A_385 : i32 to vector<16xi32>
          %add3A_387 = arith.addi %add3A_349, %add3A_386 : vector<16xi32>
          tpu.vector_store_idx %arg24[%add3A_387], %add3A_384 : memref<1360xf32, #tpu.memory_space<vmem>>[vector<16xi32>], vector<16xf32>,
          %mul3A_388 = arith.constant 16 : i32
          %mul3A_389 = arith.muli %scan3A_345, %mul3A_388 : i32
          %add3A_390 = arith.constant 1 : i32
          %add3A_391 = arith.addi %mul3A_389, %add3A_390 : i32
          %get3A_392 = arith.index_cast %add3A_391 : i32 to index
          %get3A_393 = arith.constant 0 : index
          %get3A_394 = tpu.vector_load %arg18[%get3A_392, %get3A_393] {strides = array<i32>} : memref<80x64xf32, #tpu.memory_space<vmem>>, vector<16xf32>,
          %get3A_395 = arith.index_cast %add3A_391 : i32 to index
          %get3A_396 = arith.constant 0 : index
          %get3A_397 = tpu.vector_load %arg20[%get3A_395, %get3A_396] {strides = array<i32>} : memref<80x128xf32, #tpu.memory_space<vmem>>, vector<16xf32>,
          %mul3A_398 = arith.mulf %get3A_394, %get3A_397 : vector<16xf32>
          %get3A_399 = arith.index_cast %add3A_391 : i32 to index
          %get3A_400 = arith.constant 16 : index
          %get3A_401 = tpu.vector_load %arg18[%get3A_399, %get3A_400] {strides = array<i32>} : memref<80x64xf32, #tpu.memory_space<vmem>>, vector<16xf32>,
          %get3A_402 = arith.index_cast %add3A_391 : i32 to index
          %get3A_403 = arith.constant 16 : index
          %get3A_404 = tpu.vector_load %arg20[%get3A_402, %get3A_403] {strides = array<i32>} : memref<80x128xf32, #tpu.memory_space<vmem>>, vector<16xf32>,
          %mul3A_405 = arith.mulf %get3A_401, %get3A_404 : vector<16xf32>
          %add3A_406 = arith.addf %mul3A_398, %mul3A_405 : vector<16xf32>
          %get3A_407 = arith.index_cast %add3A_391 : i32 to index
          %get3A_408 = arith.constant 32 : index
          %get3A_409 = tpu.vector_load %arg18[%get3A_407, %get3A_408] {strides = array<i32>} : memref<80x64xf32, #tpu.memory_space<vmem>>, vector<16xf32>,
          %get3A_410 = arith.index_cast %add3A_391 : i32 to index
          %get3A_411 = arith.constant 32 : index
          %get3A_412 = tpu.vector_load %arg20[%get3A_410, %get3A_411] {strides = array<i32>} : memref<80x128xf32, #tpu.memory_space<vmem>>, vector<16xf32>,
          %mul3A_413 = arith.mulf %get3A_409, %get3A_412 : vector<16xf32>
          %add3A_414 = arith.addf %add3A_406, %mul3A_413 : vector<16xf32>
          %get3A_415 = arith.index_cast %add3A_391 : i32 to index
          %get3A_416 = arith.constant 48 : index
          %get3A_417 = tpu.vector_load %arg18[%get3A_415, %get3A_416] {strides = array<i32>} : memref<80x64xf32, #tpu.memory_space<vmem>>, vector<16xf32>,
          %get3A_418 = arith.index_cast %add3A_391 : i32 to index
          %get3A_419 = arith.constant 48 : index
          %get3A_420 = tpu.vector_load %arg20[%get3A_418, %get3A_419] {strides = array<i32>} : memref<80x128xf32, #tpu.memory_space<vmem>>, vector<16xf32>,
          %mul3A_421 = arith.mulf %get3A_417, %get3A_420 : vector<16xf32>
          %add3A_422 = arith.addf %add3A_414, %mul3A_421 : vector<16xf32>
          %add3A_423 = arith.constant 17 : i32
          %add3A_424 = vector.broadcast %add3A_423 : i32 to vector<16xi32>
          %add3A_425 = arith.addi %add3A_349, %add3A_424 : vector<16xi32>
          tpu.vector_store_idx %arg24[%add3A_425], %add3A_422 : memref<1360xf32, #tpu.memory_space<vmem>>[vector<16xi32>], vector<16xf32>,
          %mul3A_426 = arith.constant 16 : i32
          %mul3A_427 = arith.muli %scan3A_345, %mul3A_426 : i32
          %add3A_428 = arith.constant 2 : i32
          %add3A_429 = arith.addi %mul3A_427, %add3A_428 : i32
          %get3A_430 = arith.index_cast %add3A_429 : i32 to index
          %get3A_431 = arith.constant 0 : index
          %get3A_432 = tpu.vector_load %arg18[%get3A_430, %get3A_431] {strides = array<i32>} : memref<80x64xf32, #tpu.memory_space<vmem>>, vector<16xf32>,
          %get3A_433 = arith.index_cast %add3A_429 : i32 to index
          %get3A_434 = arith.constant 0 : index
          %get3A_435 = tpu.vector_load %arg20[%get3A_433, %get3A_434] {strides = array<i32>} : memref<80x128xf32, #tpu.memory_space<vmem>>, vector<16xf32>,
          %mul3A_436 = arith.mulf %get3A_432, %get3A_435 : vector<16xf32>
          %get3A_437 = arith.index_cast %add3A_429 : i32 to index
          %get3A_438 = arith.constant 16 : index
          %get3A_439 = tpu.vector_load %arg18[%get3A_437, %get3A_438] {strides = array<i32>} : memref<80x64xf32, #tpu.memory_space<vmem>>, vector<16xf32>,
          %get3A_440 = arith.index_cast %add3A_429 : i32 to index
          %get3A_441 = arith.constant 16 : index
          %get3A_442 = tpu.vector_load %arg20[%get3A_440, %get3A_441] {strides = array<i32>} : memref<80x128xf32, #tpu.memory_space<vmem>>, vector<16xf32>,
          %mul3A_443 = arith.mulf %get3A_439, %get3A_442 : vector<16xf32>
          %add3A_444 = arith.addf %mul3A_436, %mul3A_443 : vector<16xf32>
          %get3A_445 = arith.index_cast %add3A_429 : i32 to index
          %get3A_446 = arith.constant 32 : index
          %get3A_447 = tpu.vector_load %arg18[%get3A_445, %get3A_446] {strides = array<i32>} : memref<80x64xf32, #tpu.memory_space<vmem>>, vector<16xf32>,
          %get3A_448 = arith.index_cast %add3A_429 : i32 to index
          %get3A_449 = arith.constant 32 : index
          %get3A_450 = tpu.vector_load %arg20[%get3A_448, %get3A_449] {strides = array<i32>} : memref<80x128xf32, #tpu.memory_space<vmem>>, vector<16xf32>,
          %mul3A_451 = arith.mulf %get3A_447, %get3A_450 : vector<16xf32>
          %add3A_452 = arith.addf %add3A_444, %mul3A_451 : vector<16xf32>
          %get3A_453 = arith.index_cast %add3A_429 : i32 to index
          %get3A_454 = arith.constant 48 : index
          %get3A_455 = tpu.vector_load %arg18[%get3A_453, %get3A_454] {strides = array<i32>} : memref<80x64xf32, #tpu.memory_space<vmem>>, vector<16xf32>,
          %get3A_456 = arith.index_cast %add3A_429 : i32 to index
          %get3A_457 = arith.constant 48 : index
          %get3A_458 = tpu.vector_load %arg20[%get3A_456, %get3A_457] {strides = array<i32>} : memref<80x128xf32, #tpu.memory_space<vmem>>, vector<16xf32>,
          %mul3A_459 = arith.mulf %get3A_455, %get3A_458 : vector<16xf32>
          %add3A_460 = arith.addf %add3A_452, %mul3A_459 : vector<16xf32>
          %add3A_461 = arith.constant 34 : i32
          %add3A_462 = vector.broadcast %add3A_461 : i32 to vector<16xi32>
          %add3A_463 = arith.addi %add3A_349, %add3A_462 : vector<16xi32>
          tpu.vector_store_idx %arg24[%add3A_463], %add3A_460 : memref<1360xf32, #tpu.memory_space<vmem>>[vector<16xi32>], vector<16xf32>,
          %mul3A_464 = arith.constant 16 : i32
          %mul3A_465 = arith.muli %scan3A_345, %mul3A_464 : i32
          %add3A_466 = arith.constant 3 : i32
          %add3A_467 = arith.addi %mul3A_465, %add3A_466 : i32
          %get3A_468 = arith.index_cast %add3A_467 : i32 to index
          %get3A_469 = arith.constant 0 : index
          %get3A_470 = tpu.vector_load %arg18[%get3A_468, %get3A_469] {strides = array<i32>} : memref<80x64xf32, #tpu.memory_space<vmem>>, vector<16xf32>,
          %get3A_471 = arith.index_cast %add3A_467 : i32 to index
          %get3A_472 = arith.constant 0 : index
          %get3A_473 = tpu.vector_load %arg20[%get3A_471, %get3A_472] {strides = array<i32>} : memref<80x128xf32, #tpu.memory_space<vmem>>, vector<16xf32>,
          %mul3A_474 = arith.mulf %get3A_470, %get3A_473 : vector<16xf32>
          %get3A_475 = arith.index_cast %add3A_467 : i32 to index
          %get3A_476 = arith.constant 16 : index
          %get3A_477 = tpu.vector_load %arg18[%get3A_475, %get3A_476] {strides = array<i32>} : memref<80x64xf32, #tpu.memory_space<vmem>>, vector<16xf32>,
          %get3A_478 = arith.index_cast %add3A_467 : i32 to index
          %get3A_479 = arith.constant 16 : index
          %get3A_480 = tpu.vector_load %arg20[%get3A_478, %get3A_479] {strides = array<i32>} : memref<80x128xf32, #tpu.memory_space<vmem>>, vector<16xf32>,
          %mul3A_481 = arith.mulf %get3A_477, %get3A_480 : vector<16xf32>
          %add3A_482 = arith.addf %mul3A_474, %mul3A_481 : vector<16xf32>
          %get3A_483 = arith.index_cast %add3A_467 : i32 to index
          %get3A_484 = arith.constant 32 : index
          %get3A_485 = tpu.vector_load %arg18[%get3A_483, %get3A_484] {strides = array<i32>} : memref<80x64xf32, #tpu.memory_space<vmem>>, vector<16xf32>,
          %get3A_486 = arith.index_cast %add3A_467 : i32 to index
          %get3A_487 = arith.constant 32 : index
          %get3A_488 = tpu.vector_load %arg20[%get3A_486, %get3A_487] {strides = array<i32>} : memref<80x128xf32, #tpu.memory_space<vmem>>, vector<16xf32>,
          %mul3A_489 = arith.mulf %get3A_485, %get3A_488 : vector<16xf32>
          %add3A_490 = arith.addf %add3A_482, %mul3A_489 : vector<16xf32>
          %get3A_491 = arith.index_cast %add3A_467 : i32 to index
          %get3A_492 = arith.constant 48 : index
          %get3A_493 = tpu.vector_load %arg18[%get3A_491, %get3A_492] {strides = array<i32>} : memref<80x64xf32, #tpu.memory_space<vmem>>, vector<16xf32>,
          %get3A_494 = arith.index_cast %add3A_467 : i32 to index
          %get3A_495 = arith.constant 48 : index
          %get3A_496 = tpu.vector_load %arg20[%get3A_494, %get3A_495] {strides = array<i32>} : memref<80x128xf32, #tpu.memory_space<vmem>>, vector<16xf32>,
          %mul3A_497 = arith.mulf %get3A_493, %get3A_496 : vector<16xf32>
          %add3A_498 = arith.addf %add3A_490, %mul3A_497 : vector<16xf32>
          %add3A_499 = arith.constant 51 : i32
          %add3A_500 = vector.broadcast %add3A_499 : i32 to vector<16xi32>
          %add3A_501 = arith.addi %add3A_349, %add3A_500 : vector<16xi32>
          tpu.vector_store_idx %arg24[%add3A_501], %add3A_498 : memref<1360xf32, #tpu.memory_space<vmem>>[vector<16xi32>], vector<16xf32>,
          %mul3A_502 = arith.constant 16 : i32
          %mul3A_503 = arith.muli %scan3A_345, %mul3A_502 : i32
          %add3A_504 = arith.constant 4 : i32
          %add3A_505 = arith.addi %mul3A_503, %add3A_504 : i32
          %get3A_506 = arith.index_cast %add3A_505 : i32 to index
          %get3A_507 = arith.constant 0 : index
          %get3A_508 = tpu.vector_load %arg18[%get3A_506, %get3A_507] {strides = array<i32>} : memref<80x64xf32, #tpu.memory_space<vmem>>, vector<16xf32>,
          %get3A_509 = arith.index_cast %add3A_505 : i32 to index
          %get3A_510 = arith.constant 0 : index
          %get3A_511 = tpu.vector_load %arg20[%get3A_509, %get3A_510] {strides = array<i32>} : memref<80x128xf32, #tpu.memory_space<vmem>>, vector<16xf32>,
          %mul3A_512 = arith.mulf %get3A_508, %get3A_511 : vector<16xf32>
          %get3A_513 = arith.index_cast %add3A_505 : i32 to index
          %get3A_514 = arith.constant 16 : index
          %get3A_515 = tpu.vector_load %arg18[%get3A_513, %get3A_514] {strides = array<i32>} : memref<80x64xf32, #tpu.memory_space<vmem>>, vector<16xf32>,
          %get3A_516 = arith.index_cast %add3A_505 : i32 to index
          %get3A_517 = arith.constant 16 : index
          %get3A_518 = tpu.vector_load %arg20[%get3A_516, %get3A_517] {strides = array<i32>} : memref<80x128xf32, #tpu.memory_space<vmem>>, vector<16xf32>,
          %mul3A_519 = arith.mulf %get3A_515, %get3A_518 : vector<16xf32>
          %add3A_520 = arith.addf %mul3A_512, %mul3A_519 : vector<16xf32>
          %get3A_521 = arith.index_cast %add3A_505 : i32 to index
          %get3A_522 = arith.constant 32 : index
          %get3A_523 = tpu.vector_load %arg18[%get3A_521, %get3A_522] {strides = array<i32>} : memref<80x64xf32, #tpu.memory_space<vmem>>, vector<16xf32>,
          %get3A_524 = arith.index_cast %add3A_505 : i32 to index
          %get3A_525 = arith.constant 32 : index
          %get3A_526 = tpu.vector_load %arg20[%get3A_524, %get3A_525] {strides = array<i32>} : memref<80x128xf32, #tpu.memory_space<vmem>>, vector<16xf32>,
          %mul3A_527 = arith.mulf %get3A_523, %get3A_526 : vector<16xf32>
          %add3A_528 = arith.addf %add3A_520, %mul3A_527 : vector<16xf32>
          %get3A_529 = arith.index_cast %add3A_505 : i32 to index
          %get3A_530 = arith.constant 48 : index
          %get3A_531 = tpu.vector_load %arg18[%get3A_529, %get3A_530] {strides = array<i32>} : memref<80x64xf32, #tpu.memory_space<vmem>>, vector<16xf32>,
          %get3A_532 = arith.index_cast %add3A_505 : i32 to index
          %get3A_533 = arith.constant 48 : index
          %get3A_534 = tpu.vector_load %arg20[%get3A_532, %get3A_533] {strides = array<i32>} : memref<80x128xf32, #tpu.memory_space<vmem>>, vector<16xf32>,
          %mul3A_535 = arith.mulf %get3A_531, %get3A_534 : vector<16xf32>
          %add3A_536 = arith.addf %add3A_528, %mul3A_535 : vector<16xf32>
          %add3A_537 = arith.constant 68 : i32
          %add3A_538 = vector.broadcast %add3A_537 : i32 to vector<16xi32>
          %add3A_539 = arith.addi %add3A_349, %add3A_538 : vector<16xi32>
          tpu.vector_store_idx %arg24[%add3A_539], %add3A_536 : memref<1360xf32, #tpu.memory_space<vmem>>[vector<16xi32>], vector<16xf32>,
          %mul3A_540 = arith.constant 16 : i32
          %mul3A_541 = arith.muli %scan3A_345, %mul3A_540 : i32
          %add3A_542 = arith.constant 5 : i32
          %add3A_543 = arith.addi %mul3A_541, %add3A_542 : i32
          %get3A_544 = arith.index_cast %add3A_543 : i32 to index
          %get3A_545 = arith.constant 0 : index
          %get3A_546 = tpu.vector_load %arg18[%get3A_544, %get3A_545] {strides = array<i32>} : memref<80x64xf32, #tpu.memory_space<vmem>>, vector<16xf32>,
          %get3A_547 = arith.index_cast %add3A_543 : i32 to index
          %get3A_548 = arith.constant 0 : index
          %get3A_549 = tpu.vector_load %arg20[%get3A_547, %get3A_548] {strides = array<i32>} : memref<80x128xf32, #tpu.memory_space<vmem>>, vector<16xf32>,
          %mul3A_550 = arith.mulf %get3A_546, %get3A_549 : vector<16xf32>
          %get3A_551 = arith.index_cast %add3A_543 : i32 to index
          %get3A_552 = arith.constant 16 : index
          %get3A_553 = tpu.vector_load %arg18[%get3A_551, %get3A_552] {strides = array<i32>} : memref<80x64xf32, #tpu.memory_space<vmem>>, vector<16xf32>,
          %get3A_554 = arith.index_cast %add3A_543 : i32 to index
          %get3A_555 = arith.constant 16 : index
          %get3A_556 = tpu.vector_load %arg20[%get3A_554, %get3A_555] {strides = array<i32>} : memref<80x128xf32, #tpu.memory_space<vmem>>, vector<16xf32>,
          %mul3A_557 = arith.mulf %get3A_553, %get3A_556 : vector<16xf32>
          %add3A_558 = arith.addf %mul3A_550, %mul3A_557 : vector<16xf32>
          %get3A_559 = arith.index_cast %add3A_543 : i32 to index
          %get3A_560 = arith.constant 32 : index
          %get3A_561 = tpu.vector_load %arg18[%get3A_559, %get3A_560] {strides = array<i32>} : memref<80x64xf32, #tpu.memory_space<vmem>>, vector<16xf32>,
          %get3A_562 = arith.index_cast %add3A_543 : i32 to index
          %get3A_563 = arith.constant 32 : index
          %get3A_564 = tpu.vector_load %arg20[%get3A_562, %get3A_563] {strides = array<i32>} : memref<80x128xf32, #tpu.memory_space<vmem>>, vector<16xf32>,
          %mul3A_565 = arith.mulf %get3A_561, %get3A_564 : vector<16xf32>
          %add3A_566 = arith.addf %add3A_558, %mul3A_565 : vector<16xf32>
          %get3A_567 = arith.index_cast %add3A_543 : i32 to index
          %get3A_568 = arith.constant 48 : index
          %get3A_569 = tpu.vector_load %arg18[%get3A_567, %get3A_568] {strides = array<i32>} : memref<80x64xf32, #tpu.memory_space<vmem>>, vector<16xf32>,
          %get3A_570 = arith.index_cast %add3A_543 : i32 to index
          %get3A_571 = arith.constant 48 : index
          %get3A_572 = tpu.vector_load %arg20[%get3A_570, %get3A_571] {strides = array<i32>} : memref<80x128xf32, #tpu.memory_space<vmem>>, vector<16xf32>,
          %mul3A_573 = arith.mulf %get3A_569, %get3A_572 : vector<16xf32>
          %add3A_574 = arith.addf %add3A_566, %mul3A_573 : vector<16xf32>
          %add3A_575 = arith.constant 85 : i32
          %add3A_576 = vector.broadcast %add3A_575 : i32 to vector<16xi32>
          %add3A_577 = arith.addi %add3A_349, %add3A_576 : vector<16xi32>
          tpu.vector_store_idx %arg24[%add3A_577], %add3A_574 : memref<1360xf32, #tpu.memory_space<vmem>>[vector<16xi32>], vector<16xf32>,
          %mul3A_578 = arith.constant 16 : i32
          %mul3A_579 = arith.muli %scan3A_345, %mul3A_578 : i32
          %add3A_580 = arith.constant 6 : i32
          %add3A_581 = arith.addi %mul3A_579, %add3A_580 : i32
          %get3A_582 = arith.index_cast %add3A_581 : i32 to index
          %get3A_583 = arith.constant 0 : index
          %get3A_584 = tpu.vector_load %arg18[%get3A_582, %get3A_583] {strides = array<i32>} : memref<80x64xf32, #tpu.memory_space<vmem>>, vector<16xf32>,
          %get3A_585 = arith.index_cast %add3A_581 : i32 to index
          %get3A_586 = arith.constant 0 : index
          %get3A_587 = tpu.vector_load %arg20[%get3A_585, %get3A_586] {strides = array<i32>} : memref<80x128xf32, #tpu.memory_space<vmem>>, vector<16xf32>,
          %mul3A_588 = arith.mulf %get3A_584, %get3A_587 : vector<16xf32>
          %get3A_589 = arith.index_cast %add3A_581 : i32 to index
          %get3A_590 = arith.constant 16 : index
          %get3A_591 = tpu.vector_load %arg18[%get3A_589, %get3A_590] {strides = array<i32>} : memref<80x64xf32, #tpu.memory_space<vmem>>, vector<16xf32>,
          %get3A_592 = arith.index_cast %add3A_581 : i32 to index
          %get3A_593 = arith.constant 16 : index
          %get3A_594 = tpu.vector_load %arg20[%get3A_592, %get3A_593] {strides = array<i32>} : memref<80x128xf32, #tpu.memory_space<vmem>>, vector<16xf32>,
          %mul3A_595 = arith.mulf %get3A_591, %get3A_594 : vector<16xf32>
          %add3A_596 = arith.addf %mul3A_588, %mul3A_595 : vector<16xf32>
          %get3A_597 = arith.index_cast %add3A_581 : i32 to index
          %get3A_598 = arith.constant 32 : index
          %get3A_599 = tpu.vector_load %arg18[%get3A_597, %get3A_598] {strides = array<i32>} : memref<80x64xf32, #tpu.memory_space<vmem>>, vector<16xf32>,
          %get3A_600 = arith.index_cast %add3A_581 : i32 to index
          %get3A_601 = arith.constant 32 : index
          %get3A_602 = tpu.vector_load %arg20[%get3A_600, %get3A_601] {strides = array<i32>} : memref<80x128xf32, #tpu.memory_space<vmem>>, vector<16xf32>,
          %mul3A_603 = arith.mulf %get3A_599, %get3A_602 : vector<16xf32>
          %add3A_604 = arith.addf %add3A_596, %mul3A_603 : vector<16xf32>
          %get3A_605 = arith.index_cast %add3A_581 : i32 to index
          %get3A_606 = arith.constant 48 : index
          %get3A_607 = tpu.vector_load %arg18[%get3A_605, %get3A_606] {strides = array<i32>} : memref<80x64xf32, #tpu.memory_space<vmem>>, vector<16xf32>,
          %get3A_608 = arith.index_cast %add3A_581 : i32 to index
          %get3A_609 = arith.constant 48 : index
          %get3A_610 = tpu.vector_load %arg20[%get3A_608, %get3A_609] {strides = array<i32>} : memref<80x128xf32, #tpu.memory_space<vmem>>, vector<16xf32>,
          %mul3A_611 = arith.mulf %get3A_607, %get3A_610 : vector<16xf32>
          %add3A_612 = arith.addf %add3A_604, %mul3A_611 : vector<16xf32>
          %add3A_613 = arith.constant 102 : i32
          %add3A_614 = vector.broadcast %add3A_613 : i32 to vector<16xi32>
          %add3A_615 = arith.addi %add3A_349, %add3A_614 : vector<16xi32>
          tpu.vector_store_idx %arg24[%add3A_615], %add3A_612 : memref<1360xf32, #tpu.memory_space<vmem>>[vector<16xi32>], vector<16xf32>,
          %mul3A_616 = arith.constant 16 : i32
          %mul3A_617 = arith.muli %scan3A_345, %mul3A_616 : i32
          %add3A_618 = arith.constant 7 : i32
          %add3A_619 = arith.addi %mul3A_617, %add3A_618 : i32
          %get3A_620 = arith.index_cast %add3A_619 : i32 to index
          %get3A_621 = arith.constant 0 : index
          %get3A_622 = tpu.vector_load %arg18[%get3A_620, %get3A_621] {strides = array<i32>} : memref<80x64xf32, #tpu.memory_space<vmem>>, vector<16xf32>,
          %get3A_623 = arith.index_cast %add3A_619 : i32 to index
          %get3A_624 = arith.constant 0 : index
          %get3A_625 = tpu.vector_load %arg20[%get3A_623, %get3A_624] {strides = array<i32>} : memref<80x128xf32, #tpu.memory_space<vmem>>, vector<16xf32>,
          %mul3A_626 = arith.mulf %get3A_622, %get3A_625 : vector<16xf32>
          %get3A_627 = arith.index_cast %add3A_619 : i32 to index
          %get3A_628 = arith.constant 16 : index
          %get3A_629 = tpu.vector_load %arg18[%get3A_627, %get3A_628] {strides = array<i32>} : memref<80x64xf32, #tpu.memory_space<vmem>>, vector<16xf32>,
          %get3A_630 = arith.index_cast %add3A_619 : i32 to index
          %get3A_631 = arith.constant 16 : index
          %get3A_632 = tpu.vector_load %arg20[%get3A_630, %get3A_631] {strides = array<i32>} : memref<80x128xf32, #tpu.memory_space<vmem>>, vector<16xf32>,
          %mul3A_633 = arith.mulf %get3A_629, %get3A_632 : vector<16xf32>
          %add3A_634 = arith.addf %mul3A_626, %mul3A_633 : vector<16xf32>
          %get3A_635 = arith.index_cast %add3A_619 : i32 to index
          %get3A_636 = arith.constant 32 : index
          %get3A_637 = tpu.vector_load %arg18[%get3A_635, %get3A_636] {strides = array<i32>} : memref<80x64xf32, #tpu.memory_space<vmem>>, vector<16xf32>,
          %get3A_638 = arith.index_cast %add3A_619 : i32 to index
          %get3A_639 = arith.constant 32 : index
          %get3A_640 = tpu.vector_load %arg20[%get3A_638, %get3A_639] {strides = array<i32>} : memref<80x128xf32, #tpu.memory_space<vmem>>, vector<16xf32>,
          %mul3A_641 = arith.mulf %get3A_637, %get3A_640 : vector<16xf32>
          %add3A_642 = arith.addf %add3A_634, %mul3A_641 : vector<16xf32>
          %get3A_643 = arith.index_cast %add3A_619 : i32 to index
          %get3A_644 = arith.constant 48 : index
          %get3A_645 = tpu.vector_load %arg18[%get3A_643, %get3A_644] {strides = array<i32>} : memref<80x64xf32, #tpu.memory_space<vmem>>, vector<16xf32>,
          %get3A_646 = arith.index_cast %add3A_619 : i32 to index
          %get3A_647 = arith.constant 48 : index
          %get3A_648 = tpu.vector_load %arg20[%get3A_646, %get3A_647] {strides = array<i32>} : memref<80x128xf32, #tpu.memory_space<vmem>>, vector<16xf32>,
          %mul3A_649 = arith.mulf %get3A_645, %get3A_648 : vector<16xf32>
          %add3A_650 = arith.addf %add3A_642, %mul3A_649 : vector<16xf32>
          %add3A_651 = arith.constant 119 : i32
          %add3A_652 = vector.broadcast %add3A_651 : i32 to vector<16xi32>
          %add3A_653 = arith.addi %add3A_349, %add3A_652 : vector<16xi32>
          tpu.vector_store_idx %arg24[%add3A_653], %add3A_650 : memref<1360xf32, #tpu.memory_space<vmem>>[vector<16xi32>], vector<16xf32>,
          %mul3A_654 = arith.constant 16 : i32
          %mul3A_655 = arith.muli %scan3A_345, %mul3A_654 : i32
          %add3A_656 = arith.constant 8 : i32
          %add3A_657 = arith.addi %mul3A_655, %add3A_656 : i32
          %get3A_658 = arith.index_cast %add3A_657 : i32 to index
          %get3A_659 = arith.constant 0 : index
          %get3A_660 = tpu.vector_load %arg18[%get3A_658, %get3A_659] {strides = array<i32>} : memref<80x64xf32, #tpu.memory_space<vmem>>, vector<16xf32>,
          %get3A_661 = arith.index_cast %add3A_657 : i32 to index
          %get3A_662 = arith.constant 0 : index
          %get3A_663 = tpu.vector_load %arg20[%get3A_661, %get3A_662] {strides = array<i32>} : memref<80x128xf32, #tpu.memory_space<vmem>>, vector<16xf32>,
          %mul3A_664 = arith.mulf %get3A_660, %get3A_663 : vector<16xf32>
          %get3A_665 = arith.index_cast %add3A_657 : i32 to index
          %get3A_666 = arith.constant 16 : index
          %get3A_667 = tpu.vector_load %arg18[%get3A_665, %get3A_666] {strides = array<i32>} : memref<80x64xf32, #tpu.memory_space<vmem>>, vector<16xf32>,
          %get3A_668 = arith.index_cast %add3A_657 : i32 to index
          %get3A_669 = arith.constant 16 : index
          %get3A_670 = tpu.vector_load %arg20[%get3A_668, %get3A_669] {strides = array<i32>} : memref<80x128xf32, #tpu.memory_space<vmem>>, vector<16xf32>,
          %mul3A_671 = arith.mulf %get3A_667, %get3A_670 : vector<16xf32>
          %add3A_672 = arith.addf %mul3A_664, %mul3A_671 : vector<16xf32>
          %get3A_673 = arith.index_cast %add3A_657 : i32 to index
          %get3A_674 = arith.constant 32 : index
          %get3A_675 = tpu.vector_load %arg18[%get3A_673, %get3A_674] {strides = array<i32>} : memref<80x64xf32, #tpu.memory_space<vmem>>, vector<16xf32>,
          %get3A_676 = arith.index_cast %add3A_657 : i32 to index
          %get3A_677 = arith.constant 32 : index
          %get3A_678 = tpu.vector_load %arg20[%get3A_676, %get3A_677] {strides = array<i32>} : memref<80x128xf32, #tpu.memory_space<vmem>>, vector<16xf32>,
          %mul3A_679 = arith.mulf %get3A_675, %get3A_678 : vector<16xf32>
          %add3A_680 = arith.addf %add3A_672, %mul3A_679 : vector<16xf32>
          %get3A_681 = arith.index_cast %add3A_657 : i32 to index
          %get3A_682 = arith.constant 48 : index
          %get3A_683 = tpu.vector_load %arg18[%get3A_681, %get3A_682] {strides = array<i32>} : memref<80x64xf32, #tpu.memory_space<vmem>>, vector<16xf32>,
          %get3A_684 = arith.index_cast %add3A_657 : i32 to index
          %get3A_685 = arith.constant 48 : index
          %get3A_686 = tpu.vector_load %arg20[%get3A_684, %get3A_685] {strides = array<i32>} : memref<80x128xf32, #tpu.memory_space<vmem>>, vector<16xf32>,
          %mul3A_687 = arith.mulf %get3A_683, %get3A_686 : vector<16xf32>
          %add3A_688 = arith.addf %add3A_680, %mul3A_687 : vector<16xf32>
          %add3A_689 = arith.constant 136 : i32
          %add3A_690 = vector.broadcast %add3A_689 : i32 to vector<16xi32>
          %add3A_691 = arith.addi %add3A_349, %add3A_690 : vector<16xi32>
          tpu.vector_store_idx %arg24[%add3A_691], %add3A_688 : memref<1360xf32, #tpu.memory_space<vmem>>[vector<16xi32>], vector<16xf32>,
          %mul3A_692 = arith.constant 16 : i32
          %mul3A_693 = arith.muli %scan3A_345, %mul3A_692 : i32
          %add3A_694 = arith.constant 9 : i32
          %add3A_695 = arith.addi %mul3A_693, %add3A_694 : i32
          %get3A_696 = arith.index_cast %add3A_695 : i32 to index
          %get3A_697 = arith.constant 0 : index
          %get3A_698 = tpu.vector_load %arg18[%get3A_696, %get3A_697] {strides = array<i32>} : memref<80x64xf32, #tpu.memory_space<vmem>>, vector<16xf32>,
          %get3A_699 = arith.index_cast %add3A_695 : i32 to index
          %get3A_700 = arith.constant 0 : index
          %get3A_701 = tpu.vector_load %arg20[%get3A_699, %get3A_700] {strides = array<i32>} : memref<80x128xf32, #tpu.memory_space<vmem>>, vector<16xf32>,
          %mul3A_702 = arith.mulf %get3A_698, %get3A_701 : vector<16xf32>
          %get3A_703 = arith.index_cast %add3A_695 : i32 to index
          %get3A_704 = arith.constant 16 : index
          %get3A_705 = tpu.vector_load %arg18[%get3A_703, %get3A_704] {strides = array<i32>} : memref<80x64xf32, #tpu.memory_space<vmem>>, vector<16xf32>,
          %get3A_706 = arith.index_cast %add3A_695 : i32 to index
          %get3A_707 = arith.constant 16 : index
          %get3A_708 = tpu.vector_load %arg20[%get3A_706, %get3A_707] {strides = array<i32>} : memref<80x128xf32, #tpu.memory_space<vmem>>, vector<16xf32>,
          %mul3A_709 = arith.mulf %get3A_705, %get3A_708 : vector<16xf32>
          %add3A_710 = arith.addf %mul3A_702, %mul3A_709 : vector<16xf32>
          %get3A_711 = arith.index_cast %add3A_695 : i32 to index
          %get3A_712 = arith.constant 32 : index
          %get3A_713 = tpu.vector_load %arg18[%get3A_711, %get3A_712] {strides = array<i32>} : memref<80x64xf32, #tpu.memory_space<vmem>>, vector<16xf32>,
          %get3A_714 = arith.index_cast %add3A_695 : i32 to index
          %get3A_715 = arith.constant 32 : index
          %get3A_716 = tpu.vector_load %arg20[%get3A_714, %get3A_715] {strides = array<i32>} : memref<80x128xf32, #tpu.memory_space<vmem>>, vector<16xf32>,
          %mul3A_717 = arith.mulf %get3A_713, %get3A_716 : vector<16xf32>
          %add3A_718 = arith.addf %add3A_710, %mul3A_717 : vector<16xf32>
          %get3A_719 = arith.index_cast %add3A_695 : i32 to index
          %get3A_720 = arith.constant 48 : index
          %get3A_721 = tpu.vector_load %arg18[%get3A_719, %get3A_720] {strides = array<i32>} : memref<80x64xf32, #tpu.memory_space<vmem>>, vector<16xf32>,
          %get3A_722 = arith.index_cast %add3A_695 : i32 to index
          %get3A_723 = arith.constant 48 : index
          %get3A_724 = tpu.vector_load %arg20[%get3A_722, %get3A_723] {strides = array<i32>} : memref<80x128xf32, #tpu.memory_space<vmem>>, vector<16xf32>,
          %mul3A_725 = arith.mulf %get3A_721, %get3A_724 : vector<16xf32>
          %add3A_726 = arith.addf %add3A_718, %mul3A_725 : vector<16xf32>
          %add3A_727 = arith.constant 153 : i32
          %add3A_728 = vector.broadcast %add3A_727 : i32 to vector<16xi32>
          %add3A_729 = arith.addi %add3A_349, %add3A_728 : vector<16xi32>
          tpu.vector_store_idx %arg24[%add3A_729], %add3A_726 : memref<1360xf32, #tpu.memory_space<vmem>>[vector<16xi32>], vector<16xf32>,
          %mul3A_730 = arith.constant 16 : i32
          %mul3A_731 = arith.muli %scan3A_345, %mul3A_730 : i32
          %add3A_732 = arith.constant 10 : i32
          %add3A_733 = arith.addi %mul3A_731, %add3A_732 : i32
          %get3A_734 = arith.index_cast %add3A_733 : i32 to index
          %get3A_735 = arith.constant 0 : index
          %get3A_736 = tpu.vector_load %arg18[%get3A_734, %get3A_735] {strides = array<i32>} : memref<80x64xf32, #tpu.memory_space<vmem>>, vector<16xf32>,
          %get3A_737 = arith.index_cast %add3A_733 : i32 to index
          %get3A_738 = arith.constant 0 : index
          %get3A_739 = tpu.vector_load %arg20[%get3A_737, %get3A_738] {strides = array<i32>} : memref<80x128xf32, #tpu.memory_space<vmem>>, vector<16xf32>,
          %mul3A_740 = arith.mulf %get3A_736, %get3A_739 : vector<16xf32>
          %get3A_741 = arith.index_cast %add3A_733 : i32 to index
          %get3A_742 = arith.constant 16 : index
          %get3A_743 = tpu.vector_load %arg18[%get3A_741, %get3A_742] {strides = array<i32>} : memref<80x64xf32, #tpu.memory_space<vmem>>, vector<16xf32>,
          %get3A_744 = arith.index_cast %add3A_733 : i32 to index
          %get3A_745 = arith.constant 16 : index
          %get3A_746 = tpu.vector_load %arg20[%get3A_744, %get3A_745] {strides = array<i32>} : memref<80x128xf32, #tpu.memory_space<vmem>>, vector<16xf32>,
          %mul3A_747 = arith.mulf %get3A_743, %get3A_746 : vector<16xf32>
          %add3A_748 = arith.addf %mul3A_740, %mul3A_747 : vector<16xf32>
          %get3A_749 = arith.index_cast %add3A_733 : i32 to index
          %get3A_750 = arith.constant 32 : index
          %get3A_751 = tpu.vector_load %arg18[%get3A_749, %get3A_750] {strides = array<i32>} : memref<80x64xf32, #tpu.memory_space<vmem>>, vector<16xf32>,
          %get3A_752 = arith.index_cast %add3A_733 : i32 to index
          %get3A_753 = arith.constant 32 : index
          %get3A_754 = tpu.vector_load %arg20[%get3A_752, %get3A_753] {strides = array<i32>} : memref<80x128xf32, #tpu.memory_space<vmem>>, vector<16xf32>,
          %mul3A_755 = arith.mulf %get3A_751, %get3A_754 : vector<16xf32>
          %add3A_756 = arith.addf %add3A_748, %mul3A_755 : vector<16xf32>
          %get3A_757 = arith.index_cast %add3A_733 : i32 to index
          %get3A_758 = arith.constant 48 : index
          %get3A_759 = tpu.vector_load %arg18[%get3A_757, %get3A_758] {strides = array<i32>} : memref<80x64xf32, #tpu.memory_space<vmem>>, vector<16xf32>,
          %get3A_760 = arith.index_cast %add3A_733 : i32 to index
          %get3A_761 = arith.constant 48 : index
          %get3A_762 = tpu.vector_load %arg20[%get3A_760, %get3A_761] {strides = array<i32>} : memref<80x128xf32, #tpu.memory_space<vmem>>, vector<16xf32>,
          %mul3A_763 = arith.mulf %get3A_759, %get3A_762 : vector<16xf32>
          %add3A_764 = arith.addf %add3A_756, %mul3A_763 : vector<16xf32>
          %add3A_765 = arith.constant 170 : i32
          %add3A_766 = vector.broadcast %add3A_765 : i32 to vector<16xi32>
          %add3A_767 = arith.addi %add3A_349, %add3A_766 : vector<16xi32>
          tpu.vector_store_idx %arg24[%add3A_767], %add3A_764 : memref<1360xf32, #tpu.memory_space<vmem>>[vector<16xi32>], vector<16xf32>,
          %mul3A_768 = arith.constant 16 : i32
          %mul3A_769 = arith.muli %scan3A_345, %mul3A_768 : i32
          %add3A_770 = arith.constant 11 : i32
          %add3A_771 = arith.addi %mul3A_769, %add3A_770 : i32
          %get3A_772 = arith.index_cast %add3A_771 : i32 to index
          %get3A_773 = arith.constant 0 : index
          %get3A_774 = tpu.vector_load %arg18[%get3A_772, %get3A_773] {strides = array<i32>} : memref<80x64xf32, #tpu.memory_space<vmem>>, vector<16xf32>,
          %get3A_775 = arith.index_cast %add3A_771 : i32 to index
          %get3A_776 = arith.constant 0 : index
          %get3A_777 = tpu.vector_load %arg20[%get3A_775, %get3A_776] {strides = array<i32>} : memref<80x128xf32, #tpu.memory_space<vmem>>, vector<16xf32>,
          %mul3A_778 = arith.mulf %get3A_774, %get3A_777 : vector<16xf32>
          %get3A_779 = arith.index_cast %add3A_771 : i32 to index
          %get3A_780 = arith.constant 16 : index
          %get3A_781 = tpu.vector_load %arg18[%get3A_779, %get3A_780] {strides = array<i32>} : memref<80x64xf32, #tpu.memory_space<vmem>>, vector<16xf32>,
          %get3A_782 = arith.index_cast %add3A_771 : i32 to index
          %get3A_783 = arith.constant 16 : index
          %get3A_784 = tpu.vector_load %arg20[%get3A_782, %get3A_783] {strides = array<i32>} : memref<80x128xf32, #tpu.memory_space<vmem>>, vector<16xf32>,
          %mul3A_785 = arith.mulf %get3A_781, %get3A_784 : vector<16xf32>
          %add3A_786 = arith.addf %mul3A_778, %mul3A_785 : vector<16xf32>
          %get3A_787 = arith.index_cast %add3A_771 : i32 to index
          %get3A_788 = arith.constant 32 : index
          %get3A_789 = tpu.vector_load %arg18[%get3A_787, %get3A_788] {strides = array<i32>} : memref<80x64xf32, #tpu.memory_space<vmem>>, vector<16xf32>,
          %get3A_790 = arith.index_cast %add3A_771 : i32 to index
          %get3A_791 = arith.constant 32 : index
          %get3A_792 = tpu.vector_load %arg20[%get3A_790, %get3A_791] {strides = array<i32>} : memref<80x128xf32, #tpu.memory_space<vmem>>, vector<16xf32>,
          %mul3A_793 = arith.mulf %get3A_789, %get3A_792 : vector<16xf32>
          %add3A_794 = arith.addf %add3A_786, %mul3A_793 : vector<16xf32>
          %get3A_795 = arith.index_cast %add3A_771 : i32 to index
          %get3A_796 = arith.constant 48 : index
          %get3A_797 = tpu.vector_load %arg18[%get3A_795, %get3A_796] {strides = array<i32>} : memref<80x64xf32, #tpu.memory_space<vmem>>, vector<16xf32>,
          %get3A_798 = arith.index_cast %add3A_771 : i32 to index
          %get3A_799 = arith.constant 48 : index
          %get3A_800 = tpu.vector_load %arg20[%get3A_798, %get3A_799] {strides = array<i32>} : memref<80x128xf32, #tpu.memory_space<vmem>>, vector<16xf32>,
          %mul3A_801 = arith.mulf %get3A_797, %get3A_800 : vector<16xf32>
          %add3A_802 = arith.addf %add3A_794, %mul3A_801 : vector<16xf32>
          %add3A_803 = arith.constant 187 : i32
          %add3A_804 = vector.broadcast %add3A_803 : i32 to vector<16xi32>
          %add3A_805 = arith.addi %add3A_349, %add3A_804 : vector<16xi32>
          tpu.vector_store_idx %arg24[%add3A_805], %add3A_802 : memref<1360xf32, #tpu.memory_space<vmem>>[vector<16xi32>], vector<16xf32>,
          %mul3A_806 = arith.constant 16 : i32
          %mul3A_807 = arith.muli %scan3A_345, %mul3A_806 : i32
          %add3A_808 = arith.constant 12 : i32
          %add3A_809 = arith.addi %mul3A_807, %add3A_808 : i32
          %get3A_810 = arith.index_cast %add3A_809 : i32 to index
          %get3A_811 = arith.constant 0 : index
          %get3A_812 = tpu.vector_load %arg18[%get3A_810, %get3A_811] {strides = array<i32>} : memref<80x64xf32, #tpu.memory_space<vmem>>, vector<16xf32>,
          %get3A_813 = arith.index_cast %add3A_809 : i32 to index
          %get3A_814 = arith.constant 0 : index
          %get3A_815 = tpu.vector_load %arg20[%get3A_813, %get3A_814] {strides = array<i32>} : memref<80x128xf32, #tpu.memory_space<vmem>>, vector<16xf32>,
          %mul3A_816 = arith.mulf %get3A_812, %get3A_815 : vector<16xf32>
          %get3A_817 = arith.index_cast %add3A_809 : i32 to index
          %get3A_818 = arith.constant 16 : index
          %get3A_819 = tpu.vector_load %arg18[%get3A_817, %get3A_818] {strides = array<i32>} : memref<80x64xf32, #tpu.memory_space<vmem>>, vector<16xf32>,
          %get3A_820 = arith.index_cast %add3A_809 : i32 to index
          %get3A_821 = arith.constant 16 : index
          %get3A_822 = tpu.vector_load %arg20[%get3A_820, %get3A_821] {strides = array<i32>} : memref<80x128xf32, #tpu.memory_space<vmem>>, vector<16xf32>,
          %mul3A_823 = arith.mulf %get3A_819, %get3A_822 : vector<16xf32>
          %add3A_824 = arith.addf %mul3A_816, %mul3A_823 : vector<16xf32>
          %get3A_825 = arith.index_cast %add3A_809 : i32 to index
          %get3A_826 = arith.constant 32 : index
          %get3A_827 = tpu.vector_load %arg18[%get3A_825, %get3A_826] {strides = array<i32>} : memref<80x64xf32, #tpu.memory_space<vmem>>, vector<16xf32>,
          %get3A_828 = arith.index_cast %add3A_809 : i32 to index
          %get3A_829 = arith.constant 32 : index
          %get3A_830 = tpu.vector_load %arg20[%get3A_828, %get3A_829] {strides = array<i32>} : memref<80x128xf32, #tpu.memory_space<vmem>>, vector<16xf32>,
          %mul3A_831 = arith.mulf %get3A_827, %get3A_830 : vector<16xf32>
          %add3A_832 = arith.addf %add3A_824, %mul3A_831 : vector<16xf32>
          %get3A_833 = arith.index_cast %add3A_809 : i32 to index
          %get3A_834 = arith.constant 48 : index
          %get3A_835 = tpu.vector_load %arg18[%get3A_833, %get3A_834] {strides = array<i32>} : memref<80x64xf32, #tpu.memory_space<vmem>>, vector<16xf32>,
          %get3A_836 = arith.index_cast %add3A_809 : i32 to index
          %get3A_837 = arith.constant 48 : index
          %get3A_838 = tpu.vector_load %arg20[%get3A_836, %get3A_837] {strides = array<i32>} : memref<80x128xf32, #tpu.memory_space<vmem>>, vector<16xf32>,
          %mul3A_839 = arith.mulf %get3A_835, %get3A_838 : vector<16xf32>
          %add3A_840 = arith.addf %add3A_832, %mul3A_839 : vector<16xf32>
          %add3A_841 = arith.constant 204 : i32
          %add3A_842 = vector.broadcast %add3A_841 : i32 to vector<16xi32>
          %add3A_843 = arith.addi %add3A_349, %add3A_842 : vector<16xi32>
          tpu.vector_store_idx %arg24[%add3A_843], %add3A_840 : memref<1360xf32, #tpu.memory_space<vmem>>[vector<16xi32>], vector<16xf32>,
          %mul3A_844 = arith.constant 16 : i32
          %mul3A_845 = arith.muli %scan3A_345, %mul3A_844 : i32
          %add3A_846 = arith.constant 13 : i32
          %add3A_847 = arith.addi %mul3A_845, %add3A_846 : i32
          %get3A_848 = arith.index_cast %add3A_847 : i32 to index
          %get3A_849 = arith.constant 0 : index
          %get3A_850 = tpu.vector_load %arg18[%get3A_848, %get3A_849] {strides = array<i32>} : memref<80x64xf32, #tpu.memory_space<vmem>>, vector<16xf32>,
          %get3A_851 = arith.index_cast %add3A_847 : i32 to index
          %get3A_852 = arith.constant 0 : index
          %get3A_853 = tpu.vector_load %arg20[%get3A_851, %get3A_852] {strides = array<i32>} : memref<80x128xf32, #tpu.memory_space<vmem>>, vector<16xf32>,
          %mul3A_854 = arith.mulf %get3A_850, %get3A_853 : vector<16xf32>
          %get3A_855 = arith.index_cast %add3A_847 : i32 to index
          %get3A_856 = arith.constant 16 : index
          %get3A_857 = tpu.vector_load %arg18[%get3A_855, %get3A_856] {strides = array<i32>} : memref<80x64xf32, #tpu.memory_space<vmem>>, vector<16xf32>,
          %get3A_858 = arith.index_cast %add3A_847 : i32 to index
          %get3A_859 = arith.constant 16 : index
          %get3A_860 = tpu.vector_load %arg20[%get3A_858, %get3A_859] {strides = array<i32>} : memref<80x128xf32, #tpu.memory_space<vmem>>, vector<16xf32>,
          %mul3A_861 = arith.mulf %get3A_857, %get3A_860 : vector<16xf32>
          %add3A_862 = arith.addf %mul3A_854, %mul3A_861 : vector<16xf32>
          %get3A_863 = arith.index_cast %add3A_847 : i32 to index
          %get3A_864 = arith.constant 32 : index
          %get3A_865 = tpu.vector_load %arg18[%get3A_863, %get3A_864] {strides = array<i32>} : memref<80x64xf32, #tpu.memory_space<vmem>>, vector<16xf32>,
          %get3A_866 = arith.index_cast %add3A_847 : i32 to index
          %get3A_867 = arith.constant 32 : index
          %get3A_868 = tpu.vector_load %arg20[%get3A_866, %get3A_867] {strides = array<i32>} : memref<80x128xf32, #tpu.memory_space<vmem>>, vector<16xf32>,
          %mul3A_869 = arith.mulf %get3A_865, %get3A_868 : vector<16xf32>
          %add3A_870 = arith.addf %add3A_862, %mul3A_869 : vector<16xf32>
          %get3A_871 = arith.index_cast %add3A_847 : i32 to index
          %get3A_872 = arith.constant 48 : index
          %get3A_873 = tpu.vector_load %arg18[%get3A_871, %get3A_872] {strides = array<i32>} : memref<80x64xf32, #tpu.memory_space<vmem>>, vector<16xf32>,
          %get3A_874 = arith.index_cast %add3A_847 : i32 to index
          %get3A_875 = arith.constant 48 : index
          %get3A_876 = tpu.vector_load %arg20[%get3A_874, %get3A_875] {strides = array<i32>} : memref<80x128xf32, #tpu.memory_space<vmem>>, vector<16xf32>,
          %mul3A_877 = arith.mulf %get3A_873, %get3A_876 : vector<16xf32>
          %add3A_878 = arith.addf %add3A_870, %mul3A_877 : vector<16xf32>
          %add3A_879 = arith.constant 221 : i32
          %add3A_880 = vector.broadcast %add3A_879 : i32 to vector<16xi32>
          %add3A_881 = arith.addi %add3A_349, %add3A_880 : vector<16xi32>
          tpu.vector_store_idx %arg24[%add3A_881], %add3A_878 : memref<1360xf32, #tpu.memory_space<vmem>>[vector<16xi32>], vector<16xf32>,
          %mul3A_882 = arith.constant 16 : i32
          %mul3A_883 = arith.muli %scan3A_345, %mul3A_882 : i32
          %add3A_884 = arith.constant 14 : i32
          %add3A_885 = arith.addi %mul3A_883, %add3A_884 : i32
          %get3A_886 = arith.index_cast %add3A_885 : i32 to index
          %get3A_887 = arith.constant 0 : index
          %get3A_888 = tpu.vector_load %arg18[%get3A_886, %get3A_887] {strides = array<i32>} : memref<80x64xf32, #tpu.memory_space<vmem>>, vector<16xf32>,
          %get3A_889 = arith.index_cast %add3A_885 : i32 to index
          %get3A_890 = arith.constant 0 : index
          %get3A_891 = tpu.vector_load %arg20[%get3A_889, %get3A_890] {strides = array<i32>} : memref<80x128xf32, #tpu.memory_space<vmem>>, vector<16xf32>,
          %mul3A_892 = arith.mulf %get3A_888, %get3A_891 : vector<16xf32>
          %get3A_893 = arith.index_cast %add3A_885 : i32 to index
          %get3A_894 = arith.constant 16 : index
          %get3A_895 = tpu.vector_load %arg18[%get3A_893, %get3A_894] {strides = array<i32>} : memref<80x64xf32, #tpu.memory_space<vmem>>, vector<16xf32>,
          %get3A_896 = arith.index_cast %add3A_885 : i32 to index
          %get3A_897 = arith.constant 16 : index
          %get3A_898 = tpu.vector_load %arg20[%get3A_896, %get3A_897] {strides = array<i32>} : memref<80x128xf32, #tpu.memory_space<vmem>>, vector<16xf32>,
          %mul3A_899 = arith.mulf %get3A_895, %get3A_898 : vector<16xf32>
          %add3A_900 = arith.addf %mul3A_892, %mul3A_899 : vector<16xf32>
          %get3A_901 = arith.index_cast %add3A_885 : i32 to index
          %get3A_902 = arith.constant 32 : index
          %get3A_903 = tpu.vector_load %arg18[%get3A_901, %get3A_902] {strides = array<i32>} : memref<80x64xf32, #tpu.memory_space<vmem>>, vector<16xf32>,
          %get3A_904 = arith.index_cast %add3A_885 : i32 to index
          %get3A_905 = arith.constant 32 : index
          %get3A_906 = tpu.vector_load %arg20[%get3A_904, %get3A_905] {strides = array<i32>} : memref<80x128xf32, #tpu.memory_space<vmem>>, vector<16xf32>,
          %mul3A_907 = arith.mulf %get3A_903, %get3A_906 : vector<16xf32>
          %add3A_908 = arith.addf %add3A_900, %mul3A_907 : vector<16xf32>
          %get3A_909 = arith.index_cast %add3A_885 : i32 to index
          %get3A_910 = arith.constant 48 : index
          %get3A_911 = tpu.vector_load %arg18[%get3A_909, %get3A_910] {strides = array<i32>} : memref<80x64xf32, #tpu.memory_space<vmem>>, vector<16xf32>,
          %get3A_912 = arith.index_cast %add3A_885 : i32 to index
          %get3A_913 = arith.constant 48 : index
          %get3A_914 = tpu.vector_load %arg20[%get3A_912, %get3A_913] {strides = array<i32>} : memref<80x128xf32, #tpu.memory_space<vmem>>, vector<16xf32>,
          %mul3A_915 = arith.mulf %get3A_911, %get3A_914 : vector<16xf32>
          %add3A_916 = arith.addf %add3A_908, %mul3A_915 : vector<16xf32>
          %add3A_917 = arith.constant 238 : i32
          %add3A_918 = vector.broadcast %add3A_917 : i32 to vector<16xi32>
          %add3A_919 = arith.addi %add3A_349, %add3A_918 : vector<16xi32>
          tpu.vector_store_idx %arg24[%add3A_919], %add3A_916 : memref<1360xf32, #tpu.memory_space<vmem>>[vector<16xi32>], vector<16xf32>,
          %mul3A_920 = arith.constant 16 : i32
          %mul3A_921 = arith.muli %scan3A_345, %mul3A_920 : i32
          %add3A_922 = arith.constant 15 : i32
          %add3A_923 = arith.addi %mul3A_921, %add3A_922 : i32
          %get3A_924 = arith.index_cast %add3A_923 : i32 to index
          %get3A_925 = arith.constant 0 : index
          %get3A_926 = tpu.vector_load %arg18[%get3A_924, %get3A_925] {strides = array<i32>} : memref<80x64xf32, #tpu.memory_space<vmem>>, vector<16xf32>,
          %get3A_927 = arith.index_cast %add3A_923 : i32 to index
          %get3A_928 = arith.constant 0 : index
          %get3A_929 = tpu.vector_load %arg20[%get3A_927, %get3A_928] {strides = array<i32>} : memref<80x128xf32, #tpu.memory_space<vmem>>, vector<16xf32>,
          %mul3A_930 = arith.mulf %get3A_926, %get3A_929 : vector<16xf32>
          %get3A_931 = arith.index_cast %add3A_923 : i32 to index
          %get3A_932 = arith.constant 16 : index
          %get3A_933 = tpu.vector_load %arg18[%get3A_931, %get3A_932] {strides = array<i32>} : memref<80x64xf32, #tpu.memory_space<vmem>>, vector<16xf32>,
          %get3A_934 = arith.index_cast %add3A_923 : i32 to index
          %get3A_935 = arith.constant 16 : index
          %get3A_936 = tpu.vector_load %arg20[%get3A_934, %get3A_935] {strides = array<i32>} : memref<80x128xf32, #tpu.memory_space<vmem>>, vector<16xf32>,
          %mul3A_937 = arith.mulf %get3A_933, %get3A_936 : vector<16xf32>
          %add3A_938 = arith.addf %mul3A_930, %mul3A_937 : vector<16xf32>
          %get3A_939 = arith.index_cast %add3A_923 : i32 to index
          %get3A_940 = arith.constant 32 : index
          %get3A_941 = tpu.vector_load %arg18[%get3A_939, %get3A_940] {strides = array<i32>} : memref<80x64xf32, #tpu.memory_space<vmem>>, vector<16xf32>,
          %get3A_942 = arith.index_cast %add3A_923 : i32 to index
          %get3A_943 = arith.constant 32 : index
          %get3A_944 = tpu.vector_load %arg20[%get3A_942, %get3A_943] {strides = array<i32>} : memref<80x128xf32, #tpu.memory_space<vmem>>, vector<16xf32>,
          %mul3A_945 = arith.mulf %get3A_941, %get3A_944 : vector<16xf32>
          %add3A_946 = arith.addf %add3A_938, %mul3A_945 : vector<16xf32>
          %get3A_947 = arith.index_cast %add3A_923 : i32 to index
          %get3A_948 = arith.constant 48 : index
          %get3A_949 = tpu.vector_load %arg18[%get3A_947, %get3A_948] {strides = array<i32>} : memref<80x64xf32, #tpu.memory_space<vmem>>, vector<16xf32>,
          %get3A_950 = arith.index_cast %add3A_923 : i32 to index
          %get3A_951 = arith.constant 48 : index
          %get3A_952 = tpu.vector_load %arg20[%get3A_950, %get3A_951] {strides = array<i32>} : memref<80x128xf32, #tpu.memory_space<vmem>>, vector<16xf32>,
          %mul3A_953 = arith.mulf %get3A_949, %get3A_952 : vector<16xf32>
          %add3A_954 = arith.addf %add3A_946, %mul3A_953 : vector<16xf32>
          %add3A_955 = arith.constant 255 : i32
          %add3A_956 = vector.broadcast %add3A_955 : i32 to vector<16xi32>
          %add3A_957 = arith.addi %add3A_349, %add3A_956 : vector<16xi32>
          tpu.vector_store_idx %arg24[%add3A_957], %add3A_954 : memref<1360xf32, #tpu.memory_space<vmem>>[vector<16xi32>], vector<16xf32>,
        }
        %scan3A_324 = arith.constant 5 : i32
        %scan3A_325 = arith.constant 0 : i32
        %scan3A_326 = arith.constant 0 : i32
        %scan3A_327 = arith.constant 5 : i32
        %scan3A_328 = arith.addi %scan3A_326, %scan3A_327 : i32
        %scan3A_329 = arith.constant 1 : i32
        scf.for %scan3A_345 = %scan3A_326 to %scan3A_328 step %scan3A_329  : i32 {
          %mul3A_346 = arith.constant 272 : i32
          %mul3A_347 = arith.muli %scan3A_345, %mul3A_346 : i32
          %add3A_348 = vector.broadcast %mul3A_347 : i32 to vector<16xi32>
          %add3A_349 = arith.addi %mul3A_318, %add3A_348 : vector<16xi32>
          %gather3A = tpu.vector_load_idx %arg24[%add3A_349] : memref<1360xf32, #tpu.memory_space<vmem>>[vector<16xi32>], vector<16xf32>,
          %add3A_350 = arith.constant 1 : i32
          %add3A_351 = vector.broadcast %add3A_350 : i32 to vector<16xi32>
          %add3A_352 = arith.addi %add3A_349, %add3A_351 : vector<16xi32>
          %gather3A_353 = tpu.vector_load_idx %arg24[%add3A_352] : memref<1360xf32, #tpu.memory_space<vmem>>[vector<16xi32>], vector<16xf32>,
          %add3A_354 = arith.addf %gather3A, %gather3A_353 : vector<16xf32>
          %add3A_355 = arith.constant 2 : i32
          %add3A_356 = vector.broadcast %add3A_355 : i32 to vector<16xi32>
          %add3A_357 = arith.addi %add3A_349, %add3A_356 : vector<16xi32>
          %gather3A_358 = tpu.vector_load_idx %arg24[%add3A_357] : memref<1360xf32, #tpu.memory_space<vmem>>[vector<16xi32>], vector<16xf32>,
          %add3A_359 = arith.addf %add3A_354, %gather3A_358 : vector<16xf32>
          %add3A_360 = arith.constant 3 : i32
          %add3A_361 = vector.broadcast %add3A_360 : i32 to vector<16xi32>
          %add3A_362 = arith.addi %add3A_349, %add3A_361 : vector<16xi32>
          %gather3A_363 = tpu.vector_load_idx %arg24[%add3A_362] : memref<1360xf32, #tpu.memory_space<vmem>>[vector<16xi32>], vector<16xf32>,
          %add3A_364 = arith.addf %add3A_359, %gather3A_363 : vector<16xf32>
          %add3A_365 = arith.constant 4 : i32
          %add3A_366 = vector.broadcast %add3A_365 : i32 to vector<16xi32>
          %add3A_367 = arith.addi %add3A_349, %add3A_366 : vector<16xi32>
          %gather3A_368 = tpu.vector_load_idx %arg24[%add3A_367] : memref<1360xf32, #tpu.memory_space<vmem>>[vector<16xi32>], vector<16xf32>,
          %add3A_369 = arith.addf %add3A_364, %gather3A_368 : vector<16xf32>
          %add3A_370 = arith.constant 5 : i32
          %add3A_371 = vector.broadcast %add3A_370 : i32 to vector<16xi32>
          %add3A_372 = arith.addi %add3A_349, %add3A_371 : vector<16xi32>
          %gather3A_373 = tpu.vector_load_idx %arg24[%add3A_372] : memref<1360xf32, #tpu.memory_space<vmem>>[vector<16xi32>], vector<16xf32>,
          %add3A_374 = arith.addf %add3A_369, %gather3A_373 : vector<16xf32>
          %add3A_375 = arith.constant 6 : i32
          %add3A_376 = vector.broadcast %add3A_375 : i32 to vector<16xi32>
          %add3A_377 = arith.addi %add3A_349, %add3A_376 : vector<16xi32>
          %gather3A_378 = tpu.vector_load_idx %arg24[%add3A_377] : memref<1360xf32, #tpu.memory_space<vmem>>[vector<16xi32>], vector<16xf32>,
          %add3A_379 = arith.addf %add3A_374, %gather3A_378 : vector<16xf32>
          %add3A_380 = arith.constant 7 : i32
          %add3A_381 = vector.broadcast %add3A_380 : i32 to vector<16xi32>
          %add3A_382 = arith.addi %add3A_349, %add3A_381 : vector<16xi32>
          %gather3A_383 = tpu.vector_load_idx %arg24[%add3A_382] : memref<1360xf32, #tpu.memory_space<vmem>>[vector<16xi32>], vector<16xf32>,
          %add3A_384 = arith.addf %add3A_379, %gather3A_383 : vector<16xf32>
          %add3A_385 = arith.constant 8 : i32
          %add3A_386 = vector.broadcast %add3A_385 : i32 to vector<16xi32>
          %add3A_387 = arith.addi %add3A_349, %add3A_386 : vector<16xi32>
          %gather3A_388 = tpu.vector_load_idx %arg24[%add3A_387] : memref<1360xf32, #tpu.memory_space<vmem>>[vector<16xi32>], vector<16xf32>,
          %add3A_389 = arith.addf %add3A_384, %gather3A_388 : vector<16xf32>
          %add3A_390 = arith.constant 9 : i32
          %add3A_391 = vector.broadcast %add3A_390 : i32 to vector<16xi32>
          %add3A_392 = arith.addi %add3A_349, %add3A_391 : vector<16xi32>
          %gather3A_393 = tpu.vector_load_idx %arg24[%add3A_392] : memref<1360xf32, #tpu.memory_space<vmem>>[vector<16xi32>], vector<16xf32>,
          %add3A_394 = arith.addf %add3A_389, %gather3A_393 : vector<16xf32>
          %add3A_395 = arith.constant 10 : i32
          %add3A_396 = vector.broadcast %add3A_395 : i32 to vector<16xi32>
          %add3A_397 = arith.addi %add3A_349, %add3A_396 : vector<16xi32>
          %gather3A_398 = tpu.vector_load_idx %arg24[%add3A_397] : memref<1360xf32, #tpu.memory_space<vmem>>[vector<16xi32>], vector<16xf32>,
          %add3A_399 = arith.addf %add3A_394, %gather3A_398 : vector<16xf32>
          %add3A_400 = arith.constant 11 : i32
          %add3A_401 = vector.broadcast %add3A_400 : i32 to vector<16xi32>
          %add3A_402 = arith.addi %add3A_349, %add3A_401 : vector<16xi32>
          %gather3A_403 = tpu.vector_load_idx %arg24[%add3A_402] : memref<1360xf32, #tpu.memory_space<vmem>>[vector<16xi32>], vector<16xf32>,
          %add3A_404 = arith.addf %add3A_399, %gather3A_403 : vector<16xf32>
          %add3A_405 = arith.constant 12 : i32
          %add3A_406 = vector.broadcast %add3A_405 : i32 to vector<16xi32>
          %add3A_407 = arith.addi %add3A_349, %add3A_406 : vector<16xi32>
          %gather3A_408 = tpu.vector_load_idx %arg24[%add3A_407] : memref<1360xf32, #tpu.memory_space<vmem>>[vector<16xi32>], vector<16xf32>,
          %add3A_409 = arith.addf %add3A_404, %gather3A_408 : vector<16xf32>
          %add3A_410 = arith.constant 13 : i32
          %add3A_411 = vector.broadcast %add3A_410 : i32 to vector<16xi32>
          %add3A_412 = arith.addi %add3A_349, %add3A_411 : vector<16xi32>
          %gather3A_413 = tpu.vector_load_idx %arg24[%add3A_412] : memref<1360xf32, #tpu.memory_space<vmem>>[vector<16xi32>], vector<16xf32>,
          %add3A_414 = arith.addf %add3A_409, %gather3A_413 : vector<16xf32>
          %add3A_415 = arith.constant 14 : i32
          %add3A_416 = vector.broadcast %add3A_415 : i32 to vector<16xi32>
          %add3A_417 = arith.addi %add3A_349, %add3A_416 : vector<16xi32>
          %gather3A_418 = tpu.vector_load_idx %arg24[%add3A_417] : memref<1360xf32, #tpu.memory_space<vmem>>[vector<16xi32>], vector<16xf32>,
          %add3A_419 = arith.addf %add3A_414, %gather3A_418 : vector<16xf32>
          %add3A_420 = arith.constant 15 : i32
          %add3A_421 = vector.broadcast %add3A_420 : i32 to vector<16xi32>
          %add3A_422 = arith.addi %add3A_349, %add3A_421 : vector<16xi32>
          %gather3A_423 = tpu.vector_load_idx %arg24[%add3A_422] : memref<1360xf32, #tpu.memory_space<vmem>>[vector<16xi32>], vector<16xf32>,
          %add3A_424 = arith.addf %add3A_419, %gather3A_423 : vector<16xf32>
          %mul3A_425 = arith.constant 1.250000e-01 : f32
          %mul3A_426 = vector.broadcast %mul3A_425 : f32 to vector<16xf32>
          %mul3A_427 = arith.mulf %add3A_424, %mul3A_426 : vector<16xf32>
          %exp3A = math.exp %mul3A_427 : vector<16xf32>
          %mul3A_428 = arith.constant 16 : i32
          %mul3A_429 = arith.muli %scan3A_345, %mul3A_428 : i32
          %swap3A_430 = arith.index_cast %mul3A_429 : i32 to index
          %swap3A_431 = tpu.vector_load %arg25[%swap3A_430] {strides = array<i32>} : memref<80xf32, #tpu.memory_space<vmem>>, vector<16xf32>,
          tpu.vector_store %arg25[%swap3A_430], %exp3A {strides = array<i32>} : memref<80xf32, #tpu.memory_space<vmem>>, vector<16xf32>,
          %mul3A_432 = arith.constant 16 : i32
          %mul3A_433 = arith.muli %scan3A_345, %mul3A_432 : i32
          %add3A_434 = vector.broadcast %mul3A_433 : i32 to vector<16xi32>
          %add3A_435 = arith.addi %iota3A_315, %add3A_434 : vector<16xi32>
          %broadcast_in_dim3A = arith.constant 64 : i32
          %broadcast_in_dim3A_436 = vector.broadcast %broadcast_in_dim3A : i32 to vector<16xi32>
          tpu.vector_store_idx %arg22[%add3A_435, %broadcast_in_dim3A_436], %exp3A : memref<80x80xf32, #tpu.memory_space<vmem>>[vector<16xi32>, vector<16xi32>], vector<16xf32>,
        }
        %scan3A_330 = arith.constant 5 : i32
        %scan3A_331 = arith.constant 0 : i32
        %scan3A_332 = arith.constant 0 : i32
        %scan3A_333 = arith.constant 5 : i32
        %scan3A_334 = arith.addi %scan3A_332, %scan3A_333 : i32
        %scan3A_335 = arith.constant 1 : i32
        scf.for %scan3A_345 = %scan3A_332 to %scan3A_334 step %scan3A_335  : i32 {
          %mul3A_346 = arith.constant 16 : i32
          %mul3A_347 = arith.muli %scan3A_345, %mul3A_346 : i32
          %add3A_348 = arith.constant 0 : i32
          %add3A_349 = arith.addi %mul3A_347, %add3A_348 : i32
          %broadcast_in_dim3A = arith.constant 0 : i32
          %broadcast_in_dim3A_350 = vector.broadcast %broadcast_in_dim3A : i32 to vector<16xi32>
          %add3A_351 = vector.broadcast %mul3A_347 : i32 to vector<16xi32>
          %add3A_352 = arith.addi %broadcast_in_dim3A_350, %add3A_351 : vector<16xi32>
          %gather3A = tpu.vector_load_idx %arg25[%add3A_352] : memref<80xf32, #tpu.memory_space<vmem>>[vector<16xi32>], vector<16xf32>,
          %get3A_353 = arith.index_cast %add3A_349 : i32 to index
          %get3A_354 = arith.constant 64 : index
          %get3A_355 = tpu.vector_load %arg20[%get3A_353, %get3A_354] {strides = array<i32>} : memref<80x128xf32, #tpu.memory_space<vmem>>, vector<16xf32>,
          %mul3A_356 = arith.mulf %gather3A, %get3A_355 : vector<16xf32>
          %swap3A_357 = arith.index_cast %add3A_349 : i32 to index
          %swap3A_358 = arith.constant 0 : index
          %swap3A_359 = tpu.vector_load %arg22[%swap3A_357, %swap3A_358] {strides = array<i32>} : memref<80x80xf32, #tpu.memory_space<vmem>>, vector<16xf32>,
          tpu.vector_store %arg22[%swap3A_357, %swap3A_358], %mul3A_356 {strides = array<i32>} : memref<80x80xf32, #tpu.memory_space<vmem>>, vector<16xf32>,
          %get3A_360 = arith.index_cast %add3A_349 : i32 to index
          %get3A_361 = arith.constant 80 : index
          %get3A_362 = tpu.vector_load %arg20[%get3A_360, %get3A_361] {strides = array<i32>} : memref<80x128xf32, #tpu.memory_space<vmem>>, vector<16xf32>,
          %mul3A_363 = arith.mulf %gather3A, %get3A_362 : vector<16xf32>
          %swap3A_364 = arith.index_cast %add3A_349 : i32 to index
          %swap3A_365 = arith.constant 16 : index
          %swap3A_366 = tpu.vector_load %arg22[%swap3A_364, %swap3A_365] {strides = array<i32>} : memref<80x80xf32, #tpu.memory_space<vmem>>, vector<16xf32>,
          tpu.vector_store %arg22[%swap3A_364, %swap3A_365], %mul3A_363 {strides = array<i32>} : memref<80x80xf32, #tpu.memory_space<vmem>>, vector<16xf32>,
          %get3A_367 = arith.index_cast %add3A_349 : i32 to index
          %get3A_368 = arith.constant 96 : index
          %get3A_369 = tpu.vector_load %arg20[%get3A_367, %get3A_368] {strides = array<i32>} : memref<80x128xf32, #tpu.memory_space<vmem>>, vector<16xf32>,
          %mul3A_370 = arith.mulf %gather3A, %get3A_369 : vector<16xf32>
          %swap3A_371 = arith.index_cast %add3A_349 : i32 to index
          %swap3A_372 = arith.constant 32 : index
          %swap3A_373 = tpu.vector_load %arg22[%swap3A_371, %swap3A_372] {strides = array<i32>} : memref<80x80xf32, #tpu.memory_space<vmem>>, vector<16xf32>,
          tpu.vector_store %arg22[%swap3A_371, %swap3A_372], %mul3A_370 {strides = array<i32>} : memref<80x80xf32, #tpu.memory_space<vmem>>, vector<16xf32>,
          %get3A_374 = arith.index_cast %add3A_349 : i32 to index
          %get3A_375 = arith.constant 112 : index
          %get3A_376 = tpu.vector_load %arg20[%get3A_374, %get3A_375] {strides = array<i32>} : memref<80x128xf32, #tpu.memory_space<vmem>>, vector<16xf32>,
          %mul3A_377 = arith.mulf %gather3A, %get3A_376 : vector<16xf32>
          %swap3A_378 = arith.index_cast %add3A_349 : i32 to index
          %swap3A_379 = arith.constant 48 : index
          %swap3A_380 = tpu.vector_load %arg22[%swap3A_378, %swap3A_379] {strides = array<i32>} : memref<80x80xf32, #tpu.memory_space<vmem>>, vector<16xf32>,
          tpu.vector_store %arg22[%swap3A_378, %swap3A_379], %mul3A_377 {strides = array<i32>} : memref<80x80xf32, #tpu.memory_space<vmem>>, vector<16xf32>,
          %add3A_381 = arith.constant 1 : i32
          %add3A_382 = arith.addi %mul3A_347, %add3A_381 : i32
          %broadcast_in_dim3A_383 = arith.constant 1 : i32
          %broadcast_in_dim3A_384 = vector.broadcast %broadcast_in_dim3A_383 : i32 to vector<16xi32>
          %add3A_385 = vector.broadcast %mul3A_347 : i32 to vector<16xi32>
          %add3A_386 = arith.addi %broadcast_in_dim3A_384, %add3A_385 : vector<16xi32>
          %gather3A_387 = tpu.vector_load_idx %arg25[%add3A_386] : memref<80xf32, #tpu.memory_space<vmem>>[vector<16xi32>], vector<16xf32>,
          %get3A_388 = arith.index_cast %add3A_382 : i32 to index
          %get3A_389 = arith.constant 64 : index
          %get3A_390 = tpu.vector_load %arg20[%get3A_388, %get3A_389] {strides = array<i32>} : memref<80x128xf32, #tpu.memory_space<vmem>>, vector<16xf32>,
          %mul3A_391 = arith.mulf %gather3A_387, %get3A_390 : vector<16xf32>
          %swap3A_392 = arith.index_cast %add3A_382 : i32 to index
          %swap3A_393 = arith.constant 0 : index
          %swap3A_394 = tpu.vector_load %arg22[%swap3A_392, %swap3A_393] {strides = array<i32>} : memref<80x80xf32, #tpu.memory_space<vmem>>, vector<16xf32>,
          tpu.vector_store %arg22[%swap3A_392, %swap3A_393], %mul3A_391 {strides = array<i32>} : memref<80x80xf32, #tpu.memory_space<vmem>>, vector<16xf32>,
          %get3A_395 = arith.index_cast %add3A_382 : i32 to index
          %get3A_396 = arith.constant 80 : index
          %get3A_397 = tpu.vector_load %arg20[%get3A_395, %get3A_396] {strides = array<i32>} : memref<80x128xf32, #tpu.memory_space<vmem>>, vector<16xf32>,
          %mul3A_398 = arith.mulf %gather3A_387, %get3A_397 : vector<16xf32>
          %swap3A_399 = arith.index_cast %add3A_382 : i32 to index
          %swap3A_400 = arith.constant 16 : index
          %swap3A_401 = tpu.vector_load %arg22[%swap3A_399, %swap3A_400] {strides = array<i32>} : memref<80x80xf32, #tpu.memory_space<vmem>>, vector<16xf32>,
          tpu.vector_store %arg22[%swap3A_399, %swap3A_400], %mul3A_398 {strides = array<i32>} : memref<80x80xf32, #tpu.memory_space<vmem>>, vector<16xf32>,
          %get3A_402 = arith.index_cast %add3A_382 : i32 to index
          %get3A_403 = arith.constant 96 : index
          %get3A_404 = tpu.vector_load %arg20[%get3A_402, %get3A_403] {strides = array<i32>} : memref<80x128xf32, #tpu.memory_space<vmem>>, vector<16xf32>,
          %mul3A_405 = arith.mulf %gather3A_387, %get3A_404 : vector<16xf32>
          %swap3A_406 = arith.index_cast %add3A_382 : i32 to index
          %swap3A_407 = arith.constant 32 : index
          %swap3A_408 = tpu.vector_load %arg22[%swap3A_406, %swap3A_407] {strides = array<i32>} : memref<80x80xf32, #tpu.memory_space<vmem>>, vector<16xf32>,
          tpu.vector_store %arg22[%swap3A_406, %swap3A_407], %mul3A_405 {strides = array<i32>} : memref<80x80xf32, #tpu.memory_space<vmem>>, vector<16xf32>,
          %get3A_409 = arith.index_cast %add3A_382 : i32 to index
          %get3A_410 = arith.constant 112 : index
          %get3A_411 = tpu.vector_load %arg20[%get3A_409, %get3A_410] {strides = array<i32>} : memref<80x128xf32, #tpu.memory_space<vmem>>, vector<16xf32>,
          %mul3A_412 = arith.mulf %gather3A_387, %get3A_411 : vector<16xf32>
          %swap3A_413 = arith.index_cast %add3A_382 : i32 to index
          %swap3A_414 = arith.constant 48 : index
          %swap3A_415 = tpu.vector_load %arg22[%swap3A_413, %swap3A_414] {strides = array<i32>} : memref<80x80xf32, #tpu.memory_space<vmem>>, vector<16xf32>,
          tpu.vector_store %arg22[%swap3A_413, %swap3A_414], %mul3A_412 {strides = array<i32>} : memref<80x80xf32, #tpu.memory_space<vmem>>, vector<16xf32>,
          %add3A_416 = arith.constant 2 : i32
          %add3A_417 = arith.addi %mul3A_347, %add3A_416 : i32
          %broadcast_in_dim3A_418 = arith.constant 2 : i32
          %broadcast_in_dim3A_419 = vector.broadcast %broadcast_in_dim3A_418 : i32 to vector<16xi32>
          %add3A_420 = vector.broadcast %mul3A_347 : i32 to vector<16xi32>
          %add3A_421 = arith.addi %broadcast_in_dim3A_419, %add3A_420 : vector<16xi32>
          %gather3A_422 = tpu.vector_load_idx %arg25[%add3A_421] : memref<80xf32, #tpu.memory_space<vmem>>[vector<16xi32>], vector<16xf32>,
          %get3A_423 = arith.index_cast %add3A_417 : i32 to index
          %get3A_424 = arith.constant 64 : index
          %get3A_425 = tpu.vector_load %arg20[%get3A_423, %get3A_424] {strides = array<i32>} : memref<80x128xf32, #tpu.memory_space<vmem>>, vector<16xf32>,
          %mul3A_426 = arith.mulf %gather3A_422, %get3A_425 : vector<16xf32>
          %swap3A_427 = arith.index_cast %add3A_417 : i32 to index
          %swap3A_428 = arith.constant 0 : index
          %swap3A_429 = tpu.vector_load %arg22[%swap3A_427, %swap3A_428] {strides = array<i32>} : memref<80x80xf32, #tpu.memory_space<vmem>>, vector<16xf32>,
          tpu.vector_store %arg22[%swap3A_427, %swap3A_428], %mul3A_426 {strides = array<i32>} : memref<80x80xf32, #tpu.memory_space<vmem>>, vector<16xf32>,
          %get3A_430 = arith.index_cast %add3A_417 : i32 to index
          %get3A_431 = arith.constant 80 : index
          %get3A_432 = tpu.vector_load %arg20[%get3A_430, %get3A_431] {strides = array<i32>} : memref<80x128xf32, #tpu.memory_space<vmem>>, vector<16xf32>,
          %mul3A_433 = arith.mulf %gather3A_422, %get3A_432 : vector<16xf32>
          %swap3A_434 = arith.index_cast %add3A_417 : i32 to index
          %swap3A_435 = arith.constant 16 : index
          %swap3A_436 = tpu.vector_load %arg22[%swap3A_434, %swap3A_435] {strides = array<i32>} : memref<80x80xf32, #tpu.memory_space<vmem>>, vector<16xf32>,
          tpu.vector_store %arg22[%swap3A_434, %swap3A_435], %mul3A_433 {strides = array<i32>} : memref<80x80xf32, #tpu.memory_space<vmem>>, vector<16xf32>,
          %get3A_437 = arith.index_cast %add3A_417 : i32 to index
          %get3A_438 = arith.constant 96 : index
          %get3A_439 = tpu.vector_load %arg20[%get3A_437, %get3A_438] {strides = array<i32>} : memref<80x128xf32, #tpu.memory_space<vmem>>, vector<16xf32>,
          %mul3A_440 = arith.mulf %gather3A_422, %get3A_439 : vector<16xf32>
          %swap3A_441 = arith.index_cast %add3A_417 : i32 to index
          %swap3A_442 = arith.constant 32 : index
          %swap3A_443 = tpu.vector_load %arg22[%swap3A_441, %swap3A_442] {strides = array<i32>} : memref<80x80xf32, #tpu.memory_space<vmem>>, vector<16xf32>,
          tpu.vector_store %arg22[%swap3A_441, %swap3A_442], %mul3A_440 {strides = array<i32>} : memref<80x80xf32, #tpu.memory_space<vmem>>, vector<16xf32>,
          %get3A_444 = arith.index_cast %add3A_417 : i32 to index
          %get3A_445 = arith.constant 112 : index
          %get3A_446 = tpu.vector_load %arg20[%get3A_444, %get3A_445] {strides = array<i32>} : memref<80x128xf32, #tpu.memory_space<vmem>>, vector<16xf32>,
          %mul3A_447 = arith.mulf %gather3A_422, %get3A_446 : vector<16xf32>
          %swap3A_448 = arith.index_cast %add3A_417 : i32 to index
          %swap3A_449 = arith.constant 48 : index
          %swap3A_450 = tpu.vector_load %arg22[%swap3A_448, %swap3A_449] {strides = array<i32>} : memref<80x80xf32, #tpu.memory_space<vmem>>, vector<16xf32>,
          tpu.vector_store %arg22[%swap3A_448, %swap3A_449], %mul3A_447 {strides = array<i32>} : memref<80x80xf32, #tpu.memory_space<vmem>>, vector<16xf32>,
          %add3A_451 = arith.constant 3 : i32
          %add3A_452 = arith.addi %mul3A_347, %add3A_451 : i32
          %broadcast_in_dim3A_453 = arith.constant 3 : i32
          %broadcast_in_dim3A_454 = vector.broadcast %broadcast_in_dim3A_453 : i32 to vector<16xi32>
          %add3A_455 = vector.broadcast %mul3A_347 : i32 to vector<16xi32>
          %add3A_456 = arith.addi %broadcast_in_dim3A_454, %add3A_455 : vector<16xi32>
          %gather3A_457 = tpu.vector_load_idx %arg25[%add3A_456] : memref<80xf32, #tpu.memory_space<vmem>>[vector<16xi32>], vector<16xf32>,
          %get3A_458 = arith.index_cast %add3A_452 : i32 to index
          %get3A_459 = arith.constant 64 : index
          %get3A_460 = tpu.vector_load %arg20[%get3A_458, %get3A_459] {strides = array<i32>} : memref<80x128xf32, #tpu.memory_space<vmem>>, vector<16xf32>,
          %mul3A_461 = arith.mulf %gather3A_457, %get3A_460 : vector<16xf32>
          %swap3A_462 = arith.index_cast %add3A_452 : i32 to index
          %swap3A_463 = arith.constant 0 : index
          %swap3A_464 = tpu.vector_load %arg22[%swap3A_462, %swap3A_463] {strides = array<i32>} : memref<80x80xf32, #tpu.memory_space<vmem>>, vector<16xf32>,
          tpu.vector_store %arg22[%swap3A_462, %swap3A_463], %mul3A_461 {strides = array<i32>} : memref<80x80xf32, #tpu.memory_space<vmem>>, vector<16xf32>,
          %get3A_465 = arith.index_cast %add3A_452 : i32 to index
          %get3A_466 = arith.constant 80 : index
          %get3A_467 = tpu.vector_load %arg20[%get3A_465, %get3A_466] {strides = array<i32>} : memref<80x128xf32, #tpu.memory_space<vmem>>, vector<16xf32>,
          %mul3A_468 = arith.mulf %gather3A_457, %get3A_467 : vector<16xf32>
          %swap3A_469 = arith.index_cast %add3A_452 : i32 to index
          %swap3A_470 = arith.constant 16 : index
          %swap3A_471 = tpu.vector_load %arg22[%swap3A_469, %swap3A_470] {strides = array<i32>} : memref<80x80xf32, #tpu.memory_space<vmem>>, vector<16xf32>,
          tpu.vector_store %arg22[%swap3A_469, %swap3A_470], %mul3A_468 {strides = array<i32>} : memref<80x80xf32, #tpu.memory_space<vmem>>, vector<16xf32>,
          %get3A_472 = arith.index_cast %add3A_452 : i32 to index
          %get3A_473 = arith.constant 96 : index
          %get3A_474 = tpu.vector_load %arg20[%get3A_472, %get3A_473] {strides = array<i32>} : memref<80x128xf32, #tpu.memory_space<vmem>>, vector<16xf32>,
          %mul3A_475 = arith.mulf %gather3A_457, %get3A_474 : vector<16xf32>
          %swap3A_476 = arith.index_cast %add3A_452 : i32 to index
          %swap3A_477 = arith.constant 32 : index
          %swap3A_478 = tpu.vector_load %arg22[%swap3A_476, %swap3A_477] {strides = array<i32>} : memref<80x80xf32, #tpu.memory_space<vmem>>, vector<16xf32>,
          tpu.vector_store %arg22[%swap3A_476, %swap3A_477], %mul3A_475 {strides = array<i32>} : memref<80x80xf32, #tpu.memory_space<vmem>>, vector<16xf32>,
          %get3A_479 = arith.index_cast %add3A_452 : i32 to index
          %get3A_480 = arith.constant 112 : index
          %get3A_481 = tpu.vector_load %arg20[%get3A_479, %get3A_480] {strides = array<i32>} : memref<80x128xf32, #tpu.memory_space<vmem>>, vector<16xf32>,
          %mul3A_482 = arith.mulf %gather3A_457, %get3A_481 : vector<16xf32>
          %swap3A_483 = arith.index_cast %add3A_452 : i32 to index
          %swap3A_484 = arith.constant 48 : index
          %swap3A_485 = tpu.vector_load %arg22[%swap3A_483, %swap3A_484] {strides = array<i32>} : memref<80x80xf32, #tpu.memory_space<vmem>>, vector<16xf32>,
          tpu.vector_store %arg22[%swap3A_483, %swap3A_484], %mul3A_482 {strides = array<i32>} : memref<80x80xf32, #tpu.memory_space<vmem>>, vector<16xf32>,
          %add3A_486 = arith.constant 4 : i32
          %add3A_487 = arith.addi %mul3A_347, %add3A_486 : i32
          %broadcast_in_dim3A_488 = arith.constant 4 : i32
          %broadcast_in_dim3A_489 = vector.broadcast %broadcast_in_dim3A_488 : i32 to vector<16xi32>
          %add3A_490 = vector.broadcast %mul3A_347 : i32 to vector<16xi32>
          %add3A_491 = arith.addi %broadcast_in_dim3A_489, %add3A_490 : vector<16xi32>
          %gather3A_492 = tpu.vector_load_idx %arg25[%add3A_491] : memref<80xf32, #tpu.memory_space<vmem>>[vector<16xi32>], vector<16xf32>,
          %get3A_493 = arith.index_cast %add3A_487 : i32 to index
          %get3A_494 = arith.constant 64 : index
          %get3A_495 = tpu.vector_load %arg20[%get3A_493, %get3A_494] {strides = array<i32>} : memref<80x128xf32, #tpu.memory_space<vmem>>, vector<16xf32>,
          %mul3A_496 = arith.mulf %gather3A_492, %get3A_495 : vector<16xf32>
          %swap3A_497 = arith.index_cast %add3A_487 : i32 to index
          %swap3A_498 = arith.constant 0 : index
          %swap3A_499 = tpu.vector_load %arg22[%swap3A_497, %swap3A_498] {strides = array<i32>} : memref<80x80xf32, #tpu.memory_space<vmem>>, vector<16xf32>,
          tpu.vector_store %arg22[%swap3A_497, %swap3A_498], %mul3A_496 {strides = array<i32>} : memref<80x80xf32, #tpu.memory_space<vmem>>, vector<16xf32>,
          %get3A_500 = arith.index_cast %add3A_487 : i32 to index
          %get3A_501 = arith.constant 80 : index
          %get3A_502 = tpu.vector_load %arg20[%get3A_500, %get3A_501] {strides = array<i32>} : memref<80x128xf32, #tpu.memory_space<vmem>>, vector<16xf32>,
          %mul3A_503 = arith.mulf %gather3A_492, %get3A_502 : vector<16xf32>
          %swap3A_504 = arith.index_cast %add3A_487 : i32 to index
          %swap3A_505 = arith.constant 16 : index
          %swap3A_506 = tpu.vector_load %arg22[%swap3A_504, %swap3A_505] {strides = array<i32>} : memref<80x80xf32, #tpu.memory_space<vmem>>, vector<16xf32>,
          tpu.vector_store %arg22[%swap3A_504, %swap3A_505], %mul3A_503 {strides = array<i32>} : memref<80x80xf32, #tpu.memory_space<vmem>>, vector<16xf32>,
          %get3A_507 = arith.index_cast %add3A_487 : i32 to index
          %get3A_508 = arith.constant 96 : index
          %get3A_509 = tpu.vector_load %arg20[%get3A_507, %get3A_508] {strides = array<i32>} : memref<80x128xf32, #tpu.memory_space<vmem>>, vector<16xf32>,
          %mul3A_510 = arith.mulf %gather3A_492, %get3A_509 : vector<16xf32>
          %swap3A_511 = arith.index_cast %add3A_487 : i32 to index
          %swap3A_512 = arith.constant 32 : index
          %swap3A_513 = tpu.vector_load %arg22[%swap3A_511, %swap3A_512] {strides = array<i32>} : memref<80x80xf32, #tpu.memory_space<vmem>>, vector<16xf32>,
          tpu.vector_store %arg22[%swap3A_511, %swap3A_512], %mul3A_510 {strides = array<i32>} : memref<80x80xf32, #tpu.memory_space<vmem>>, vector<16xf32>,
          %get3A_514 = arith.index_cast %add3A_487 : i32 to index
          %get3A_515 = arith.constant 112 : index
          %get3A_516 = tpu.vector_load %arg20[%get3A_514, %get3A_515] {strides = array<i32>} : memref<80x128xf32, #tpu.memory_space<vmem>>, vector<16xf32>,
          %mul3A_517 = arith.mulf %gather3A_492, %get3A_516 : vector<16xf32>
          %swap3A_518 = arith.index_cast %add3A_487 : i32 to index
          %swap3A_519 = arith.constant 48 : index
          %swap3A_520 = tpu.vector_load %arg22[%swap3A_518, %swap3A_519] {strides = array<i32>} : memref<80x80xf32, #tpu.memory_space<vmem>>, vector<16xf32>,
          tpu.vector_store %arg22[%swap3A_518, %swap3A_519], %mul3A_517 {strides = array<i32>} : memref<80x80xf32, #tpu.memory_space<vmem>>, vector<16xf32>,
          %add3A_521 = arith.constant 5 : i32
          %add3A_522 = arith.addi %mul3A_347, %add3A_521 : i32
          %broadcast_in_dim3A_523 = arith.constant 5 : i32
          %broadcast_in_dim3A_524 = vector.broadcast %broadcast_in_dim3A_523 : i32 to vector<16xi32>
          %add3A_525 = vector.broadcast %mul3A_347 : i32 to vector<16xi32>
          %add3A_526 = arith.addi %broadcast_in_dim3A_524, %add3A_525 : vector<16xi32>
          %gather3A_527 = tpu.vector_load_idx %arg25[%add3A_526] : memref<80xf32, #tpu.memory_space<vmem>>[vector<16xi32>], vector<16xf32>,
          %get3A_528 = arith.index_cast %add3A_522 : i32 to index
          %get3A_529 = arith.constant 64 : index
          %get3A_530 = tpu.vector_load %arg20[%get3A_528, %get3A_529] {strides = array<i32>} : memref<80x128xf32, #tpu.memory_space<vmem>>, vector<16xf32>,
          %mul3A_531 = arith.mulf %gather3A_527, %get3A_530 : vector<16xf32>
          %swap3A_532 = arith.index_cast %add3A_522 : i32 to index
          %swap3A_533 = arith.constant 0 : index
          %swap3A_534 = tpu.vector_load %arg22[%swap3A_532, %swap3A_533] {strides = array<i32>} : memref<80x80xf32, #tpu.memory_space<vmem>>, vector<16xf32>,
          tpu.vector_store %arg22[%swap3A_532, %swap3A_533], %mul3A_531 {strides = array<i32>} : memref<80x80xf32, #tpu.memory_space<vmem>>, vector<16xf32>,
          %get3A_535 = arith.index_cast %add3A_522 : i32 to index
          %get3A_536 = arith.constant 80 : index
          %get3A_537 = tpu.vector_load %arg20[%get3A_535, %get3A_536] {strides = array<i32>} : memref<80x128xf32, #tpu.memory_space<vmem>>, vector<16xf32>,
          %mul3A_538 = arith.mulf %gather3A_527, %get3A_537 : vector<16xf32>
          %swap3A_539 = arith.index_cast %add3A_522 : i32 to index
          %swap3A_540 = arith.constant 16 : index
          %swap3A_541 = tpu.vector_load %arg22[%swap3A_539, %swap3A_540] {strides = array<i32>} : memref<80x80xf32, #tpu.memory_space<vmem>>, vector<16xf32>,
          tpu.vector_store %arg22[%swap3A_539, %swap3A_540], %mul3A_538 {strides = array<i32>} : memref<80x80xf32, #tpu.memory_space<vmem>>, vector<16xf32>,
          %get3A_542 = arith.index_cast %add3A_522 : i32 to index
          %get3A_543 = arith.constant 96 : index
          %get3A_544 = tpu.vector_load %arg20[%get3A_542, %get3A_543] {strides = array<i32>} : memref<80x128xf32, #tpu.memory_space<vmem>>, vector<16xf32>,
          %mul3A_545 = arith.mulf %gather3A_527, %get3A_544 : vector<16xf32>
          %swap3A_546 = arith.index_cast %add3A_522 : i32 to index
          %swap3A_547 = arith.constant 32 : index
          %swap3A_548 = tpu.vector_load %arg22[%swap3A_546, %swap3A_547] {strides = array<i32>} : memref<80x80xf32, #tpu.memory_space<vmem>>, vector<16xf32>,
          tpu.vector_store %arg22[%swap3A_546, %swap3A_547], %mul3A_545 {strides = array<i32>} : memref<80x80xf32, #tpu.memory_space<vmem>>, vector<16xf32>,
          %get3A_549 = arith.index_cast %add3A_522 : i32 to index
          %get3A_550 = arith.constant 112 : index
          %get3A_551 = tpu.vector_load %arg20[%get3A_549, %get3A_550] {strides = array<i32>} : memref<80x128xf32, #tpu.memory_space<vmem>>, vector<16xf32>,
          %mul3A_552 = arith.mulf %gather3A_527, %get3A_551 : vector<16xf32>
          %swap3A_553 = arith.index_cast %add3A_522 : i32 to index
          %swap3A_554 = arith.constant 48 : index
          %swap3A_555 = tpu.vector_load %arg22[%swap3A_553, %swap3A_554] {strides = array<i32>} : memref<80x80xf32, #tpu.memory_space<vmem>>, vector<16xf32>,
          tpu.vector_store %arg22[%swap3A_553, %swap3A_554], %mul3A_552 {strides = array<i32>} : memref<80x80xf32, #tpu.memory_space<vmem>>, vector<16xf32>,
          %add3A_556 = arith.constant 6 : i32
          %add3A_557 = arith.addi %mul3A_347, %add3A_556 : i32
          %broadcast_in_dim3A_558 = arith.constant 6 : i32
          %broadcast_in_dim3A_559 = vector.broadcast %broadcast_in_dim3A_558 : i32 to vector<16xi32>
          %add3A_560 = vector.broadcast %mul3A_347 : i32 to vector<16xi32>
          %add3A_561 = arith.addi %broadcast_in_dim3A_559, %add3A_560 : vector<16xi32>
          %gather3A_562 = tpu.vector_load_idx %arg25[%add3A_561] : memref<80xf32, #tpu.memory_space<vmem>>[vector<16xi32>], vector<16xf32>,
          %get3A_563 = arith.index_cast %add3A_557 : i32 to index
          %get3A_564 = arith.constant 64 : index
          %get3A_565 = tpu.vector_load %arg20[%get3A_563, %get3A_564] {strides = array<i32>} : memref<80x128xf32, #tpu.memory_space<vmem>>, vector<16xf32>,
          %mul3A_566 = arith.mulf %gather3A_562, %get3A_565 : vector<16xf32>
          %swap3A_567 = arith.index_cast %add3A_557 : i32 to index
          %swap3A_568 = arith.constant 0 : index
          %swap3A_569 = tpu.vector_load %arg22[%swap3A_567, %swap3A_568] {strides = array<i32>} : memref<80x80xf32, #tpu.memory_space<vmem>>, vector<16xf32>,
          tpu.vector_store %arg22[%swap3A_567, %swap3A_568], %mul3A_566 {strides = array<i32>} : memref<80x80xf32, #tpu.memory_space<vmem>>, vector<16xf32>,
          %get3A_570 = arith.index_cast %add3A_557 : i32 to index
          %get3A_571 = arith.constant 80 : index
          %get3A_572 = tpu.vector_load %arg20[%get3A_570, %get3A_571] {strides = array<i32>} : memref<80x128xf32, #tpu.memory_space<vmem>>, vector<16xf32>,
          %mul3A_573 = arith.mulf %gather3A_562, %get3A_572 : vector<16xf32>
          %swap3A_574 = arith.index_cast %add3A_557 : i32 to index
          %swap3A_575 = arith.constant 16 : index
          %swap3A_576 = tpu.vector_load %arg22[%swap3A_574, %swap3A_575] {strides = array<i32>} : memref<80x80xf32, #tpu.memory_space<vmem>>, vector<16xf32>,
          tpu.vector_store %arg22[%swap3A_574, %swap3A_575], %mul3A_573 {strides = array<i32>} : memref<80x80xf32, #tpu.memory_space<vmem>>, vector<16xf32>,
          %get3A_577 = arith.index_cast %add3A_557 : i32 to index
          %get3A_578 = arith.constant 96 : index
          %get3A_579 = tpu.vector_load %arg20[%get3A_577, %get3A_578] {strides = array<i32>} : memref<80x128xf32, #tpu.memory_space<vmem>>, vector<16xf32>,
          %mul3A_580 = arith.mulf %gather3A_562, %get3A_579 : vector<16xf32>
          %swap3A_581 = arith.index_cast %add3A_557 : i32 to index
          %swap3A_582 = arith.constant 32 : index
          %swap3A_583 = tpu.vector_load %arg22[%swap3A_581, %swap3A_582] {strides = array<i32>} : memref<80x80xf32, #tpu.memory_space<vmem>>, vector<16xf32>,
          tpu.vector_store %arg22[%swap3A_581, %swap3A_582], %mul3A_580 {strides = array<i32>} : memref<80x80xf32, #tpu.memory_space<vmem>>, vector<16xf32>,
          %get3A_584 = arith.index_cast %add3A_557 : i32 to index
          %get3A_585 = arith.constant 112 : index
          %get3A_586 = tpu.vector_load %arg20[%get3A_584, %get3A_585] {strides = array<i32>} : memref<80x128xf32, #tpu.memory_space<vmem>>, vector<16xf32>,
          %mul3A_587 = arith.mulf %gather3A_562, %get3A_586 : vector<16xf32>
          %swap3A_588 = arith.index_cast %add3A_557 : i32 to index
          %swap3A_589 = arith.constant 48 : index
          %swap3A_590 = tpu.vector_load %arg22[%swap3A_588, %swap3A_589] {strides = array<i32>} : memref<80x80xf32, #tpu.memory_space<vmem>>, vector<16xf32>,
          tpu.vector_store %arg22[%swap3A_588, %swap3A_589], %mul3A_587 {strides = array<i32>} : memref<80x80xf32, #tpu.memory_space<vmem>>, vector<16xf32>,
          %add3A_591 = arith.constant 7 : i32
          %add3A_592 = arith.addi %mul3A_347, %add3A_591 : i32
          %broadcast_in_dim3A_593 = arith.constant 7 : i32
          %broadcast_in_dim3A_594 = vector.broadcast %broadcast_in_dim3A_593 : i32 to vector<16xi32>
          %add3A_595 = vector.broadcast %mul3A_347 : i32 to vector<16xi32>
          %add3A_596 = arith.addi %broadcast_in_dim3A_594, %add3A_595 : vector<16xi32>
          %gather3A_597 = tpu.vector_load_idx %arg25[%add3A_596] : memref<80xf32, #tpu.memory_space<vmem>>[vector<16xi32>], vector<16xf32>,
          %get3A_598 = arith.index_cast %add3A_592 : i32 to index
          %get3A_599 = arith.constant 64 : index
          %get3A_600 = tpu.vector_load %arg20[%get3A_598, %get3A_599] {strides = array<i32>} : memref<80x128xf32, #tpu.memory_space<vmem>>, vector<16xf32>,
          %mul3A_601 = arith.mulf %gather3A_597, %get3A_600 : vector<16xf32>
          %swap3A_602 = arith.index_cast %add3A_592 : i32 to index
          %swap3A_603 = arith.constant 0 : index
          %swap3A_604 = tpu.vector_load %arg22[%swap3A_602, %swap3A_603] {strides = array<i32>} : memref<80x80xf32, #tpu.memory_space<vmem>>, vector<16xf32>,
          tpu.vector_store %arg22[%swap3A_602, %swap3A_603], %mul3A_601 {strides = array<i32>} : memref<80x80xf32, #tpu.memory_space<vmem>>, vector<16xf32>,
          %get3A_605 = arith.index_cast %add3A_592 : i32 to index
          %get3A_606 = arith.constant 80 : index
          %get3A_607 = tpu.vector_load %arg20[%get3A_605, %get3A_606] {strides = array<i32>} : memref<80x128xf32, #tpu.memory_space<vmem>>, vector<16xf32>,
          %mul3A_608 = arith.mulf %gather3A_597, %get3A_607 : vector<16xf32>
          %swap3A_609 = arith.index_cast %add3A_592 : i32 to index
          %swap3A_610 = arith.constant 16 : index
          %swap3A_611 = tpu.vector_load %arg22[%swap3A_609, %swap3A_610] {strides = array<i32>} : memref<80x80xf32, #tpu.memory_space<vmem>>, vector<16xf32>,
          tpu.vector_store %arg22[%swap3A_609, %swap3A_610], %mul3A_608 {strides = array<i32>} : memref<80x80xf32, #tpu.memory_space<vmem>>, vector<16xf32>,
          %get3A_612 = arith.index_cast %add3A_592 : i32 to index
          %get3A_613 = arith.constant 96 : index
          %get3A_614 = tpu.vector_load %arg20[%get3A_612, %get3A_613] {strides = array<i32>} : memref<80x128xf32, #tpu.memory_space<vmem>>, vector<16xf32>,
          %mul3A_615 = arith.mulf %gather3A_597, %get3A_614 : vector<16xf32>
          %swap3A_616 = arith.index_cast %add3A_592 : i32 to index
          %swap3A_617 = arith.constant 32 : index
          %swap3A_618 = tpu.vector_load %arg22[%swap3A_616, %swap3A_617] {strides = array<i32>} : memref<80x80xf32, #tpu.memory_space<vmem>>, vector<16xf32>,
          tpu.vector_store %arg22[%swap3A_616, %swap3A_617], %mul3A_615 {strides = array<i32>} : memref<80x80xf32, #tpu.memory_space<vmem>>, vector<16xf32>,
          %get3A_619 = arith.index_cast %add3A_592 : i32 to index
          %get3A_620 = arith.constant 112 : index
          %get3A_621 = tpu.vector_load %arg20[%get3A_619, %get3A_620] {strides = array<i32>} : memref<80x128xf32, #tpu.memory_space<vmem>>, vector<16xf32>,
          %mul3A_622 = arith.mulf %gather3A_597, %get3A_621 : vector<16xf32>
          %swap3A_623 = arith.index_cast %add3A_592 : i32 to index
          %swap3A_624 = arith.constant 48 : index
          %swap3A_625 = tpu.vector_load %arg22[%swap3A_623, %swap3A_624] {strides = array<i32>} : memref<80x80xf32, #tpu.memory_space<vmem>>, vector<16xf32>,
          tpu.vector_store %arg22[%swap3A_623, %swap3A_624], %mul3A_622 {strides = array<i32>} : memref<80x80xf32, #tpu.memory_space<vmem>>, vector<16xf32>,
          %add3A_626 = arith.constant 8 : i32
          %add3A_627 = arith.addi %mul3A_347, %add3A_626 : i32
          %broadcast_in_dim3A_628 = arith.constant 8 : i32
          %broadcast_in_dim3A_629 = vector.broadcast %broadcast_in_dim3A_628 : i32 to vector<16xi32>
          %add3A_630 = vector.broadcast %mul3A_347 : i32 to vector<16xi32>
          %add3A_631 = arith.addi %broadcast_in_dim3A_629, %add3A_630 : vector<16xi32>
          %gather3A_632 = tpu.vector_load_idx %arg25[%add3A_631] : memref<80xf32, #tpu.memory_space<vmem>>[vector<16xi32>], vector<16xf32>,
          %get3A_633 = arith.index_cast %add3A_627 : i32 to index
          %get3A_634 = arith.constant 64 : index
          %get3A_635 = tpu.vector_load %arg20[%get3A_633, %get3A_634] {strides = array<i32>} : memref<80x128xf32, #tpu.memory_space<vmem>>, vector<16xf32>,
          %mul3A_636 = arith.mulf %gather3A_632, %get3A_635 : vector<16xf32>
          %swap3A_637 = arith.index_cast %add3A_627 : i32 to index
          %swap3A_638 = arith.constant 0 : index
          %swap3A_639 = tpu.vector_load %arg22[%swap3A_637, %swap3A_638] {strides = array<i32>} : memref<80x80xf32, #tpu.memory_space<vmem>>, vector<16xf32>,
          tpu.vector_store %arg22[%swap3A_637, %swap3A_638], %mul3A_636 {strides = array<i32>} : memref<80x80xf32, #tpu.memory_space<vmem>>, vector<16xf32>,
          %get3A_640 = arith.index_cast %add3A_627 : i32 to index
          %get3A_641 = arith.constant 80 : index
          %get3A_642 = tpu.vector_load %arg20[%get3A_640, %get3A_641] {strides = array<i32>} : memref<80x128xf32, #tpu.memory_space<vmem>>, vector<16xf32>,
          %mul3A_643 = arith.mulf %gather3A_632, %get3A_642 : vector<16xf32>
          %swap3A_644 = arith.index_cast %add3A_627 : i32 to index
          %swap3A_645 = arith.constant 16 : index
          %swap3A_646 = tpu.vector_load %arg22[%swap3A_644, %swap3A_645] {strides = array<i32>} : memref<80x80xf32, #tpu.memory_space<vmem>>, vector<16xf32>,
          tpu.vector_store %arg22[%swap3A_644, %swap3A_645], %mul3A_643 {strides = array<i32>} : memref<80x80xf32, #tpu.memory_space<vmem>>, vector<16xf32>,
          %get3A_647 = arith.index_cast %add3A_627 : i32 to index
          %get3A_648 = arith.constant 96 : index
          %get3A_649 = tpu.vector_load %arg20[%get3A_647, %get3A_648] {strides = array<i32>} : memref<80x128xf32, #tpu.memory_space<vmem>>, vector<16xf32>,
          %mul3A_650 = arith.mulf %gather3A_632, %get3A_649 : vector<16xf32>
          %swap3A_651 = arith.index_cast %add3A_627 : i32 to index
          %swap3A_652 = arith.constant 32 : index
          %swap3A_653 = tpu.vector_load %arg22[%swap3A_651, %swap3A_652] {strides = array<i32>} : memref<80x80xf32, #tpu.memory_space<vmem>>, vector<16xf32>,
          tpu.vector_store %arg22[%swap3A_651, %swap3A_652], %mul3A_650 {strides = array<i32>} : memref<80x80xf32, #tpu.memory_space<vmem>>, vector<16xf32>,
          %get3A_654 = arith.index_cast %add3A_627 : i32 to index
          %get3A_655 = arith.constant 112 : index
          %get3A_656 = tpu.vector_load %arg20[%get3A_654, %get3A_655] {strides = array<i32>} : memref<80x128xf32, #tpu.memory_space<vmem>>, vector<16xf32>,
          %mul3A_657 = arith.mulf %gather3A_632, %get3A_656 : vector<16xf32>
          %swap3A_658 = arith.index_cast %add3A_627 : i32 to index
          %swap3A_659 = arith.constant 48 : index
          %swap3A_660 = tpu.vector_load %arg22[%swap3A_658, %swap3A_659] {strides = array<i32>} : memref<80x80xf32, #tpu.memory_space<vmem>>, vector<16xf32>,
          tpu.vector_store %arg22[%swap3A_658, %swap3A_659], %mul3A_657 {strides = array<i32>} : memref<80x80xf32, #tpu.memory_space<vmem>>, vector<16xf32>,
          %add3A_661 = arith.constant 9 : i32
          %add3A_662 = arith.addi %mul3A_347, %add3A_661 : i32
          %broadcast_in_dim3A_663 = arith.constant 9 : i32
          %broadcast_in_dim3A_664 = vector.broadcast %broadcast_in_dim3A_663 : i32 to vector<16xi32>
          %add3A_665 = vector.broadcast %mul3A_347 : i32 to vector<16xi32>
          %add3A_666 = arith.addi %broadcast_in_dim3A_664, %add3A_665 : vector<16xi32>
          %gather3A_667 = tpu.vector_load_idx %arg25[%add3A_666] : memref<80xf32, #tpu.memory_space<vmem>>[vector<16xi32>], vector<16xf32>,
          %get3A_668 = arith.index_cast %add3A_662 : i32 to index
          %get3A_669 = arith.constant 64 : index
          %get3A_670 = tpu.vector_load %arg20[%get3A_668, %get3A_669] {strides = array<i32>} : memref<80x128xf32, #tpu.memory_space<vmem>>, vector<16xf32>,
          %mul3A_671 = arith.mulf %gather3A_667, %get3A_670 : vector<16xf32>
          %swap3A_672 = arith.index_cast %add3A_662 : i32 to index
          %swap3A_673 = arith.constant 0 : index
          %swap3A_674 = tpu.vector_load %arg22[%swap3A_672, %swap3A_673] {strides = array<i32>} : memref<80x80xf32, #tpu.memory_space<vmem>>, vector<16xf32>,
          tpu.vector_store %arg22[%swap3A_672, %swap3A_673], %mul3A_671 {strides = array<i32>} : memref<80x80xf32, #tpu.memory_space<vmem>>, vector<16xf32>,
          %get3A_675 = arith.index_cast %add3A_662 : i32 to index
          %get3A_676 = arith.constant 80 : index
          %get3A_677 = tpu.vector_load %arg20[%get3A_675, %get3A_676] {strides = array<i32>} : memref<80x128xf32, #tpu.memory_space<vmem>>, vector<16xf32>,
          %mul3A_678 = arith.mulf %gather3A_667, %get3A_677 : vector<16xf32>
          %swap3A_679 = arith.index_cast %add3A_662 : i32 to index
          %swap3A_680 = arith.constant 16 : index
          %swap3A_681 = tpu.vector_load %arg22[%swap3A_679, %swap3A_680] {strides = array<i32>} : memref<80x80xf32, #tpu.memory_space<vmem>>, vector<16xf32>,
          tpu.vector_store %arg22[%swap3A_679, %swap3A_680], %mul3A_678 {strides = array<i32>} : memref<80x80xf32, #tpu.memory_space<vmem>>, vector<16xf32>,
          %get3A_682 = arith.index_cast %add3A_662 : i32 to index
          %get3A_683 = arith.constant 96 : index
          %get3A_684 = tpu.vector_load %arg20[%get3A_682, %get3A_683] {strides = array<i32>} : memref<80x128xf32, #tpu.memory_space<vmem>>, vector<16xf32>,
          %mul3A_685 = arith.mulf %gather3A_667, %get3A_684 : vector<16xf32>
          %swap3A_686 = arith.index_cast %add3A_662 : i32 to index
          %swap3A_687 = arith.constant 32 : index
          %swap3A_688 = tpu.vector_load %arg22[%swap3A_686, %swap3A_687] {strides = array<i32>} : memref<80x80xf32, #tpu.memory_space<vmem>>, vector<16xf32>,
          tpu.vector_store %arg22[%swap3A_686, %swap3A_687], %mul3A_685 {strides = array<i32>} : memref<80x80xf32, #tpu.memory_space<vmem>>, vector<16xf32>,
          %get3A_689 = arith.index_cast %add3A_662 : i32 to index
          %get3A_690 = arith.constant 112 : index
          %get3A_691 = tpu.vector_load %arg20[%get3A_689, %get3A_690] {strides = array<i32>} : memref<80x128xf32, #tpu.memory_space<vmem>>, vector<16xf32>,
          %mul3A_692 = arith.mulf %gather3A_667, %get3A_691 : vector<16xf32>
          %swap3A_693 = arith.index_cast %add3A_662 : i32 to index
          %swap3A_694 = arith.constant 48 : index
          %swap3A_695 = tpu.vector_load %arg22[%swap3A_693, %swap3A_694] {strides = array<i32>} : memref<80x80xf32, #tpu.memory_space<vmem>>, vector<16xf32>,
          tpu.vector_store %arg22[%swap3A_693, %swap3A_694], %mul3A_692 {strides = array<i32>} : memref<80x80xf32, #tpu.memory_space<vmem>>, vector<16xf32>,
          %add3A_696 = arith.constant 10 : i32
          %add3A_697 = arith.addi %mul3A_347, %add3A_696 : i32
          %broadcast_in_dim3A_698 = arith.constant 10 : i32
          %broadcast_in_dim3A_699 = vector.broadcast %broadcast_in_dim3A_698 : i32 to vector<16xi32>
          %add3A_700 = vector.broadcast %mul3A_347 : i32 to vector<16xi32>
          %add3A_701 = arith.addi %broadcast_in_dim3A_699, %add3A_700 : vector<16xi32>
          %gather3A_702 = tpu.vector_load_idx %arg25[%add3A_701] : memref<80xf32, #tpu.memory_space<vmem>>[vector<16xi32>], vector<16xf32>,
          %get3A_703 = arith.index_cast %add3A_697 : i32 to index
          %get3A_704 = arith.constant 64 : index
          %get3A_705 = tpu.vector_load %arg20[%get3A_703, %get3A_704] {strides = array<i32>} : memref<80x128xf32, #tpu.memory_space<vmem>>, vector<16xf32>,
          %mul3A_706 = arith.mulf %gather3A_702, %get3A_705 : vector<16xf32>
          %swap3A_707 = arith.index_cast %add3A_697 : i32 to index
          %swap3A_708 = arith.constant 0 : index
          %swap3A_709 = tpu.vector_load %arg22[%swap3A_707, %swap3A_708] {strides = array<i32>} : memref<80x80xf32, #tpu.memory_space<vmem>>, vector<16xf32>,
          tpu.vector_store %arg22[%swap3A_707, %swap3A_708], %mul3A_706 {strides = array<i32>} : memref<80x80xf32, #tpu.memory_space<vmem>>, vector<16xf32>,
          %get3A_710 = arith.index_cast %add3A_697 : i32 to index
          %get3A_711 = arith.constant 80 : index
          %get3A_712 = tpu.vector_load %arg20[%get3A_710, %get3A_711] {strides = array<i32>} : memref<80x128xf32, #tpu.memory_space<vmem>>, vector<16xf32>,
          %mul3A_713 = arith.mulf %gather3A_702, %get3A_712 : vector<16xf32>
          %swap3A_714 = arith.index_cast %add3A_697 : i32 to index
          %swap3A_715 = arith.constant 16 : index
          %swap3A_716 = tpu.vector_load %arg22[%swap3A_714, %swap3A_715] {strides = array<i32>} : memref<80x80xf32, #tpu.memory_space<vmem>>, vector<16xf32>,
          tpu.vector_store %arg22[%swap3A_714, %swap3A_715], %mul3A_713 {strides = array<i32>} : memref<80x80xf32, #tpu.memory_space<vmem>>, vector<16xf32>,
          %get3A_717 = arith.index_cast %add3A_697 : i32 to index
          %get3A_718 = arith.constant 96 : index
          %get3A_719 = tpu.vector_load %arg20[%get3A_717, %get3A_718] {strides = array<i32>} : memref<80x128xf32, #tpu.memory_space<vmem>>, vector<16xf32>,
          %mul3A_720 = arith.mulf %gather3A_702, %get3A_719 : vector<16xf32>
          %swap3A_721 = arith.index_cast %add3A_697 : i32 to index
          %swap3A_722 = arith.constant 32 : index
          %swap3A_723 = tpu.vector_load %arg22[%swap3A_721, %swap3A_722] {strides = array<i32>} : memref<80x80xf32, #tpu.memory_space<vmem>>, vector<16xf32>,
          tpu.vector_store %arg22[%swap3A_721, %swap3A_722], %mul3A_720 {strides = array<i32>} : memref<80x80xf32, #tpu.memory_space<vmem>>, vector<16xf32>,
          %get3A_724 = arith.index_cast %add3A_697 : i32 to index
          %get3A_725 = arith.constant 112 : index
          %get3A_726 = tpu.vector_load %arg20[%get3A_724, %get3A_725] {strides = array<i32>} : memref<80x128xf32, #tpu.memory_space<vmem>>, vector<16xf32>,
          %mul3A_727 = arith.mulf %gather3A_702, %get3A_726 : vector<16xf32>
          %swap3A_728 = arith.index_cast %add3A_697 : i32 to index
          %swap3A_729 = arith.constant 48 : index
          %swap3A_730 = tpu.vector_load %arg22[%swap3A_728, %swap3A_729] {strides = array<i32>} : memref<80x80xf32, #tpu.memory_space<vmem>>, vector<16xf32>,
          tpu.vector_store %arg22[%swap3A_728, %swap3A_729], %mul3A_727 {strides = array<i32>} : memref<80x80xf32, #tpu.memory_space<vmem>>, vector<16xf32>,
          %add3A_731 = arith.constant 11 : i32
          %add3A_732 = arith.addi %mul3A_347, %add3A_731 : i32
          %broadcast_in_dim3A_733 = arith.constant 11 : i32
          %broadcast_in_dim3A_734 = vector.broadcast %broadcast_in_dim3A_733 : i32 to vector<16xi32>
          %add3A_735 = vector.broadcast %mul3A_347 : i32 to vector<16xi32>
          %add3A_736 = arith.addi %broadcast_in_dim3A_734, %add3A_735 : vector<16xi32>
          %gather3A_737 = tpu.vector_load_idx %arg25[%add3A_736] : memref<80xf32, #tpu.memory_space<vmem>>[vector<16xi32>], vector<16xf32>,
          %get3A_738 = arith.index_cast %add3A_732 : i32 to index
          %get3A_739 = arith.constant 64 : index
          %get3A_740 = tpu.vector_load %arg20[%get3A_738, %get3A_739] {strides = array<i32>} : memref<80x128xf32, #tpu.memory_space<vmem>>, vector<16xf32>,
          %mul3A_741 = arith.mulf %gather3A_737, %get3A_740 : vector<16xf32>
          %swap3A_742 = arith.index_cast %add3A_732 : i32 to index
          %swap3A_743 = arith.constant 0 : index
          %swap3A_744 = tpu.vector_load %arg22[%swap3A_742, %swap3A_743] {strides = array<i32>} : memref<80x80xf32, #tpu.memory_space<vmem>>, vector<16xf32>,
          tpu.vector_store %arg22[%swap3A_742, %swap3A_743], %mul3A_741 {strides = array<i32>} : memref<80x80xf32, #tpu.memory_space<vmem>>, vector<16xf32>,
          %get3A_745 = arith.index_cast %add3A_732 : i32 to index
          %get3A_746 = arith.constant 80 : index
          %get3A_747 = tpu.vector_load %arg20[%get3A_745, %get3A_746] {strides = array<i32>} : memref<80x128xf32, #tpu.memory_space<vmem>>, vector<16xf32>,
          %mul3A_748 = arith.mulf %gather3A_737, %get3A_747 : vector<16xf32>
          %swap3A_749 = arith.index_cast %add3A_732 : i32 to index
          %swap3A_750 = arith.constant 16 : index
          %swap3A_751 = tpu.vector_load %arg22[%swap3A_749, %swap3A_750] {strides = array<i32>} : memref<80x80xf32, #tpu.memory_space<vmem>>, vector<16xf32>,
          tpu.vector_store %arg22[%swap3A_749, %swap3A_750], %mul3A_748 {strides = array<i32>} : memref<80x80xf32, #tpu.memory_space<vmem>>, vector<16xf32>,
          %get3A_752 = arith.index_cast %add3A_732 : i32 to index
          %get3A_753 = arith.constant 96 : index
          %get3A_754 = tpu.vector_load %arg20[%get3A_752, %get3A_753] {strides = array<i32>} : memref<80x128xf32, #tpu.memory_space<vmem>>, vector<16xf32>,
          %mul3A_755 = arith.mulf %gather3A_737, %get3A_754 : vector<16xf32>
          %swap3A_756 = arith.index_cast %add3A_732 : i32 to index
          %swap3A_757 = arith.constant 32 : index
          %swap3A_758 = tpu.vector_load %arg22[%swap3A_756, %swap3A_757] {strides = array<i32>} : memref<80x80xf32, #tpu.memory_space<vmem>>, vector<16xf32>,
          tpu.vector_store %arg22[%swap3A_756, %swap3A_757], %mul3A_755 {strides = array<i32>} : memref<80x80xf32, #tpu.memory_space<vmem>>, vector<16xf32>,
          %get3A_759 = arith.index_cast %add3A_732 : i32 to index
          %get3A_760 = arith.constant 112 : index
          %get3A_761 = tpu.vector_load %arg20[%get3A_759, %get3A_760] {strides = array<i32>} : memref<80x128xf32, #tpu.memory_space<vmem>>, vector<16xf32>,
          %mul3A_762 = arith.mulf %gather3A_737, %get3A_761 : vector<16xf32>
          %swap3A_763 = arith.index_cast %add3A_732 : i32 to index
          %swap3A_764 = arith.constant 48 : index
          %swap3A_765 = tpu.vector_load %arg22[%swap3A_763, %swap3A_764] {strides = array<i32>} : memref<80x80xf32, #tpu.memory_space<vmem>>, vector<16xf32>,
          tpu.vector_store %arg22[%swap3A_763, %swap3A_764], %mul3A_762 {strides = array<i32>} : memref<80x80xf32, #tpu.memory_space<vmem>>, vector<16xf32>,
          %add3A_766 = arith.constant 12 : i32
          %add3A_767 = arith.addi %mul3A_347, %add3A_766 : i32
          %broadcast_in_dim3A_768 = arith.constant 12 : i32
          %broadcast_in_dim3A_769 = vector.broadcast %broadcast_in_dim3A_768 : i32 to vector<16xi32>
          %add3A_770 = vector.broadcast %mul3A_347 : i32 to vector<16xi32>
          %add3A_771 = arith.addi %broadcast_in_dim3A_769, %add3A_770 : vector<16xi32>
          %gather3A_772 = tpu.vector_load_idx %arg25[%add3A_771] : memref<80xf32, #tpu.memory_space<vmem>>[vector<16xi32>], vector<16xf32>,
          %get3A_773 = arith.index_cast %add3A_767 : i32 to index
          %get3A_774 = arith.constant 64 : index
          %get3A_775 = tpu.vector_load %arg20[%get3A_773, %get3A_774] {strides = array<i32>} : memref<80x128xf32, #tpu.memory_space<vmem>>, vector<16xf32>,
          %mul3A_776 = arith.mulf %gather3A_772, %get3A_775 : vector<16xf32>
          %swap3A_777 = arith.index_cast %add3A_767 : i32 to index
          %swap3A_778 = arith.constant 0 : index
          %swap3A_779 = tpu.vector_load %arg22[%swap3A_777, %swap3A_778] {strides = array<i32>} : memref<80x80xf32, #tpu.memory_space<vmem>>, vector<16xf32>,
          tpu.vector_store %arg22[%swap3A_777, %swap3A_778], %mul3A_776 {strides = array<i32>} : memref<80x80xf32, #tpu.memory_space<vmem>>, vector<16xf32>,
          %get3A_780 = arith.index_cast %add3A_767 : i32 to index
          %get3A_781 = arith.constant 80 : index
          %get3A_782 = tpu.vector_load %arg20[%get3A_780, %get3A_781] {strides = array<i32>} : memref<80x128xf32, #tpu.memory_space<vmem>>, vector<16xf32>,
          %mul3A_783 = arith.mulf %gather3A_772, %get3A_782 : vector<16xf32>
          %swap3A_784 = arith.index_cast %add3A_767 : i32 to index
          %swap3A_785 = arith.constant 16 : index
          %swap3A_786 = tpu.vector_load %arg22[%swap3A_784, %swap3A_785] {strides = array<i32>} : memref<80x80xf32, #tpu.memory_space<vmem>>, vector<16xf32>,
          tpu.vector_store %arg22[%swap3A_784, %swap3A_785], %mul3A_783 {strides = array<i32>} : memref<80x80xf32, #tpu.memory_space<vmem>>, vector<16xf32>,
          %get3A_787 = arith.index_cast %add3A_767 : i32 to index
          %get3A_788 = arith.constant 96 : index
          %get3A_789 = tpu.vector_load %arg20[%get3A_787, %get3A_788] {strides = array<i32>} : memref<80x128xf32, #tpu.memory_space<vmem>>, vector<16xf32>,
          %mul3A_790 = arith.mulf %gather3A_772, %get3A_789 : vector<16xf32>
          %swap3A_791 = arith.index_cast %add3A_767 : i32 to index
          %swap3A_792 = arith.constant 32 : index
          %swap3A_793 = tpu.vector_load %arg22[%swap3A_791, %swap3A_792] {strides = array<i32>} : memref<80x80xf32, #tpu.memory_space<vmem>>, vector<16xf32>,
          tpu.vector_store %arg22[%swap3A_791, %swap3A_792], %mul3A_790 {strides = array<i32>} : memref<80x80xf32, #tpu.memory_space<vmem>>, vector<16xf32>,
          %get3A_794 = arith.index_cast %add3A_767 : i32 to index
          %get3A_795 = arith.constant 112 : index
          %get3A_796 = tpu.vector_load %arg20[%get3A_794, %get3A_795] {strides = array<i32>} : memref<80x128xf32, #tpu.memory_space<vmem>>, vector<16xf32>,
          %mul3A_797 = arith.mulf %gather3A_772, %get3A_796 : vector<16xf32>
          %swap3A_798 = arith.index_cast %add3A_767 : i32 to index
          %swap3A_799 = arith.constant 48 : index
          %swap3A_800 = tpu.vector_load %arg22[%swap3A_798, %swap3A_799] {strides = array<i32>} : memref<80x80xf32, #tpu.memory_space<vmem>>, vector<16xf32>,
          tpu.vector_store %arg22[%swap3A_798, %swap3A_799], %mul3A_797 {strides = array<i32>} : memref<80x80xf32, #tpu.memory_space<vmem>>, vector<16xf32>,
          %add3A_801 = arith.constant 13 : i32
          %add3A_802 = arith.addi %mul3A_347, %add3A_801 : i32
          %broadcast_in_dim3A_803 = arith.constant 13 : i32
          %broadcast_in_dim3A_804 = vector.broadcast %broadcast_in_dim3A_803 : i32 to vector<16xi32>
          %add3A_805 = vector.broadcast %mul3A_347 : i32 to vector<16xi32>
          %add3A_806 = arith.addi %broadcast_in_dim3A_804, %add3A_805 : vector<16xi32>
          %gather3A_807 = tpu.vector_load_idx %arg25[%add3A_806] : memref<80xf32, #tpu.memory_space<vmem>>[vector<16xi32>], vector<16xf32>,
          %get3A_808 = arith.index_cast %add3A_802 : i32 to index
          %get3A_809 = arith.constant 64 : index
          %get3A_810 = tpu.vector_load %arg20[%get3A_808, %get3A_809] {strides = array<i32>} : memref<80x128xf32, #tpu.memory_space<vmem>>, vector<16xf32>,
          %mul3A_811 = arith.mulf %gather3A_807, %get3A_810 : vector<16xf32>
          %swap3A_812 = arith.index_cast %add3A_802 : i32 to index
          %swap3A_813 = arith.constant 0 : index
          %swap3A_814 = tpu.vector_load %arg22[%swap3A_812, %swap3A_813] {strides = array<i32>} : memref<80x80xf32, #tpu.memory_space<vmem>>, vector<16xf32>,
          tpu.vector_store %arg22[%swap3A_812, %swap3A_813], %mul3A_811 {strides = array<i32>} : memref<80x80xf32, #tpu.memory_space<vmem>>, vector<16xf32>,
          %get3A_815 = arith.index_cast %add3A_802 : i32 to index
          %get3A_816 = arith.constant 80 : index
          %get3A_817 = tpu.vector_load %arg20[%get3A_815, %get3A_816] {strides = array<i32>} : memref<80x128xf32, #tpu.memory_space<vmem>>, vector<16xf32>,
          %mul3A_818 = arith.mulf %gather3A_807, %get3A_817 : vector<16xf32>
          %swap3A_819 = arith.index_cast %add3A_802 : i32 to index
          %swap3A_820 = arith.constant 16 : index
          %swap3A_821 = tpu.vector_load %arg22[%swap3A_819, %swap3A_820] {strides = array<i32>} : memref<80x80xf32, #tpu.memory_space<vmem>>, vector<16xf32>,
          tpu.vector_store %arg22[%swap3A_819, %swap3A_820], %mul3A_818 {strides = array<i32>} : memref<80x80xf32, #tpu.memory_space<vmem>>, vector<16xf32>,
          %get3A_822 = arith.index_cast %add3A_802 : i32 to index
          %get3A_823 = arith.constant 96 : index
          %get3A_824 = tpu.vector_load %arg20[%get3A_822, %get3A_823] {strides = array<i32>} : memref<80x128xf32, #tpu.memory_space<vmem>>, vector<16xf32>,
          %mul3A_825 = arith.mulf %gather3A_807, %get3A_824 : vector<16xf32>
          %swap3A_826 = arith.index_cast %add3A_802 : i32 to index
          %swap3A_827 = arith.constant 32 : index
          %swap3A_828 = tpu.vector_load %arg22[%swap3A_826, %swap3A_827] {strides = array<i32>} : memref<80x80xf32, #tpu.memory_space<vmem>>, vector<16xf32>,
          tpu.vector_store %arg22[%swap3A_826, %swap3A_827], %mul3A_825 {strides = array<i32>} : memref<80x80xf32, #tpu.memory_space<vmem>>, vector<16xf32>,
          %get3A_829 = arith.index_cast %add3A_802 : i32 to index
          %get3A_830 = arith.constant 112 : index
          %get3A_831 = tpu.vector_load %arg20[%get3A_829, %get3A_830] {strides = array<i32>} : memref<80x128xf32, #tpu.memory_space<vmem>>, vector<16xf32>,
          %mul3A_832 = arith.mulf %gather3A_807, %get3A_831 : vector<16xf32>
          %swap3A_833 = arith.index_cast %add3A_802 : i32 to index
          %swap3A_834 = arith.constant 48 : index
          %swap3A_835 = tpu.vector_load %arg22[%swap3A_833, %swap3A_834] {strides = array<i32>} : memref<80x80xf32, #tpu.memory_space<vmem>>, vector<16xf32>,
          tpu.vector_store %arg22[%swap3A_833, %swap3A_834], %mul3A_832 {strides = array<i32>} : memref<80x80xf32, #tpu.memory_space<vmem>>, vector<16xf32>,
          %add3A_836 = arith.constant 14 : i32
          %add3A_837 = arith.addi %mul3A_347, %add3A_836 : i32
          %broadcast_in_dim3A_838 = arith.constant 14 : i32
          %broadcast_in_dim3A_839 = vector.broadcast %broadcast_in_dim3A_838 : i32 to vector<16xi32>
          %add3A_840 = vector.broadcast %mul3A_347 : i32 to vector<16xi32>
          %add3A_841 = arith.addi %broadcast_in_dim3A_839, %add3A_840 : vector<16xi32>
          %gather3A_842 = tpu.vector_load_idx %arg25[%add3A_841] : memref<80xf32, #tpu.memory_space<vmem>>[vector<16xi32>], vector<16xf32>,
          %get3A_843 = arith.index_cast %add3A_837 : i32 to index
          %get3A_844 = arith.constant 64 : index
          %get3A_845 = tpu.vector_load %arg20[%get3A_843, %get3A_844] {strides = array<i32>} : memref<80x128xf32, #tpu.memory_space<vmem>>, vector<16xf32>,
          %mul3A_846 = arith.mulf %gather3A_842, %get3A_845 : vector<16xf32>
          %swap3A_847 = arith.index_cast %add3A_837 : i32 to index
          %swap3A_848 = arith.constant 0 : index
          %swap3A_849 = tpu.vector_load %arg22[%swap3A_847, %swap3A_848] {strides = array<i32>} : memref<80x80xf32, #tpu.memory_space<vmem>>, vector<16xf32>,
          tpu.vector_store %arg22[%swap3A_847, %swap3A_848], %mul3A_846 {strides = array<i32>} : memref<80x80xf32, #tpu.memory_space<vmem>>, vector<16xf32>,
          %get3A_850 = arith.index_cast %add3A_837 : i32 to index
          %get3A_851 = arith.constant 80 : index
          %get3A_852 = tpu.vector_load %arg20[%get3A_850, %get3A_851] {strides = array<i32>} : memref<80x128xf32, #tpu.memory_space<vmem>>, vector<16xf32>,
          %mul3A_853 = arith.mulf %gather3A_842, %get3A_852 : vector<16xf32>
          %swap3A_854 = arith.index_cast %add3A_837 : i32 to index
          %swap3A_855 = arith.constant 16 : index
          %swap3A_856 = tpu.vector_load %arg22[%swap3A_854, %swap3A_855] {strides = array<i32>} : memref<80x80xf32, #tpu.memory_space<vmem>>, vector<16xf32>,
          tpu.vector_store %arg22[%swap3A_854, %swap3A_855], %mul3A_853 {strides = array<i32>} : memref<80x80xf32, #tpu.memory_space<vmem>>, vector<16xf32>,
          %get3A_857 = arith.index_cast %add3A_837 : i32 to index
          %get3A_858 = arith.constant 96 : index
          %get3A_859 = tpu.vector_load %arg20[%get3A_857, %get3A_858] {strides = array<i32>} : memref<80x128xf32, #tpu.memory_space<vmem>>, vector<16xf32>,
          %mul3A_860 = arith.mulf %gather3A_842, %get3A_859 : vector<16xf32>
          %swap3A_861 = arith.index_cast %add3A_837 : i32 to index
          %swap3A_862 = arith.constant 32 : index
          %swap3A_863 = tpu.vector_load %arg22[%swap3A_861, %swap3A_862] {strides = array<i32>} : memref<80x80xf32, #tpu.memory_space<vmem>>, vector<16xf32>,
          tpu.vector_store %arg22[%swap3A_861, %swap3A_862], %mul3A_860 {strides = array<i32>} : memref<80x80xf32, #tpu.memory_space<vmem>>, vector<16xf32>,
          %get3A_864 = arith.index_cast %add3A_837 : i32 to index
          %get3A_865 = arith.constant 112 : index
          %get3A_866 = tpu.vector_load %arg20[%get3A_864, %get3A_865] {strides = array<i32>} : memref<80x128xf32, #tpu.memory_space<vmem>>, vector<16xf32>,
          %mul3A_867 = arith.mulf %gather3A_842, %get3A_866 : vector<16xf32>
          %swap3A_868 = arith.index_cast %add3A_837 : i32 to index
          %swap3A_869 = arith.constant 48 : index
          %swap3A_870 = tpu.vector_load %arg22[%swap3A_868, %swap3A_869] {strides = array<i32>} : memref<80x80xf32, #tpu.memory_space<vmem>>, vector<16xf32>,
          tpu.vector_store %arg22[%swap3A_868, %swap3A_869], %mul3A_867 {strides = array<i32>} : memref<80x80xf32, #tpu.memory_space<vmem>>, vector<16xf32>,
          %add3A_871 = arith.constant 15 : i32
          %add3A_872 = arith.addi %mul3A_347, %add3A_871 : i32
          %broadcast_in_dim3A_873 = arith.constant 15 : i32
          %broadcast_in_dim3A_874 = vector.broadcast %broadcast_in_dim3A_873 : i32 to vector<16xi32>
          %add3A_875 = vector.broadcast %mul3A_347 : i32 to vector<16xi32>
          %add3A_876 = arith.addi %broadcast_in_dim3A_874, %add3A_875 : vector<16xi32>
          %gather3A_877 = tpu.vector_load_idx %arg25[%add3A_876] : memref<80xf32, #tpu.memory_space<vmem>>[vector<16xi32>], vector<16xf32>,
          %get3A_878 = arith.index_cast %add3A_872 : i32 to index
          %get3A_879 = arith.constant 64 : index
          %get3A_880 = tpu.vector_load %arg20[%get3A_878, %get3A_879] {strides = array<i32>} : memref<80x128xf32, #tpu.memory_space<vmem>>, vector<16xf32>,
          %mul3A_881 = arith.mulf %gather3A_877, %get3A_880 : vector<16xf32>
          %swap3A_882 = arith.index_cast %add3A_872 : i32 to index
          %swap3A_883 = arith.constant 0 : index
          %swap3A_884 = tpu.vector_load %arg22[%swap3A_882, %swap3A_883] {strides = array<i32>} : memref<80x80xf32, #tpu.memory_space<vmem>>, vector<16xf32>,
          tpu.vector_store %arg22[%swap3A_882, %swap3A_883], %mul3A_881 {strides = array<i32>} : memref<80x80xf32, #tpu.memory_space<vmem>>, vector<16xf32>,
          %get3A_885 = arith.index_cast %add3A_872 : i32 to index
          %get3A_886 = arith.constant 80 : index
          %get3A_887 = tpu.vector_load %arg20[%get3A_885, %get3A_886] {strides = array<i32>} : memref<80x128xf32, #tpu.memory_space<vmem>>, vector<16xf32>,
          %mul3A_888 = arith.mulf %gather3A_877, %get3A_887 : vector<16xf32>
          %swap3A_889 = arith.index_cast %add3A_872 : i32 to index
          %swap3A_890 = arith.constant 16 : index
          %swap3A_891 = tpu.vector_load %arg22[%swap3A_889, %swap3A_890] {strides = array<i32>} : memref<80x80xf32, #tpu.memory_space<vmem>>, vector<16xf32>,
          tpu.vector_store %arg22[%swap3A_889, %swap3A_890], %mul3A_888 {strides = array<i32>} : memref<80x80xf32, #tpu.memory_space<vmem>>, vector<16xf32>,
          %get3A_892 = arith.index_cast %add3A_872 : i32 to index
          %get3A_893 = arith.constant 96 : index
          %get3A_894 = tpu.vector_load %arg20[%get3A_892, %get3A_893] {strides = array<i32>} : memref<80x128xf32, #tpu.memory_space<vmem>>, vector<16xf32>,
          %mul3A_895 = arith.mulf %gather3A_877, %get3A_894 : vector<16xf32>
          %swap3A_896 = arith.index_cast %add3A_872 : i32 to index
          %swap3A_897 = arith.constant 32 : index
          %swap3A_898 = tpu.vector_load %arg22[%swap3A_896, %swap3A_897] {strides = array<i32>} : memref<80x80xf32, #tpu.memory_space<vmem>>, vector<16xf32>,
          tpu.vector_store %arg22[%swap3A_896, %swap3A_897], %mul3A_895 {strides = array<i32>} : memref<80x80xf32, #tpu.memory_space<vmem>>, vector<16xf32>,
          %get3A_899 = arith.index_cast %add3A_872 : i32 to index
          %get3A_900 = arith.constant 112 : index
          %get3A_901 = tpu.vector_load %arg20[%get3A_899, %get3A_900] {strides = array<i32>} : memref<80x128xf32, #tpu.memory_space<vmem>>, vector<16xf32>,
          %mul3A_902 = arith.mulf %gather3A_877, %get3A_901 : vector<16xf32>
          %swap3A_903 = arith.index_cast %add3A_872 : i32 to index
          %swap3A_904 = arith.constant 48 : index
          %swap3A_905 = tpu.vector_load %arg22[%swap3A_903, %swap3A_904] {strides = array<i32>} : memref<80x80xf32, #tpu.memory_space<vmem>>, vector<16xf32>,
          tpu.vector_store %arg22[%swap3A_903, %swap3A_904], %mul3A_902 {strides = array<i32>} : memref<80x80xf32, #tpu.memory_space<vmem>>, vector<16xf32>,
        }
        %scan3A_336 = arith.constant 5 : i32
        %dma_start3A_337 = arith.constant 0 : i32
        %dma_start3A_338 = arith.constant 0 : i32
        %dma_start3A_339 = tpu.memref_slice %arg26[%dma_start3A_337, %dma_start3A_338] : memref<10000x80xf32, #tpu.memory_space<vmem_shared>> -> memref<10000x80xf32, #tpu.memory_space<vmem_shared>>
        tpu.enqueue_indirect_dma source(%arg22 : memref<80x80xf32, #tpu.memory_space<vmem>>) target(%dma_start3A_339 : memref<10000x80xf32, #tpu.memory_space<vmem_shared>>) offsets(%arg16 : memref<80xi32, #tpu.memory_space<vmem>>) semaphore(%arg32 : memref<!tpu.dma_semaphore, #tpu.memory_space<semaphore_mem>>) {add = true}
        %le3A_340 = arith.constant 247 : i32
        %le3A_341 = arith.cmpi sle, %add3A_278, %le3A_340 : i32
        %convert_element_type3A_342 = arith.extui %le3A_341 : i1 to i32
        %cond3A_343 = arith.constant 0 : i32
        %cond3A_344 = arith.cmpi ne, %convert_element_type3A_342, %cond3A_343 : i32
        scf.if %cond3A_344 {
          %add3A_345 = arith.constant 2 : i32
          %add3A_346 = arith.addi %add3A_278, %add3A_345 : i32
          %mul3A_347 = arith.constant 80 : i32
          %mul3A_348 = arith.muli %add3A_346, %mul3A_347 : i32
          %add3A_349 = arith.addi %mul3A_0, %mul3A_348 : i32
          %dma_start3A_350 = tpu.memref_slice %arg2[%add3A_349] : memref<320000xi32, #tpu.memory_space<hbm>> -> memref<80xi32, #tpu.memory_space<hbm>>
          %dma_start3A_351 = tpu.memref_slice %arg2[%add3A_349] : memref<320000xi32, #tpu.memory_space<hbm>> -> memref<80xi32, #tpu.memory_space<hbm>>
          tpu.enqueue_dma source(%dma_start3A_351 : memref<80xi32, #tpu.memory_space<hbm>>) target(%arg8 : memref<80xi32, #tpu.memory_space<vmem>>) target_semaphore(%arg28 : memref<!tpu.dma_semaphore, #tpu.memory_space<semaphore_mem>>)
          %dma_start3A_352 = tpu.memref_slice %arg3[%add3A_349] : memref<320000xi32, #tpu.memory_space<hbm>> -> memref<80xi32, #tpu.memory_space<hbm>>
          %dma_start3A_353 = tpu.memref_slice %arg3[%add3A_349] : memref<320000xi32, #tpu.memory_space<hbm>> -> memref<80xi32, #tpu.memory_space<hbm>>
          tpu.enqueue_dma source(%dma_start3A_353 : memref<80xi32, #tpu.memory_space<hbm>>) target(%arg10 : memref<80xi32, #tpu.memory_space<vmem>>) target_semaphore(%arg28 : memref<!tpu.dma_semaphore, #tpu.memory_space<semaphore_mem>>)
        } else {
        }
      }
      %scan3A_194 = arith.constant 125 : i32
      %dma_wait3A_195 = arith.constant 0 : i32
      %dma_wait3A_196 = arith.constant 0 : i32
      %dma_wait3A_197 = tpu.memref_slice %arg26[%dma_wait3A_195, %dma_wait3A_196] : memref<10000x80xf32, #tpu.memory_space<vmem_shared>> -> memref<10000x80xf32, #tpu.memory_space<vmem_shared>>
      tpu.wait_indirect_dma semaphore(%arg31 : memref<!tpu.dma_semaphore, #tpu.memory_space<semaphore_mem>>) src(%arg21 : memref<80x80xf32, #tpu.memory_space<vmem>>) dst(%dma_wait3A_197 : memref<10000x80xf32, #tpu.memory_space<vmem_shared>>)
      %dma_wait3A_198 = arith.constant 0 : i32
      %dma_wait3A_199 = arith.constant 0 : i32
      %dma_wait3A_200 = tpu.memref_slice %arg26[%dma_wait3A_198, %dma_wait3A_199] : memref<10000x80xf32, #tpu.memory_space<vmem_shared>> -> memref<10000x80xf32, #tpu.memory_space<vmem_shared>>
      tpu.wait_indirect_dma semaphore(%arg32 : memref<!tpu.dma_semaphore, #tpu.memory_space<semaphore_mem>>) src(%arg22 : memref<80x80xf32, #tpu.memory_space<vmem>>) dst(%dma_wait3A_200 : memref<10000x80xf32, #tpu.memory_space<vmem_shared>>)
      %barrier3A_201 = arith.constant 0 : index
      tpu.barrier barrier_id(%barrier3A_201)
      %add3A_202 = arith.constant 0 : i32
      %add3A_203 = arith.addi %mul3A_2, %add3A_202 : i32
      "tpu.region"() ({
        %run_scoped3A = tpu.sem_alloc : memref<!tpu.dma_semaphore, #tpu.memory_space<semaphore_mem>>
        %dma_start3A_213 = arith.constant 0 : i32
        %dma_start3A_214 = tpu.memref_slice %arg6[%add3A, %add3A_203, %dma_start3A_213] : memref<8x10000x80xf32, #tpu.memory_space<hbm>> -> memref<1x125x80xf32, #tpu.memory_space<hbm>>
        %dma_start3A_215 = tpu.memref_squeeze %dma_start3A_214 : memref<1x125x80xf32, #tpu.memory_space<hbm>> -> memref<125x80xf32, #tpu.memory_space<hbm>>
        %dma_start3A_216 = arith.constant 0 : i32
        %dma_start3A_217 = tpu.memref_slice %arg26[%add3A_203, %dma_start3A_216] : memref<10000x80xf32, #tpu.memory_space<vmem_shared>> -> memref<125x80xf32, #tpu.memory_space<vmem_shared>>
        tpu.enqueue_dma source(%dma_start3A_217 : memref<125x80xf32, #tpu.memory_space<vmem_shared>>) target(%dma_start3A_215 : memref<125x80xf32, #tpu.memory_space<hbm>>) target_semaphore(%run_scoped3A : memref<!tpu.dma_semaphore, #tpu.memory_space<semaphore_mem>>)
        %dma_wait3A_218 = arith.constant 0 : i32
        %dma_wait3A_219 = tpu.memref_slice %arg6[%add3A, %add3A_203, %dma_wait3A_218] : memref<8x10000x80xf32, #tpu.memory_space<hbm>> -> memref<1x125x80xf32, #tpu.memory_space<hbm>>
        %dma_wait3A_220 = tpu.memref_squeeze %dma_wait3A_219 : memref<1x125x80xf32, #tpu.memory_space<hbm>> -> memref<125x80xf32, #tpu.memory_space<hbm>>
        %dma_wait3A_221 = arith.constant 0 : i32
        %dma_wait3A_222 = tpu.memref_slice %arg26[%add3A_203, %dma_wait3A_221] : memref<10000x80xf32, #tpu.memory_space<vmem_shared>> -> memref<125x80xf32, #tpu.memory_space<vmem_shared>>
        tpu.wait_dma2 semaphore(%run_scoped3A : memref<!tpu.dma_semaphore, #tpu.memory_space<semaphore_mem>>) src(%dma_wait3A_222 : memref<125x80xf32, #tpu.memory_space<vmem_shared>>) dst(%dma_wait3A_220 : memref<125x80xf32, #tpu.memory_space<hbm>>)
        tpu.yield
      }) : () -> ()
      %add3A_204 = arith.constant 125 : i32
      %add3A_205 = arith.addi %mul3A_2, %add3A_204 : i32
      "tpu.region"() ({
        %run_scoped3A = tpu.sem_alloc : memref<!tpu.dma_semaphore, #tpu.memory_space<semaphore_mem>>
        %dma_start3A_213 = arith.constant 0 : i32
        %dma_start3A_214 = tpu.memref_slice %arg6[%add3A, %add3A_205, %dma_start3A_213] : memref<8x10000x80xf32, #tpu.memory_space<hbm>> -> memref<1x125x80xf32, #tpu.memory_space<hbm>>
        %dma_start3A_215 = tpu.memref_squeeze %dma_start3A_214 : memref<1x125x80xf32, #tpu.memory_space<hbm>> -> memref<125x80xf32, #tpu.memory_space<hbm>>
        %dma_start3A_216 = arith.constant 0 : i32
        %dma_start3A_217 = tpu.memref_slice %arg26[%add3A_205, %dma_start3A_216] : memref<10000x80xf32, #tpu.memory_space<vmem_shared>> -> memref<125x80xf32, #tpu.memory_space<vmem_shared>>
        tpu.enqueue_dma source(%dma_start3A_217 : memref<125x80xf32, #tpu.memory_space<vmem_shared>>) target(%dma_start3A_215 : memref<125x80xf32, #tpu.memory_space<hbm>>) target_semaphore(%run_scoped3A : memref<!tpu.dma_semaphore, #tpu.memory_space<semaphore_mem>>)
        %dma_wait3A_218 = arith.constant 0 : i32
        %dma_wait3A_219 = tpu.memref_slice %arg6[%add3A, %add3A_205, %dma_wait3A_218] : memref<8x10000x80xf32, #tpu.memory_space<hbm>> -> memref<1x125x80xf32, #tpu.memory_space<hbm>>
        %dma_wait3A_220 = tpu.memref_squeeze %dma_wait3A_219 : memref<1x125x80xf32, #tpu.memory_space<hbm>> -> memref<125x80xf32, #tpu.memory_space<hbm>>
        %dma_wait3A_221 = arith.constant 0 : i32
        %dma_wait3A_222 = tpu.memref_slice %arg26[%add3A_205, %dma_wait3A_221] : memref<10000x80xf32, #tpu.memory_space<vmem_shared>> -> memref<125x80xf32, #tpu.memory_space<vmem_shared>>
        tpu.wait_dma2 semaphore(%run_scoped3A : memref<!tpu.dma_semaphore, #tpu.memory_space<semaphore_mem>>) src(%dma_wait3A_222 : memref<125x80xf32, #tpu.memory_space<vmem_shared>>) dst(%dma_wait3A_220 : memref<125x80xf32, #tpu.memory_space<hbm>>)
        tpu.yield
      }) : () -> ()
      %add3A_206 = arith.constant 250 : i32
      %add3A_207 = arith.addi %mul3A_2, %add3A_206 : i32
      "tpu.region"() ({
        %run_scoped3A = tpu.sem_alloc : memref<!tpu.dma_semaphore, #tpu.memory_space<semaphore_mem>>
        %dma_start3A_213 = arith.constant 0 : i32
        %dma_start3A_214 = tpu.memref_slice %arg6[%add3A, %add3A_207, %dma_start3A_213] : memref<8x10000x80xf32, #tpu.memory_space<hbm>> -> memref<1x125x80xf32, #tpu.memory_space<hbm>>
        %dma_start3A_215 = tpu.memref_squeeze %dma_start3A_214 : memref<1x125x80xf32, #tpu.memory_space<hbm>> -> memref<125x80xf32, #tpu.memory_space<hbm>>
        %dma_start3A_216 = arith.constant 0 : i32
        %dma_start3A_217 = tpu.memref_slice %arg26[%add3A_207, %dma_start3A_216] : memref<10000x80xf32, #tpu.memory_space<vmem_shared>> -> memref<125x80xf32, #tpu.memory_space<vmem_shared>>
        tpu.enqueue_dma source(%dma_start3A_217 : memref<125x80xf32, #tpu.memory_space<vmem_shared>>) target(%dma_start3A_215 : memref<125x80xf32, #tpu.memory_space<hbm>>) target_semaphore(%run_scoped3A : memref<!tpu.dma_semaphore, #tpu.memory_space<semaphore_mem>>)
        %dma_wait3A_218 = arith.constant 0 : i32
        %dma_wait3A_219 = tpu.memref_slice %arg6[%add3A, %add3A_207, %dma_wait3A_218] : memref<8x10000x80xf32, #tpu.memory_space<hbm>> -> memref<1x125x80xf32, #tpu.memory_space<hbm>>
        %dma_wait3A_220 = tpu.memref_squeeze %dma_wait3A_219 : memref<1x125x80xf32, #tpu.memory_space<hbm>> -> memref<125x80xf32, #tpu.memory_space<hbm>>
        %dma_wait3A_221 = arith.constant 0 : i32
        %dma_wait3A_222 = tpu.memref_slice %arg26[%add3A_207, %dma_wait3A_221] : memref<10000x80xf32, #tpu.memory_space<vmem_shared>> -> memref<125x80xf32, #tpu.memory_space<vmem_shared>>
        tpu.wait_dma2 semaphore(%run_scoped3A : memref<!tpu.dma_semaphore, #tpu.memory_space<semaphore_mem>>) src(%dma_wait3A_222 : memref<125x80xf32, #tpu.memory_space<vmem_shared>>) dst(%dma_wait3A_220 : memref<125x80xf32, #tpu.memory_space<hbm>>)
        tpu.yield
      }) : () -> ()
      %add3A_208 = arith.constant 375 : i32
      %add3A_209 = arith.addi %mul3A_2, %add3A_208 : i32
      "tpu.region"() ({
        %run_scoped3A = tpu.sem_alloc : memref<!tpu.dma_semaphore, #tpu.memory_space<semaphore_mem>>
        %dma_start3A_213 = arith.constant 0 : i32
        %dma_start3A_214 = tpu.memref_slice %arg6[%add3A, %add3A_209, %dma_start3A_213] : memref<8x10000x80xf32, #tpu.memory_space<hbm>> -> memref<1x125x80xf32, #tpu.memory_space<hbm>>
        %dma_start3A_215 = tpu.memref_squeeze %dma_start3A_214 : memref<1x125x80xf32, #tpu.memory_space<hbm>> -> memref<125x80xf32, #tpu.memory_space<hbm>>
        %dma_start3A_216 = arith.constant 0 : i32
        %dma_start3A_217 = tpu.memref_slice %arg26[%add3A_209, %dma_start3A_216] : memref<10000x80xf32, #tpu.memory_space<vmem_shared>> -> memref<125x80xf32, #tpu.memory_space<vmem_shared>>
        tpu.enqueue_dma source(%dma_start3A_217 : memref<125x80xf32, #tpu.memory_space<vmem_shared>>) target(%dma_start3A_215 : memref<125x80xf32, #tpu.memory_space<hbm>>) target_semaphore(%run_scoped3A : memref<!tpu.dma_semaphore, #tpu.memory_space<semaphore_mem>>)
        %dma_wait3A_218 = arith.constant 0 : i32
        %dma_wait3A_219 = tpu.memref_slice %arg6[%add3A, %add3A_209, %dma_wait3A_218] : memref<8x10000x80xf32, #tpu.memory_space<hbm>> -> memref<1x125x80xf32, #tpu.memory_space<hbm>>
        %dma_wait3A_220 = tpu.memref_squeeze %dma_wait3A_219 : memref<1x125x80xf32, #tpu.memory_space<hbm>> -> memref<125x80xf32, #tpu.memory_space<hbm>>
        %dma_wait3A_221 = arith.constant 0 : i32
        %dma_wait3A_222 = tpu.memref_slice %arg26[%add3A_209, %dma_wait3A_221] : memref<10000x80xf32, #tpu.memory_space<vmem_shared>> -> memref<125x80xf32, #tpu.memory_space<vmem_shared>>
        tpu.wait_dma2 semaphore(%run_scoped3A : memref<!tpu.dma_semaphore, #tpu.memory_space<semaphore_mem>>) src(%dma_wait3A_222 : memref<125x80xf32, #tpu.memory_space<vmem_shared>>) dst(%dma_wait3A_220 : memref<125x80xf32, #tpu.memory_space<hbm>>)
        tpu.yield
      }) : () -> ()
      %add3A_210 = arith.constant 500 : i32
      %add3A_211 = arith.addi %mul3A_2, %add3A_210 : i32
      "tpu.region"() ({
        %run_scoped3A = tpu.sem_alloc : memref<!tpu.dma_semaphore, #tpu.memory_space<semaphore_mem>>
        %dma_start3A_213 = arith.constant 0 : i32
        %dma_start3A_214 = tpu.memref_slice %arg6[%add3A, %add3A_211, %dma_start3A_213] : memref<8x10000x80xf32, #tpu.memory_space<hbm>> -> memref<1x125x80xf32, #tpu.memory_space<hbm>>
        %dma_start3A_215 = tpu.memref_squeeze %dma_start3A_214 : memref<1x125x80xf32, #tpu.memory_space<hbm>> -> memref<125x80xf32, #tpu.memory_space<hbm>>
        %dma_start3A_216 = arith.constant 0 : i32
        %dma_start3A_217 = tpu.memref_slice %arg26[%add3A_211, %dma_start3A_216] : memref<10000x80xf32, #tpu.memory_space<vmem_shared>> -> memref<125x80xf32, #tpu.memory_space<vmem_shared>>
        tpu.enqueue_dma source(%dma_start3A_217 : memref<125x80xf32, #tpu.memory_space<vmem_shared>>) target(%dma_start3A_215 : memref<125x80xf32, #tpu.memory_space<hbm>>) target_semaphore(%run_scoped3A : memref<!tpu.dma_semaphore, #tpu.memory_space<semaphore_mem>>)
        %dma_wait3A_218 = arith.constant 0 : i32
        %dma_wait3A_219 = tpu.memref_slice %arg6[%add3A, %add3A_211, %dma_wait3A_218] : memref<8x10000x80xf32, #tpu.memory_space<hbm>> -> memref<1x125x80xf32, #tpu.memory_space<hbm>>
        %dma_wait3A_220 = tpu.memref_squeeze %dma_wait3A_219 : memref<1x125x80xf32, #tpu.memory_space<hbm>> -> memref<125x80xf32, #tpu.memory_space<hbm>>
        %dma_wait3A_221 = arith.constant 0 : i32
        %dma_wait3A_222 = tpu.memref_slice %arg26[%add3A_211, %dma_wait3A_221] : memref<10000x80xf32, #tpu.memory_space<vmem_shared>> -> memref<125x80xf32, #tpu.memory_space<vmem_shared>>
        tpu.wait_dma2 semaphore(%run_scoped3A : memref<!tpu.dma_semaphore, #tpu.memory_space<semaphore_mem>>) src(%dma_wait3A_222 : memref<125x80xf32, #tpu.memory_space<vmem_shared>>) dst(%dma_wait3A_220 : memref<125x80xf32, #tpu.memory_space<hbm>>)
        tpu.yield
      }) : () -> ()
      %barrier3A_212 = arith.constant 0 : index
      tpu.barrier barrier_id(%barrier3A_212)
    }
    %scan3A_19 = arith.constant 4 : i32
    return
  }
}

module attributes {stable_mosaic.version = 14 : i64} {
  func.func @_proj_body(%arg0: i32, %arg1: memref<1000x128xf32, #tpu.memory_space<vmem>>, %arg2: memref<128x512xf32, #tpu.memory_space<vmem>>, %arg3: memref<1x512xf32, #tpu.memory_space<vmem>>, %arg4: memref<128x1024xf32, #tpu.memory_space<vmem>>, %arg5: memref<1x1024xf32, #tpu.memory_space<vmem>>, %arg6: memref<1000x512xf32, #tpu.memory_space<vmem>>, %arg7: memref<1000x1024xf32, #tpu.memory_space<vmem>>) attributes {dimension_semantics = [#tpu.dimension_semantics<arbitrary>], iteration_bounds = array<i64: 10>, scalar_prefetch = 0 : i64, scratch_operands = 0 : i64, tpu.core_type = #tpu.core_type<tc>, window_params = [{transform_indices = @transform_0, window_bounds = array<i64: 1000, 128>}, {pipeline_mode = #tpu.pipeline_mode<synchronous>, transform_indices = @transform_1, window_bounds = array<i64: 128, 512>}, {pipeline_mode = #tpu.pipeline_mode<synchronous>, transform_indices = @transform_2, window_bounds = array<i64: 1, 512>}, {pipeline_mode = #tpu.pipeline_mode<synchronous>, transform_indices = @transform_3, window_bounds = array<i64: 128, 1024>}, {pipeline_mode = #tpu.pipeline_mode<synchronous>, transform_indices = @transform_4, window_bounds = array<i64: 1, 1024>}, {transform_indices = @transform_5, window_bounds = array<i64: 1000, 512>}, {transform_indices = @transform_6, window_bounds = array<i64: 1000, 1024>}]} {
    %get3A = arith.constant 0 : index
    %get3A_0 = arith.constant 0 : index
    %get3A_1 = vector.load %arg1[%get3A, %get3A_0] : memref<1000x128xf32, #tpu.memory_space<vmem>>, vector<1000x128xf32>
    %get3A_2 = arith.constant 0 : index
    %get3A_3 = arith.constant 0 : index
    %get3A_4 = vector.load %arg2[%get3A_2, %get3A_3] : memref<128x512xf32, #tpu.memory_space<vmem>>, vector<128x512xf32>
    %dot_general3A = arith.constant dense<0.000000e+00> : vector<1000x512xf32>
    %dot_general3A_5 = tpu.matmul %get3A_1, %get3A_4, %dot_general3A {dimension_numbers = #tpu.dot_dimension_numbers<[1], [0], [0], [1], [0, 0, 1, 1], [], []>, precision = #tpu.contract_precision<fp32>, transpose_lhs_hint = false} : vector<1000x128xf32>, vector<128x512xf32>, vector<1000x512xf32> -> vector<1000x512xf32>
    %get3A_6 = arith.constant 0 : index
    %get3A_7 = arith.constant 0 : index
    %get3A_8 = vector.load %arg3[%get3A_6, %get3A_7] : memref<1x512xf32, #tpu.memory_space<vmem>>, vector<1x512xf32>
    %add3A = vector.broadcast %get3A_8 : vector<1x512xf32> to vector<1000x512xf32>
    %add3A_9 = arith.addf %dot_general3A_5, %add3A : vector<1000x512xf32>
    %swap3A = arith.constant 0 : index
    %swap3A_10 = arith.constant 0 : index
    %swap3A_11 = vector.load %arg6[%swap3A, %swap3A_10] : memref<1000x512xf32, #tpu.memory_space<vmem>>, vector<1000x512xf32>
    tpu.vector_store %arg6[%swap3A, %swap3A_10], %add3A_9 {strides = array<i32>} : memref<1000x512xf32, #tpu.memory_space<vmem>>, vector<1000x512xf32>,
    %get3A_12 = arith.constant 0 : index
    %get3A_13 = arith.constant 0 : index
    %get3A_14 = vector.load %arg4[%get3A_12, %get3A_13] : memref<128x1024xf32, #tpu.memory_space<vmem>>, vector<128x1024xf32>
    %dot_general3A_15 = arith.constant dense<0.000000e+00> : vector<1000x1024xf32>
    %dot_general3A_16 = tpu.matmul %get3A_1, %get3A_14, %dot_general3A_15 {dimension_numbers = #tpu.dot_dimension_numbers<[1], [0], [0], [1], [0, 0, 1, 1], [], []>, precision = #tpu.contract_precision<fp32>, transpose_lhs_hint = false} : vector<1000x128xf32>, vector<128x1024xf32>, vector<1000x1024xf32> -> vector<1000x1024xf32>
    %get3A_17 = arith.constant 0 : index
    %get3A_18 = arith.constant 0 : index
    %get3A_19 = vector.load %arg5[%get3A_17, %get3A_18] : memref<1x1024xf32, #tpu.memory_space<vmem>>, vector<1x1024xf32>
    %add3A_20 = vector.broadcast %get3A_19 : vector<1x1024xf32> to vector<1000x1024xf32>
    %add3A_21 = arith.addf %dot_general3A_16, %add3A_20 : vector<1000x1024xf32>
    %swap3A_22 = arith.constant 0 : index
    %swap3A_23 = arith.constant 0 : index
    %swap3A_24 = vector.load %arg7[%swap3A_22, %swap3A_23] : memref<1000x1024xf32, #tpu.memory_space<vmem>>, vector<1000x1024xf32>
    tpu.vector_store %arg7[%swap3A_22, %swap3A_23], %add3A_21 {strides = array<i32>} : memref<1000x1024xf32, #tpu.memory_space<vmem>>, vector<1000x1024xf32>,
    return
  }
  func.func @transform_0(%arg0: i32) -> (i32, i32) {
    %c0_i32 = arith.constant 0 : i32
    %c0_i32_0 = arith.constant 0 : i32
    return %arg0, %c0_i32 : i32, i32
  }
  func.func @transform_1(%arg0: i32) -> (i32, i32) {
    %c0_i32 = arith.constant 0 : i32
    %c0_i32_0 = arith.constant 0 : i32
    %c0_i32_1 = arith.constant 0 : i32
    return %c0_i32, %c0_i32_0 : i32, i32
  }
  func.func @transform_2(%arg0: i32) -> (i32, i32) {
    %c0_i32 = arith.constant 0 : i32
    %c0_i32_0 = arith.constant 0 : i32
    %c0_i32_1 = arith.constant 0 : i32
    return %c0_i32, %c0_i32_0 : i32, i32
  }
  func.func @transform_3(%arg0: i32) -> (i32, i32) {
    %c0_i32 = arith.constant 0 : i32
    %c0_i32_0 = arith.constant 0 : i32
    %c0_i32_1 = arith.constant 0 : i32
    return %c0_i32, %c0_i32_0 : i32, i32
  }
  func.func @transform_4(%arg0: i32) -> (i32, i32) {
    %c0_i32 = arith.constant 0 : i32
    %c0_i32_0 = arith.constant 0 : i32
    %c0_i32_1 = arith.constant 0 : i32
    return %c0_i32, %c0_i32_0 : i32, i32
  }
  func.func @transform_5(%arg0: i32) -> (i32, i32) {
    %c0_i32 = arith.constant 0 : i32
    %c0_i32_0 = arith.constant 0 : i32
    return %arg0, %c0_i32 : i32, i32
  }
  func.func @transform_6(%arg0: i32) -> (i32, i32) {
    %c0_i32 = arith.constant 0 : i32
    %c0_i32_0 = arith.constant 0 : i32
    return %arg0, %c0_i32 : i32, i32
  }
}

module attributes {stable_mosaic.version = 14 : i64} {
  func.func @_final_body(%arg0: i32, %arg1: memref<8x1000x80xf32, #tpu.memory_space<vmem>>, %arg2: memref<512x128xf32, #tpu.memory_space<vmem>>, %arg3: memref<1x128xf32, #tpu.memory_space<vmem>>, %arg4: memref<1000x128xf32, #tpu.memory_space<vmem>>) attributes {dimension_semantics = [#tpu.dimension_semantics<arbitrary>], iteration_bounds = array<i64: 10>, scalar_prefetch = 0 : i64, scratch_operands = 0 : i64, tpu.core_type = #tpu.core_type<tc>, window_params = [{transform_indices = @transform_0, window_bounds = array<i64: 8, 1000, 80>}, {pipeline_mode = #tpu.pipeline_mode<synchronous>, transform_indices = @transform_1, window_bounds = array<i64: 512, 128>}, {pipeline_mode = #tpu.pipeline_mode<synchronous>, transform_indices = @transform_2, window_bounds = array<i64: 1, 128>}, {transform_indices = @transform_3, window_bounds = array<i64: 1000, 128>}]} {
    %broadcast_in_dim3A = arith.constant 0.000000e+00 : f32
    %broadcast_in_dim3A_0 = vector.broadcast %broadcast_in_dim3A : f32 to vector<1000x128xf32>
    %get3A = arith.constant 0 : index
    %get3A_1 = arith.constant 0 : index
    %get3A_2 = arith.constant 0 : index
    %get3A_3 = vector.load %arg1[%get3A, %get3A_1, %get3A_2] : memref<8x1000x80xf32, #tpu.memory_space<vmem>>, vector<1x1000x80xf32>
    %get3A_4 = vector.shape_cast %get3A_3 : vector<1x1000x80xf32> to vector<1000x80xf32>
    %slice3A = vector.extract_strided_slice %get3A_4 {offsets = [0, 0], sizes = [1000, 64], strides = [1, 1]} : vector<1000x80xf32> to vector<1000x64xf32>
    %slice3A_5 = vector.extract_strided_slice %get3A_4 {offsets = [0, 64], sizes = [1000, 1], strides = [1, 1]} : vector<1000x80xf32> to vector<1000x1xf32>
    %gt3A = arith.constant 0.000000e+00 : f32
    %gt3A_6 = vector.broadcast %gt3A : f32 to vector<1000x1xf32>
    %gt3A_7 = arith.cmpf ogt, %slice3A_5, %gt3A_6 : vector<1000x1xf32>
    %div3A = arith.constant 1.000000e+00 : f32
    %div3A_8 = vector.broadcast %div3A : f32 to vector<1000x1xf32>
    %div3A_9 = arith.divf %div3A_8, %slice3A_5 : vector<1000x1xf32>
    %jit3A = arith.constant 0.000000e+00 : f32
    %broadcast_in_dim3A_10 = vector.broadcast %jit3A : f32 to vector<1000x1xf32>
    %select_n3A = arith.select %gt3A_7, %div3A_9, %broadcast_in_dim3A_10 : vector<1000x1xi1>, vector<1000x1xf32>
    %mul3A = vector.broadcast %select_n3A : vector<1000x1xf32> to vector<1000x64xf32>
    %mul3A_11 = arith.mulf %slice3A, %mul3A : vector<1000x64xf32>
    %get3A_12 = arith.constant 0 : index
    %get3A_13 = arith.constant 0 : index
    %get3A_14 = vector.load %arg2[%get3A_12, %get3A_13] : memref<512x128xf32, #tpu.memory_space<vmem>>, vector<64x128xf32>
    %dot_general3A = arith.constant dense<0.000000e+00> : vector<1000x128xf32>
    %dot_general3A_15 = tpu.matmul %mul3A_11, %get3A_14, %dot_general3A {dimension_numbers = #tpu.dot_dimension_numbers<[1], [0], [0], [1], [0, 0, 1, 1], [], []>, precision = #tpu.contract_precision<fp32>, transpose_lhs_hint = false} : vector<1000x64xf32>, vector<64x128xf32>, vector<1000x128xf32> -> vector<1000x128xf32>
    %add3A = arith.addf %broadcast_in_dim3A_0, %dot_general3A_15 : vector<1000x128xf32>
    %get3A_16 = arith.constant 1 : index
    %get3A_17 = arith.constant 0 : index
    %get3A_18 = arith.constant 0 : index
    %get3A_19 = vector.load %arg1[%get3A_16, %get3A_17, %get3A_18] : memref<8x1000x80xf32, #tpu.memory_space<vmem>>, vector<1x1000x80xf32>
    %get3A_20 = vector.shape_cast %get3A_19 : vector<1x1000x80xf32> to vector<1000x80xf32>
    %slice3A_21 = vector.extract_strided_slice %get3A_20 {offsets = [0, 0], sizes = [1000, 64], strides = [1, 1]} : vector<1000x80xf32> to vector<1000x64xf32>
    %slice3A_22 = vector.extract_strided_slice %get3A_20 {offsets = [0, 64], sizes = [1000, 1], strides = [1, 1]} : vector<1000x80xf32> to vector<1000x1xf32>
    %gt3A_23 = arith.constant 0.000000e+00 : f32
    %gt3A_24 = vector.broadcast %gt3A_23 : f32 to vector<1000x1xf32>
    %gt3A_25 = arith.cmpf ogt, %slice3A_22, %gt3A_24 : vector<1000x1xf32>
    %div3A_26 = arith.constant 1.000000e+00 : f32
    %div3A_27 = vector.broadcast %div3A_26 : f32 to vector<1000x1xf32>
    %div3A_28 = arith.divf %div3A_27, %slice3A_22 : vector<1000x1xf32>
    %jit3A_29 = arith.constant 0.000000e+00 : f32
    %broadcast_in_dim3A_30 = vector.broadcast %jit3A_29 : f32 to vector<1000x1xf32>
    %select_n3A_31 = arith.select %gt3A_25, %div3A_28, %broadcast_in_dim3A_30 : vector<1000x1xi1>, vector<1000x1xf32>
    %mul3A_32 = vector.broadcast %select_n3A_31 : vector<1000x1xf32> to vector<1000x64xf32>
    %mul3A_33 = arith.mulf %slice3A_21, %mul3A_32 : vector<1000x64xf32>
    %get3A_34 = arith.constant 64 : index
    %get3A_35 = arith.constant 0 : index
    %get3A_36 = vector.load %arg2[%get3A_34, %get3A_35] : memref<512x128xf32, #tpu.memory_space<vmem>>, vector<64x128xf32>
    %dot_general3A_37 = arith.constant dense<0.000000e+00> : vector<1000x128xf32>
    %dot_general3A_38 = tpu.matmul %mul3A_33, %get3A_36, %dot_general3A_37 {dimension_numbers = #tpu.dot_dimension_numbers<[1], [0], [0], [1], [0, 0, 1, 1], [], []>, precision = #tpu.contract_precision<fp32>, transpose_lhs_hint = false} : vector<1000x64xf32>, vector<64x128xf32>, vector<1000x128xf32> -> vector<1000x128xf32>
    %add3A_39 = arith.addf %add3A, %dot_general3A_38 : vector<1000x128xf32>
    %get3A_40 = arith.constant 2 : index
    %get3A_41 = arith.constant 0 : index
    %get3A_42 = arith.constant 0 : index
    %get3A_43 = vector.load %arg1[%get3A_40, %get3A_41, %get3A_42] : memref<8x1000x80xf32, #tpu.memory_space<vmem>>, vector<1x1000x80xf32>
    %get3A_44 = vector.shape_cast %get3A_43 : vector<1x1000x80xf32> to vector<1000x80xf32>
    %slice3A_45 = vector.extract_strided_slice %get3A_44 {offsets = [0, 0], sizes = [1000, 64], strides = [1, 1]} : vector<1000x80xf32> to vector<1000x64xf32>
    %slice3A_46 = vector.extract_strided_slice %get3A_44 {offsets = [0, 64], sizes = [1000, 1], strides = [1, 1]} : vector<1000x80xf32> to vector<1000x1xf32>
    %gt3A_47 = arith.constant 0.000000e+00 : f32
    %gt3A_48 = vector.broadcast %gt3A_47 : f32 to vector<1000x1xf32>
    %gt3A_49 = arith.cmpf ogt, %slice3A_46, %gt3A_48 : vector<1000x1xf32>
    %div3A_50 = arith.constant 1.000000e+00 : f32
    %div3A_51 = vector.broadcast %div3A_50 : f32 to vector<1000x1xf32>
    %div3A_52 = arith.divf %div3A_51, %slice3A_46 : vector<1000x1xf32>
    %jit3A_53 = arith.constant 0.000000e+00 : f32
    %broadcast_in_dim3A_54 = vector.broadcast %jit3A_53 : f32 to vector<1000x1xf32>
    %select_n3A_55 = arith.select %gt3A_49, %div3A_52, %broadcast_in_dim3A_54 : vector<1000x1xi1>, vector<1000x1xf32>
    %mul3A_56 = vector.broadcast %select_n3A_55 : vector<1000x1xf32> to vector<1000x64xf32>
    %mul3A_57 = arith.mulf %slice3A_45, %mul3A_56 : vector<1000x64xf32>
    %get3A_58 = arith.constant 128 : index
    %get3A_59 = arith.constant 0 : index
    %get3A_60 = vector.load %arg2[%get3A_58, %get3A_59] : memref<512x128xf32, #tpu.memory_space<vmem>>, vector<64x128xf32>
    %dot_general3A_61 = arith.constant dense<0.000000e+00> : vector<1000x128xf32>
    %dot_general3A_62 = tpu.matmul %mul3A_57, %get3A_60, %dot_general3A_61 {dimension_numbers = #tpu.dot_dimension_numbers<[1], [0], [0], [1], [0, 0, 1, 1], [], []>, precision = #tpu.contract_precision<fp32>, transpose_lhs_hint = false} : vector<1000x64xf32>, vector<64x128xf32>, vector<1000x128xf32> -> vector<1000x128xf32>
    %add3A_63 = arith.addf %add3A_39, %dot_general3A_62 : vector<1000x128xf32>
    %get3A_64 = arith.constant 3 : index
    %get3A_65 = arith.constant 0 : index
    %get3A_66 = arith.constant 0 : index
    %get3A_67 = vector.load %arg1[%get3A_64, %get3A_65, %get3A_66] : memref<8x1000x80xf32, #tpu.memory_space<vmem>>, vector<1x1000x80xf32>
    %get3A_68 = vector.shape_cast %get3A_67 : vector<1x1000x80xf32> to vector<1000x80xf32>
    %slice3A_69 = vector.extract_strided_slice %get3A_68 {offsets = [0, 0], sizes = [1000, 64], strides = [1, 1]} : vector<1000x80xf32> to vector<1000x64xf32>
    %slice3A_70 = vector.extract_strided_slice %get3A_68 {offsets = [0, 64], sizes = [1000, 1], strides = [1, 1]} : vector<1000x80xf32> to vector<1000x1xf32>
    %gt3A_71 = arith.constant 0.000000e+00 : f32
    %gt3A_72 = vector.broadcast %gt3A_71 : f32 to vector<1000x1xf32>
    %gt3A_73 = arith.cmpf ogt, %slice3A_70, %gt3A_72 : vector<1000x1xf32>
    %div3A_74 = arith.constant 1.000000e+00 : f32
    %div3A_75 = vector.broadcast %div3A_74 : f32 to vector<1000x1xf32>
    %div3A_76 = arith.divf %div3A_75, %slice3A_70 : vector<1000x1xf32>
    %jit3A_77 = arith.constant 0.000000e+00 : f32
    %broadcast_in_dim3A_78 = vector.broadcast %jit3A_77 : f32 to vector<1000x1xf32>
    %select_n3A_79 = arith.select %gt3A_73, %div3A_76, %broadcast_in_dim3A_78 : vector<1000x1xi1>, vector<1000x1xf32>
    %mul3A_80 = vector.broadcast %select_n3A_79 : vector<1000x1xf32> to vector<1000x64xf32>
    %mul3A_81 = arith.mulf %slice3A_69, %mul3A_80 : vector<1000x64xf32>
    %get3A_82 = arith.constant 192 : index
    %get3A_83 = arith.constant 0 : index
    %get3A_84 = vector.load %arg2[%get3A_82, %get3A_83] : memref<512x128xf32, #tpu.memory_space<vmem>>, vector<64x128xf32>
    %dot_general3A_85 = arith.constant dense<0.000000e+00> : vector<1000x128xf32>
    %dot_general3A_86 = tpu.matmul %mul3A_81, %get3A_84, %dot_general3A_85 {dimension_numbers = #tpu.dot_dimension_numbers<[1], [0], [0], [1], [0, 0, 1, 1], [], []>, precision = #tpu.contract_precision<fp32>, transpose_lhs_hint = false} : vector<1000x64xf32>, vector<64x128xf32>, vector<1000x128xf32> -> vector<1000x128xf32>
    %add3A_87 = arith.addf %add3A_63, %dot_general3A_86 : vector<1000x128xf32>
    %get3A_88 = arith.constant 4 : index
    %get3A_89 = arith.constant 0 : index
    %get3A_90 = arith.constant 0 : index
    %get3A_91 = vector.load %arg1[%get3A_88, %get3A_89, %get3A_90] : memref<8x1000x80xf32, #tpu.memory_space<vmem>>, vector<1x1000x80xf32>
    %get3A_92 = vector.shape_cast %get3A_91 : vector<1x1000x80xf32> to vector<1000x80xf32>
    %slice3A_93 = vector.extract_strided_slice %get3A_92 {offsets = [0, 0], sizes = [1000, 64], strides = [1, 1]} : vector<1000x80xf32> to vector<1000x64xf32>
    %slice3A_94 = vector.extract_strided_slice %get3A_92 {offsets = [0, 64], sizes = [1000, 1], strides = [1, 1]} : vector<1000x80xf32> to vector<1000x1xf32>
    %gt3A_95 = arith.constant 0.000000e+00 : f32
    %gt3A_96 = vector.broadcast %gt3A_95 : f32 to vector<1000x1xf32>
    %gt3A_97 = arith.cmpf ogt, %slice3A_94, %gt3A_96 : vector<1000x1xf32>
    %div3A_98 = arith.constant 1.000000e+00 : f32
    %div3A_99 = vector.broadcast %div3A_98 : f32 to vector<1000x1xf32>
    %div3A_100 = arith.divf %div3A_99, %slice3A_94 : vector<1000x1xf32>
    %jit3A_101 = arith.constant 0.000000e+00 : f32
    %broadcast_in_dim3A_102 = vector.broadcast %jit3A_101 : f32 to vector<1000x1xf32>
    %select_n3A_103 = arith.select %gt3A_97, %div3A_100, %broadcast_in_dim3A_102 : vector<1000x1xi1>, vector<1000x1xf32>
    %mul3A_104 = vector.broadcast %select_n3A_103 : vector<1000x1xf32> to vector<1000x64xf32>
    %mul3A_105 = arith.mulf %slice3A_93, %mul3A_104 : vector<1000x64xf32>
    %get3A_106 = arith.constant 256 : index
    %get3A_107 = arith.constant 0 : index
    %get3A_108 = vector.load %arg2[%get3A_106, %get3A_107] : memref<512x128xf32, #tpu.memory_space<vmem>>, vector<64x128xf32>
    %dot_general3A_109 = arith.constant dense<0.000000e+00> : vector<1000x128xf32>
    %dot_general3A_110 = tpu.matmul %mul3A_105, %get3A_108, %dot_general3A_109 {dimension_numbers = #tpu.dot_dimension_numbers<[1], [0], [0], [1], [0, 0, 1, 1], [], []>, precision = #tpu.contract_precision<fp32>, transpose_lhs_hint = false} : vector<1000x64xf32>, vector<64x128xf32>, vector<1000x128xf32> -> vector<1000x128xf32>
    %add3A_111 = arith.addf %add3A_87, %dot_general3A_110 : vector<1000x128xf32>
    %get3A_112 = arith.constant 5 : index
    %get3A_113 = arith.constant 0 : index
    %get3A_114 = arith.constant 0 : index
    %get3A_115 = vector.load %arg1[%get3A_112, %get3A_113, %get3A_114] : memref<8x1000x80xf32, #tpu.memory_space<vmem>>, vector<1x1000x80xf32>
    %get3A_116 = vector.shape_cast %get3A_115 : vector<1x1000x80xf32> to vector<1000x80xf32>
    %slice3A_117 = vector.extract_strided_slice %get3A_116 {offsets = [0, 0], sizes = [1000, 64], strides = [1, 1]} : vector<1000x80xf32> to vector<1000x64xf32>
    %slice3A_118 = vector.extract_strided_slice %get3A_116 {offsets = [0, 64], sizes = [1000, 1], strides = [1, 1]} : vector<1000x80xf32> to vector<1000x1xf32>
    %gt3A_119 = arith.constant 0.000000e+00 : f32
    %gt3A_120 = vector.broadcast %gt3A_119 : f32 to vector<1000x1xf32>
    %gt3A_121 = arith.cmpf ogt, %slice3A_118, %gt3A_120 : vector<1000x1xf32>
    %div3A_122 = arith.constant 1.000000e+00 : f32
    %div3A_123 = vector.broadcast %div3A_122 : f32 to vector<1000x1xf32>
    %div3A_124 = arith.divf %div3A_123, %slice3A_118 : vector<1000x1xf32>
    %jit3A_125 = arith.constant 0.000000e+00 : f32
    %broadcast_in_dim3A_126 = vector.broadcast %jit3A_125 : f32 to vector<1000x1xf32>
    %select_n3A_127 = arith.select %gt3A_121, %div3A_124, %broadcast_in_dim3A_126 : vector<1000x1xi1>, vector<1000x1xf32>
    %mul3A_128 = vector.broadcast %select_n3A_127 : vector<1000x1xf32> to vector<1000x64xf32>
    %mul3A_129 = arith.mulf %slice3A_117, %mul3A_128 : vector<1000x64xf32>
    %get3A_130 = arith.constant 320 : index
    %get3A_131 = arith.constant 0 : index
    %get3A_132 = vector.load %arg2[%get3A_130, %get3A_131] : memref<512x128xf32, #tpu.memory_space<vmem>>, vector<64x128xf32>
    %dot_general3A_133 = arith.constant dense<0.000000e+00> : vector<1000x128xf32>
    %dot_general3A_134 = tpu.matmul %mul3A_129, %get3A_132, %dot_general3A_133 {dimension_numbers = #tpu.dot_dimension_numbers<[1], [0], [0], [1], [0, 0, 1, 1], [], []>, precision = #tpu.contract_precision<fp32>, transpose_lhs_hint = false} : vector<1000x64xf32>, vector<64x128xf32>, vector<1000x128xf32> -> vector<1000x128xf32>
    %add3A_135 = arith.addf %add3A_111, %dot_general3A_134 : vector<1000x128xf32>
    %get3A_136 = arith.constant 6 : index
    %get3A_137 = arith.constant 0 : index
    %get3A_138 = arith.constant 0 : index
    %get3A_139 = vector.load %arg1[%get3A_136, %get3A_137, %get3A_138] : memref<8x1000x80xf32, #tpu.memory_space<vmem>>, vector<1x1000x80xf32>
    %get3A_140 = vector.shape_cast %get3A_139 : vector<1x1000x80xf32> to vector<1000x80xf32>
    %slice3A_141 = vector.extract_strided_slice %get3A_140 {offsets = [0, 0], sizes = [1000, 64], strides = [1, 1]} : vector<1000x80xf32> to vector<1000x64xf32>
    %slice3A_142 = vector.extract_strided_slice %get3A_140 {offsets = [0, 64], sizes = [1000, 1], strides = [1, 1]} : vector<1000x80xf32> to vector<1000x1xf32>
    %gt3A_143 = arith.constant 0.000000e+00 : f32
    %gt3A_144 = vector.broadcast %gt3A_143 : f32 to vector<1000x1xf32>
    %gt3A_145 = arith.cmpf ogt, %slice3A_142, %gt3A_144 : vector<1000x1xf32>
    %div3A_146 = arith.constant 1.000000e+00 : f32
    %div3A_147 = vector.broadcast %div3A_146 : f32 to vector<1000x1xf32>
    %div3A_148 = arith.divf %div3A_147, %slice3A_142 : vector<1000x1xf32>
    %jit3A_149 = arith.constant 0.000000e+00 : f32
    %broadcast_in_dim3A_150 = vector.broadcast %jit3A_149 : f32 to vector<1000x1xf32>
    %select_n3A_151 = arith.select %gt3A_145, %div3A_148, %broadcast_in_dim3A_150 : vector<1000x1xi1>, vector<1000x1xf32>
    %mul3A_152 = vector.broadcast %select_n3A_151 : vector<1000x1xf32> to vector<1000x64xf32>
    %mul3A_153 = arith.mulf %slice3A_141, %mul3A_152 : vector<1000x64xf32>
    %get3A_154 = arith.constant 384 : index
    %get3A_155 = arith.constant 0 : index
    %get3A_156 = vector.load %arg2[%get3A_154, %get3A_155] : memref<512x128xf32, #tpu.memory_space<vmem>>, vector<64x128xf32>
    %dot_general3A_157 = arith.constant dense<0.000000e+00> : vector<1000x128xf32>
    %dot_general3A_158 = tpu.matmul %mul3A_153, %get3A_156, %dot_general3A_157 {dimension_numbers = #tpu.dot_dimension_numbers<[1], [0], [0], [1], [0, 0, 1, 1], [], []>, precision = #tpu.contract_precision<fp32>, transpose_lhs_hint = false} : vector<1000x64xf32>, vector<64x128xf32>, vector<1000x128xf32> -> vector<1000x128xf32>
    %add3A_159 = arith.addf %add3A_135, %dot_general3A_158 : vector<1000x128xf32>
    %get3A_160 = arith.constant 7 : index
    %get3A_161 = arith.constant 0 : index
    %get3A_162 = arith.constant 0 : index
    %get3A_163 = vector.load %arg1[%get3A_160, %get3A_161, %get3A_162] : memref<8x1000x80xf32, #tpu.memory_space<vmem>>, vector<1x1000x80xf32>
    %get3A_164 = vector.shape_cast %get3A_163 : vector<1x1000x80xf32> to vector<1000x80xf32>
    %slice3A_165 = vector.extract_strided_slice %get3A_164 {offsets = [0, 0], sizes = [1000, 64], strides = [1, 1]} : vector<1000x80xf32> to vector<1000x64xf32>
    %slice3A_166 = vector.extract_strided_slice %get3A_164 {offsets = [0, 64], sizes = [1000, 1], strides = [1, 1]} : vector<1000x80xf32> to vector<1000x1xf32>
    %gt3A_167 = arith.constant 0.000000e+00 : f32
    %gt3A_168 = vector.broadcast %gt3A_167 : f32 to vector<1000x1xf32>
    %gt3A_169 = arith.cmpf ogt, %slice3A_166, %gt3A_168 : vector<1000x1xf32>
    %div3A_170 = arith.constant 1.000000e+00 : f32
    %div3A_171 = vector.broadcast %div3A_170 : f32 to vector<1000x1xf32>
    %div3A_172 = arith.divf %div3A_171, %slice3A_166 : vector<1000x1xf32>
    %jit3A_173 = arith.constant 0.000000e+00 : f32
    %broadcast_in_dim3A_174 = vector.broadcast %jit3A_173 : f32 to vector<1000x1xf32>
    %select_n3A_175 = arith.select %gt3A_169, %div3A_172, %broadcast_in_dim3A_174 : vector<1000x1xi1>, vector<1000x1xf32>
    %mul3A_176 = vector.broadcast %select_n3A_175 : vector<1000x1xf32> to vector<1000x64xf32>
    %mul3A_177 = arith.mulf %slice3A_165, %mul3A_176 : vector<1000x64xf32>
    %get3A_178 = arith.constant 448 : index
    %get3A_179 = arith.constant 0 : index
    %get3A_180 = vector.load %arg2[%get3A_178, %get3A_179] : memref<512x128xf32, #tpu.memory_space<vmem>>, vector<64x128xf32>
    %dot_general3A_181 = arith.constant dense<0.000000e+00> : vector<1000x128xf32>
    %dot_general3A_182 = tpu.matmul %mul3A_177, %get3A_180, %dot_general3A_181 {dimension_numbers = #tpu.dot_dimension_numbers<[1], [0], [0], [1], [0, 0, 1, 1], [], []>, precision = #tpu.contract_precision<fp32>, transpose_lhs_hint = false} : vector<1000x64xf32>, vector<64x128xf32>, vector<1000x128xf32> -> vector<1000x128xf32>
    %add3A_183 = arith.addf %add3A_159, %dot_general3A_182 : vector<1000x128xf32>
    %get3A_184 = arith.constant 0 : index
    %get3A_185 = arith.constant 0 : index
    %get3A_186 = vector.load %arg3[%get3A_184, %get3A_185] : memref<1x128xf32, #tpu.memory_space<vmem>>, vector<1x128xf32>
    %add3A_187 = vector.broadcast %get3A_186 : vector<1x128xf32> to vector<1000x128xf32>
    %add3A_188 = arith.addf %add3A_183, %add3A_187 : vector<1000x128xf32>
    %swap3A = arith.constant 0 : index
    %swap3A_189 = arith.constant 0 : index
    %swap3A_190 = vector.load %arg4[%swap3A, %swap3A_189] : memref<1000x128xf32, #tpu.memory_space<vmem>>, vector<1000x128xf32>
    tpu.vector_store %arg4[%swap3A, %swap3A_189], %add3A_188 {strides = array<i32>} : memref<1000x128xf32, #tpu.memory_space<vmem>>, vector<1000x128xf32>,
    return
  }
  func.func @transform_0(%arg0: i32) -> (i32, i32, i32) {
    %c0_i32 = arith.constant 0 : i32
    %c0_i32_0 = arith.constant 0 : i32
    %c0_i32_1 = arith.constant 0 : i32
    return %c0_i32, %arg0, %c0_i32_0 : i32, i32, i32
  }
  func.func @transform_1(%arg0: i32) -> (i32, i32) {
    %c0_i32 = arith.constant 0 : i32
    %c0_i32_0 = arith.constant 0 : i32
    %c0_i32_1 = arith.constant 0 : i32
    return %c0_i32, %c0_i32_0 : i32, i32
  }
  func.func @transform_2(%arg0: i32) -> (i32, i32) {
    %c0_i32 = arith.constant 0 : i32
    %c0_i32_0 = arith.constant 0 : i32
    %c0_i32_1 = arith.constant 0 : i32
    return %c0_i32, %c0_i32_0 : i32, i32
  }
  func.func @transform_3(%arg0: i32) -> (i32, i32) {
    %c0_i32 = arith.constant 0 : i32
    %c0_i32_0 = arith.constant 0 : i32
    return %arg0, %c0_i32 : i32, i32
  }
}

</mosaic_0001>

<sc_bundles>
// kernel: kernel.5.cloned.1.call-start
scs
__scs_entry_jumppad:
0x0: {  	(pc) =	sbr.rel $0x88, $3  }
0x1: {  	(tag) =	ssettag $0x0;
	lr =	simm.s32 $0x1  }
0x2: {  	[smem:$0x3F97] =	sst lr;
	_ =	strace $0xD0000000  }
0x3: {  	_ = 	snop  }
0x4: {  	_ = 	snop  }
0x5: {  	_ = 	snop  }
0x6: {  	_ = 	snop  }
0x7: {  	_ = 	snop  }
__scs_overlays_trampoline_lowered:
0x8: {  	[smem:$0x3FA6] =	sst s0  }
0x9: {  	[smem:$0x3FA7] =	sst s1  }
0xa: {  	[smem:$0x3FA8] =	sst s2  }
0xb: {  	[smem:$0x3FA9] =	sst s3  }
0xc: {  	[smem:$0x3FAA] =	sst s4  }
0xd: {  	[smem:$0x3FAB] =	sst s5  }
0xe: {  	[smem:$0x3FAC] =	sst s6  }
0xf: {  	[smem:$0x3FAD] =	sst s7  }
0x10: {  	[smem:$0x3FAE] =	sst s8  }
0x11: {  	[smem:$0x3FAF] =	sst s9;
	s0 =	simm.s32 @!p0 $0x0  }
0x12: {  	s1 =	sld [smem:$0x3F95];
	s0 =	simm.s32 @p0 $0x1  }
0x13: {  	[smem:$0x3FB0] =	sst s0;
	s0 =	simm.s32 @!p1 $0x0  }
0x14: {  	s2 =	sld [smem:$0x3F94];
	s0 =	simm.s32 @p1 $0x1  }
0x15: {  	[smem:$0x3FB1] =	sst s0;
	s0 =	simm.s32 @!p2 $0x0  }
0x16: {  	s3 =	sld [smem:$0x3FDB];
	s0 =	simm.s32 @p2 $0x1  }
0x17: {  	s4 =	simm.s32 $0x1BF5;
	[smem:$0x3FB3] =	sst s0  }
0x18: {  	s0 =	sld [smem:$0x3F96];
	_ =	swait.ge [sflag:s4], $0x0  }
0x19: {  	s7 =	sld [smem:$0x3F97]  }
0x1a: {  	s8 =	sadd.s32 $0xFFFFE003, lr  }
0x1b: {  	s9 =	sadd.s32 $0xFFFFFEF7, lr;
	s5 =	simm.s32 $0xFFFFFFFF;
	p2 =	slt.u32 s8, $0xFFFFF086  }
0x1c: {  	p1 =	slt.u32 s9, $0xF7A;
	s5 =	simm.s32 @!p2 $0x0  }
0x1d: {  	s5 =	simm.s32 @p1 $0x1;
	p0 =	seq.s32 s7, s2  }
0x1e: {  	s7 =	smul.u32 @!p0 $0xF7A, s2;
	p2 =	seq.s32 @!p0 s5, $0x0  }
0x1f: {  	s9 =	smul.u32 $0xF7A, s1;
	s8 =	simm.s32 @!p0 $0x1BF5;
	p2 =	por !p2, p0  }
0x20: {  	[sflag:s8] =	ssyncset.s32 @!p0 $0xFFFFF086;
	s6 =	sadd.s32 @!p0 s3, s7;
	s7 =	simm.s32 @!p0 $0x108  }
0x21: {  	s3 =	sadd.s32 s3, s9;
	s6 =	sadd.s32 @!p0 $0x88, s6;
	s7 =	simm.s32 @p2 $0x1082  }
0x22: {  	[simem:s7], [sflag:s8] =	dma.local @!p0 [hbm:s6], $0xF7A  }
0x23: {  	s9 =	sor.u32 $0xD0000000, s2;
	s6 =	simm.s32 $0x108;
	_ =	swait.ge @!p0 [sflag:s8], $0x0  }
0x24: {  	s3 =	sadd.s32 $0x88, s3;
	s6 =	simm.s32 @!p1 $0x1082;
	[sflag:s4] =	ssyncset.s32 $0xFFFFF086  }
0x25: {  	[simem:s6], [sflag:s4] =	dma.local [hbm:s3], $0xF7A  }
0x26: {  	[smem:$0x3F97] =	sst s1;
	(tag) =	ssettag s2;
	_ =	strace s9  }
0x27: {  	s1 =	sld [smem:$0x3FA7]  }
0x28: {  	s2 =	sld [smem:$0x3FA8]  }
0x29: {  	s4 =	sld [smem:$0x3FAA]  }
0x2a: {  	p0 =	seq.s32 s5, $0x0;
	s5 =	sld [smem:$0x3FAB]  }
0x2b: {  	s6 =	sld [smem:$0x3FAC]  }
0x2c: {  	s7 =	sld [smem:$0x3FAD]  }
0x2d: {  	s3 =	simm.s32 $0x108;
	s8 =	sld [smem:$0x3FAE]  }
0x2e: {  	s3 =	simm.s32 @!p0 $0x1082;
	s9 =	sld [smem:$0x3FAF]  }
0x2f: {  	lr =	sadd.s32 s0, s3;
	s0 =	sld [smem:$0x3FA6]  }
0x30: {  	s3 =	sld [smem:$0x3FA9]  }
0x31: {  	[smem:$0x3FB2] =	sst s10  }
0x32: {  	s10 =	sld [smem:$0x3FB0];
	_ =	sdelay $0x3  }
0x33: {  	p0 =	seq.s32 s10, $0x1;
	s10 =	sld [smem:$0x3FB2];
	_ =	sdelay $0x3  }
0x34: {  	[smem:$0x3FB2] =	sst s10  }
0x35: {  	s10 =	sld [smem:$0x3FB1];
	_ =	sdelay $0x3  }
0x36: {  	p1 =	seq.s32 s10, $0x1;
	s10 =	sld [smem:$0x3FB2];
	_ =	sdelay $0x3  }
0x37: {  	[smem:$0x3FB2] =	sst s10  }
0x38: {  	s10 =	sld [smem:$0x3FB3]  }
0x39: {  	_ = 	snop;
	(pc) =	sbr.ind lr, $3  }
0x3a: {  	_ = 	snop  }
0x3b: {  	_ = 	snop  }
0x3c: {  	p2 =	seq.s32 s10, $0x1;
	s10 =	sld [smem:$0x3FB2]  }
0x3d: {  	_ =	shalt  }
0x3e: {  	_ =	shalt  }
0x3f: {  	_ =	shalt  }
0x40: {  	_ =	shalt  }
0x41: {  	_ =	shalt  }
0x42: {  	_ =	shalt  }
0x43: {  	_ =	shalt  }
0x44: {  	_ =	shalt  }
0x45: {  	_ =	shalt  }
0x46: {  	_ =	shalt  }
0x47: {  	_ =	shalt  }
0x48: {  	_ =	shalt  }
0x49: {  	_ =	shalt  }
0x4a: {  	_ =	shalt  }
0x4b: {  	_ =	shalt  }
0x4c: {  	_ =	shalt  }
0x4d: {  	_ =	shalt  }
0x4e: {  	_ =	shalt  }
0x4f: {  	_ =	shalt  }
0x50: {  	_ =	shalt  }
0x51: {  	_ =	shalt  }
0x52: {  	_ =	shalt  }
0x53: {  	_ =	shalt  }
0x54: {  	_ =	shalt  }
0x55: {  	_ =	shalt  }
0x56: {  	_ =	shalt  }
0x57: {  	_ =	shalt  }
0x58: {  	_ =	shalt  }
0x59: {  	_ =	shalt  }
0x5a: {  	_ =	shalt  }
0x5b: {  	_ =	shalt  }
0x5c: {  	_ =	shalt  }
0x5d: {  	_ =	shalt  }
0x5e: {  	_ =	shalt  }
0x5f: {  	_ =	shalt  }
0x60: {  	_ =	shalt  }
0x61: {  	_ =	shalt  }
0x62: {  	_ =	shalt  }
0x63: {  	_ =	shalt  }
0x64: {  	_ =	shalt  }
0x65: {  	_ =	shalt  }
0x66: {  	_ =	shalt  }
0x67: {  	_ =	shalt  }
0x68: {  	_ =	shalt  }
0x69: {  	_ =	shalt  }
0x6a: {  	_ =	shalt  }
0x6b: {  	_ =	shalt  }
0x6c: {  	_ =	shalt  }
0x6d: {  	_ =	shalt  }
0x6e: {  	_ =	shalt  }
0x6f: {  	_ =	shalt  }
0x70: {  	_ =	shalt  }
0x71: {  	_ =	shalt  }
0x72: {  	_ =	shalt  }
0x73: {  	_ =	shalt  }
0x74: {  	_ =	shalt  }
0x75: {  	_ =	shalt  }
0x76: {  	_ =	shalt  }
0x77: {  	_ =	shalt  }
0x78: {  	_ =	shalt  }
0x79: {  	_ =	shalt  }
0x7a: {  	_ =	shalt  }
0x7b: {  	_ =	shalt  }
0x7c: {  	_ =	shalt  }
0x7d: {  	_ =	shalt  }
0x7e: {  	_ =	shalt  }
0x7f: {  	_ =	shalt  }
0x80: {  	_ =	shalt  }
0x81: {  	_ =	shalt  }
0x82: {  	_ =	shalt  }
0x83: {  	_ =	shalt  }
0x84: {  	_ =	shalt  }
0x85: {  	_ =	shalt  }
0x86: {  	_ =	shalt  }
0x87: {  	_ =	shalt  }
.Lfunc_end0:
.L_simem_size_0:
called_computation.1_lowered:
.L_overlay_start_0:
0x88: {  	s2 =	sld [smem:$0x3FD9]  }
0x89: {  	s3 =	sld [smem:$0x3FFE];
	_ =	sdelay $0x1  }
0x8a: {  	s1 =	srdreg.scid  }
0x8b: {  	s0 =	sand.u32 $0x1, s1  }
0x8c: {  	s17 =	sshll.u32 s0, $0xA;
	s2 =	sadd.s32 s3, s2  }
0x8d: {  	s2 =	sadd.s32 s2, s17  }
0x8e: {  	[smem:$0x3FBE] =	sst s2  }
0x8f: {  	_ = 	snop  }
0x90: {  	s2 =	sld [smem:$0x3FD0];
	(tm) =	ssettm $0x1  }
0x91: {  	s18 =	sld [smem:$0x3FFB];
	_ =	sdelay $0x3  }
0x92: {  	_ =	strace s18  }
0x93: {  	s3 =	sld [smem:$0x3FFC];
	_ =	sdelay $0x3  }
0x94: {  	_ =	strace s3  }
0x95: {  	s3 =	sld [smem:$0x3FFD];
	_ =	sdelay $0x3  }
0x96: {  	_ =	strace s3  }
0x97: {  	_ =	strace $0x8FFFFFFF  }
0x98: {  	s19 =	sld [smem:$0x3FDB];
	_ =	sdelay $0x1  }
0x99: {  	s4 =	simm.s32 $_scs_section_size  }
0x9a: {  	s5 =	simm.s32 $_size__tile_overlayer_lowered;
	s6 =	simm.s32 $_tile_overlayer_lowered  }
0x9b: {  	s22 =	simm.s32 $0x1BFF;
	s21 =	sshll.u32 s6, $0x1;
	s3 =	sadd.s32 s4, s19  }
0x9c: {  	s7 =	simm.s32 $0x0;
	s20 =	sshll.u32 s5, $0x1;
	s5 =	sadd.s32 s21, s3  }
0x9d: {  	[timem:s7], [sflag:s22] =	dma.local [hbm:s5], s20  }
0x9e: {  	_ =	swait.ge [sflag:s22], s20  }
0x9f: {  	s4 =	ssub.s32 $0x0, s20;
	[sflag:s22] =	ssyncset.done $0x0  }
0xa0: {  	[sflag:s22] =	ssyncadd.s32 s4;
	_ =	sdelay $0x1  }
0xa1: {  	s23 =	simm.s32 $0x1B8B  }
0xa2: {  	_ =	swait.ge [sflag:s23], $0x1  }
0xa3: {  	[sflag:s23] =	ssyncset.done $0x0  }
0xa4: {  	s25 =	simm.s32 $0x1B8E;
	s24 =	sld [smem:$0x3FFE];
	[sflag:s23] =	ssyncadd.s32 $0xFFFFFFFF  }
0xa5: {  	s26 =	simm.s32 $execute0_lowered;
	[smem:$0x3FD2] =	sst s25  }
0xa6: {  	s5 =	sshll.u32 s26, $0x1;
	_ =	strace $0x80000049;
	[dreg:$0x1] =	wrdreg $0xFFFFFFFF  }
0xa7: {  	s28 =	simm.s32 $_size_execute0_lowered;
	s3 =	sadd.s32 s3, s5;
	[dreg:$0x0] =	wrdreg $0x0  }
0xa8: {  	s5 =	sshll.u32 s28, $0x1;
	[dreg:$0x2] =	wrdreg s3  }
0xa9: {  	[dreg:$0x3] =	wrdreg s5  }
0xaa: {  	[dreg:$0x4] =	wrdreg $0xC0  }
0xab: {  	_ =	task [dreg:s7], $0x5FFFF  }
0xac: {  	[dreg:$0x1] =	wrdreg $0xFFFFFFFF  }
0xad: {  	[dreg:$0x0] =	wrdreg $0x60  }
0xae: {  	[dreg:$0x2] =	wrdreg s24  }
0xaf: {  	[dreg:$0x3] =	wrdreg s2  }
0xb0: {  	[dreg:$0x4] =	wrdreg $0xBA900  }
0xb1: {  	[dreg:$0x5] =	wrdreg $0x9  }
0xb2: {  	_ =	task.clear_ibuf [dreg:s7], $0x6FFFF;
	_ =	strace $0x90000049  }
0xb3: {  	s29 =	simm.s32 $0x9;
	_ =	strace $0x8000004B  }
0xb4: {  	_ =	swait.ge [sflag:s29], $0x1  }
0xb5: {  	[sflag:s29] =	ssyncadd.s32 $0xFFFFFFFF  }
0xb6: {  	_ =	strace $0x9000004B  }
0xb7: {  	_ =	sfence  }
0xb8: {  	s30 =	sld [smem:$0x0];
	_ =	sdelay $0x2  }
0xb9: {  	s31 =	sshll.u32 s1, $0xD;
	s1 =	sshrl.u32 s1, $0x2  }
0xba: {  	s3 =	sand.u32 $0x4000, s31;
	s1 =	sadd.s32 s1, s30  }
0xbb: {  	s0 =	sor.u32 s3, s0;
	s1 =	sshll.u32 s1, $0x11  }
0xbc: {  	s0 =	sor.u32 s1, s0  }
0xbd: {  	s0 =	sadd.s32 $0x8F2B, s0  }
0xbe: {  	[sflag:s0] =	ssyncadd.remote.s32 $0x1  }
0xbf: {  	_ =	sfence.sel $0xFFFF  }
0xc0: {  	[dreg:$0x0] =	wrdreg $0xFFFFFFFF;
	(pc) =	sbr.abs _section_cstart, $3  }
0xc1: {  	[dreg:$0x1] =	wrdreg $0xFFFFFFFF  }
0xc2: {  	_ =	task.clear_ibuf [dreg:s7], $0x2FFFF;
	_ =	strace $0x9FFFFFFF  }
0xc3: {  	(tm) =	ssettm $0x7FFFFFFF  }
tec
execute0_lowered:
.L_overlay_start_1:
0x0: {  	(tag) =	ssettag $0x1  }
0x1: {  	s0 =	rddreg [dreg:$0x0]  }
0x2: {  	s1 =	rddreg [dreg:$0x1]  }
0x3: {  	s2 =	rddreg [dreg:$0x2];
	s4 =	simm.s32 $0x0;
	s3 =	srdreg.scid  }
0x4: {  	s10 =	stileid.u32;
	[smem:$0x7FF] =	sst s4  }
0x5: {  	s5 =	sadd.s32 $0x30F400, s0;
	s3 =	sand.u32 $0x1, s3;
	s8 =	smul.u32 $0x30D40, s10  }
0x6: {  	s6 =	sadd.s32 $0x2000, s0;
	s7 =	sadd.s32 $0x1D6C00, s0;
	s0 =	sadd.s32 $0x9E400, s0  }
0x7: {  	_ =	strace $0x8000004A;
	s9 =	ssub.s32 $0x2, s3;
	s8 =	sshrl.u32 s8, $0x2  }
0x8: {  	[dreg:$0x4] =	wrdreg s0;
	s3 =	sshll.u32 s3, $0x2;
	s8 =	sadd.s32 s8, s2  }
0x9: {  	[dreg:$0x5] =	wrdreg s3;
	s14 =	sadd.s32 $0x7D0, s8  }
0xa: {  	s15 =	sadd.s32 $0xFA0, s8;
	[dreg:$0x6] =	wrdreg s14  }
0xb: {  	s16 =	sadd.s32 $0x1770, s8;
	[dreg:$0x7] =	wrdreg s15  }
0xc: {  	s17 =	sadd.s32 $0x1F40, s8;
	[dreg:$0x8] =	wrdreg s16  }
0xd: {  	s18 =	sadd.s32 $0x2EE0, s8;
	[dreg:$0x9] =	wrdreg s17  }
0xe: {  	s19 =	sadd.s32 $0x36B0, s8;
	[dreg:$0xa] =	wrdreg s18  }
0xf: {  	s20 =	sadd.s32 $0x3E80, s8;
	[dreg:$0xb] =	wrdreg s19  }
0x10: {  	s21 =	sadd.s32 $0x4650, s8;
	[dreg:$0xc] =	wrdreg s20  }
0x11: {  	s22 =	sadd.s32 $0x55F0, s8;
	[dreg:$0xd] =	wrdreg s21  }
0x12: {  	s29 =	simm.s32 $0xF0;
	s23 =	sadd.s32 $0x5DC0, s8;
	[dreg:$0xe] =	wrdreg s22  }
0x13: {  	s28 =	simm.s32 $0x2;
	s24 =	sadd.s32 $0x6590, s8;
	[dreg:$0xf] =	wrdreg s23  }
0x14: {  	s30 =	simm.s32 $0x1720;
	s25 =	sadd.s32 $0x6D60, s8;
	[dreg:$0x10] =	wrdreg s24  }
0x15: {  	s31 =	simm.s32 $0x230;
	s26 =	sadd.s32 $0x7D00, s8;
	[dreg:$0x11] =	wrdreg s25  }
0x16: {  	s13 =	sshrl.u32 s9, $0x1;
	s11 =	sadd.s32 $0x84D0, s8;
	[dreg:$0x12] =	wrdreg s26  }
0x17: {  	v4 =	vimm.s32 $0x7654321;
	s0 =	ssub.s32 s9, s13;
	s12 =	sadd.s32 $0x8CA0, s8;
	[dreg:$0x13] =	wrdreg s11  }
0x18: {  	v0 =	vlaneseq.u32;
	v6 =	vimm.s32 $0x10765432;
	v8 =	vimm.s32 $0x21076543;
	s9 =	smul.u32 $0x4E20, s10;
	s13 =	sadd.s32 $0x9470, s8;
	[dreg:$0x14] =	wrdreg s12  }
0x19: {  	v1 =	vimm.f32 $0.0e+00;
	v10 =	vimm.s32 $0x32107654;
	v12 =	vimm.s32 $0x43210765;
	s0 =	smax.u32 s0, $0x1;
	[dreg:$0x15] =	wrdreg s13;
	s14 =	sadd.s32 $0xA410, s8  }
0x1a: {  	v14 =	vimm.s32 $0x65432107;
	v2 =	vand.u32 $0x7, v0;
	v5 =	vunpack.c.l.s4.s8 v4;
	s15 =	sadd.s32 $0xABE0, s8;
	s16 =	sadd.s32 $0xB3B0, s8;
	[dreg:$0x1f] =	wrdreg s0  }
0x1b: {  	v4 =	vadd.s32 $0x11, v0;
	v7 =	vunpack.c.l.s4.s8 v6;
	v6 =	vadd.s32 $0x22, v0;
	s17 =	sshrl.u32 s9, $0x3;
	s8 =	sadd.s32 $0xBB80, s8;
	[dreg:$0x16] =	wrdreg s14  }
0x1c: {  	v9 =	vunpack.c.l.s4.s8 v8;
	v8 =	vadd.s32 $0x33, v0;
	v11 =	vunpack.c.l.s4.s8 v10;
	s20 =	smul.u32 $0xC350, s10;
	s11 =	sadd.s32 $0xA0, s9;
	[dreg:$0x17] =	wrdreg s15  }
0x1d: {  	v10 =	vadd.s32 $0x44, v0;
	v13 =	vunpack.c.l.s4.s8 v12;
	v12 =	vimm.s32 $0x54321076;
	s12 =	sadd.s32 $0xF0, s9;
	s0 =	simm.s32 $0x5320;
	[dreg:$0x18] =	wrdreg s16  }
0x1e: {  	v17 =	vunpack.c.l.s4.s8 v14;
	v14 =	vadd.s32 $0x66, v0;
	v16 =	vadd.s32 $0x77, v0;
	s9 =	simm.s32 $0x3;
	[dreg:$0x19] =	wrdreg s8;
	s18 =	sadd.s32 s5, s17  }
0x1f: {  	v18 =	vadd.s32 $0x88, v0;
	v19 =	vadd.s32 $0x99, v0;
	v20 =	vadd.s32 $0xAA, v0;
	s10 =	simm.s32 $0xB4F0;
	s3 =	sadd.s32 s1, s17;
	[dreg:$0x1a] =	wrdreg s18  }
0x20: {  	v21 =	vadd.s32 $0xBB, v0;
	v22 =	vmul.u32 $0x11, v0;
	v23 =	vadd.s32 $0xCC, v0;
	s13 =	simm.s32 $0x2D0;
	s19 =	sadd.s32 $0xA, s17;
	[dreg:$0x1b] =	wrdreg s3  }
0x21: {  	v24 =	vadd.s32 $0xDD, v0;
	v25 =	vadd.s32 $0xEE, v0;
	v26 =	vadd.s32 $0xFF, v0;
	s14 =	simm.s32 $0xBA40;
	s22 =	sadd.s32 s5, s19;
	[dreg:$0x1c] =	wrdreg s20  }
0x22: {  	v42 =	vmul.u32 $0x50, v0;
	v3 =	vor.u32 $0xFFFFFFF8, v2;
	v15 =	vunpack.c.l.s4.s8 v12;
	s16 =	simm.s32 $0x280;
	s8 =	sadd.s32 s1, s19;
	[dreg:$0x1d] =	wrdreg s22  }
0x23: {  	v12 =	vadd.s32 $0x55, v0;
	v5 =	vunpack.c.0.s8.s32 v5;
	v7 =	vunpack.c.0.s8.s32 v7;
	s17 =	simm.s32 $0x4;
	s23 =	sadd.s32 $0x2710, s20;
	[dreg:$0x1e] =	wrdreg s8  }
0x24: {  	v9 =	vunpack.c.0.s8.s32 v9;
	v11 =	vunpack.c.0.s8.s32 v11;
	v13 =	vunpack.c.0.s8.s32 v13;
	s15 =	simm.s32 $0x0;
	s24 =	sadd.s32 $0x4E20, s20;
	[smem:$0x7F7] =	sst s23  }
0x25: {  	v17 =	vunpack.c.0.s8.s32 v17;
	v27 =	vadd.s32 $0x1, v22;
	v28 =	vadd.s32 $0x2, v22;
	s19 =	sadd.s32 s20, s2;
	s25 =	sadd.s32 $0x7530, s20;
	[smem:$0x7F8] =	sst s24  }
.Ltmp0:
0x26: {  	v29 =	vadd.s32 $0x3, v22;
	v30 =	vadd.s32 $0x4, v22;
	v31 =	vadd.s32 $0x5, v22;
	s26 =	sadd.s32 $0x9C40, s20;
	[smem:$0x7F9] =	sst s25;
	(pc) =	sbr.rel .LBB2_1-.Ltmp0, $4  }
0x27: {  	v32 =	vadd.s32 $0x6, v22;
	v33 =	vadd.s32 $0x7, v22;
	v34 =	vadd.s32 $0x8, v22;
	s3 =	simm.s32 $0x7B20;
	s20 =	simm.s32 $0x9420;
	[smem:$0x7FA] =	sst s26  }
0x28: {  	v35 =	vadd.s32 $0x9, v22;
	v36 =	vadd.s32 $0xA, v22;
	v37 =	vadd.s32 $0xB, v22;
	s21 =	sadd.s32 s23, s2;
	s22 =	sadd.s32 s24, s2;
	[smem:$0x7FB] =	sst s19  }
0x29: {  	v38 =	vadd.s32 $0xC, v22;
	v39 =	vadd.s32 $0xD, v22;
	v40 =	vadd.s32 $0xE, v22;
	s25 =	sadd.s32 s25, s2;
	s26 =	sadd.s32 s26, s2;
	[smem:$0x7FC] =	sst s21  }
0x2a: {  	v41 =	vadd.s32 $0xF, v22;
	v42 =	vadd.s32 $0x40, v42;
	v15 =	vunpack.c.0.s8.s32 v15;
	s23 =	simm.s32 $0x7;
	s24 =	simm.s32 $0x50;
	[smem:$0x7FD] =	sst s26  }
.LBB2_22:
0x2b: {  	s15 =	sld [smem:$0x7F6];
	_ =	sdelay $0x2  }
0x2c: {  	s8 =	rddreg [dreg:$0x1f];
	s15 =	sadd.s32 $0x1, s15  }
0x2d: {  	p0 =	sne.s32 s15, s8  }
.Ltmp1:
0x2e: {  	_ = 	snop;
	(pc) =	sbr.rel @!p0 .LBB2_23-.Ltmp1, $1  }
0x2f: {  	_ =	sdelay $0x3  }
.LBB2_1:
0x30: {  	[smem:$0x7F6] =	sst s15;
	s15 =	simm.s32 $0x140;
	s8 =	simm.s32 $0x0  }
.LBB2_2:
0x31: {  	p0 =	sne.s32 s15, $0x1E00;
	[tilespmem:s8+$0xAD60] =	vst v1;
	s18 =	smov.u32 s15;
	s15 =	sadd.s32 $0x140, s15  }
.Ltmp2:
0x32: {  	[tilespmem:s8+$0xAD50] =	vst v1;
	(pc) =	sbr.rel @p0 .LBB2_2-.Ltmp2, $4  }
0x33: {  	[tilespmem:s8+$0xAD40] =	vst v1  }
0x34: {  	[tilespmem:s8+$0xAD20] =	vst v1  }
0x35: {  	[tilespmem:s8+$0xAD30] =	vst v1  }
0x36: {  	s8 =	sshra.s32 s18, $0x2  }
0x37: {  	[tilespmem:s8+$0xAD60] =	vst v1  }
0x38: {  	[tilespmem:s8+$0xAD50] =	vst v1  }
0x39: {  	[tilespmem:s8+$0xAD40] =	vst v1  }
0x3a: {  	[tilespmem:s8+$0xAD20] =	vst v1  }
0x3b: {  	[tilespmem:s8+$0xAD30] =	vst v1;
	s8 =	simm.s32 $0x240;
	s15 =	simm.s32 $0x40  }
.LBB2_4:
0x3c: {  	p0 =	sne.s32 s8, $0x63C0;
	[tilespmem:s15+$0x7B20] =	vst v1;
	s18 =	smov.u32 s8;
	s8 =	sadd.s32 $0x140, s8  }
.Ltmp3:
0x3d: {  	[tilespmem:s15+$0x9420] =	vst v1;
	(pc) =	sbr.rel @p0 .LBB2_4-.Ltmp3, $2  }
0x3e: {  	_ =	sdelay $0x2  }
0x3f: {  	s15 =	sshra.s32 s18, $0x2  }
.Ltmp4:
0x40: {  	(pc) =	sbr.rel .LBB2_6-.Ltmp4, $3  }
0x41: {  	_ =	sdelay $0x1  }
0x42: {  	[tilespmem:s15+$0x7B20] =	vst v1  }
0x43: {  	[tilespmem:s15+$0x9420] =	vst v1;
	s8 =	simm.s32 $0x0  }
.LBB2_21:
0x44: {  	s8 =	simm.s32 $0x5  }
0x45: {  	_ =	swait.ge [sflag:s8], $0x1900  }
0x46: {  	[sflag:s8] =	ssyncset.done $0x0  }
0x47: {  	s15 =	simm.s32 $0x6;
	[sflag:s8] =	ssyncadd.s32 $0xFFFFE700  }
0x48: {  	_ =	swait.ge [sflag:s15], $0x1900  }
0x49: {  	[sflag:s15] =	ssyncset.done $0x0  }
0x4a: {  	[sflag:s15] =	ssyncadd.s32 $0xFFFFE700  }
0x4b: {  	s8 =	smul.u32 $0xC3500, s19;
	s18 =	rddreg [dreg:$0x1c];
	[bflag:$0x0] =	sbarrier.arrive $0xFFFF  }
0x4c: {  	s26 =	sld [smem:$0x7FB]  }
0x4d: {  	s15 =	sadd.s32 s18, s8;
	s18 =	stileid.u32  }
0x4e: {  	s15 =	sshrl.u32 s15, $0x3;
	s18 =	sshll.u32 s18, $0x6;
	s21 =	rddreg [dreg:$0x4]  }
0x4f: {  	s18 =	sor.u32 $0x1C07, s18;
	s15 =	sadd.s32 s21, s15;
	s19 =	sshrl.u32 s26, $0x3  }
0x50: {  	[hbm:s15], [sflag:s18] =	dma.local [spmem:s19], $0x4E2  }
0x51: {  	_ =	swait.ge [sflag:s23], $0x4E2  }
0x52: {  	s19 =	sld [smem:$0x7F7];
	_ =	sdelay $0x1  }
0x53: {  	s29 =	smov.u32 s25;
	s25 =	smov.u32 s22;
	s22 =	sld [smem:$0x7FC]  }
0x54: {  	s15 =	sadd.s32 s19, s8  }
0x55: {  	[sflag:s23] =	ssyncset.done $0x0;
	s15 =	sshrl.u32 s15, $0x3  }
0x56: {  	[sflag:s23] =	ssyncadd.s32 $0xFFFFFB1E;
	s19 =	sshrl.u32 s22, $0x3;
	s15 =	sadd.s32 s21, s15  }
0x57: {  	[hbm:s15], [sflag:s18] =	dma.local [spmem:s19], $0x4E2  }
0x58: {  	_ =	swait.ge [sflag:s23], $0x4E2  }
0x59: {  	s19 =	sld [smem:$0x7F8];
	_ =	sdelay $0x2  }
0x5a: {  	s15 =	sadd.s32 s19, s8  }
0x5b: {  	[sflag:s23] =	ssyncset.done $0x0;
	s15 =	sshrl.u32 s15, $0x3  }
0x5c: {  	[sflag:s23] =	ssyncadd.s32 $0xFFFFFB1E;
	s19 =	sshrl.u32 s25, $0x3;
	s15 =	sadd.s32 s21, s15  }
0x5d: {  	[hbm:s15], [sflag:s18] =	dma.local [spmem:s19], $0x4E2  }
0x5e: {  	_ =	swait.ge [sflag:s23], $0x4E2  }
0x5f: {  	s19 =	sld [smem:$0x7F9];
	_ =	sdelay $0x2  }
0x60: {  	s15 =	sadd.s32 s19, s8  }
0x61: {  	[sflag:s23] =	ssyncset.done $0x0;
	s15 =	sshrl.u32 s15, $0x3  }
0x62: {  	[sflag:s23] =	ssyncadd.s32 $0xFFFFFB1E;
	s19 =	sshrl.u32 s29, $0x3;
	s15 =	sadd.s32 s21, s15  }
0x63: {  	[hbm:s15], [sflag:s18] =	dma.local [spmem:s19], $0x4E2  }
0x64: {  	_ =	swait.ge [sflag:s23], $0x4E2  }
0x65: {  	s19 =	smov.u32 s26;
	s26 =	sld [smem:$0x7FA];
	_ =	sdelay $0x2  }
0x66: {  	s8 =	sadd.s32 s26, s8;
	s26 =	sld [smem:$0x7FD];
	_ =	sdelay $0x1  }
0x67: {  	[sflag:s23] =	ssyncset.done $0x0;
	s8 =	sshrl.u32 s8, $0x3  }
0x68: {  	[sflag:s23] =	ssyncadd.s32 $0xFFFFFB1E;
	s8 =	sadd.s32 s21, s8;
	s15 =	sshrl.u32 s26, $0x3  }
0x69: {  	[hbm:s8], [sflag:s18] =	dma.local [spmem:s15], $0x4E2  }
0x6a: {  	_ =	swait.ge [sflag:s23], $0x4E2  }
0x6b: {  	s18 =	sld [smem:$0x7F5];
	_ =	sdelay $0x2  }
0x6c: {  	s8 =	sadd.s32 $0x1, s18  }
0x6d: {  	p0 =	sne.s32 s8, $0x4  }
.Ltmp5:
0x6e: {  	_ = 	snop;
	(pc) =	sbr.rel @!p0 .LBB2_22-.Ltmp5, $4  }
0x6f: {  	[sflag:s23] =	ssyncset.done $0x0  }
0x70: {  	[sflag:s23] =	ssyncadd.s32 $0xFFFFFB1E  }
0x71: {  	s21 =	smov.u32 s22;
	[bflag:$0x0] =	sbarrier.arrive $0xFFFF  }
0x72: {  	s22 =	smov.u32 s25;
	s25 =	smov.u32 s29;
	s29 =	simm.s32 $0xF0  }
.LBB2_6:
0x73: {  	s15 =	simm.s32 $0xAD20  }
0x74: {  	[spmem:s19] =	stream.linear.scatter [tilespmem:s15], [sflag:$0x7], $0x7D0, $0x38;
	[tilespmem:$0x17DE0] =	vst v63  }
0x75: {  	_ =	swait.ge [sflag:s23], $0x7D0  }
0x76: {  	[sflag:s23] =	ssyncset.done $0x0  }
0x77: {  	s18 =	rddreg [dreg:$0x6];
	[sflag:s23] =	ssyncadd.s32 $0xFFFFF830  }
0x78: {  	[spmem:s18] =	stream.linear.scatter [tilespmem:s15], [sflag:$0x7], $0x7D0, $0x38;
	[tilespmem:$0x17DE0] =	vst v63  }
0x79: {  	_ =	swait.ge [sflag:s23], $0x7D0  }
0x7a: {  	[sflag:s23] =	ssyncset.done $0x0  }
0x7b: {  	s18 =	rddreg [dreg:$0x7];
	[sflag:s23] =	ssyncadd.s32 $0xFFFFF830  }
0x7c: {  	[spmem:s18] =	stream.linear.scatter [tilespmem:s15], [sflag:$0x7], $0x7D0, $0x38;
	[tilespmem:$0x17DE0] =	vst v63  }
0x7d: {  	_ =	swait.ge [sflag:s23], $0x7D0  }
0x7e: {  	[sflag:s23] =	ssyncset.done $0x0  }
0x7f: {  	s18 =	rddreg [dreg:$0x8];
	[sflag:s23] =	ssyncadd.s32 $0xFFFFF830  }
0x80: {  	[spmem:s18] =	stream.linear.scatter [tilespmem:s15], [sflag:$0x7], $0x7D0, $0x38;
	[tilespmem:$0x17DE0] =	vst v63  }
0x81: {  	_ =	swait.ge [sflag:s23], $0x7D0  }
0x82: {  	[sflag:s23] =	ssyncset.done $0x0  }
0x83: {  	s18 =	rddreg [dreg:$0x9];
	[sflag:s23] =	ssyncadd.s32 $0xFFFFF830  }
0x84: {  	[spmem:s18] =	stream.linear.scatter [tilespmem:s15], [sflag:$0x7], $0x7D0, $0x38;
	[tilespmem:$0x17DE0] =	vst v63  }
0x85: {  	_ =	swait.ge [sflag:s23], $0x7D0  }
0x86: {  	[sflag:s23] =	ssyncset.done $0x0  }
0x87: {  	[sflag:s23] =	ssyncadd.s32 $0xFFFFF830  }
0x88: {  	[spmem:s21] =	stream.linear.scatter [tilespmem:s15], [sflag:$0x7], $0x7D0, $0x38;
	[tilespmem:$0x17DE0] =	vst v63  }
0x89: {  	_ =	swait.ge [sflag:s23], $0x7D0  }
0x8a: {  	[sflag:s23] =	ssyncset.done $0x0  }
0x8b: {  	s21 =	rddreg [dreg:$0xa];
	[sflag:s23] =	ssyncadd.s32 $0xFFFFF830  }
0x8c: {  	[spmem:s21] =	stream.linear.scatter [tilespmem:s15], [sflag:$0x7], $0x7D0, $0x38;
	[tilespmem:$0x17DE0] =	vst v63  }
0x8d: {  	_ =	swait.ge [sflag:s23], $0x7D0  }
0x8e: {  	[sflag:s23] =	ssyncset.done $0x0  }
0x8f: {  	s18 =	rddreg [dreg:$0xb];
	[sflag:s23] =	ssyncadd.s32 $0xFFFFF830  }
0x90: {  	[spmem:s18] =	stream.linear.scatter [tilespmem:s15], [sflag:$0x7], $0x7D0, $0x38;
	[tilespmem:$0x17DE0] =	vst v63  }
0x91: {  	_ =	swait.ge [sflag:s23], $0x7D0  }
0x92: {  	[sflag:s23] =	ssyncset.done $0x0  }
0x93: {  	s21 =	rddreg [dreg:$0xc];
	[sflag:s23] =	ssyncadd.s32 $0xFFFFF830  }
0x94: {  	[spmem:s21] =	stream.linear.scatter [tilespmem:s15], [sflag:$0x7], $0x7D0, $0x38;
	[tilespmem:$0x17DE0] =	vst v63  }
0x95: {  	_ =	swait.ge [sflag:s23], $0x7D0  }
0x96: {  	[sflag:s23] =	ssyncset.done $0x0  }
0x97: {  	s18 =	rddreg [dreg:$0xd];
	[sflag:s23] =	ssyncadd.s32 $0xFFFFF830  }
0x98: {  	[spmem:s18] =	stream.linear.scatter [tilespmem:s15], [sflag:$0x7], $0x7D0, $0x38;
	[tilespmem:$0x17DE0] =	vst v63  }
0x99: {  	_ =	swait.ge [sflag:s23], $0x7D0  }
0x9a: {  	[sflag:s23] =	ssyncset.done $0x0  }
0x9b: {  	[sflag:s23] =	ssyncadd.s32 $0xFFFFF830  }
0x9c: {  	[spmem:s22] =	stream.linear.scatter [tilespmem:s15], [sflag:$0x7], $0x7D0, $0x38;
	[tilespmem:$0x17DE0] =	vst v63  }
0x9d: {  	_ =	swait.ge [sflag:s23], $0x7D0  }
0x9e: {  	[sflag:s23] =	ssyncset.done $0x0  }
0x9f: {  	s21 =	rddreg [dreg:$0xe];
	[sflag:s23] =	ssyncadd.s32 $0xFFFFF830  }
0xa0: {  	[spmem:s21] =	stream.linear.scatter [tilespmem:s15], [sflag:$0x7], $0x7D0, $0x38;
	[tilespmem:$0x17DE0] =	vst v63  }
0xa1: {  	_ =	swait.ge [sflag:s23], $0x7D0  }
0xa2: {  	[sflag:s23] =	ssyncset.done $0x0  }
0xa3: {  	s18 =	rddreg [dreg:$0xf];
	[sflag:s23] =	ssyncadd.s32 $0xFFFFF830  }
0xa4: {  	[spmem:s18] =	stream.linear.scatter [tilespmem:s15], [sflag:$0x7], $0x7D0, $0x38;
	[tilespmem:$0x17DE0] =	vst v63  }
0xa5: {  	_ =	swait.ge [sflag:s23], $0x7D0  }
0xa6: {  	[sflag:s23] =	ssyncset.done $0x0  }
0xa7: {  	s21 =	rddreg [dreg:$0x10];
	[sflag:s23] =	ssyncadd.s32 $0xFFFFF830  }
0xa8: {  	[spmem:s21] =	stream.linear.scatter [tilespmem:s15], [sflag:$0x7], $0x7D0, $0x38;
	[tilespmem:$0x17DE0] =	vst v63  }
0xa9: {  	_ =	swait.ge [sflag:s23], $0x7D0  }
0xaa: {  	[sflag:s23] =	ssyncset.done $0x0  }
0xab: {  	s18 =	rddreg [dreg:$0x11];
	[sflag:s23] =	ssyncadd.s32 $0xFFFFF830  }
0xac: {  	[spmem:s18] =	stream.linear.scatter [tilespmem:s15], [sflag:$0x7], $0x7D0, $0x38;
	[tilespmem:$0x17DE0] =	vst v63  }
0xad: {  	_ =	swait.ge [sflag:s23], $0x7D0  }
0xae: {  	[sflag:s23] =	ssyncset.done $0x0  }
0xaf: {  	[sflag:s23] =	ssyncadd.s32 $0xFFFFF830  }
0xb0: {  	[spmem:s25] =	stream.linear.scatter [tilespmem:s15], [sflag:$0x7], $0x7D0, $0x38;
	[tilespmem:$0x17DE0] =	vst v63  }
0xb1: {  	_ =	swait.ge [sflag:s23], $0x7D0  }
0xb2: {  	[sflag:s23] =	ssyncset.done $0x0  }
0xb3: {  	s21 =	rddreg [dreg:$0x12];
	[sflag:s23] =	ssyncadd.s32 $0xFFFFF830  }
0xb4: {  	[spmem:s21] =	stream.linear.scatter [tilespmem:s15], [sflag:$0x7], $0x7D0, $0x38;
	[tilespmem:$0x17DE0] =	vst v63  }
0xb5: {  	_ =	swait.ge [sflag:s23], $0x7D0  }
0xb6: {  	[sflag:s23] =	ssyncset.done $0x0  }
0xb7: {  	s18 =	rddreg [dreg:$0x13];
	[sflag:s23] =	ssyncadd.s32 $0xFFFFF830  }
0xb8: {  	[spmem:s18] =	stream.linear.scatter [tilespmem:s15], [sflag:$0x7], $0x7D0, $0x38;
	[tilespmem:$0x17DE0] =	vst v63  }
0xb9: {  	_ =	swait.ge [sflag:s23], $0x7D0  }
0xba: {  	[sflag:s23] =	ssyncset.done $0x0  }
0xbb: {  	s21 =	rddreg [dreg:$0x14];
	[sflag:s23] =	ssyncadd.s32 $0xFFFFF830  }
0xbc: {  	[spmem:s21] =	stream.linear.scatter [tilespmem:s15], [sflag:$0x7], $0x7D0, $0x38;
	[tilespmem:$0x17DE0] =	vst v63  }
0xbd: {  	_ =	swait.ge [sflag:s23], $0x7D0  }
0xbe: {  	[sflag:s23] =	ssyncset.done $0x0  }
0xbf: {  	s18 =	rddreg [dreg:$0x15];
	[sflag:s23] =	ssyncadd.s32 $0xFFFFF830  }
0xc0: {  	[spmem:s18] =	stream.linear.scatter [tilespmem:s15], [sflag:$0x7], $0x7D0, $0x38;
	[tilespmem:$0x17DE0] =	vst v63  }
0xc1: {  	_ =	swait.ge [sflag:s23], $0x7D0  }
0xc2: {  	[sflag:s23] =	ssyncset.done $0x0  }
0xc3: {  	[sflag:s23] =	ssyncadd.s32 $0xFFFFF830  }
0xc4: {  	[spmem:s26] =	stream.linear.scatter [tilespmem:s15], [sflag:$0x7], $0x7D0, $0x38;
	[tilespmem:$0x17DE0] =	vst v63  }
0xc5: {  	_ =	swait.ge [sflag:s23], $0x7D0  }
0xc6: {  	[sflag:s23] =	ssyncset.done $0x0  }
0xc7: {  	s21 =	rddreg [dreg:$0x16];
	[sflag:s23] =	ssyncadd.s32 $0xFFFFF830  }
0xc8: {  	[spmem:s21] =	stream.linear.scatter [tilespmem:s15], [sflag:$0x7], $0x7D0, $0x38;
	[tilespmem:$0x17DE0] =	vst v63  }
0xc9: {  	_ =	swait.ge [sflag:s23], $0x7D0  }
0xca: {  	[sflag:s23] =	ssyncset.done $0x0  }
0xcb: {  	s26 =	rddreg [dreg:$0x17];
	[sflag:s23] =	ssyncadd.s32 $0xFFFFF830  }
0xcc: {  	[spmem:s26] =	stream.linear.scatter [tilespmem:s15], [sflag:$0x7], $0x7D0, $0x38;
	[tilespmem:$0x17DE0] =	vst v63  }
0xcd: {  	_ =	swait.ge [sflag:s23], $0x7D0  }
0xce: {  	[sflag:s23] =	ssyncset.done $0x0  }
0xcf: {  	s18 =	rddreg [dreg:$0x18];
	[sflag:s23] =	ssyncadd.s32 $0xFFFFF830  }
0xd0: {  	[spmem:s18] =	stream.linear.scatter [tilespmem:s15], [sflag:$0x7], $0x7D0, $0x38;
	[tilespmem:$0x17DE0] =	vst v63  }
0xd1: {  	_ =	swait.ge [sflag:s23], $0x7D0  }
0xd2: {  	[sflag:s23] =	ssyncset.done $0x0  }
0xd3: {  	s21 =	rddreg [dreg:$0x19];
	[sflag:s23] =	ssyncadd.s32 $0xFFFFF830  }
0xd4: {  	[spmem:s21] =	stream.linear.scatter [tilespmem:s15], [sflag:$0x7], $0x7D0, $0x38;
	[tilespmem:$0x17DE0] =	vst v63  }
0xd5: {  	_ =	swait.ge [sflag:s23], $0x7D0  }
0xd6: {  	[sflag:s23] =	ssyncset.done $0x0  }
0xd7: {  	[sflag:s23] =	ssyncadd.s32 $0xFFFFF830  }
0xd8: {  	[bflag:$0x0] =	sbarrier.arrive $0xFFFF  }
0xd9: {  	s18 =	simm.s32 $0x0;
	s26 =	rddreg [dreg:$0x1a]  }
0xda: {  	[tilespmem:s18], [sflag:$0x1] =	stream.linear.gather [hbm4b:s26+s18], $0x50, $0x38;
	[tilespmem:$0x17DE0] =	vst v63  }
0xdb: {  	s21 =	simm.s32 $0xA0;
	s15 =	rddreg [dreg:$0x1b]  }
0xdc: {  	[tilespmem:s21], [sflag:$0x1] =	stream.linear.gather [hbm4b:s15+s18], $0x50, $0x38;
	[tilespmem:$0x17DE0] =	vst v63  }
0xdd: {  	s26 =	rddreg [dreg:$0x1d]  }
0xde: {  	[tilespmem:s24], [sflag:$0x2] =	stream.linear.gather [hbm4b:s26+s18], $0x50, $0x38;
	[tilespmem:$0x17DE0] =	vst v63  }
0xdf: {  	s15 =	rddreg [dreg:$0x1e];
	s21 =	simm.s32 $0x1  }
0xe0: {  	[tilespmem:s29], [sflag:$0x2] =	stream.linear.gather [hbm4b:s15+s18], $0x50, $0x38;
	[tilespmem:$0x17DE0] =	vst v63  }
0xe1: {  	_ =	swait.ge [sflag:s21], $0x50  }
0xe2: {  	[sflag:s21] =	ssyncset.done $0x0  }
0xe3: {  	[sflag:s21] =	ssyncadd.s32 $0xFFFFFFB0  }
0xe4: {  	_ =	swait.ge [sflag:s21], $0x50  }
0xe5: {  	[sflag:s21] =	ssyncset.done $0x0  }
0xe6: {  	[sflag:s21] =	ssyncadd.s32 $0xFFFFFFB0  }
0xe7: {  	v43 =	vld [tilespmem:$0x0]  }
0xe8: {  	v44 =	vld [tilespmem:$0xA0]  }
0xe9: {  	v45 =	vld [tilespmem:$0x10]  }
0xea: {  	v46 =	vld [tilespmem:$0xB0]  }
0xeb: {  	v47 =	vld [tilespmem:$0x20]  }
0xec: {  	s19 =	smov.u32 s8;
	s26 =	rddreg [dreg:$0x5];
	v48 =	vld [tilespmem:$0xC0]  }
0xed: {  	[smem:$0x7F5] =	sst s19;
	s19 =	sadd.s32 s26, s19;
	v49 =	vld [tilespmem:$0x30];
	v43 =	vshll.u32 v43, $0x3  }
0xee: {  	v60 =	vld [tilespmem:$0xD0];
	v44 =	vshll.u32 v44, $0x3;
	v43 =	vadd.s32 s19, v43  }
0xef: {  	v52 =	vld [tilespmem:$0xE0];
	v59 =	vshll.u32 v45, $0x3;
	v58 =	vadd.s32 s19, v44;
	[tilespmem:$0x140] =	vst v43  }
0xf0: {  	v63 =	vld [tilespmem:$0x40];
	v62 =	vshll.u32 v46, $0x3;
	v61 =	vadd.s32 s19, v59;
	[tilespmem:$0x1E0] =	vst v58  }
0xf1: {  	v51 =	vshll.u32 v47, $0x3;
	v50 =	vadd.s32 s19, v62;
	[tilespmem:$0x150] =	vst v61  }
0xf2: {  	v54 =	vshll.u32 v48, $0x3;
	v53 =	vadd.s32 s19, v51;
	[tilespmem:$0x1F0] =	vst v50  }
0xf3: {  	v56 =	vshll.u32 v49, $0x3;
	v55 =	vadd.s32 s19, v54;
	[tilespmem:$0x160] =	vst v53  }
0xf4: {  	v57 =	vadd.s32 s19, v56;
	v62 =	vshll.u32 v52, $0x3;
	[tilespmem:$0x200] =	vst v55  }
0xf5: {  	v58 =	vshll.u32 v60, $0x3;
	[tilespmem:$0x170] =	vst v57;
	v60 =	vshll.u32 v63, $0x3;
	v63 =	vadd.s32 s19, v62  }
0xf6: {  	v59 =	vadd.s32 s19, v58;
	[tilespmem:$0x220] =	vst v63  }
0xf7: {  	v61 =	vadd.s32 s19, v60;
	[tilespmem:$0x210] =	vst v59  }
0xf8: {  	s15 =	simm.s32 $0x140;
	s18 =	simm.s32 $0x320;
	[tilespmem:$0x180] =	vst v61  }
0xf9: {  	[tilespmem:s18], [sflag:$0x3] =	stream.indirect.gather [hbm4b:s6+s24], $0x40, s15, s24, $0xb8;
	[tilespmem:$0x17DE0] =	vst v63  }
0xfa: {  	s21 =	simm.s32 $0x1E0;
	s26 =	simm.s32 $0x2B20  }
0xfb: {  	[tilespmem:s26], [sflag:$0x3] =	stream.indirect.gather [hbm4b:s7+s24], $0x80, s21, s24, $0xb8;
	[tilespmem:$0x17DE0] =	vst v63  }
0xfc: {  	v43 =	vmov s19;
	s21 =	simm.s32 $0x0  }
.LBB2_7:
0xfd: {  	_ =	swait.ge [sflag:s28], $0x50  }
0xfe: {  	[sflag:s28] =	ssyncset.done $0x0  }
0xff: {  	[sflag:s28] =	ssyncadd.s32 $0xFFFFFFB0  }
0x100: {  	_ =	swait.ge [sflag:s28], $0x50  }
0x101: {  	[sflag:s28] =	ssyncset.done $0x0  }
0x102: {  	[sflag:s28] =	ssyncadd.s32 $0xFFFFFFB0  }
0x103: {  	v44 =	vld [tilespmem:$0x50]  }
0x104: {  	v45 =	vld [tilespmem:$0xF0]  }
0x105: {  	v46 =	vld [tilespmem:$0x60]  }
0x106: {  	v47 =	vld [tilespmem:$0x100]  }
0x107: {  	v48 =	vld [tilespmem:$0x70]  }
0x108: {  	v49 =	vld [tilespmem:$0x110]  }
0x109: {  	v50 =	vld [tilespmem:$0x80];
	v44 =	vshll.u32 v44, $0x3  }
0x10a: {  	v55 =	vld [tilespmem:$0x120];
	v45 =	vshll.u32 v45, $0x3;
	v44 =	vadd.s32 v43, v44  }
0x10b: {  	v61 =	vld [tilespmem:$0x130];
	v54 =	vshll.u32 v46, $0x3;
	v53 =	vadd.s32 v43, v45;
	[tilespmem:$0x190] =	vst v44  }
0x10c: {  	v58 =	vld [tilespmem:$0x90];
	v57 =	vshll.u32 v47, $0x3;
	v56 =	vadd.s32 v43, v54;
	[tilespmem:$0x230] =	vst v53  }
0x10d: {  	v60 =	vshll.u32 v48, $0x3;
	v59 =	vadd.s32 v43, v57;
	[tilespmem:$0x1A0] =	vst v56  }
0x10e: {  	v63 =	vshll.u32 v49, $0x3;
	v62 =	vadd.s32 v43, v60;
	[tilespmem:$0x240] =	vst v59  }
0x10f: {  	v51 =	vshll.u32 v50, $0x3;
	v49 =	vadd.s32 v43, v63;
	[tilespmem:$0x1B0] =	vst v62  }
0x110: {  	v52 =	vadd.s32 v43, v51;
	v57 =	vshll.u32 v61, $0x3;
	[tilespmem:$0x250] =	vst v49  }
0x111: {  	v53 =	vshll.u32 v55, $0x3;
	[tilespmem:$0x1C0] =	vst v52;
	v55 =	vshll.u32 v58, $0x3;
	v58 =	vadd.s32 v43, v57  }
0x112: {  	v54 =	vadd.s32 v43, v53;
	[tilespmem:$0x270] =	vst v58  }
0x113: {  	v56 =	vadd.s32 v43, v55;
	[tilespmem:$0x260] =	vst v54  }
0x114: {  	s8 =	simm.s32 $0x190;
	[tilespmem:$0x1D0] =	vst v56  }
0x115: {  	[tilespmem:s30], [sflag:$0x4] =	stream.indirect.gather [hbm4b:s6+s24], $0x40, s8, s24, $0xb8;
	[tilespmem:$0x17DE0] =	vst v63  }
0x116: {  	_ = 	snop  }
0x117: {  	[tilespmem:s0], [sflag:$0x4] =	stream.indirect.gather [hbm4b:s7+s24], $0x80, s31, s24, $0xb8;
	[tilespmem:$0x17DE0] =	vst v63  }
0x118: {  	_ =	swait.ge [sflag:s9], $0x1400  }
0x119: {  	[sflag:s9] =	ssyncset.done $0x0  }
0x11a: {  	[sflag:s9] =	ssyncadd.s32 $0xFFFFEC00  }
0x11b: {  	_ =	swait.ge [sflag:s9], $0x2800  }
0x11c: {  	p0 =	seq.s32 s21, $0x0;
	[sflag:s9] =	ssyncset.done $0x0  }
0x11d: {  	s8 =	simm.s32 @!p0 $0x5;
	[sflag:s9] =	ssyncadd.s32 $0xFFFFD800  }
0x11e: {  	_ =	swait.ge @!p0 [sflag:s8], $0x1900  }
0x11f: {  	[sflag:s8] =	ssyncset.done @!p0 $0x0  }
0x120: {  	[sflag:s8] =	ssyncadd.s32 @!p0 $0xFFFFE700  }
0x121: {  	v59 =	vld [tilespmem:$0x0]  }
0x122: {  	v60 =	vld [tilespmem:$0x10]  }
0x123: {  	v61 =	vld [tilespmem:$0x20]  }
0x124: {  	v62 =	vld [tilespmem:$0x30]  }
0x125: {  	v63 =	vld [tilespmem:$0x40]  }
0x126: {  	[tilespmem:$0x280] =	vst v59  }
0x127: {  	[tilespmem:$0x290] =	vst v60  }
0x128: {  	[tilespmem:$0x2A0] =	vst v61  }
0x129: {  	s15 =	simm.s32 $0x0;
	[tilespmem:$0x2B0] =	vst v62  }
0x12a: {  	s26 =	simm.s32 $0x520;
	s18 =	simm.s32 $0x0;
	s8 =	simm.s32 $0x2F20;
	[tilespmem:$0x2C0] =	vst v63  }
.LBB2_8:
0x12b: {  	v44 =	vld [tilespmem:s26+$0xFFFFFE00]  }
0x12c: {  	v45 =	vld [tilespmem:s8+$0xFFFFFC00]  }
0x12d: {  	v46 =	vld [tilespmem:s26+$0xFFFFFE10]  }
0x12e: {  	v47 =	vld [tilespmem:s8+$0xFFFFFC10]  }
0x12f: {  	v48 =	vld [tilespmem:s26+$0xFFFFFE20]  }
0x130: {  	v49 =	vld [tilespmem:s8+$0xFFFFFC20]  }
0x131: {  	v50 =	vld [tilespmem:s26+$0xFFFFFE30]  }
0x132: {  	v51 =	vld [tilespmem:s8+$0xFFFFFC30]  }
0x133: {  	v44 =	vmul.f32 v45, v44;
	v54 =	vmul.f32 v47, v46;
	_ =	sdelay $0x1  }
0x134: {  	v55 =	vor.u32 s18, v0;
	v56 =	vmul.f32 v49, v48;
	v44 =	vadd.f32 v54, v44  }
0x135: {  	v46 =	vand.u32 v3, v55  }
0x136: {  	v57 =	vmul.f32 v51, v50;
	v44 =	vadd.f32 v56, v44;
	_ =	sdelay $0x1  }
0x137: {  	v44 =	vadd.f32 v57, v44;
	_ =	sdelay $0x1  }
0x138: {  	[tilespmem:v46+s10+$0x0] =	vst.idx.msk $0xffff, v44  }
0x139: {  	v44 =	vld [tilespmem:s26+$0xFFFFFE40]  }
0x13a: {  	v58 =	vld [tilespmem:s8+$0xFFFFFC80]  }
0x13b: {  	v46 =	vld [tilespmem:s26+$0xFFFFFE50]  }
0x13c: {  	v59 =	vld [tilespmem:s8+$0xFFFFFC90]  }
0x13d: {  	v60 =	vld [tilespmem:s26+$0xFFFFFE60]  }
0x13e: {  	v61 =	vld [tilespmem:s8+$0xFFFFFCA0]  }
0x13f: {  	v62 =	vld [tilespmem:s26+$0xFFFFFE70]  }
0x140: {  	v63 =	vld [tilespmem:s8+$0xFFFFFCB0]  }
0x141: {  	v44 =	vmul.f32 v58, v44;
	v54 =	vmul.f32 v59, v46  }
0x142: {  	v55 =	vadd.s32 s18, v4  }
0x143: {  	v56 =	vmul.f32 v61, v60;
	v46 =	vand.u32 $0xFF8, v55;
	v44 =	vadd.f32 v54, v44  }
0x144: {  	v46 =	vor.u32 v5, v46  }
0x145: {  	v57 =	vmul.f32 v63, v62;
	v44 =	vadd.f32 v56, v44;
	_ =	sdelay $0x1  }
0x146: {  	v44 =	vadd.f32 v57, v44;
	_ =	sdelay $0x1  }
0x147: {  	[tilespmem:v46+s10+$0x0] =	vst.idx.msk $0xffff, v44  }
0x148: {  	v44 =	vld [tilespmem:s26+$0xFFFFFE80]  }
0x149: {  	v58 =	vld [tilespmem:s8+$0xFFFFFD00]  }
0x14a: {  	v46 =	vld [tilespmem:s26+$0xFFFFFE90]  }
0x14b: {  	v59 =	vld [tilespmem:s8+$0xFFFFFD10]  }
0x14c: {  	v60 =	vld [tilespmem:s26+$0xFFFFFEA0]  }
0x14d: {  	v61 =	vld [tilespmem:s8+$0xFFFFFD20]  }
0x14e: {  	v62 =	vld [tilespmem:s26+$0xFFFFFEB0]  }
0x14f: {  	v63 =	vld [tilespmem:s8+$0xFFFFFD30]  }
0x150: {  	v44 =	vmul.f32 v58, v44;
	v54 =	vmul.f32 v59, v46  }
0x151: {  	v55 =	vadd.s32 s18, v6  }
0x152: {  	v56 =	vmul.f32 v61, v60;
	v46 =	vand.u32 $0xFF8, v55;
	v44 =	vadd.f32 v54, v44  }
0x153: {  	v46 =	vor.u32 v7, v46  }
0x154: {  	v57 =	vmul.f32 v63, v62;
	v44 =	vadd.f32 v56, v44;
	_ =	sdelay $0x1  }
0x155: {  	v44 =	vadd.f32 v57, v44;
	_ =	sdelay $0x1  }
0x156: {  	[tilespmem:v46+s10+$0x0] =	vst.idx.msk $0xffff, v44  }
0x157: {  	v44 =	vld [tilespmem:s26+$0xFFFFFEC0]  }
0x158: {  	v58 =	vld [tilespmem:s8+$0xFFFFFD80]  }
0x159: {  	v46 =	vld [tilespmem:s26+$0xFFFFFED0]  }
0x15a: {  	v59 =	vld [tilespmem:s8+$0xFFFFFD90]  }
0x15b: {  	v60 =	vld [tilespmem:s26+$0xFFFFFEE0]  }
0x15c: {  	v61 =	vld [tilespmem:s8+$0xFFFFFDA0]  }
0x15d: {  	v62 =	vld [tilespmem:s26+$0xFFFFFEF0]  }
0x15e: {  	v63 =	vld [tilespmem:s8+$0xFFFFFDB0]  }
0x15f: {  	v44 =	vmul.f32 v58, v44;
	v54 =	vmul.f32 v59, v46  }
0x160: {  	v55 =	vadd.s32 s18, v8  }
0x161: {  	v56 =	vmul.f32 v61, v60;
	v46 =	vand.u32 $0xFF8, v55;
	v44 =	vadd.f32 v54, v44  }
0x162: {  	v46 =	vor.u32 v9, v46  }
0x163: {  	v57 =	vmul.f32 v63, v62;
	v44 =	vadd.f32 v56, v44;
	_ =	sdelay $0x1  }
0x164: {  	v44 =	vadd.f32 v57, v44;
	_ =	sdelay $0x1  }
0x165: {  	[tilespmem:v46+s10+$0x0] =	vst.idx.msk $0xffff, v44  }
0x166: {  	v44 =	vld [tilespmem:s26+$0xFFFFFF00]  }
0x167: {  	v58 =	vld [tilespmem:s8+$0xFFFFFE00]  }
0x168: {  	v46 =	vld [tilespmem:s26+$0xFFFFFF10]  }
0x169: {  	v59 =	vld [tilespmem:s8+$0xFFFFFE10]  }
0x16a: {  	v60 =	vld [tilespmem:s26+$0xFFFFFF20]  }
0x16b: {  	v61 =	vld [tilespmem:s8+$0xFFFFFE20]  }
0x16c: {  	v62 =	vld [tilespmem:s26+$0xFFFFFF30]  }
0x16d: {  	v63 =	vld [tilespmem:s8+$0xFFFFFE30]  }
0x16e: {  	v44 =	vmul.f32 v58, v44;
	v54 =	vmul.f32 v59, v46  }
0x16f: {  	v55 =	vadd.s32 s18, v10  }
0x170: {  	v56 =	vmul.f32 v61, v60;
	v46 =	vand.u32 $0xFF8, v55;
	v44 =	vadd.f32 v54, v44  }
0x171: {  	v46 =	vor.u32 v11, v46  }
0x172: {  	v57 =	vmul.f32 v63, v62;
	v44 =	vadd.f32 v56, v44;
	_ =	sdelay $0x1  }
0x173: {  	v44 =	vadd.f32 v57, v44;
	_ =	sdelay $0x1  }
0x174: {  	[tilespmem:v46+s10+$0x0] =	vst.idx.msk $0xffff, v44  }
0x175: {  	v44 =	vld [tilespmem:s26+$0xFFFFFF40]  }
0x176: {  	v58 =	vld [tilespmem:s8+$0xFFFFFE80]  }
0x177: {  	v46 =	vld [tilespmem:s26+$0xFFFFFF50]  }
0x178: {  	v59 =	vld [tilespmem:s8+$0xFFFFFE90]  }
0x179: {  	v60 =	vld [tilespmem:s26+$0xFFFFFF60]  }
0x17a: {  	v61 =	vld [tilespmem:s8+$0xFFFFFEA0]  }
0x17b: {  	v62 =	vld [tilespmem:s26+$0xFFFFFF70]  }
0x17c: {  	v63 =	vld [tilespmem:s8+$0xFFFFFEB0]  }
0x17d: {  	v44 =	vmul.f32 v58, v44;
	v54 =	vmul.f32 v59, v46  }
0x17e: {  	v55 =	vadd.s32 s18, v12  }
0x17f: {  	v56 =	vmul.f32 v61, v60;
	v46 =	vand.u32 $0xFF8, v55;
	v44 =	vadd.f32 v54, v44  }
0x180: {  	v46 =	vor.u32 v13, v46  }
0x181: {  	v57 =	vmul.f32 v63, v62;
	v44 =	vadd.f32 v56, v44;
	_ =	sdelay $0x1  }
0x182: {  	v44 =	vadd.f32 v57, v44;
	_ =	sdelay $0x1  }
0x183: {  	[tilespmem:v46+s10+$0x0] =	vst.idx.msk $0xffff, v44  }
0x184: {  	v44 =	vld [tilespmem:s26+$0xFFFFFF80]  }
0x185: {  	v58 =	vld [tilespmem:s8+$0xFFFFFF00]  }
0x186: {  	v46 =	vld [tilespmem:s26+$0xFFFFFF90]  }
0x187: {  	v59 =	vld [tilespmem:s8+$0xFFFFFF10]  }
0x188: {  	v60 =	vld [tilespmem:s26+$0xFFFFFFA0]  }
0x189: {  	v61 =	vld [tilespmem:s8+$0xFFFFFF20]  }
0x18a: {  	v62 =	vld [tilespmem:s26+$0xFFFFFFB0]  }
0x18b: {  	v63 =	vld [tilespmem:s8+$0xFFFFFF30]  }
0x18c: {  	v44 =	vmul.f32 v58, v44;
	v54 =	vmul.f32 v59, v46  }
0x18d: {  	v55 =	vadd.s32 s18, v14  }
0x18e: {  	v56 =	vmul.f32 v61, v60;
	v46 =	vand.u32 $0xFF8, v55;
	v44 =	vadd.f32 v54, v44  }
0x18f: {  	v46 =	vor.u32 v15, v46  }
0x190: {  	v57 =	vmul.f32 v63, v62;
	v44 =	vadd.f32 v56, v44;
	_ =	sdelay $0x1  }
0x191: {  	v44 =	vadd.f32 v57, v44;
	_ =	sdelay $0x1  }
0x192: {  	[tilespmem:v46+s10+$0x0] =	vst.idx.msk $0xffff, v44  }
0x193: {  	v44 =	vld [tilespmem:s26+$0xFFFFFFC0]  }
0x194: {  	v58 =	vld [tilespmem:s8+$0xFFFFFF80]  }
0x195: {  	v46 =	vld [tilespmem:s26+$0xFFFFFFD0]  }
0x196: {  	v59 =	vld [tilespmem:s8+$0xFFFFFF90]  }
0x197: {  	v60 =	vld [tilespmem:s26+$0xFFFFFFE0]  }
0x198: {  	v61 =	vld [tilespmem:s8+$0xFFFFFFA0]  }
0x199: {  	v62 =	vld [tilespmem:s26+$0xFFFFFFF0]  }
0x19a: {  	v63 =	vld [tilespmem:s8+$0xFFFFFFB0]  }
0x19b: {  	v44 =	vmul.f32 v58, v44;
	v54 =	vmul.f32 v59, v46  }
0x19c: {  	v55 =	vadd.s32 s18, v16  }
0x19d: {  	v56 =	vmul.f32 v61, v60;
	v46 =	vand.u32 $0xFF8, v55;
	v44 =	vadd.f32 v54, v44  }
0x19e: {  	v46 =	vor.u32 v17, v46  }
0x19f: {  	v57 =	vmul.f32 v63, v62;
	v44 =	vadd.f32 v56, v44;
	_ =	sdelay $0x1  }
0x1a0: {  	v44 =	vadd.f32 v57, v44;
	_ =	sdelay $0x1  }
0x1a1: {  	[tilespmem:v46+s10+$0x0] =	vst.idx.msk $0xffff, v44  }
0x1a2: {  	v44 =	vld [tilespmem:s26+$0x0]  }
0x1a3: {  	v58 =	vld [tilespmem:s8+$0x0]  }
0x1a4: {  	v46 =	vld [tilespmem:s26+$0x10]  }
0x1a5: {  	v59 =	vld [tilespmem:s8+$0x10]  }
0x1a6: {  	v60 =	vld [tilespmem:s26+$0x20]  }
0x1a7: {  	v61 =	vld [tilespmem:s8+$0x20]  }
0x1a8: {  	v62 =	vld [tilespmem:s26+$0x30]  }
0x1a9: {  	v63 =	vld [tilespmem:s8+$0x30]  }
0x1aa: {  	v44 =	vmul.f32 v58, v44;
	v54 =	vmul.f32 v59, v46  }
0x1ab: {  	v55 =	vadd.s32 s18, v18  }
0x1ac: {  	v56 =	vmul.f32 v61, v60;
	v46 =	vand.u32 $0xFF8, v55;
	v44 =	vadd.f32 v54, v44  }
0x1ad: {  	v46 =	vor.u32 v2, v46  }
0x1ae: {  	v57 =	vmul.f32 v63, v62;
	v44 =	vadd.f32 v56, v44;
	_ =	sdelay $0x1  }
0x1af: {  	v44 =	vadd.f32 v57, v44;
	_ =	sdelay $0x1  }
0x1b0: {  	[tilespmem:v46+s10+$0x0] =	vst.idx.msk $0xffff, v44  }
0x1b1: {  	v44 =	vld [tilespmem:s26+$0x40]  }
0x1b2: {  	v58 =	vld [tilespmem:s8+$0x80]  }
0x1b3: {  	v46 =	vld [tilespmem:s26+$0x50]  }
0x1b4: {  	v59 =	vld [tilespmem:s8+$0x90]  }
0x1b5: {  	v60 =	vld [tilespmem:s26+$0x60]  }
0x1b6: {  	v61 =	vld [tilespmem:s8+$0xA0]  }
0x1b7: {  	v62 =	vld [tilespmem:s26+$0x70]  }
0x1b8: {  	v63 =	vld [tilespmem:s8+$0xB0]  }
0x1b9: {  	v44 =	vmul.f32 v58, v44;
	v54 =	vmul.f32 v59, v46  }
0x1ba: {  	v55 =	vadd.s32 s18, v19  }
0x1bb: {  	v56 =	vmul.f32 v61, v60;
	v46 =	vand.u32 $0xFF8, v55;
	v44 =	vadd.f32 v54, v44  }
0x1bc: {  	v46 =	vor.u32 v5, v46  }
0x1bd: {  	v57 =	vmul.f32 v63, v62;
	v44 =	vadd.f32 v56, v44;
	_ =	sdelay $0x1  }
0x1be: {  	v44 =	vadd.f32 v57, v44;
	_ =	sdelay $0x1  }
0x1bf: {  	[tilespmem:v46+s10+$0x0] =	vst.idx.msk $0xffff, v44  }
0x1c0: {  	v44 =	vld [tilespmem:s26+$0x80]  }
0x1c1: {  	v58 =	vld [tilespmem:s8+$0x100]  }
0x1c2: {  	v46 =	vld [tilespmem:s26+$0x90]  }
0x1c3: {  	v59 =	vld [tilespmem:s8+$0x110]  }
0x1c4: {  	v60 =	vld [tilespmem:s26+$0xA0]  }
0x1c5: {  	v61 =	vld [tilespmem:s8+$0x120]  }
0x1c6: {  	v62 =	vld [tilespmem:s26+$0xB0]  }
0x1c7: {  	v63 =	vld [tilespmem:s8+$0x130]  }
0x1c8: {  	v44 =	vmul.f32 v58, v44;
	v54 =	vmul.f32 v59, v46  }
0x1c9: {  	v55 =	vadd.s32 s18, v20  }
0x1ca: {  	v56 =	vmul.f32 v61, v60;
	v46 =	vand.u32 $0xFF8, v55;
	v44 =	vadd.f32 v54, v44  }
0x1cb: {  	v46 =	vor.u32 v7, v46  }
0x1cc: {  	v57 =	vmul.f32 v63, v62;
	v44 =	vadd.f32 v56, v44;
	_ =	sdelay $0x1  }
0x1cd: {  	v44 =	vadd.f32 v57, v44;
	_ =	sdelay $0x1  }
0x1ce: {  	[tilespmem:v46+s10+$0x0] =	vst.idx.msk $0xffff, v44  }
0x1cf: {  	v44 =	vld [tilespmem:s26+$0xC0]  }
0x1d0: {  	v58 =	vld [tilespmem:s8+$0x180]  }
0x1d1: {  	v46 =	vld [tilespmem:s26+$0xD0]  }
0x1d2: {  	v59 =	vld [tilespmem:s8+$0x190]  }
0x1d3: {  	v60 =	vld [tilespmem:s26+$0xE0]  }
0x1d4: {  	v61 =	vld [tilespmem:s8+$0x1A0]  }
0x1d5: {  	v62 =	vld [tilespmem:s26+$0xF0]  }
0x1d6: {  	v63 =	vld [tilespmem:s8+$0x1B0]  }
0x1d7: {  	v44 =	vmul.f32 v58, v44;
	v54 =	vmul.f32 v59, v46  }
0x1d8: {  	v55 =	vadd.s32 s18, v21  }
0x1d9: {  	v56 =	vmul.f32 v61, v60;
	v46 =	vand.u32 $0xFF8, v55;
	v44 =	vadd.f32 v54, v44  }
0x1da: {  	v46 =	vor.u32 v9, v46  }
0x1db: {  	v57 =	vmul.f32 v63, v62;
	v44 =	vadd.f32 v56, v44;
	_ =	sdelay $0x1  }
0x1dc: {  	v44 =	vadd.f32 v57, v44;
	_ =	sdelay $0x1  }
0x1dd: {  	[tilespmem:v46+s10+$0x0] =	vst.idx.msk $0xffff, v44  }
0x1de: {  	v44 =	vld [tilespmem:s26+$0x100]  }
0x1df: {  	v58 =	vld [tilespmem:s8+$0x200]  }
0x1e0: {  	v46 =	vld [tilespmem:s26+$0x110]  }
0x1e1: {  	v59 =	vld [tilespmem:s8+$0x210]  }
0x1e2: {  	v60 =	vld [tilespmem:s26+$0x120]  }
0x1e3: {  	v61 =	vld [tilespmem:s8+$0x220]  }
0x1e4: {  	v62 =	vld [tilespmem:s26+$0x130]  }
0x1e5: {  	v63 =	vld [tilespmem:s8+$0x230]  }
0x1e6: {  	v44 =	vmul.f32 v58, v44;
	v54 =	vmul.f32 v59, v46  }
0x1e7: {  	v55 =	vadd.s32 s18, v23  }
0x1e8: {  	v56 =	vmul.f32 v61, v60;
	v46 =	vand.u32 $0xFF8, v55;
	v44 =	vadd.f32 v54, v44  }
0x1e9: {  	v46 =	vor.u32 v11, v46  }
0x1ea: {  	v57 =	vmul.f32 v63, v62;
	v44 =	vadd.f32 v56, v44;
	_ =	sdelay $0x1  }
0x1eb: {  	v44 =	vadd.f32 v57, v44;
	_ =	sdelay $0x1  }
0x1ec: {  	[tilespmem:v46+s10+$0x0] =	vst.idx.msk $0xffff, v44  }
0x1ed: {  	v44 =	vld [tilespmem:s26+$0x140]  }
0x1ee: {  	v58 =	vld [tilespmem:s8+$0x280]  }
0x1ef: {  	v46 =	vld [tilespmem:s26+$0x150]  }
0x1f0: {  	v59 =	vld [tilespmem:s8+$0x290]  }
0x1f1: {  	v60 =	vld [tilespmem:s26+$0x160]  }
0x1f2: {  	v61 =	vld [tilespmem:s8+$0x2A0]  }
0x1f3: {  	v62 =	vld [tilespmem:s26+$0x170]  }
0x1f4: {  	v63 =	vld [tilespmem:s8+$0x2B0]  }
0x1f5: {  	v44 =	vmul.f32 v58, v44;
	v52 =	vmul.f32 v59, v46  }
0x1f6: {  	v53 =	vadd.s32 s18, v24  }
0x1f7: {  	v54 =	vmul.f32 v61, v60;
	v46 =	vand.u32 $0xFF8, v53;
	v44 =	vadd.f32 v52, v44  }
0x1f8: {  	v46 =	vor.u32 v13, v46  }
0x1f9: {  	v55 =	vmul.f32 v63, v62;
	v44 =	vadd.f32 v54, v44;
	_ =	sdelay $0x1  }
0x1fa: {  	v44 =	vadd.f32 v55, v44;
	_ =	sdelay $0x1  }
0x1fb: {  	[tilespmem:v46+s10+$0x0] =	vst.idx.msk $0xffff, v44  }
0x1fc: {  	v44 =	vld [tilespmem:s26+$0x180]  }
0x1fd: {  	v56 =	vld [tilespmem:s8+$0x300]  }
0x1fe: {  	v46 =	vld [tilespmem:s26+$0x190]  }
0x1ff: {  	v57 =	vld [tilespmem:s8+$0x310]  }
0x200: {  	v58 =	vld [tilespmem:s26+$0x1A0]  }
0x201: {  	v59 =	vld [tilespmem:s8+$0x320]  }
0x202: {  	v60 =	vld [tilespmem:s26+$0x1B0]  }
0x203: {  	v61 =	vld [tilespmem:s8+$0x330]  }
0x204: {  	v44 =	vmul.f32 v56, v44;
	v62 =	vmul.f32 v57, v46  }
0x205: {  	v63 =	vadd.s32 s18, v25  }
0x206: {  	v52 =	vmul.f32 v59, v58;
	v46 =	vand.u32 $0xFF8, v63;
	v44 =	vadd.f32 v62, v44  }
0x207: {  	v46 =	vor.u32 v15, v46  }
0x208: {  	v53 =	vmul.f32 v61, v60;
	v44 =	vadd.f32 v52, v44;
	_ =	sdelay $0x1  }
0x209: {  	v44 =	vadd.f32 v53, v44;
	_ =	sdelay $0x1  }
0x20a: {  	[tilespmem:v46+s10+$0x0] =	vst.idx.msk $0xffff, v44  }
0x20b: {  	v44 =	vld [tilespmem:s26+$0x1C0]  }
0x20c: {  	v54 =	vld [tilespmem:s8+$0x380]  }
0x20d: {  	v46 =	vld [tilespmem:s26+$0x1D0]  }
0x20e: {  	v55 =	vld [tilespmem:s8+$0x390]  }
0x20f: {  	v56 =	vld [tilespmem:s26+$0x1E0]  }
0x210: {  	v57 =	vld [tilespmem:s8+$0x3A0]  }
0x211: {  	v58 =	vld [tilespmem:s26+$0x1F0]  }
0x212: {  	v59 =	vld [tilespmem:s8+$0x3B0]  }
0x213: {  	v44 =	vmul.f32 v54, v44;
	v60 =	vmul.f32 v55, v46  }
0x214: {  	v61 =	vadd.s32 s18, v26  }
0x215: {  	v62 =	vmul.f32 v57, v56;
	v46 =	vand.u32 $0xFF8, v61;
	v44 =	vadd.f32 v60, v44  }
0x216: {  	p1 =	sne.s32 s18, $0x440;
	v46 =	vor.u32 v17, v46  }
.Ltmp6:
0x217: {  	v63 =	vmul.f32 v59, v58;
	v44 =	vadd.f32 v62, v44;
	(pc) =	sbr.rel @p1 .LBB2_8-.Ltmp6, $3  }
0x218: {  	_ = 	snop  }
0x219: {  	v44 =	vadd.f32 v63, v44;
	_ =	sdelay $0x1  }
0x21a: {  	s18 =	sadd.s32 $0x110, s18;
	s26 =	sadd.s32 $0x400, s26;
	s8 =	sadd.s32 $0x800, s8;
	[tilespmem:v46+s10+$0x0] =	vst.idx.msk $0xffff, v44  }
0x21b: {  	v44 =	vadd.s32 s15, v27  }
0x21c: {  	v45 =	vadd.s32 s15, v22;
	v44 =	vand.u32 $0xFF8, v44  }
0x21d: {  	v45 =	vand.u32 $0xFF8, v45;
	v44 =	vor.u32 v5, v44  }
0x21e: {  	v46 =	vadd.s32 s15, v28;
	v45 =	vor.u32 v2, v45  }
0x21f: {  	v46 =	vand.u32 $0xFF8, v46  }
0x220: {  	v47 =	vadd.s32 s15, v29;
	v46 =	vor.u32 v7, v46  }
0x221: {  	v47 =	vand.u32 $0xFF8, v47  }
0x222: {  	v48 =	vadd.s32 s15, v30;
	v47 =	vor.u32 v9, v47;
	v44 =	vld.idx.msk [tilespmem:v44+s10+$0x0], $0xffff  }
0x223: {  	v48 =	vand.u32 $0xFF8, v48;
	v45 =	vld.idx.msk [tilespmem:v45+s10+$0x0], $0xffff  }
0x224: {  	v49 =	vadd.s32 s15, v31;
	v48 =	vor.u32 v11, v48  }
0x225: {  	v49 =	vand.u32 $0xFF8, v49;
	v46 =	vld.idx.msk [tilespmem:v46+s10+$0x0], $0xffff  }
0x226: {  	v50 =	vadd.s32 s15, v32;
	v49 =	vor.u32 v13, v49  }
0x227: {  	v50 =	vand.u32 $0xFF8, v50;
	v47 =	vld.idx.msk [tilespmem:v47+s10+$0x0], $0xffff  }
0x228: {  	v51 =	vadd.s32 s15, v33;
	v50 =	vor.u32 v15, v50;
	v44 =	vadd.f32 v44, v45  }
0x229: {  	v59 =	vand.u32 $0xFF8, v51;
	v58 =	vld.idx.msk [tilespmem:v48+s10+$0x0], $0xffff  }
0x22a: {  	v60 =	vadd.s32 s15, v34;
	v48 =	vor.u32 v17, v59;
	v44 =	vadd.f32 v46, v44  }
0x22b: {  	v62 =	vand.u32 $0xFF8, v60;
	v61 =	vld.idx.msk [tilespmem:v49+s10+$0x0], $0xffff  }
0x22c: {  	v63 =	vadd.s32 s15, v35;
	v49 =	vor.u32 v2, v62;
	v44 =	vadd.f32 v47, v44  }
0x22d: {  	v55 =	vand.u32 $0xFF8, v63;
	v54 =	vld.idx.msk [tilespmem:v50+s10+$0x0], $0xffff  }
0x22e: {  	v56 =	vadd.s32 s15, v36;
	v50 =	vor.u32 v5, v55;
	v44 =	vadd.f32 v58, v44  }
0x22f: {  	v57 =	vld.idx.msk [tilespmem:v48+s10+$0x0], $0xffff;
	v58 =	vand.u32 $0xFF8, v56  }
0x230: {  	v59 =	vadd.s32 s15, v37;
	v48 =	vor.u32 v7, v58;
	v44 =	vadd.f32 v61, v44  }
0x231: {  	v60 =	vld.idx.msk [tilespmem:v49+s10+$0x0], $0xffff;
	v61 =	vand.u32 $0xFF8, v59  }
0x232: {  	v62 =	vadd.s32 s15, v38;
	v49 =	vor.u32 v9, v61;
	v44 =	vadd.f32 v54, v44  }
0x233: {  	v63 =	vld.idx.msk [tilespmem:v50+s10+$0x0], $0xffff;
	v54 =	vand.u32 $0xFF8, v62  }
0x234: {  	v55 =	vadd.s32 s15, v39;
	v50 =	vor.u32 v11, v54;
	v44 =	vadd.f32 v57, v44  }
0x235: {  	v56 =	vld.idx.msk [tilespmem:v48+s10+$0x0], $0xffff;
	v57 =	vand.u32 $0xFF8, v55  }
0x236: {  	v58 =	vadd.s32 s15, v40;
	v48 =	vor.u32 v13, v57;
	v44 =	vadd.f32 v60, v44  }
0x237: {  	v59 =	vld.idx.msk [tilespmem:v49+s10+$0x0], $0xffff;
	v60 =	vand.u32 $0xFF8, v58  }
0x238: {  	v61 =	vadd.s32 s15, v41;
	v49 =	vor.u32 v15, v60;
	v44 =	vadd.f32 v63, v44  }
0x239: {  	v62 =	vld.idx.msk [tilespmem:v50+s10+$0x0], $0xffff;
	v63 =	vand.u32 $0xFF8, v61  }
0x23a: {  	v50 =	vor.u32 v17, v63;
	v44 =	vadd.f32 v56, v44  }
0x23b: {  	v48 =	vld.idx.msk [tilespmem:v48+s10+$0x0], $0xffff  }
0x23c: {  	v44 =	vadd.f32 v59, v44  }
0x23d: {  	v49 =	vld.idx.msk [tilespmem:v49+s10+$0x0], $0xffff  }
0x23e: {  	v44 =	vadd.f32 v62, v44  }
0x23f: {  	v51 =	vld.idx.msk [tilespmem:v50+s10+$0x0], $0xffff  }
0x240: {  	v44 =	vadd.f32 v48, v44;
	_ =	sdelay $0x1  }
0x241: {  	v44 =	vadd.f32 v49, v44;
	_ =	sdelay $0x1  }
0x242: {  	v44 =	vadd.f32 v51, v44;
	_ =	sdelay $0x1  }
0x243: {  	v44 =	vmul.f32 $1.250000000e-01, v44;
	_ =	sdelay $0x1  }
0x244: {  	v44 =	vmul.f32 $1.442695020e+00, v44;
	_ =	sdelay $0x1  }
0x245: {  	(erf) = vpow2.f32 v44  }
0x246: {  	v52 =	vmov s15  }
0x247: {  	v44 =	vmul.u32 $0x50, v52;
	_ =	sdelay $0x1  }
0x248: {  	s8 =	simm.s32 $0x110;
	v44 =	vbroadcast v44, $0x0  }
0x249: {  	v53 =	vadd.s32 s8, v27  }
0x24a: {  	v45 =	vand.u32 $0xFF8, v53;
	v54 =	vadd.s32 s8, v22;
	v44 =	vadd.s32 v42, v44  }
0x24b: {  	v45 =	vor.u32 v5, v45;
	v46 =	vand.u32 $0xFF8, v54  }
0x24c: {  	v55 =	vadd.s32 s8, v28;
	v46 =	vor.u32 v2, v46  }
0x24d: {  	s15 =	simm.s32 $0xBA40;
	v47 =	vand.u32 $0xFF8, v55;
	v56 =	vpop (erf)  }
0x24e: {  	v57 =	vadd.s32 s8, v29;
	v47 =	vor.u32 v7, v47;
	[tilespmem:s15+$0x0] =	vst v56  }
0x24f: {  	v49 =	vand.u32 $0xFF8, v57;
	[tilespmem:v44+s3+$0x0] =	vst.idx.msk $0xffff, v56  }
0x250: {  	v59 =	vadd.s32 s8, v30;
	v58 =	vor.u32 v9, v49;
	v44 =	vld.idx.msk [tilespmem:v45+s10+$0x0], $0xffff  }
0x251: {  	v48 =	vand.u32 $0xFF8, v59;
	v46 =	vld.idx.msk [tilespmem:v46+s10+$0x0], $0xffff  }
0x252: {  	v60 =	vadd.s32 s8, v31;
	v48 =	vor.u32 v11, v48  }
0x253: {  	v49 =	vand.u32 $0xFF8, v60;
	v47 =	vld.idx.msk [tilespmem:v47+s10+$0x0], $0xffff  }
0x254: {  	v61 =	vadd.s32 s8, v32;
	v49 =	vor.u32 v13, v49  }
0x255: {  	v50 =	vand.u32 $0xFF8, v61;
	v45 =	vld.idx.msk [tilespmem:v58+s10+$0x0], $0xffff  }
0x256: {  	v62 =	vadd.s32 s8, v33;
	v50 =	vor.u32 v15, v50;
	v44 =	vadd.f32 v44, v46  }
0x257: {  	v53 =	vand.u32 $0xFF8, v62;
	v63 =	vld.idx.msk [tilespmem:v48+s10+$0x0], $0xffff  }
0x258: {  	v54 =	vadd.s32 s8, v34;
	v48 =	vor.u32 v17, v53;
	v44 =	vadd.f32 v47, v44  }
0x259: {  	v56 =	vand.u32 $0xFF8, v54;
	v55 =	vld.idx.msk [tilespmem:v49+s10+$0x0], $0xffff  }
0x25a: {  	v57 =	vadd.s32 s8, v35;
	v49 =	vor.u32 v2, v56;
	v44 =	vadd.f32 v45, v44  }
0x25b: {  	v59 =	vand.u32 $0xFF8, v57;
	v58 =	vld.idx.msk [tilespmem:v50+s10+$0x0], $0xffff  }
0x25c: {  	v60 =	vadd.s32 s8, v36;
	v50 =	vor.u32 v5, v59;
	v44 =	vadd.f32 v63, v44  }
0x25d: {  	v62 =	vand.u32 $0xFF8, v60;
	v61 =	vld.idx.msk [tilespmem:v48+s10+$0x0], $0xffff  }
0x25e: {  	v48 =	vor.u32 v7, v62;
	v63 =	vadd.s32 s8, v37;
	v44 =	vadd.f32 v55, v44  }
0x25f: {  	v54 =	vld.idx.msk [tilespmem:v49+s10+$0x0], $0xffff;
	v55 =	vand.u32 $0xFF8, v63  }
0x260: {  	v56 =	vadd.s32 s8, v38;
	v49 =	vor.u32 v9, v55;
	v44 =	vadd.f32 v58, v44  }
0x261: {  	v57 =	vld.idx.msk [tilespmem:v50+s10+$0x0], $0xffff;
	v58 =	vand.u32 $0xFF8, v56  }
0x262: {  	v59 =	vadd.s32 s8, v39;
	v50 =	vor.u32 v11, v58;
	v44 =	vadd.f32 v61, v44  }
0x263: {  	v60 =	vld.idx.msk [tilespmem:v48+s10+$0x0], $0xffff;
	v61 =	vand.u32 $0xFF8, v59  }
0x264: {  	v62 =	vadd.s32 s8, v40;
	v48 =	vor.u32 v13, v61;
	v44 =	vadd.f32 v54, v44  }
0x265: {  	v53 =	vand.u32 $0xFF8, v62;
	v63 =	vld.idx.msk [tilespmem:v49+s10+$0x0], $0xffff  }
0x266: {  	v49 =	vor.u32 v15, v53;
	v54 =	vadd.s32 s8, v41;
	v44 =	vadd.f32 v57, v44  }
0x267: {  	v56 =	vand.u32 $0xFF8, v54;
	v55 =	vld.idx.msk [tilespmem:v50+s10+$0x0], $0xffff  }
0x268: {  	v50 =	vor.u32 v17, v56;
	v44 =	vadd.f32 v60, v44  }
0x269: {  	v57 =	vld.idx.msk [tilespmem:v48+s10+$0x0], $0xffff  }
0x26a: {  	v44 =	vadd.f32 v63, v44  }
0x26b: {  	v58 =	vld.idx.msk [tilespmem:v49+s10+$0x0], $0xffff  }
0x26c: {  	v44 =	vadd.f32 v55, v44  }
0x26d: {  	v59 =	vld.idx.msk [tilespmem:v50+s10+$0x0], $0xffff  }
0x26e: {  	v44 =	vadd.f32 v57, v44;
	_ =	sdelay $0x1  }
0x26f: {  	v44 =	vadd.f32 v58, v44;
	_ =	sdelay $0x1  }
0x270: {  	v44 =	vadd.f32 v59, v44;
	_ =	sdelay $0x1  }
0x271: {  	v44 =	vmul.f32 $1.250000000e-01, v44;
	_ =	sdelay $0x1  }
0x272: {  	v44 =	vmul.f32 $1.442695020e+00, v44;
	_ =	sdelay $0x1  }
0x273: {  	s8 =	simm.s32 $0x10;
	(erf) = vpow2.f32 v44  }
0x274: {  	v60 =	vmov s8  }
0x275: {  	v45 =	vmul.u32 $0x50, v60;
	_ =	sdelay $0x1  }
0x276: {  	s18 =	simm.s32 $0x220;
	v45 =	vbroadcast v45, $0x0  }
0x277: {  	v61 =	vadd.s32 s18, v27  }
0x278: {  	v62 =	vadd.s32 s18, v22;
	v63 =	vand.u32 $0xFF8, v61;
	v44 =	vadd.s32 v42, v45  }
0x279: {  	s26 =	simm.s32 $0x330;
	v46 =	vand.u32 $0xFF8, v62;
	v45 =	vor.u32 v5, v63  }
.LBB2_10:
0x27a: {  	p1 =	sne.s32 s26, $0x440;
	v46 =	vor.u32 v2, v46;
	v47 =	vadd.s32 s18, v28  }
0x27b: {  	s15 =	sadd.s32 $0x10, s15;
	v47 =	vand.u32 $0xFF8, v47;
	v48 =	vpop (erf)  }
0x27c: {  	v49 =	vadd.s32 s18, v29;
	v47 =	vor.u32 v7, v47;
	[tilespmem:s15+$0x0] =	vst v48  }
0x27d: {  	v49 =	vand.u32 $0xFF8, v49;
	[tilespmem:v44+s3+$0x0] =	vst.idx.msk $0xffff, v48  }
0x27e: {  	v48 =	vadd.s32 s18, v30;
	v44 =	vld.idx.msk [tilespmem:v45+s10+$0x0], $0xffff;
	v45 =	vor.u32 v9, v49  }
0x27f: {  	v48 =	vand.u32 $0xFF8, v48;
	v46 =	vld.idx.msk [tilespmem:v46+s10+$0x0], $0xffff  }
0x280: {  	v49 =	vadd.s32 s18, v31;
	v48 =	vor.u32 v11, v48  }
0x281: {  	v49 =	vand.u32 $0xFF8, v49;
	v47 =	vld.idx.msk [tilespmem:v47+s10+$0x0], $0xffff  }
0x282: {  	v50 =	vadd.s32 s18, v32;
	v49 =	vor.u32 v13, v49  }
0x283: {  	v50 =	vand.u32 $0xFF8, v50;
	v45 =	vld.idx.msk [tilespmem:v45+s10+$0x0], $0xffff  }
0x284: {  	v51 =	vadd.s32 s18, v33;
	v50 =	vor.u32 v15, v50  }
0x285: {  	v44 =	vadd.f32 v44, v46;
	v46 =	vld.idx.msk [tilespmem:v48+s10+$0x0], $0xffff;
	v48 =	vand.u32 $0xFF8, v51  }
0x286: {  	v51 =	vadd.s32 s18, v34;
	v48 =	vor.u32 v17, v48  }
0x287: {  	v44 =	vadd.f32 v47, v44;
	v47 =	vld.idx.msk [tilespmem:v49+s10+$0x0], $0xffff;
	v49 =	vand.u32 $0xFF8, v51  }
0x288: {  	v51 =	vadd.s32 s18, v35;
	v49 =	vor.u32 v2, v49  }
0x289: {  	v44 =	vadd.f32 v45, v44;
	v45 =	vld.idx.msk [tilespmem:v50+s10+$0x0], $0xffff;
	v50 =	vand.u32 $0xFF8, v51  }
0x28a: {  	v51 =	vadd.s32 s18, v36;
	v50 =	vor.u32 v5, v50  }
0x28b: {  	v44 =	vadd.f32 v46, v44;
	v46 =	vld.idx.msk [tilespmem:v48+s10+$0x0], $0xffff;
	v48 =	vand.u32 $0xFF8, v51  }
0x28c: {  	v51 =	vadd.s32 s18, v37;
	v48 =	vor.u32 v7, v48  }
0x28d: {  	v44 =	vadd.f32 v47, v44;
	v47 =	vld.idx.msk [tilespmem:v49+s10+$0x0], $0xffff;
	v49 =	vand.u32 $0xFF8, v51  }
0x28e: {  	v51 =	vadd.s32 s18, v38;
	v49 =	vor.u32 v9, v49  }
0x28f: {  	v44 =	vadd.f32 v45, v44;
	v45 =	vld.idx.msk [tilespmem:v50+s10+$0x0], $0xffff;
	v50 =	vand.u32 $0xFF8, v51  }
0x290: {  	v51 =	vadd.s32 s18, v39;
	v50 =	vor.u32 v11, v50  }
0x291: {  	v44 =	vadd.f32 v46, v44;
	v46 =	vld.idx.msk [tilespmem:v48+s10+$0x0], $0xffff;
	v48 =	vand.u32 $0xFF8, v51  }
0x292: {  	v51 =	vadd.s32 s18, v40;
	v48 =	vor.u32 v13, v48  }
0x293: {  	v44 =	vadd.f32 v47, v44;
	v47 =	vld.idx.msk [tilespmem:v49+s10+$0x0], $0xffff;
	v49 =	vand.u32 $0xFF8, v51  }
0x294: {  	v51 =	vadd.s32 s18, v41;
	s18 =	smov.u32 s26;
	v49 =	vor.u32 v15, v49  }
0x295: {  	v44 =	vadd.f32 v45, v44;
	v45 =	vld.idx.msk [tilespmem:v50+s10+$0x0], $0xffff;
	v50 =	vand.u32 $0xFF8, v51  }
0x296: {  	v50 =	vor.u32 v17, v50  }
0x297: {  	v44 =	vadd.f32 v46, v44;
	v46 =	vld.idx.msk [tilespmem:v48+s10+$0x0], $0xffff;
	_ =	sdelay $0x1  }
0x298: {  	v44 =	vadd.f32 v47, v44;
	v47 =	vld.idx.msk [tilespmem:v49+s10+$0x0], $0xffff;
	_ =	sdelay $0x1  }
0x299: {  	v44 =	vadd.f32 v45, v44;
	v45 =	vld.idx.msk [tilespmem:v50+s10+$0x0], $0xffff;
	_ =	sdelay $0x1  }
0x29a: {  	v44 =	vadd.f32 v46, v44;
	_ =	sdelay $0x1  }
0x29b: {  	v44 =	vadd.f32 v47, v44;
	_ =	sdelay $0x1  }
0x29c: {  	v44 =	vadd.f32 v45, v44;
	_ =	sdelay $0x1  }
0x29d: {  	v44 =	vmul.f32 $1.250000000e-01, v44;
	_ =	sdelay $0x1  }
0x29e: {  	v44 =	vmul.f32 $1.442695020e+00, v44;
	_ =	sdelay $0x1  }
0x29f: {  	s8 =	sadd.s32 $0x10, s8;
	(erf) = vpow2.f32 v44  }
0x2a0: {  	v44 =	vmov s8  }
0x2a1: {  	v44 =	vmul.u32 $0x50, v44  }
.Ltmp7:
0x2a2: {  	(pc) =	sbr.rel @p1 .LBB2_10-.Ltmp7, $4  }
0x2a3: {  	v44 =	vbroadcast v44, $0x0  }
0x2a4: {  	v45 =	vadd.s32 s26, v27  }
0x2a5: {  	v46 =	vadd.s32 s26, v22;
	v45 =	vand.u32 $0xFF8, v45;
	v44 =	vadd.s32 v42, v44  }
0x2a6: {  	v46 =	vand.u32 $0xFF8, v46;
	s26 =	sadd.s32 $0x110, s26;
	v45 =	vor.u32 v5, v45  }
0x2a7: {  	_ = 	snop  }
0x2a8: {  	v46 =	vor.u32 v2, v46;
	v47 =	vadd.s32 s18, v28  }
0x2a9: {  	s15 =	sadd.s32 $0x10, s15;
	v47 =	vand.u32 $0xFF8, v47;
	v48 =	vpop (erf)  }
0x2aa: {  	v49 =	vadd.s32 s18, v29;
	v47 =	vor.u32 v7, v47;
	[tilespmem:s15+$0x0] =	vst v48  }
0x2ab: {  	v49 =	vand.u32 $0xFF8, v49;
	[tilespmem:v44+s3+$0x0] =	vst.idx.msk $0xffff, v48  }
0x2ac: {  	v52 =	vadd.s32 s18, v30;
	v63 =	vor.u32 v9, v49;
	v44 =	vld.idx.msk [tilespmem:v45+s10+$0x0], $0xffff  }
0x2ad: {  	v48 =	vand.u32 $0xFF8, v52;
	v46 =	vld.idx.msk [tilespmem:v46+s10+$0x0], $0xffff  }
0x2ae: {  	v53 =	vadd.s32 s18, v31;
	v48 =	vor.u32 v11, v48  }
0x2af: {  	v49 =	vand.u32 $0xFF8, v53;
	v47 =	vld.idx.msk [tilespmem:v47+s10+$0x0], $0xffff  }
0x2b0: {  	v50 =	vadd.s32 s18, v32;
	v49 =	vor.u32 v13, v49  }
0x2b1: {  	v50 =	vand.u32 $0xFF8, v50;
	v45 =	vld.idx.msk [tilespmem:v63+s10+$0x0], $0xffff  }
0x2b2: {  	v51 =	vadd.s32 s18, v33;
	v50 =	vor.u32 v15, v50;
	v44 =	vadd.f32 v44, v46  }
0x2b3: {  	v55 =	vand.u32 $0xFF8, v51;
	v54 =	vld.idx.msk [tilespmem:v48+s10+$0x0], $0xffff  }
0x2b4: {  	v56 =	vadd.s32 s18, v34;
	v48 =	vor.u32 v17, v55;
	v44 =	vadd.f32 v47, v44  }
0x2b5: {  	v58 =	vand.u32 $0xFF8, v56;
	v57 =	vld.idx.msk [tilespmem:v49+s10+$0x0], $0xffff  }
0x2b6: {  	v59 =	vadd.s32 s18, v35;
	v49 =	vor.u32 v2, v58;
	v44 =	vadd.f32 v45, v44  }
0x2b7: {  	v61 =	vand.u32 $0xFF8, v59;
	v60 =	vld.idx.msk [tilespmem:v50+s10+$0x0], $0xffff  }
0x2b8: {  	v62 =	vadd.s32 s18, v36;
	v50 =	vor.u32 v5, v61;
	v44 =	vadd.f32 v54, v44  }
0x2b9: {  	v53 =	vand.u32 $0xFF8, v62;
	v63 =	vld.idx.msk [tilespmem:v48+s10+$0x0], $0xffff  }
0x2ba: {  	v48 =	vor.u32 v7, v53;
	v54 =	vadd.s32 s18, v37;
	v44 =	vadd.f32 v57, v44  }
0x2bb: {  	v55 =	vld.idx.msk [tilespmem:v49+s10+$0x0], $0xffff;
	v56 =	vand.u32 $0xFF8, v54  }
0x2bc: {  	v49 =	vor.u32 v9, v56;
	v57 =	vadd.s32 s18, v38;
	v44 =	vadd.f32 v60, v44  }
0x2bd: {  	v58 =	vld.idx.msk [tilespmem:v50+s10+$0x0], $0xffff;
	v59 =	vand.u32 $0xFF8, v57  }
0x2be: {  	v50 =	vor.u32 v11, v59;
	v60 =	vadd.s32 s18, v39;
	v44 =	vadd.f32 v63, v44  }
0x2bf: {  	v61 =	vld.idx.msk [tilespmem:v48+s10+$0x0], $0xffff;
	v62 =	vand.u32 $0xFF8, v60  }
0x2c0: {  	v48 =	vor.u32 v13, v62;
	v63 =	vadd.s32 s18, v40;
	v44 =	vadd.f32 v55, v44  }
0x2c1: {  	v54 =	vld.idx.msk [tilespmem:v49+s10+$0x0], $0xffff;
	v55 =	vand.u32 $0xFF8, v63  }
0x2c2: {  	v56 =	vadd.s32 s18, v41;
	v49 =	vor.u32 v15, v55;
	v44 =	vadd.f32 v58, v44  }
0x2c3: {  	v57 =	vld.idx.msk [tilespmem:v50+s10+$0x0], $0xffff;
	v58 =	vand.u32 $0xFF8, v56  }
0x2c4: {  	v50 =	vor.u32 v17, v58;
	v44 =	vadd.f32 v61, v44  }
0x2c5: {  	v59 =	vld.idx.msk [tilespmem:v48+s10+$0x0], $0xffff  }
0x2c6: {  	v44 =	vadd.f32 v54, v44  }
0x2c7: {  	v60 =	vld.idx.msk [tilespmem:v49+s10+$0x0], $0xffff  }
0x2c8: {  	v44 =	vadd.f32 v57, v44  }
0x2c9: {  	v61 =	vld.idx.msk [tilespmem:v50+s10+$0x0], $0xffff  }
0x2ca: {  	v44 =	vadd.f32 v59, v44;
	_ =	sdelay $0x1  }
0x2cb: {  	v44 =	vadd.f32 v60, v44;
	_ =	sdelay $0x1  }
0x2cc: {  	v44 =	vadd.f32 v61, v44;
	_ =	sdelay $0x1  }
0x2cd: {  	v44 =	vmul.f32 $1.250000000e-01, v44;
	_ =	sdelay $0x1  }
0x2ce: {  	v44 =	vmul.f32 $1.442695020e+00, v44;
	_ =	sdelay $0x1  }
0x2cf: {  	s8 =	sadd.s32 $0x10, s8;
	(erf) = vpow2.f32 v44  }
0x2d0: {  	v62 =	vmov s8  }
0x2d1: {  	v44 =	vmul.u32 $0x50, v62;
	_ =	sdelay $0x1  }
0x2d2: {  	v44 =	vbroadcast v44, $0x0;
	_ =	sdelay $0x1  }
0x2d3: {  	v44 =	vadd.s32 v42, v44;
	_ =	sdelay $0x2  }
0x2d4: {  	s26 =	sadd.s32 $0x10, s15;
	v63 =	vpop (erf)  }
0x2d5: {  	[tilespmem:s26+$0x0] =	vst v63  }
0x2d6: {  	s15 =	simm.s32 $0x2F60;
	s8 =	simm.s32 $0x0;
	s18 =	simm.s32 $0x7DA0;
	[tilespmem:v44+s3+$0x0] =	vst.idx.msk $0xffff, v63  }
.LBB2_12:
0x2d7: {  	v44 =	vmov s8;
	_ =	sdelay $0x3  }
0x2d8: {  	v46 =	vld [tilespmem:s15+$0xFFFFFC00]  }
0x2d9: {  	v45 =	vld.idx.msk [tilespmem:v44+s14+$0x0], $0xffff;
	_ =	sdelay $0x4  }
0x2da: {  	v46 =	vmul.f32 v46, v45;
	_ =	sdelay $0x1  }
0x2db: {  	[tilespmem:s18+$0xFFFFFD80] =	vst v46  }
0x2dc: {  	v46 =	vld [tilespmem:s15+$0xFFFFFC10];
	_ =	sdelay $0x4  }
0x2dd: {  	v46 =	vmul.f32 v46, v45;
	_ =	sdelay $0x1  }
0x2de: {  	[tilespmem:s18+$0xFFFFFD90] =	vst v46  }
0x2df: {  	v46 =	vld [tilespmem:s15+$0xFFFFFC20];
	_ =	sdelay $0x4  }
0x2e0: {  	v46 =	vmul.f32 v46, v45;
	_ =	sdelay $0x1  }
0x2e1: {  	[tilespmem:s18+$0xFFFFFDA0] =	vst v46  }
0x2e2: {  	v46 =	vld [tilespmem:s15+$0xFFFFFC30];
	_ =	sdelay $0x2  }
0x2e3: {  	v47 =	vor.u32 $0x1, v44;
	_ =	sdelay $0x1  }
0x2e4: {  	v45 =	vmul.f32 v46, v45;
	_ =	sdelay $0x1  }
0x2e5: {  	[tilespmem:s18+$0xFFFFFDB0] =	vst v45  }
0x2e6: {  	v45 =	vld.idx.msk [tilespmem:v47+s14+$0x0], $0xffff  }
0x2e7: {  	v53 =	vld [tilespmem:s15+$0xFFFFFC80];
	_ =	sdelay $0x4  }
0x2e8: {  	v46 =	vmul.f32 v53, v45;
	_ =	sdelay $0x1  }
0x2e9: {  	[tilespmem:s18+$0xFFFFFDD0] =	vst v46  }
0x2ea: {  	v46 =	vld [tilespmem:s15+$0xFFFFFC90];
	_ =	sdelay $0x4  }
0x2eb: {  	v46 =	vmul.f32 v46, v45;
	_ =	sdelay $0x1  }
0x2ec: {  	[tilespmem:s18+$0xFFFFFDE0] =	vst v46  }
0x2ed: {  	v46 =	vld [tilespmem:s15+$0xFFFFFCA0];
	_ =	sdelay $0x4  }
0x2ee: {  	v46 =	vmul.f32 v46, v45;
	_ =	sdelay $0x1  }
0x2ef: {  	[tilespmem:s18+$0xFFFFFDF0] =	vst v46  }
0x2f0: {  	v46 =	vld [tilespmem:s15+$0xFFFFFCB0];
	_ =	sdelay $0x2  }
0x2f1: {  	v54 =	vor.u32 $0x2, v44;
	_ =	sdelay $0x1  }
0x2f2: {  	v45 =	vmul.f32 v46, v45;
	_ =	sdelay $0x1  }
0x2f3: {  	[tilespmem:s18+$0xFFFFFE00] =	vst v45  }
0x2f4: {  	v45 =	vld.idx.msk [tilespmem:v54+s14+$0x0], $0xffff  }
0x2f5: {  	v55 =	vld [tilespmem:s15+$0xFFFFFD00];
	_ =	sdelay $0x4  }
0x2f6: {  	v46 =	vmul.f32 v55, v45;
	_ =	sdelay $0x1  }
0x2f7: {  	[tilespmem:s18+$0xFFFFFE20] =	vst v46  }
0x2f8: {  	v46 =	vld [tilespmem:s15+$0xFFFFFD10];
	_ =	sdelay $0x4  }
0x2f9: {  	v46 =	vmul.f32 v46, v45;
	_ =	sdelay $0x1  }
0x2fa: {  	[tilespmem:s18+$0xFFFFFE30] =	vst v46  }
0x2fb: {  	v46 =	vld [tilespmem:s15+$0xFFFFFD20];
	_ =	sdelay $0x4  }
0x2fc: {  	v46 =	vmul.f32 v46, v45;
	_ =	sdelay $0x1  }
0x2fd: {  	[tilespmem:s18+$0xFFFFFE40] =	vst v46  }
0x2fe: {  	v46 =	vld [tilespmem:s15+$0xFFFFFD30];
	_ =	sdelay $0x2  }
0x2ff: {  	v56 =	vor.u32 $0x3, v44;
	_ =	sdelay $0x1  }
0x300: {  	v45 =	vmul.f32 v46, v45;
	_ =	sdelay $0x1  }
0x301: {  	[tilespmem:s18+$0xFFFFFE50] =	vst v45  }
0x302: {  	v45 =	vld.idx.msk [tilespmem:v56+s14+$0x0], $0xffff  }
0x303: {  	v57 =	vld [tilespmem:s15+$0xFFFFFD80];
	_ =	sdelay $0x4  }
0x304: {  	v46 =	vmul.f32 v57, v45;
	_ =	sdelay $0x1  }
0x305: {  	[tilespmem:s18+$0xFFFFFE70] =	vst v46  }
0x306: {  	v46 =	vld [tilespmem:s15+$0xFFFFFD90];
	_ =	sdelay $0x4  }
0x307: {  	v46 =	vmul.f32 v46, v45;
	_ =	sdelay $0x1  }
0x308: {  	[tilespmem:s18+$0xFFFFFE80] =	vst v46  }
0x309: {  	v46 =	vld [tilespmem:s15+$0xFFFFFDA0];
	_ =	sdelay $0x4  }
0x30a: {  	v46 =	vmul.f32 v46, v45;
	_ =	sdelay $0x1  }
0x30b: {  	[tilespmem:s18+$0xFFFFFE90] =	vst v46  }
0x30c: {  	v46 =	vld [tilespmem:s15+$0xFFFFFDB0];
	_ =	sdelay $0x2  }
0x30d: {  	v58 =	vor.u32 $0x4, v44;
	_ =	sdelay $0x1  }
0x30e: {  	v45 =	vmul.f32 v46, v45;
	_ =	sdelay $0x1  }
0x30f: {  	[tilespmem:s18+$0xFFFFFEA0] =	vst v45  }
0x310: {  	v45 =	vld.idx.msk [tilespmem:v58+s14+$0x0], $0xffff  }
0x311: {  	v59 =	vld [tilespmem:s15+$0xFFFFFE00];
	_ =	sdelay $0x4  }
0x312: {  	v46 =	vmul.f32 v59, v45;
	_ =	sdelay $0x1  }
0x313: {  	[tilespmem:s18+$0xFFFFFEC0] =	vst v46  }
0x314: {  	v46 =	vld [tilespmem:s15+$0xFFFFFE10];
	_ =	sdelay $0x4  }
0x315: {  	v46 =	vmul.f32 v46, v45;
	_ =	sdelay $0x1  }
0x316: {  	[tilespmem:s18+$0xFFFFFED0] =	vst v46  }
0x317: {  	v46 =	vld [tilespmem:s15+$0xFFFFFE20];
	_ =	sdelay $0x4  }
0x318: {  	v46 =	vmul.f32 v46, v45;
	_ =	sdelay $0x1  }
0x319: {  	[tilespmem:s18+$0xFFFFFEE0] =	vst v46  }
0x31a: {  	v46 =	vld [tilespmem:s15+$0xFFFFFE30];
	_ =	sdelay $0x2  }
0x31b: {  	v60 =	vor.u32 $0x5, v44;
	_ =	sdelay $0x1  }
0x31c: {  	v45 =	vmul.f32 v46, v45;
	_ =	sdelay $0x1  }
0x31d: {  	[tilespmem:s18+$0xFFFFFEF0] =	vst v45  }
0x31e: {  	v45 =	vld.idx.msk [tilespmem:v60+s14+$0x0], $0xffff  }
0x31f: {  	v61 =	vld [tilespmem:s15+$0xFFFFFE80];
	_ =	sdelay $0x4  }
0x320: {  	v46 =	vmul.f32 v61, v45;
	_ =	sdelay $0x1  }
0x321: {  	[tilespmem:s18+$0xFFFFFF10] =	vst v46  }
0x322: {  	v46 =	vld [tilespmem:s15+$0xFFFFFE90];
	_ =	sdelay $0x4  }
0x323: {  	v46 =	vmul.f32 v46, v45;
	_ =	sdelay $0x1  }
0x324: {  	[tilespmem:s18+$0xFFFFFF20] =	vst v46  }
0x325: {  	v46 =	vld [tilespmem:s15+$0xFFFFFEA0];
	_ =	sdelay $0x4  }
0x326: {  	v46 =	vmul.f32 v46, v45;
	_ =	sdelay $0x1  }
0x327: {  	[tilespmem:s18+$0xFFFFFF30] =	vst v46  }
0x328: {  	v46 =	vld [tilespmem:s15+$0xFFFFFEB0];
	_ =	sdelay $0x2  }
0x329: {  	v62 =	vor.u32 $0x6, v44;
	_ =	sdelay $0x1  }
0x32a: {  	v45 =	vmul.f32 v46, v45;
	_ =	sdelay $0x1  }
0x32b: {  	[tilespmem:s18+$0xFFFFFF40] =	vst v45  }
0x32c: {  	v45 =	vld.idx.msk [tilespmem:v62+s14+$0x0], $0xffff  }
0x32d: {  	v63 =	vld [tilespmem:s15+$0xFFFFFF00];
	_ =	sdelay $0x4  }
0x32e: {  	v46 =	vmul.f32 v63, v45;
	_ =	sdelay $0x1  }
0x32f: {  	[tilespmem:s18+$0xFFFFFF60] =	vst v46  }
0x330: {  	v46 =	vld [tilespmem:s15+$0xFFFFFF10];
	_ =	sdelay $0x4  }
0x331: {  	v46 =	vmul.f32 v46, v45;
	_ =	sdelay $0x1  }
0x332: {  	[tilespmem:s18+$0xFFFFFF70] =	vst v46  }
0x333: {  	v46 =	vld [tilespmem:s15+$0xFFFFFF20];
	_ =	sdelay $0x4  }
0x334: {  	v46 =	vmul.f32 v46, v45;
	_ =	sdelay $0x1  }
0x335: {  	[tilespmem:s18+$0xFFFFFF80] =	vst v46  }
0x336: {  	v46 =	vld [tilespmem:s15+$0xFFFFFF30];
	_ =	sdelay $0x2  }
0x337: {  	v48 =	vor.u32 $0x7, v44;
	_ =	sdelay $0x1  }
0x338: {  	v45 =	vmul.f32 v46, v45;
	_ =	sdelay $0x1  }
0x339: {  	[tilespmem:s18+$0xFFFFFF90] =	vst v45  }
0x33a: {  	v45 =	vld.idx.msk [tilespmem:v48+s14+$0x0], $0xffff  }
0x33b: {  	v49 =	vld [tilespmem:s15+$0xFFFFFF80];
	_ =	sdelay $0x4  }
0x33c: {  	v46 =	vmul.f32 v49, v45;
	_ =	sdelay $0x1  }
0x33d: {  	[tilespmem:s18+$0xFFFFFFB0] =	vst v46  }
0x33e: {  	v46 =	vld [tilespmem:s15+$0xFFFFFF90];
	_ =	sdelay $0x4  }
0x33f: {  	v46 =	vmul.f32 v46, v45;
	_ =	sdelay $0x1  }
0x340: {  	[tilespmem:s18+$0xFFFFFFC0] =	vst v46  }
0x341: {  	v46 =	vld [tilespmem:s15+$0xFFFFFFA0];
	_ =	sdelay $0x4  }
0x342: {  	v46 =	vmul.f32 v46, v45;
	_ =	sdelay $0x1  }
0x343: {  	[tilespmem:s18+$0xFFFFFFD0] =	vst v46  }
0x344: {  	v46 =	vld [tilespmem:s15+$0xFFFFFFB0];
	_ =	sdelay $0x2  }
0x345: {  	v50 =	vor.u32 $0x8, v44;
	_ =	sdelay $0x1  }
0x346: {  	v45 =	vmul.f32 v46, v45;
	_ =	sdelay $0x1  }
0x347: {  	[tilespmem:s18+$0xFFFFFFE0] =	vst v45  }
0x348: {  	v45 =	vld.idx.msk [tilespmem:v50+s14+$0x0], $0xffff  }
0x349: {  	v51 =	vld [tilespmem:s15+$0x0];
	_ =	sdelay $0x4  }
0x34a: {  	v46 =	vmul.f32 v51, v45;
	_ =	sdelay $0x1  }
0x34b: {  	[tilespmem:s18+$0x0] =	vst v46  }
0x34c: {  	v46 =	vld [tilespmem:s15+$0x10];
	_ =	sdelay $0x4  }
0x34d: {  	v46 =	vmul.f32 v46, v45;
	_ =	sdelay $0x1  }
0x34e: {  	[tilespmem:s18+$0x10] =	vst v46  }
0x34f: {  	v46 =	vld [tilespmem:s15+$0x20];
	_ =	sdelay $0x4  }
0x350: {  	v46 =	vmul.f32 v46, v45;
	_ =	sdelay $0x1  }
0x351: {  	[tilespmem:s18+$0x20] =	vst v46  }
0x352: {  	v46 =	vld [tilespmem:s15+$0x30];
	_ =	sdelay $0x2  }
0x353: {  	v52 =	vor.u32 $0x9, v44;
	_ =	sdelay $0x1  }
0x354: {  	v45 =	vmul.f32 v46, v45;
	_ =	sdelay $0x1  }
0x355: {  	[tilespmem:s18+$0x30] =	vst v45  }
0x356: {  	v45 =	vld.idx.msk [tilespmem:v52+s14+$0x0], $0xffff  }
0x357: {  	v53 =	vld [tilespmem:s15+$0x80];
	_ =	sdelay $0x4  }
0x358: {  	v46 =	vmul.f32 v53, v45;
	_ =	sdelay $0x1  }
0x359: {  	[tilespmem:s18+$0x50] =	vst v46  }
0x35a: {  	v46 =	vld [tilespmem:s15+$0x90];
	_ =	sdelay $0x4  }
0x35b: {  	v46 =	vmul.f32 v46, v45;
	_ =	sdelay $0x1  }
0x35c: {  	[tilespmem:s18+$0x60] =	vst v46  }
0x35d: {  	v46 =	vld [tilespmem:s15+$0xA0];
	_ =	sdelay $0x4  }
0x35e: {  	v46 =	vmul.f32 v46, v45;
	_ =	sdelay $0x1  }
0x35f: {  	[tilespmem:s18+$0x70] =	vst v46  }
0x360: {  	v46 =	vld [tilespmem:s15+$0xB0];
	_ =	sdelay $0x2  }
0x361: {  	v54 =	vor.u32 $0xA, v44;
	_ =	sdelay $0x1  }
0x362: {  	v45 =	vmul.f32 v46, v45;
	_ =	sdelay $0x1  }
0x363: {  	[tilespmem:s18+$0x80] =	vst v45  }
0x364: {  	v45 =	vld.idx.msk [tilespmem:v54+s14+$0x0], $0xffff  }
0x365: {  	v55 =	vld [tilespmem:s15+$0x100];
	_ =	sdelay $0x4  }
0x366: {  	v46 =	vmul.f32 v55, v45;
	_ =	sdelay $0x1  }
0x367: {  	[tilespmem:s18+$0xA0] =	vst v46  }
0x368: {  	v46 =	vld [tilespmem:s15+$0x110];
	_ =	sdelay $0x4  }
0x369: {  	v46 =	vmul.f32 v46, v45;
	_ =	sdelay $0x1  }
0x36a: {  	[tilespmem:s18+$0xB0] =	vst v46  }
0x36b: {  	v46 =	vld [tilespmem:s15+$0x120];
	_ =	sdelay $0x4  }
0x36c: {  	v46 =	vmul.f32 v46, v45;
	_ =	sdelay $0x1  }
0x36d: {  	[tilespmem:s18+$0xC0] =	vst v46  }
0x36e: {  	v46 =	vld [tilespmem:s15+$0x130];
	_ =	sdelay $0x2  }
0x36f: {  	v56 =	vor.u32 $0xB, v44;
	_ =	sdelay $0x1  }
0x370: {  	v45 =	vmul.f32 v46, v45;
	_ =	sdelay $0x1  }
0x371: {  	[tilespmem:s18+$0xD0] =	vst v45  }
0x372: {  	v45 =	vld.idx.msk [tilespmem:v56+s14+$0x0], $0xffff  }
0x373: {  	v57 =	vld [tilespmem:s15+$0x180];
	_ =	sdelay $0x4  }
0x374: {  	v46 =	vmul.f32 v57, v45;
	_ =	sdelay $0x1  }
0x375: {  	[tilespmem:s18+$0xF0] =	vst v46  }
0x376: {  	v46 =	vld [tilespmem:s15+$0x190];
	_ =	sdelay $0x4  }
0x377: {  	v46 =	vmul.f32 v46, v45;
	_ =	sdelay $0x1  }
0x378: {  	[tilespmem:s18+$0x100] =	vst v46  }
0x379: {  	v46 =	vld [tilespmem:s15+$0x1A0];
	_ =	sdelay $0x4  }
0x37a: {  	v46 =	vmul.f32 v46, v45;
	_ =	sdelay $0x1  }
0x37b: {  	[tilespmem:s18+$0x110] =	vst v46  }
0x37c: {  	v46 =	vld [tilespmem:s15+$0x1B0];
	_ =	sdelay $0x2  }
0x37d: {  	v58 =	vor.u32 $0xC, v44;
	_ =	sdelay $0x1  }
0x37e: {  	v45 =	vmul.f32 v46, v45;
	_ =	sdelay $0x1  }
0x37f: {  	[tilespmem:s18+$0x120] =	vst v45  }
0x380: {  	v45 =	vld.idx.msk [tilespmem:v58+s14+$0x0], $0xffff  }
0x381: {  	v59 =	vld [tilespmem:s15+$0x200];
	_ =	sdelay $0x4  }
0x382: {  	v46 =	vmul.f32 v59, v45;
	_ =	sdelay $0x1  }
0x383: {  	[tilespmem:s18+$0x140] =	vst v46  }
0x384: {  	v46 =	vld [tilespmem:s15+$0x210];
	_ =	sdelay $0x4  }
0x385: {  	v46 =	vmul.f32 v46, v45;
	_ =	sdelay $0x1  }
0x386: {  	[tilespmem:s18+$0x150] =	vst v46  }
0x387: {  	v46 =	vld [tilespmem:s15+$0x220];
	_ =	sdelay $0x4  }
0x388: {  	v46 =	vmul.f32 v46, v45;
	_ =	sdelay $0x1  }
0x389: {  	[tilespmem:s18+$0x160] =	vst v46  }
0x38a: {  	v46 =	vld [tilespmem:s15+$0x230];
	_ =	sdelay $0x2  }
0x38b: {  	v60 =	vor.u32 $0xD, v44;
	_ =	sdelay $0x1  }
0x38c: {  	v45 =	vmul.f32 v46, v45;
	_ =	sdelay $0x1  }
0x38d: {  	[tilespmem:s18+$0x170] =	vst v45  }
0x38e: {  	v45 =	vld.idx.msk [tilespmem:v60+s14+$0x0], $0xffff  }
0x38f: {  	v61 =	vld [tilespmem:s15+$0x280];
	_ =	sdelay $0x4  }
0x390: {  	v46 =	vmul.f32 v61, v45;
	_ =	sdelay $0x1  }
0x391: {  	[tilespmem:s18+$0x190] =	vst v46  }
0x392: {  	v46 =	vld [tilespmem:s15+$0x290];
	_ =	sdelay $0x4  }
0x393: {  	v46 =	vmul.f32 v46, v45;
	_ =	sdelay $0x1  }
0x394: {  	[tilespmem:s18+$0x1A0] =	vst v46  }
0x395: {  	v46 =	vld [tilespmem:s15+$0x2A0];
	_ =	sdelay $0x4  }
0x396: {  	v46 =	vmul.f32 v46, v45;
	_ =	sdelay $0x1  }
0x397: {  	[tilespmem:s18+$0x1B0] =	vst v46  }
0x398: {  	v46 =	vld [tilespmem:s15+$0x2B0];
	_ =	sdelay $0x2  }
0x399: {  	v62 =	vor.u32 $0xE, v44;
	_ =	sdelay $0x1  }
0x39a: {  	v45 =	vmul.f32 v46, v45;
	_ =	sdelay $0x1  }
0x39b: {  	[tilespmem:s18+$0x1C0] =	vst v45  }
0x39c: {  	v45 =	vld.idx.msk [tilespmem:v62+s14+$0x0], $0xffff  }
0x39d: {  	v63 =	vld [tilespmem:s15+$0x300];
	_ =	sdelay $0x4  }
0x39e: {  	v46 =	vmul.f32 v63, v45;
	_ =	sdelay $0x1  }
0x39f: {  	[tilespmem:s18+$0x1E0] =	vst v46  }
0x3a0: {  	v46 =	vld [tilespmem:s15+$0x310];
	_ =	sdelay $0x4  }
0x3a1: {  	v46 =	vmul.f32 v46, v45;
	_ =	sdelay $0x1  }
0x3a2: {  	[tilespmem:s18+$0x1F0] =	vst v46  }
0x3a3: {  	v46 =	vld [tilespmem:s15+$0x320];
	_ =	sdelay $0x4  }
0x3a4: {  	v46 =	vmul.f32 v46, v45;
	_ =	sdelay $0x1  }
0x3a5: {  	[tilespmem:s18+$0x200] =	vst v46  }
0x3a6: {  	v46 =	vld [tilespmem:s15+$0x330];
	_ =	sdelay $0x2  }
0x3a7: {  	v44 =	vor.u32 $0xF, v44;
	_ =	sdelay $0x1  }
0x3a8: {  	v45 =	vmul.f32 v46, v45;
	_ =	sdelay $0x1  }
0x3a9: {  	[tilespmem:s18+$0x210] =	vst v45  }
0x3aa: {  	v44 =	vld.idx.msk [tilespmem:v44+s14+$0x0], $0xffff  }
0x3ab: {  	v45 =	vld [tilespmem:s15+$0x380];
	_ =	sdelay $0x4  }
0x3ac: {  	v45 =	vmul.f32 v45, v44;
	_ =	sdelay $0x1  }
0x3ad: {  	[tilespmem:s18+$0x230] =	vst v45  }
0x3ae: {  	v45 =	vld [tilespmem:s15+$0x390];
	_ =	sdelay $0x4  }
0x3af: {  	v45 =	vmul.f32 v45, v44;
	_ =	sdelay $0x1  }
0x3b0: {  	[tilespmem:s18+$0x240] =	vst v45  }
0x3b1: {  	v45 =	vld [tilespmem:s15+$0x3A0];
	_ =	sdelay $0x4  }
0x3b2: {  	v45 =	vmul.f32 v45, v44;
	_ =	sdelay $0x1  }
0x3b3: {  	[tilespmem:s18+$0x250] =	vst v45  }
0x3b4: {  	v45 =	vld [tilespmem:s15+$0x3B0];
	_ =	sdelay $0x1  }
0x3b5: {  	p1 =	sne.s32 s8, $0x40  }
.Ltmp8:
0x3b6: {  	_ = 	snop;
	(pc) =	sbr.rel @p1 .LBB2_12-.Ltmp8, $3  }
0x3b7: {  	_ = 	snop  }
0x3b8: {  	v44 =	vmul.f32 v45, v44;
	_ =	sdelay $0x1  }
0x3b9: {  	s8 =	sadd.s32 $0x10, s8;
	s15 =	sadd.s32 $0x800, s15;
	[tilespmem:s18+$0x260] =	vst v44;
	s18 =	sadd.s32 $0x500, s18  }
0x3ba: {  	p1 =	seq.s32 s21, $0x7C  }
0x3bb: {  	s8 =	smul.u32 @!p1 $0xA0, s21  }
0x3bc: {  	[spmem:s2] =	stream.indirect.scatter.add.f32 [tilespmem:s3], [sflag:$0x5], $0x50, s16, s24, $0xb8;
	[tilespmem:$0x17DE0] =	vst v63  }
0x3bd: {  	s8 =	sadd.s32 @!p1 s8, s11  }
0x3be: {  	s8 =	sshrl.u32 @!p1 s8, $0x3  }
0x3bf: {  	s18 =	simm.s32 @!p1 $0x0;
	s15 =	sadd.s32 @!p1 s5, s8  }
0x3c0: {  	[tilespmem:s18], [sflag:$0x1] =	stream.linear.gather @!p1 [hbm4b:s15+s18], $0x50, $0x38;
	[tilespmem:$0x17DE0] =	vst v63  }
0x3c1: {  	s8 =	sadd.s32 @!p1 s1, s8;
	s15 =	simm.s32 @!p1 $0xA0  }
0x3c2: {  	[tilespmem:s15], [sflag:$0x1] =	stream.linear.gather @!p1 [hbm4b:s8+s18], $0x50, $0x38;
	[tilespmem:$0x17DE0] =	vst v63  }
0x3c3: {  	s8 =	simm.s32 @!p1 $0x1  }
0x3c4: {  	_ =	swait.ge @!p1 [sflag:s8], $0x50  }
0x3c5: {  	[sflag:s8] =	ssyncset.done @!p1 $0x0  }
0x3c6: {  	[sflag:s8] =	ssyncadd.s32 @!p1 $0xFFFFFFB0  }
0x3c7: {  	_ =	swait.ge @!p1 [sflag:s8], $0x50  }
0x3c8: {  	[sflag:s8] =	ssyncset.done @!p1 $0x0  }
0x3c9: {  	[sflag:s8] =	ssyncadd.s32 @!p1 $0xFFFFFFB0  }
0x3ca: {  	v44 =	vld @!p1 [tilespmem:$0x0]  }
0x3cb: {  	v45 =	vld @!p1 [tilespmem:$0xA0]  }
0x3cc: {  	v46 =	vld @!p1 [tilespmem:$0x10]  }
0x3cd: {  	v47 =	vld @!p1 [tilespmem:$0xB0]  }
0x3ce: {  	v48 =	vld @!p1 [tilespmem:$0x20]  }
0x3cf: {  	v49 =	vld @!p1 [tilespmem:$0xC0];
	v44 =	vshll.u32 @!p1 v44, $0x3  }
0x3d0: {  	v50 =	vld @!p1 [tilespmem:$0x30];
	v45 =	vshll.u32 @!p1 v45, $0x3;
	v44 =	vadd.s32 @!p1 v43, v44  }
0x3d1: {  	[tilespmem:$0x140] =	vst @!p1 v44;
	v44 =	vadd.s32 @!p1 v43, v45;
	v45 =	vshll.u32 @!p1 v46, $0x3;
	v46 =	vld @!p1 [tilespmem:$0xD0]  }
0x3d2: {  	[tilespmem:$0x1E0] =	vst @!p1 v44;
	v44 =	vadd.s32 @!p1 v43, v45;
	v45 =	vshll.u32 @!p1 v47, $0x3;
	v47 =	vld @!p1 [tilespmem:$0x40]  }
0x3d3: {  	[tilespmem:$0x150] =	vst @!p1 v44;
	v44 =	vadd.s32 @!p1 v43, v45;
	v45 =	vshll.u32 @!p1 v48, $0x3;
	v48 =	vld @!p1 [tilespmem:$0xE0]  }
0x3d4: {  	[tilespmem:$0x1F0] =	vst @!p1 v44;
	v44 =	vadd.s32 @!p1 v43, v45;
	v45 =	vshll.u32 @!p1 v49, $0x3  }
0x3d5: {  	[tilespmem:$0x160] =	vst @!p1 v44;
	v44 =	vadd.s32 @!p1 v43, v45;
	v45 =	vshll.u32 @!p1 v50, $0x3  }
0x3d6: {  	[tilespmem:$0x200] =	vst @!p1 v44;
	v44 =	vadd.s32 @!p1 v43, v45;
	v45 =	vshll.u32 @!p1 v46, $0x3  }
0x3d7: {  	[tilespmem:$0x170] =	vst @!p1 v44;
	v44 =	vadd.s32 @!p1 v43, v45;
	v45 =	vshll.u32 @!p1 v47, $0x3  }
0x3d8: {  	[tilespmem:$0x210] =	vst @!p1 v44;
	v44 =	vadd.s32 @!p1 v43, v45;
	v45 =	vshll.u32 @!p1 v48, $0x3  }
0x3d9: {  	[tilespmem:$0x180] =	vst @!p1 v44;
	v44 =	vadd.s32 @!p1 v43, v45  }
0x3da: {  	s15 =	simm.s32 @!p1 $0x140;
	s18 =	simm.s32 @!p1 $0x320;
	s8 =	simm.s32 @!p1 $0x50;
	[tilespmem:$0x220] =	vst @!p1 v44  }
0x3db: {  	[tilespmem:s18], [sflag:$0x3] =	stream.indirect.gather @!p1 [hbm4b:s6+s8], $0x40, s15, s8, $0xb8;
	[tilespmem:$0x17DE0] =	vst v63  }
0x3dc: {  	s15 =	simm.s32 @!p1 $0x1E0;
	s18 =	simm.s32 @!p1 $0x2B20  }
0x3dd: {  	[tilespmem:s18], [sflag:$0x3] =	stream.indirect.gather @!p1 [hbm4b:s7+s8], $0x80, s15, s8, $0xb8;
	[tilespmem:$0x17DE0] =	vst v63  }
0x3de: {  	_ =	swait.ge [sflag:s17], $0x1400  }
0x3df: {  	[sflag:s17] =	ssyncset.done $0x0  }
0x3e0: {  	[sflag:s17] =	ssyncadd.s32 $0xFFFFEC00  }
0x3e1: {  	_ =	swait.ge [sflag:s17], $0x2800  }
0x3e2: {  	[sflag:s17] =	ssyncset.done $0x0  }
0x3e3: {  	s8 =	simm.s32 @!p0 $0x6;
	[sflag:s17] =	ssyncadd.s32 $0xFFFFD800  }
0x3e4: {  	_ =	swait.ge @!p0 [sflag:s8], $0x1900  }
0x3e5: {  	[sflag:s8] =	ssyncset.done @!p0 $0x0  }
0x3e6: {  	[sflag:s8] =	ssyncadd.s32 @!p0 $0xFFFFE700  }
0x3e7: {  	v59 =	vld [tilespmem:$0x50]  }
0x3e8: {  	v60 =	vld [tilespmem:$0x60]  }
0x3e9: {  	v61 =	vld [tilespmem:$0x70]  }
0x3ea: {  	v62 =	vld [tilespmem:$0x80]  }
0x3eb: {  	v63 =	vld [tilespmem:$0x90]  }
0x3ec: {  	[tilespmem:$0x2D0] =	vst v59  }
0x3ed: {  	[tilespmem:$0x2E0] =	vst v60  }
0x3ee: {  	[tilespmem:$0x2F0] =	vst v61  }
0x3ef: {  	s26 =	simm.s32 $0x1920;
	[tilespmem:$0x300] =	vst v62  }
0x3f0: {  	s15 =	simm.s32 $0x0;
	s18 =	simm.s32 $0x0;
	s8 =	simm.s32 $0x5720;
	[tilespmem:$0x310] =	vst v63  }
.LBB2_14:
0x3f1: {  	v44 =	vld [tilespmem:s26+$0xFFFFFE00]  }
0x3f2: {  	v45 =	vld [tilespmem:s8+$0xFFFFFC00]  }
0x3f3: {  	v46 =	vld [tilespmem:s26+$0xFFFFFE10]  }
0x3f4: {  	v47 =	vld [tilespmem:s8+$0xFFFFFC10]  }
0x3f5: {  	v48 =	vld [tilespmem:s26+$0xFFFFFE20]  }
0x3f6: {  	v49 =	vld [tilespmem:s8+$0xFFFFFC20]  }
0x3f7: {  	v50 =	vld [tilespmem:s26+$0xFFFFFE30]  }
0x3f8: {  	v51 =	vld [tilespmem:s8+$0xFFFFFC30]  }
0x3f9: {  	v44 =	vmul.f32 v45, v44;
	v54 =	vmul.f32 v47, v46;
	_ =	sdelay $0x1  }
0x3fa: {  	v55 =	vor.u32 s18, v0;
	v56 =	vmul.f32 v49, v48;
	v44 =	vadd.f32 v54, v44  }
0x3fb: {  	v46 =	vand.u32 v3, v55  }
0x3fc: {  	v57 =	vmul.f32 v51, v50;
	v44 =	vadd.f32 v56, v44;
	_ =	sdelay $0x1  }
0x3fd: {  	v44 =	vadd.f32 v57, v44;
	_ =	sdelay $0x1  }
0x3fe: {  	[tilespmem:v46+s10+$0x0] =	vst.idx.msk $0xffff, v44  }
0x3ff: {  	v44 =	vld [tilespmem:s26+$0xFFFFFE40]  }
0x400: {  	v58 =	vld [tilespmem:s8+$0xFFFFFC80]  }
0x401: {  	v46 =	vld [tilespmem:s26+$0xFFFFFE50]  }
0x402: {  	v59 =	vld [tilespmem:s8+$0xFFFFFC90]  }
0x403: {  	v60 =	vld [tilespmem:s26+$0xFFFFFE60]  }
0x404: {  	v61 =	vld [tilespmem:s8+$0xFFFFFCA0]  }
0x405: {  	v62 =	vld [tilespmem:s26+$0xFFFFFE70]  }
0x406: {  	v63 =	vld [tilespmem:s8+$0xFFFFFCB0]  }
0x407: {  	v44 =	vmul.f32 v58, v44;
	v54 =	vmul.f32 v59, v46  }
0x408: {  	v55 =	vadd.s32 s18, v4  }
0x409: {  	v56 =	vmul.f32 v61, v60;
	v46 =	vand.u32 $0xFF8, v55;
	v44 =	vadd.f32 v54, v44  }
0x40a: {  	v46 =	vor.u32 v5, v46  }
0x40b: {  	v57 =	vmul.f32 v63, v62;
	v44 =	vadd.f32 v56, v44;
	_ =	sdelay $0x1  }
0x40c: {  	v44 =	vadd.f32 v57, v44;
	_ =	sdelay $0x1  }
0x40d: {  	[tilespmem:v46+s10+$0x0] =	vst.idx.msk $0xffff, v44  }
0x40e: {  	v44 =	vld [tilespmem:s26+$0xFFFFFE80]  }
0x40f: {  	v58 =	vld [tilespmem:s8+$0xFFFFFD00]  }
0x410: {  	v46 =	vld [tilespmem:s26+$0xFFFFFE90]  }
0x411: {  	v59 =	vld [tilespmem:s8+$0xFFFFFD10]  }
0x412: {  	v60 =	vld [tilespmem:s26+$0xFFFFFEA0]  }
0x413: {  	v61 =	vld [tilespmem:s8+$0xFFFFFD20]  }
0x414: {  	v62 =	vld [tilespmem:s26+$0xFFFFFEB0]  }
0x415: {  	v63 =	vld [tilespmem:s8+$0xFFFFFD30]  }
0x416: {  	v44 =	vmul.f32 v58, v44;
	v54 =	vmul.f32 v59, v46  }
0x417: {  	v55 =	vadd.s32 s18, v6  }
0x418: {  	v56 =	vmul.f32 v61, v60;
	v46 =	vand.u32 $0xFF8, v55;
	v44 =	vadd.f32 v54, v44  }
0x419: {  	v46 =	vor.u32 v7, v46  }
0x41a: {  	v57 =	vmul.f32 v63, v62;
	v44 =	vadd.f32 v56, v44;
	_ =	sdelay $0x1  }
0x41b: {  	v44 =	vadd.f32 v57, v44;
	_ =	sdelay $0x1  }
0x41c: {  	[tilespmem:v46+s10+$0x0] =	vst.idx.msk $0xffff, v44  }
0x41d: {  	v44 =	vld [tilespmem:s26+$0xFFFFFEC0]  }
0x41e: {  	v58 =	vld [tilespmem:s8+$0xFFFFFD80]  }
0x41f: {  	v46 =	vld [tilespmem:s26+$0xFFFFFED0]  }
0x420: {  	v59 =	vld [tilespmem:s8+$0xFFFFFD90]  }
0x421: {  	v60 =	vld [tilespmem:s26+$0xFFFFFEE0]  }
0x422: {  	v61 =	vld [tilespmem:s8+$0xFFFFFDA0]  }
0x423: {  	v62 =	vld [tilespmem:s26+$0xFFFFFEF0]  }
0x424: {  	v63 =	vld [tilespmem:s8+$0xFFFFFDB0]  }
0x425: {  	v44 =	vmul.f32 v58, v44;
	v54 =	vmul.f32 v59, v46  }
0x426: {  	v55 =	vadd.s32 s18, v8  }
0x427: {  	v56 =	vmul.f32 v61, v60;
	v46 =	vand.u32 $0xFF8, v55;
	v44 =	vadd.f32 v54, v44  }
0x428: {  	v46 =	vor.u32 v9, v46  }
0x429: {  	v57 =	vmul.f32 v63, v62;
	v44 =	vadd.f32 v56, v44;
	_ =	sdelay $0x1  }
0x42a: {  	v44 =	vadd.f32 v57, v44;
	_ =	sdelay $0x1  }
0x42b: {  	[tilespmem:v46+s10+$0x0] =	vst.idx.msk $0xffff, v44  }
0x42c: {  	v44 =	vld [tilespmem:s26+$0xFFFFFF00]  }
0x42d: {  	v58 =	vld [tilespmem:s8+$0xFFFFFE00]  }
0x42e: {  	v46 =	vld [tilespmem:s26+$0xFFFFFF10]  }
0x42f: {  	v59 =	vld [tilespmem:s8+$0xFFFFFE10]  }
0x430: {  	v60 =	vld [tilespmem:s26+$0xFFFFFF20]  }
0x431: {  	v61 =	vld [tilespmem:s8+$0xFFFFFE20]  }
0x432: {  	v62 =	vld [tilespmem:s26+$0xFFFFFF30]  }
0x433: {  	v63 =	vld [tilespmem:s8+$0xFFFFFE30]  }
0x434: {  	v44 =	vmul.f32 v58, v44;
	v54 =	vmul.f32 v59, v46  }
0x435: {  	v55 =	vadd.s32 s18, v10  }
0x436: {  	v56 =	vmul.f32 v61, v60;
	v46 =	vand.u32 $0xFF8, v55;
	v44 =	vadd.f32 v54, v44  }
0x437: {  	v46 =	vor.u32 v11, v46  }
0x438: {  	v57 =	vmul.f32 v63, v62;
	v44 =	vadd.f32 v56, v44;
	_ =	sdelay $0x1  }
0x439: {  	v44 =	vadd.f32 v57, v44;
	_ =	sdelay $0x1  }
0x43a: {  	[tilespmem:v46+s10+$0x0] =	vst.idx.msk $0xffff, v44  }
0x43b: {  	v44 =	vld [tilespmem:s26+$0xFFFFFF40]  }
0x43c: {  	v58 =	vld [tilespmem:s8+$0xFFFFFE80]  }
0x43d: {  	v46 =	vld [tilespmem:s26+$0xFFFFFF50]  }
0x43e: {  	v59 =	vld [tilespmem:s8+$0xFFFFFE90]  }
0x43f: {  	v60 =	vld [tilespmem:s26+$0xFFFFFF60]  }
0x440: {  	v61 =	vld [tilespmem:s8+$0xFFFFFEA0]  }
0x441: {  	v62 =	vld [tilespmem:s26+$0xFFFFFF70]  }
0x442: {  	v63 =	vld [tilespmem:s8+$0xFFFFFEB0]  }
0x443: {  	v44 =	vmul.f32 v58, v44;
	v54 =	vmul.f32 v59, v46  }
0x444: {  	v55 =	vadd.s32 s18, v12  }
0x445: {  	v56 =	vmul.f32 v61, v60;
	v46 =	vand.u32 $0xFF8, v55;
	v44 =	vadd.f32 v54, v44  }
0x446: {  	v46 =	vor.u32 v13, v46  }
0x447: {  	v57 =	vmul.f32 v63, v62;
	v44 =	vadd.f32 v56, v44;
	_ =	sdelay $0x1  }
0x448: {  	v44 =	vadd.f32 v57, v44;
	_ =	sdelay $0x1  }
0x449: {  	[tilespmem:v46+s10+$0x0] =	vst.idx.msk $0xffff, v44  }
0x44a: {  	v44 =	vld [tilespmem:s26+$0xFFFFFF80]  }
0x44b: {  	v58 =	vld [tilespmem:s8+$0xFFFFFF00]  }
0x44c: {  	v46 =	vld [tilespmem:s26+$0xFFFFFF90]  }
0x44d: {  	v59 =	vld [tilespmem:s8+$0xFFFFFF10]  }
0x44e: {  	v60 =	vld [tilespmem:s26+$0xFFFFFFA0]  }
0x44f: {  	v61 =	vld [tilespmem:s8+$0xFFFFFF20]  }
0x450: {  	v62 =	vld [tilespmem:s26+$0xFFFFFFB0]  }
0x451: {  	v63 =	vld [tilespmem:s8+$0xFFFFFF30]  }
0x452: {  	v44 =	vmul.f32 v58, v44;
	v54 =	vmul.f32 v59, v46  }
0x453: {  	v55 =	vadd.s32 s18, v14  }
0x454: {  	v56 =	vmul.f32 v61, v60;
	v46 =	vand.u32 $0xFF8, v55;
	v44 =	vadd.f32 v54, v44  }
0x455: {  	v46 =	vor.u32 v15, v46  }
0x456: {  	v57 =	vmul.f32 v63, v62;
	v44 =	vadd.f32 v56, v44;
	_ =	sdelay $0x1  }
0x457: {  	v44 =	vadd.f32 v57, v44;
	_ =	sdelay $0x1  }
0x458: {  	[tilespmem:v46+s10+$0x0] =	vst.idx.msk $0xffff, v44  }
0x459: {  	v44 =	vld [tilespmem:s26+$0xFFFFFFC0]  }
0x45a: {  	v58 =	vld [tilespmem:s8+$0xFFFFFF80]  }
0x45b: {  	v46 =	vld [tilespmem:s26+$0xFFFFFFD0]  }
0x45c: {  	v59 =	vld [tilespmem:s8+$0xFFFFFF90]  }
0x45d: {  	v60 =	vld [tilespmem:s26+$0xFFFFFFE0]  }
0x45e: {  	v61 =	vld [tilespmem:s8+$0xFFFFFFA0]  }
0x45f: {  	v62 =	vld [tilespmem:s26+$0xFFFFFFF0]  }
0x460: {  	v63 =	vld [tilespmem:s8+$0xFFFFFFB0]  }
0x461: {  	v44 =	vmul.f32 v58, v44;
	v54 =	vmul.f32 v59, v46  }
0x462: {  	v55 =	vadd.s32 s18, v16  }
0x463: {  	v56 =	vmul.f32 v61, v60;
	v46 =	vand.u32 $0xFF8, v55;
	v44 =	vadd.f32 v54, v44  }
0x464: {  	v46 =	vor.u32 v17, v46  }
0x465: {  	v57 =	vmul.f32 v63, v62;
	v44 =	vadd.f32 v56, v44;
	_ =	sdelay $0x1  }
0x466: {  	v44 =	vadd.f32 v57, v44;
	_ =	sdelay $0x1  }
0x467: {  	[tilespmem:v46+s10+$0x0] =	vst.idx.msk $0xffff, v44  }
0x468: {  	v44 =	vld [tilespmem:s26+$0x0]  }
0x469: {  	v58 =	vld [tilespmem:s8+$0x0]  }
0x46a: {  	v46 =	vld [tilespmem:s26+$0x10]  }
0x46b: {  	v59 =	vld [tilespmem:s8+$0x10]  }
0x46c: {  	v60 =	vld [tilespmem:s26+$0x20]  }
0x46d: {  	v61 =	vld [tilespmem:s8+$0x20]  }
0x46e: {  	v62 =	vld [tilespmem:s26+$0x30]  }
0x46f: {  	v63 =	vld [tilespmem:s8+$0x30]  }
0x470: {  	v44 =	vmul.f32 v58, v44;
	v54 =	vmul.f32 v59, v46  }
0x471: {  	v55 =	vadd.s32 s18, v18  }
0x472: {  	v56 =	vmul.f32 v61, v60;
	v46 =	vand.u32 $0xFF8, v55;
	v44 =	vadd.f32 v54, v44  }
0x473: {  	v46 =	vor.u32 v2, v46  }
0x474: {  	v57 =	vmul.f32 v63, v62;
	v44 =	vadd.f32 v56, v44;
	_ =	sdelay $0x1  }
0x475: {  	v44 =	vadd.f32 v57, v44;
	_ =	sdelay $0x1  }
0x476: {  	[tilespmem:v46+s10+$0x0] =	vst.idx.msk $0xffff, v44  }
0x477: {  	v44 =	vld [tilespmem:s26+$0x40]  }
0x478: {  	v58 =	vld [tilespmem:s8+$0x80]  }
0x479: {  	v46 =	vld [tilespmem:s26+$0x50]  }
0x47a: {  	v59 =	vld [tilespmem:s8+$0x90]  }
0x47b: {  	v60 =	vld [tilespmem:s26+$0x60]  }
0x47c: {  	v61 =	vld [tilespmem:s8+$0xA0]  }
0x47d: {  	v62 =	vld [tilespmem:s26+$0x70]  }
0x47e: {  	v63 =	vld [tilespmem:s8+$0xB0]  }
0x47f: {  	v44 =	vmul.f32 v58, v44;
	v54 =	vmul.f32 v59, v46  }
0x480: {  	v55 =	vadd.s32 s18, v19  }
0x481: {  	v56 =	vmul.f32 v61, v60;
	v46 =	vand.u32 $0xFF8, v55;
	v44 =	vadd.f32 v54, v44  }
0x482: {  	v46 =	vor.u32 v5, v46  }
0x483: {  	v57 =	vmul.f32 v63, v62;
	v44 =	vadd.f32 v56, v44;
	_ =	sdelay $0x1  }
0x484: {  	v44 =	vadd.f32 v57, v44;
	_ =	sdelay $0x1  }
0x485: {  	[tilespmem:v46+s10+$0x0] =	vst.idx.msk $0xffff, v44  }
0x486: {  	v44 =	vld [tilespmem:s26+$0x80]  }
0x487: {  	v58 =	vld [tilespmem:s8+$0x100]  }
0x488: {  	v46 =	vld [tilespmem:s26+$0x90]  }
0x489: {  	v59 =	vld [tilespmem:s8+$0x110]  }
0x48a: {  	v60 =	vld [tilespmem:s26+$0xA0]  }
0x48b: {  	v61 =	vld [tilespmem:s8+$0x120]  }
0x48c: {  	v62 =	vld [tilespmem:s26+$0xB0]  }
0x48d: {  	v63 =	vld [tilespmem:s8+$0x130]  }
0x48e: {  	v44 =	vmul.f32 v58, v44;
	v54 =	vmul.f32 v59, v46  }
0x48f: {  	v55 =	vadd.s32 s18, v20  }
0x490: {  	v56 =	vmul.f32 v61, v60;
	v46 =	vand.u32 $0xFF8, v55;
	v44 =	vadd.f32 v54, v44  }
0x491: {  	v46 =	vor.u32 v7, v46  }
0x492: {  	v57 =	vmul.f32 v63, v62;
	v44 =	vadd.f32 v56, v44;
	_ =	sdelay $0x1  }
0x493: {  	v44 =	vadd.f32 v57, v44;
	_ =	sdelay $0x1  }
0x494: {  	[tilespmem:v46+s10+$0x0] =	vst.idx.msk $0xffff, v44  }
0x495: {  	v44 =	vld [tilespmem:s26+$0xC0]  }
0x496: {  	v58 =	vld [tilespmem:s8+$0x180]  }
0x497: {  	v46 =	vld [tilespmem:s26+$0xD0]  }
0x498: {  	v59 =	vld [tilespmem:s8+$0x190]  }
0x499: {  	v60 =	vld [tilespmem:s26+$0xE0]  }
0x49a: {  	v61 =	vld [tilespmem:s8+$0x1A0]  }
0x49b: {  	v62 =	vld [tilespmem:s26+$0xF0]  }
0x49c: {  	v63 =	vld [tilespmem:s8+$0x1B0]  }
0x49d: {  	v44 =	vmul.f32 v58, v44;
	v54 =	vmul.f32 v59, v46  }
0x49e: {  	v55 =	vadd.s32 s18, v21  }
0x49f: {  	v56 =	vmul.f32 v61, v60;
	v46 =	vand.u32 $0xFF8, v55;
	v44 =	vadd.f32 v54, v44  }
0x4a0: {  	v46 =	vor.u32 v9, v46  }
0x4a1: {  	v57 =	vmul.f32 v63, v62;
	v44 =	vadd.f32 v56, v44;
	_ =	sdelay $0x1  }
0x4a2: {  	v44 =	vadd.f32 v57, v44;
	_ =	sdelay $0x1  }
0x4a3: {  	[tilespmem:v46+s10+$0x0] =	vst.idx.msk $0xffff, v44  }
0x4a4: {  	v44 =	vld [tilespmem:s26+$0x100]  }
0x4a5: {  	v58 =	vld [tilespmem:s8+$0x200]  }
0x4a6: {  	v46 =	vld [tilespmem:s26+$0x110]  }
0x4a7: {  	v59 =	vld [tilespmem:s8+$0x210]  }
0x4a8: {  	v60 =	vld [tilespmem:s26+$0x120]  }
0x4a9: {  	v61 =	vld [tilespmem:s8+$0x220]  }
0x4aa: {  	v62 =	vld [tilespmem:s26+$0x130]  }
0x4ab: {  	v63 =	vld [tilespmem:s8+$0x230]  }
0x4ac: {  	v44 =	vmul.f32 v58, v44;
	v54 =	vmul.f32 v59, v46  }
0x4ad: {  	v55 =	vadd.s32 s18, v23  }
0x4ae: {  	v56 =	vmul.f32 v61, v60;
	v46 =	vand.u32 $0xFF8, v55;
	v44 =	vadd.f32 v54, v44  }
0x4af: {  	v46 =	vor.u32 v11, v46  }
0x4b0: {  	v57 =	vmul.f32 v63, v62;
	v44 =	vadd.f32 v56, v44;
	_ =	sdelay $0x1  }
0x4b1: {  	v44 =	vadd.f32 v57, v44;
	_ =	sdelay $0x1  }
0x4b2: {  	[tilespmem:v46+s10+$0x0] =	vst.idx.msk $0xffff, v44  }
0x4b3: {  	v44 =	vld [tilespmem:s26+$0x140]  }
0x4b4: {  	v58 =	vld [tilespmem:s8+$0x280]  }
0x4b5: {  	v46 =	vld [tilespmem:s26+$0x150]  }
0x4b6: {  	v59 =	vld [tilespmem:s8+$0x290]  }
0x4b7: {  	v60 =	vld [tilespmem:s26+$0x160]  }
0x4b8: {  	v61 =	vld [tilespmem:s8+$0x2A0]  }
0x4b9: {  	v62 =	vld [tilespmem:s26+$0x170]  }
0x4ba: {  	v63 =	vld [tilespmem:s8+$0x2B0]  }
0x4bb: {  	v44 =	vmul.f32 v58, v44;
	v52 =	vmul.f32 v59, v46  }
0x4bc: {  	v53 =	vadd.s32 s18, v24  }
0x4bd: {  	v54 =	vmul.f32 v61, v60;
	v46 =	vand.u32 $0xFF8, v53;
	v44 =	vadd.f32 v52, v44  }
0x4be: {  	v46 =	vor.u32 v13, v46  }
0x4bf: {  	v55 =	vmul.f32 v63, v62;
	v44 =	vadd.f32 v54, v44;
	_ =	sdelay $0x1  }
0x4c0: {  	v44 =	vadd.f32 v55, v44;
	_ =	sdelay $0x1  }
0x4c1: {  	[tilespmem:v46+s10+$0x0] =	vst.idx.msk $0xffff, v44  }
0x4c2: {  	v44 =	vld [tilespmem:s26+$0x180]  }
0x4c3: {  	v56 =	vld [tilespmem:s8+$0x300]  }
0x4c4: {  	v46 =	vld [tilespmem:s26+$0x190]  }
0x4c5: {  	v57 =	vld [tilespmem:s8+$0x310]  }
0x4c6: {  	v58 =	vld [tilespmem:s26+$0x1A0]  }
0x4c7: {  	v59 =	vld [tilespmem:s8+$0x320]  }
0x4c8: {  	v60 =	vld [tilespmem:s26+$0x1B0]  }
0x4c9: {  	v61 =	vld [tilespmem:s8+$0x330]  }
0x4ca: {  	v44 =	vmul.f32 v56, v44;
	v62 =	vmul.f32 v57, v46  }
0x4cb: {  	v63 =	vadd.s32 s18, v25  }
0x4cc: {  	v52 =	vmul.f32 v59, v58;
	v46 =	vand.u32 $0xFF8, v63;
	v44 =	vadd.f32 v62, v44  }
0x4cd: {  	v46 =	vor.u32 v15, v46  }
0x4ce: {  	v53 =	vmul.f32 v61, v60;
	v44 =	vadd.f32 v52, v44;
	_ =	sdelay $0x1  }
0x4cf: {  	v44 =	vadd.f32 v53, v44;
	_ =	sdelay $0x1  }
0x4d0: {  	[tilespmem:v46+s10+$0x0] =	vst.idx.msk $0xffff, v44  }
0x4d1: {  	v44 =	vld [tilespmem:s26+$0x1C0]  }
0x4d2: {  	v54 =	vld [tilespmem:s8+$0x380]  }
0x4d3: {  	v46 =	vld [tilespmem:s26+$0x1D0]  }
0x4d4: {  	v55 =	vld [tilespmem:s8+$0x390]  }
0x4d5: {  	v56 =	vld [tilespmem:s26+$0x1E0]  }
0x4d6: {  	v57 =	vld [tilespmem:s8+$0x3A0]  }
0x4d7: {  	v58 =	vld [tilespmem:s26+$0x1F0]  }
0x4d8: {  	v59 =	vld [tilespmem:s8+$0x3B0]  }
0x4d9: {  	v44 =	vmul.f32 v54, v44;
	v60 =	vmul.f32 v55, v46  }
0x4da: {  	v61 =	vadd.s32 s18, v26  }
0x4db: {  	v62 =	vmul.f32 v57, v56;
	v46 =	vand.u32 $0xFF8, v61;
	v44 =	vadd.f32 v60, v44  }
0x4dc: {  	p0 =	sne.s32 s18, $0x440;
	v46 =	vor.u32 v17, v46  }
.Ltmp9:
0x4dd: {  	v63 =	vmul.f32 v59, v58;
	v44 =	vadd.f32 v62, v44;
	(pc) =	sbr.rel @p0 .LBB2_14-.Ltmp9, $3  }
0x4de: {  	_ = 	snop  }
0x4df: {  	v44 =	vadd.f32 v63, v44;
	_ =	sdelay $0x1  }
0x4e0: {  	s18 =	sadd.s32 $0x110, s18;
	s26 =	sadd.s32 $0x400, s26;
	s8 =	sadd.s32 $0x800, s8;
	[tilespmem:v46+s10+$0x0] =	vst.idx.msk $0xffff, v44  }
0x4e1: {  	v44 =	vadd.s32 s15, v27  }
0x4e2: {  	v45 =	vadd.s32 s15, v22;
	v44 =	vand.u32 $0xFF8, v44  }
0x4e3: {  	v45 =	vand.u32 $0xFF8, v45;
	v44 =	vor.u32 v5, v44  }
0x4e4: {  	v46 =	vadd.s32 s15, v28;
	v45 =	vor.u32 v2, v45  }
0x4e5: {  	v46 =	vand.u32 $0xFF8, v46  }
0x4e6: {  	v47 =	vadd.s32 s15, v29;
	v46 =	vor.u32 v7, v46  }
0x4e7: {  	v47 =	vand.u32 $0xFF8, v47  }
0x4e8: {  	v48 =	vadd.s32 s15, v30;
	v47 =	vor.u32 v9, v47;
	v44 =	vld.idx.msk [tilespmem:v44+s10+$0x0], $0xffff  }
0x4e9: {  	v48 =	vand.u32 $0xFF8, v48;
	v45 =	vld.idx.msk [tilespmem:v45+s10+$0x0], $0xffff  }
0x4ea: {  	v49 =	vadd.s32 s15, v31;
	v48 =	vor.u32 v11, v48  }
0x4eb: {  	v49 =	vand.u32 $0xFF8, v49;
	v46 =	vld.idx.msk [tilespmem:v46+s10+$0x0], $0xffff  }
0x4ec: {  	v50 =	vadd.s32 s15, v32;
	v49 =	vor.u32 v13, v49  }
0x4ed: {  	v50 =	vand.u32 $0xFF8, v50;
	v47 =	vld.idx.msk [tilespmem:v47+s10+$0x0], $0xffff  }
0x4ee: {  	v51 =	vadd.s32 s15, v33;
	v50 =	vor.u32 v15, v50;
	v44 =	vadd.f32 v44, v45  }
0x4ef: {  	v59 =	vand.u32 $0xFF8, v51;
	v58 =	vld.idx.msk [tilespmem:v48+s10+$0x0], $0xffff  }
0x4f0: {  	v60 =	vadd.s32 s15, v34;
	v48 =	vor.u32 v17, v59;
	v44 =	vadd.f32 v46, v44  }
0x4f1: {  	v62 =	vand.u32 $0xFF8, v60;
	v61 =	vld.idx.msk [tilespmem:v49+s10+$0x0], $0xffff  }
0x4f2: {  	v63 =	vadd.s32 s15, v35;
	v49 =	vor.u32 v2, v62;
	v44 =	vadd.f32 v47, v44  }
0x4f3: {  	v55 =	vand.u32 $0xFF8, v63;
	v54 =	vld.idx.msk [tilespmem:v50+s10+$0x0], $0xffff  }
0x4f4: {  	v56 =	vadd.s32 s15, v36;
	v50 =	vor.u32 v5, v55;
	v44 =	vadd.f32 v58, v44  }
0x4f5: {  	v57 =	vld.idx.msk [tilespmem:v48+s10+$0x0], $0xffff;
	v58 =	vand.u32 $0xFF8, v56  }
0x4f6: {  	v59 =	vadd.s32 s15, v37;
	v48 =	vor.u32 v7, v58;
	v44 =	vadd.f32 v61, v44  }
0x4f7: {  	v60 =	vld.idx.msk [tilespmem:v49+s10+$0x0], $0xffff;
	v61 =	vand.u32 $0xFF8, v59  }
0x4f8: {  	v62 =	vadd.s32 s15, v38;
	v49 =	vor.u32 v9, v61;
	v44 =	vadd.f32 v54, v44  }
0x4f9: {  	v63 =	vld.idx.msk [tilespmem:v50+s10+$0x0], $0xffff;
	v54 =	vand.u32 $0xFF8, v62  }
0x4fa: {  	v55 =	vadd.s32 s15, v39;
	v50 =	vor.u32 v11, v54;
	v44 =	vadd.f32 v57, v44  }
0x4fb: {  	v56 =	vld.idx.msk [tilespmem:v48+s10+$0x0], $0xffff;
	v57 =	vand.u32 $0xFF8, v55  }
0x4fc: {  	v58 =	vadd.s32 s15, v40;
	v48 =	vor.u32 v13, v57;
	v44 =	vadd.f32 v60, v44  }
0x4fd: {  	v59 =	vld.idx.msk [tilespmem:v49+s10+$0x0], $0xffff;
	v60 =	vand.u32 $0xFF8, v58  }
0x4fe: {  	v61 =	vadd.s32 s15, v41;
	v49 =	vor.u32 v15, v60;
	v44 =	vadd.f32 v63, v44  }
0x4ff: {  	v62 =	vld.idx.msk [tilespmem:v50+s10+$0x0], $0xffff;
	v63 =	vand.u32 $0xFF8, v61  }
0x500: {  	v50 =	vor.u32 v17, v63;
	v44 =	vadd.f32 v56, v44  }
0x501: {  	v48 =	vld.idx.msk [tilespmem:v48+s10+$0x0], $0xffff  }
0x502: {  	v44 =	vadd.f32 v59, v44  }
0x503: {  	v49 =	vld.idx.msk [tilespmem:v49+s10+$0x0], $0xffff  }
0x504: {  	v44 =	vadd.f32 v62, v44  }
0x505: {  	v51 =	vld.idx.msk [tilespmem:v50+s10+$0x0], $0xffff  }
0x506: {  	v44 =	vadd.f32 v48, v44;
	_ =	sdelay $0x1  }
0x507: {  	v44 =	vadd.f32 v49, v44;
	_ =	sdelay $0x1  }
0x508: {  	v44 =	vadd.f32 v51, v44;
	_ =	sdelay $0x1  }
0x509: {  	v44 =	vmul.f32 $1.250000000e-01, v44;
	_ =	sdelay $0x1  }
0x50a: {  	v44 =	vmul.f32 $1.442695020e+00, v44;
	_ =	sdelay $0x1  }
0x50b: {  	(erf) = vpow2.f32 v44  }
0x50c: {  	v52 =	vmov s15  }
0x50d: {  	v44 =	vmul.u32 $0x50, v52;
	_ =	sdelay $0x1  }
0x50e: {  	s8 =	simm.s32 $0x110;
	v44 =	vbroadcast v44, $0x0  }
0x50f: {  	v53 =	vadd.s32 s8, v27  }
0x510: {  	v45 =	vand.u32 $0xFF8, v53;
	v54 =	vadd.s32 s8, v22;
	v44 =	vadd.s32 v42, v44  }
0x511: {  	v45 =	vor.u32 v5, v45;
	v46 =	vand.u32 $0xFF8, v54  }
0x512: {  	v55 =	vadd.s32 s8, v28;
	v46 =	vor.u32 v2, v46  }
0x513: {  	s15 =	simm.s32 $0xBA40;
	v47 =	vand.u32 $0xFF8, v55;
	v56 =	vpop (erf)  }
0x514: {  	v57 =	vadd.s32 s8, v29;
	v47 =	vor.u32 v7, v47;
	[tilespmem:s15+$0x0] =	vst v56  }
0x515: {  	v49 =	vand.u32 $0xFF8, v57;
	[tilespmem:v44+s20+$0x0] =	vst.idx.msk $0xffff, v56  }
0x516: {  	v59 =	vadd.s32 s8, v30;
	v58 =	vor.u32 v9, v49;
	v44 =	vld.idx.msk [tilespmem:v45+s10+$0x0], $0xffff  }
0x517: {  	v48 =	vand.u32 $0xFF8, v59;
	v46 =	vld.idx.msk [tilespmem:v46+s10+$0x0], $0xffff  }
0x518: {  	v60 =	vadd.s32 s8, v31;
	v48 =	vor.u32 v11, v48  }
0x519: {  	v49 =	vand.u32 $0xFF8, v60;
	v47 =	vld.idx.msk [tilespmem:v47+s10+$0x0], $0xffff  }
0x51a: {  	v61 =	vadd.s32 s8, v32;
	v49 =	vor.u32 v13, v49  }
0x51b: {  	v50 =	vand.u32 $0xFF8, v61;
	v45 =	vld.idx.msk [tilespmem:v58+s10+$0x0], $0xffff  }
0x51c: {  	v62 =	vadd.s32 s8, v33;
	v50 =	vor.u32 v15, v50;
	v44 =	vadd.f32 v44, v46  }
0x51d: {  	v53 =	vand.u32 $0xFF8, v62;
	v63 =	vld.idx.msk [tilespmem:v48+s10+$0x0], $0xffff  }
0x51e: {  	v54 =	vadd.s32 s8, v34;
	v48 =	vor.u32 v17, v53;
	v44 =	vadd.f32 v47, v44  }
0x51f: {  	v56 =	vand.u32 $0xFF8, v54;
	v55 =	vld.idx.msk [tilespmem:v49+s10+$0x0], $0xffff  }
0x520: {  	v57 =	vadd.s32 s8, v35;
	v49 =	vor.u32 v2, v56;
	v44 =	vadd.f32 v45, v44  }
0x521: {  	v59 =	vand.u32 $0xFF8, v57;
	v58 =	vld.idx.msk [tilespmem:v50+s10+$0x0], $0xffff  }
0x522: {  	v60 =	vadd.s32 s8, v36;
	v50 =	vor.u32 v5, v59;
	v44 =	vadd.f32 v63, v44  }
0x523: {  	v62 =	vand.u32 $0xFF8, v60;
	v61 =	vld.idx.msk [tilespmem:v48+s10+$0x0], $0xffff  }
0x524: {  	v48 =	vor.u32 v7, v62;
	v63 =	vadd.s32 s8, v37;
	v44 =	vadd.f32 v55, v44  }
0x525: {  	v54 =	vld.idx.msk [tilespmem:v49+s10+$0x0], $0xffff;
	v55 =	vand.u32 $0xFF8, v63  }
0x526: {  	v56 =	vadd.s32 s8, v38;
	v49 =	vor.u32 v9, v55;
	v44 =	vadd.f32 v58, v44  }
0x527: {  	v57 =	vld.idx.msk [tilespmem:v50+s10+$0x0], $0xffff;
	v58 =	vand.u32 $0xFF8, v56  }
0x528: {  	v59 =	vadd.s32 s8, v39;
	v50 =	vor.u32 v11, v58;
	v44 =	vadd.f32 v61, v44  }
0x529: {  	v60 =	vld.idx.msk [tilespmem:v48+s10+$0x0], $0xffff;
	v61 =	vand.u32 $0xFF8, v59  }
0x52a: {  	v62 =	vadd.s32 s8, v40;
	v48 =	vor.u32 v13, v61;
	v44 =	vadd.f32 v54, v44  }
0x52b: {  	v53 =	vand.u32 $0xFF8, v62;
	v63 =	vld.idx.msk [tilespmem:v49+s10+$0x0], $0xffff  }
0x52c: {  	v49 =	vor.u32 v15, v53;
	v54 =	vadd.s32 s8, v41;
	v44 =	vadd.f32 v57, v44  }
0x52d: {  	v56 =	vand.u32 $0xFF8, v54;
	v55 =	vld.idx.msk [tilespmem:v50+s10+$0x0], $0xffff  }
0x52e: {  	v50 =	vor.u32 v17, v56;
	v44 =	vadd.f32 v60, v44  }
0x52f: {  	v57 =	vld.idx.msk [tilespmem:v48+s10+$0x0], $0xffff  }
0x530: {  	v44 =	vadd.f32 v63, v44  }
0x531: {  	v58 =	vld.idx.msk [tilespmem:v49+s10+$0x0], $0xffff  }
0x532: {  	v44 =	vadd.f32 v55, v44  }
0x533: {  	v59 =	vld.idx.msk [tilespmem:v50+s10+$0x0], $0xffff  }
0x534: {  	v44 =	vadd.f32 v57, v44;
	_ =	sdelay $0x1  }
0x535: {  	v44 =	vadd.f32 v58, v44;
	_ =	sdelay $0x1  }
0x536: {  	v44 =	vadd.f32 v59, v44;
	_ =	sdelay $0x1  }
0x537: {  	v44 =	vmul.f32 $1.250000000e-01, v44;
	_ =	sdelay $0x1  }
0x538: {  	v44 =	vmul.f32 $1.442695020e+00, v44;
	_ =	sdelay $0x1  }
0x539: {  	s8 =	simm.s32 $0x10;
	(erf) = vpow2.f32 v44  }
0x53a: {  	v60 =	vmov s8  }
0x53b: {  	v45 =	vmul.u32 $0x50, v60;
	_ =	sdelay $0x1  }
0x53c: {  	s18 =	simm.s32 $0x220;
	v45 =	vbroadcast v45, $0x0  }
0x53d: {  	v61 =	vadd.s32 s18, v27  }
0x53e: {  	v62 =	vadd.s32 s18, v22;
	v63 =	vand.u32 $0xFF8, v61;
	v44 =	vadd.s32 v42, v45  }
0x53f: {  	s26 =	simm.s32 $0x330;
	v46 =	vand.u32 $0xFF8, v62;
	v45 =	vor.u32 v5, v63  }
.LBB2_16:
0x540: {  	p0 =	sne.s32 s26, $0x440;
	v46 =	vor.u32 v2, v46;
	v47 =	vadd.s32 s18, v28  }
0x541: {  	s15 =	sadd.s32 $0x10, s15;
	v47 =	vand.u32 $0xFF8, v47;
	v48 =	vpop (erf)  }
0x542: {  	v49 =	vadd.s32 s18, v29;
	v47 =	vor.u32 v7, v47;
	[tilespmem:s15+$0x0] =	vst v48  }
0x543: {  	v49 =	vand.u32 $0xFF8, v49;
	[tilespmem:v44+s20+$0x0] =	vst.idx.msk $0xffff, v48  }
0x544: {  	v48 =	vadd.s32 s18, v30;
	v44 =	vld.idx.msk [tilespmem:v45+s10+$0x0], $0xffff;
	v45 =	vor.u32 v9, v49  }
0x545: {  	v48 =	vand.u32 $0xFF8, v48;
	v46 =	vld.idx.msk [tilespmem:v46+s10+$0x0], $0xffff  }
0x546: {  	v49 =	vadd.s32 s18, v31;
	v48 =	vor.u32 v11, v48  }
0x547: {  	v49 =	vand.u32 $0xFF8, v49;
	v47 =	vld.idx.msk [tilespmem:v47+s10+$0x0], $0xffff  }
0x548: {  	v50 =	vadd.s32 s18, v32;
	v49 =	vor.u32 v13, v49  }
0x549: {  	v50 =	vand.u32 $0xFF8, v50;
	v45 =	vld.idx.msk [tilespmem:v45+s10+$0x0], $0xffff  }
0x54a: {  	v51 =	vadd.s32 s18, v33;
	v50 =	vor.u32 v15, v50  }
0x54b: {  	v44 =	vadd.f32 v44, v46;
	v46 =	vld.idx.msk [tilespmem:v48+s10+$0x0], $0xffff;
	v48 =	vand.u32 $0xFF8, v51  }
0x54c: {  	v51 =	vadd.s32 s18, v34;
	v48 =	vor.u32 v17, v48  }
0x54d: {  	v44 =	vadd.f32 v47, v44;
	v47 =	vld.idx.msk [tilespmem:v49+s10+$0x0], $0xffff;
	v49 =	vand.u32 $0xFF8, v51  }
0x54e: {  	v51 =	vadd.s32 s18, v35;
	v49 =	vor.u32 v2, v49  }
0x54f: {  	v44 =	vadd.f32 v45, v44;
	v45 =	vld.idx.msk [tilespmem:v50+s10+$0x0], $0xffff;
	v50 =	vand.u32 $0xFF8, v51  }
0x550: {  	v51 =	vadd.s32 s18, v36;
	v50 =	vor.u32 v5, v50  }
0x551: {  	v44 =	vadd.f32 v46, v44;
	v46 =	vld.idx.msk [tilespmem:v48+s10+$0x0], $0xffff;
	v48 =	vand.u32 $0xFF8, v51  }
0x552: {  	v51 =	vadd.s32 s18, v37;
	v48 =	vor.u32 v7, v48  }
0x553: {  	v44 =	vadd.f32 v47, v44;
	v47 =	vld.idx.msk [tilespmem:v49+s10+$0x0], $0xffff;
	v49 =	vand.u32 $0xFF8, v51  }
0x554: {  	v51 =	vadd.s32 s18, v38;
	v49 =	vor.u32 v9, v49  }
0x555: {  	v44 =	vadd.f32 v45, v44;
	v45 =	vld.idx.msk [tilespmem:v50+s10+$0x0], $0xffff;
	v50 =	vand.u32 $0xFF8, v51  }
0x556: {  	v51 =	vadd.s32 s18, v39;
	v50 =	vor.u32 v11, v50  }
0x557: {  	v44 =	vadd.f32 v46, v44;
	v46 =	vld.idx.msk [tilespmem:v48+s10+$0x0], $0xffff;
	v48 =	vand.u32 $0xFF8, v51  }
0x558: {  	v51 =	vadd.s32 s18, v40;
	v48 =	vor.u32 v13, v48  }
0x559: {  	v44 =	vadd.f32 v47, v44;
	v47 =	vld.idx.msk [tilespmem:v49+s10+$0x0], $0xffff;
	v49 =	vand.u32 $0xFF8, v51  }
0x55a: {  	v51 =	vadd.s32 s18, v41;
	s18 =	smov.u32 s26;
	v49 =	vor.u32 v15, v49  }
0x55b: {  	v44 =	vadd.f32 v45, v44;
	v45 =	vld.idx.msk [tilespmem:v50+s10+$0x0], $0xffff;
	v50 =	vand.u32 $0xFF8, v51  }
0x55c: {  	v50 =	vor.u32 v17, v50  }
0x55d: {  	v44 =	vadd.f32 v46, v44;
	v46 =	vld.idx.msk [tilespmem:v48+s10+$0x0], $0xffff;
	_ =	sdelay $0x1  }
0x55e: {  	v44 =	vadd.f32 v47, v44;
	v47 =	vld.idx.msk [tilespmem:v49+s10+$0x0], $0xffff;
	_ =	sdelay $0x1  }
0x55f: {  	v44 =	vadd.f32 v45, v44;
	v45 =	vld.idx.msk [tilespmem:v50+s10+$0x0], $0xffff;
	_ =	sdelay $0x1  }
0x560: {  	v44 =	vadd.f32 v46, v44;
	_ =	sdelay $0x1  }
0x561: {  	v44 =	vadd.f32 v47, v44;
	_ =	sdelay $0x1  }
0x562: {  	v44 =	vadd.f32 v45, v44;
	_ =	sdelay $0x1  }
0x563: {  	v44 =	vmul.f32 $1.250000000e-01, v44;
	_ =	sdelay $0x1  }
0x564: {  	v44 =	vmul.f32 $1.442695020e+00, v44;
	_ =	sdelay $0x1  }
0x565: {  	s8 =	sadd.s32 $0x10, s8;
	(erf) = vpow2.f32 v44  }
0x566: {  	v44 =	vmov s8  }
0x567: {  	v44 =	vmul.u32 $0x50, v44  }
.Ltmp10:
0x568: {  	(pc) =	sbr.rel @p0 .LBB2_16-.Ltmp10, $4  }
0x569: {  	v44 =	vbroadcast v44, $0x0  }
0x56a: {  	v45 =	vadd.s32 s26, v27  }
0x56b: {  	v46 =	vadd.s32 s26, v22;
	v45 =	vand.u32 $0xFF8, v45;
	v44 =	vadd.s32 v42, v44  }
0x56c: {  	v46 =	vand.u32 $0xFF8, v46;
	s26 =	sadd.s32 $0x110, s26;
	v45 =	vor.u32 v5, v45  }
0x56d: {  	_ = 	snop  }
0x56e: {  	v46 =	vor.u32 v2, v46;
	v47 =	vadd.s32 s18, v28  }
0x56f: {  	s15 =	sadd.s32 $0x10, s15;
	v47 =	vand.u32 $0xFF8, v47;
	v48 =	vpop (erf)  }
0x570: {  	v49 =	vadd.s32 s18, v29;
	v47 =	vor.u32 v7, v47;
	[tilespmem:s15+$0x0] =	vst v48  }
0x571: {  	v49 =	vand.u32 $0xFF8, v49;
	[tilespmem:v44+s20+$0x0] =	vst.idx.msk $0xffff, v48  }
0x572: {  	v52 =	vadd.s32 s18, v30;
	v63 =	vor.u32 v9, v49;
	v44 =	vld.idx.msk [tilespmem:v45+s10+$0x0], $0xffff  }
0x573: {  	v48 =	vand.u32 $0xFF8, v52;
	v46 =	vld.idx.msk [tilespmem:v46+s10+$0x0], $0xffff  }
0x574: {  	v53 =	vadd.s32 s18, v31;
	v48 =	vor.u32 v11, v48  }
0x575: {  	v49 =	vand.u32 $0xFF8, v53;
	v47 =	vld.idx.msk [tilespmem:v47+s10+$0x0], $0xffff  }
0x576: {  	v50 =	vadd.s32 s18, v32;
	v49 =	vor.u32 v13, v49  }
0x577: {  	v50 =	vand.u32 $0xFF8, v50;
	v45 =	vld.idx.msk [tilespmem:v63+s10+$0x0], $0xffff  }
0x578: {  	v51 =	vadd.s32 s18, v33;
	v50 =	vor.u32 v15, v50;
	v44 =	vadd.f32 v44, v46  }
0x579: {  	v55 =	vand.u32 $0xFF8, v51;
	v54 =	vld.idx.msk [tilespmem:v48+s10+$0x0], $0xffff  }
0x57a: {  	v56 =	vadd.s32 s18, v34;
	v48 =	vor.u32 v17, v55;
	v44 =	vadd.f32 v47, v44  }
0x57b: {  	v58 =	vand.u32 $0xFF8, v56;
	v57 =	vld.idx.msk [tilespmem:v49+s10+$0x0], $0xffff  }
0x57c: {  	v59 =	vadd.s32 s18, v35;
	v49 =	vor.u32 v2, v58;
	v44 =	vadd.f32 v45, v44  }
0x57d: {  	v61 =	vand.u32 $0xFF8, v59;
	v60 =	vld.idx.msk [tilespmem:v50+s10+$0x0], $0xffff  }
0x57e: {  	v62 =	vadd.s32 s18, v36;
	v50 =	vor.u32 v5, v61;
	v44 =	vadd.f32 v54, v44  }
0x57f: {  	v53 =	vand.u32 $0xFF8, v62;
	v63 =	vld.idx.msk [tilespmem:v48+s10+$0x0], $0xffff  }
0x580: {  	v48 =	vor.u32 v7, v53;
	v54 =	vadd.s32 s18, v37;
	v44 =	vadd.f32 v57, v44  }
0x581: {  	v55 =	vld.idx.msk [tilespmem:v49+s10+$0x0], $0xffff;
	v56 =	vand.u32 $0xFF8, v54  }
0x582: {  	v49 =	vor.u32 v9, v56;
	v57 =	vadd.s32 s18, v38;
	v44 =	vadd.f32 v60, v44  }
0x583: {  	v58 =	vld.idx.msk [tilespmem:v50+s10+$0x0], $0xffff;
	v59 =	vand.u32 $0xFF8, v57  }
0x584: {  	v50 =	vor.u32 v11, v59;
	v60 =	vadd.s32 s18, v39;
	v44 =	vadd.f32 v63, v44  }
0x585: {  	v61 =	vld.idx.msk [tilespmem:v48+s10+$0x0], $0xffff;
	v62 =	vand.u32 $0xFF8, v60  }
0x586: {  	v48 =	vor.u32 v13, v62;
	v63 =	vadd.s32 s18, v40;
	v44 =	vadd.f32 v55, v44  }
0x587: {  	v54 =	vld.idx.msk [tilespmem:v49+s10+$0x0], $0xffff;
	v55 =	vand.u32 $0xFF8, v63  }
0x588: {  	v56 =	vadd.s32 s18, v41;
	v49 =	vor.u32 v15, v55;
	v44 =	vadd.f32 v58, v44  }
0x589: {  	v57 =	vld.idx.msk [tilespmem:v50+s10+$0x0], $0xffff;
	v58 =	vand.u32 $0xFF8, v56  }
0x58a: {  	v50 =	vor.u32 v17, v58;
	v44 =	vadd.f32 v61, v44  }
0x58b: {  	v59 =	vld.idx.msk [tilespmem:v48+s10+$0x0], $0xffff  }
0x58c: {  	v44 =	vadd.f32 v54, v44  }
0x58d: {  	v60 =	vld.idx.msk [tilespmem:v49+s10+$0x0], $0xffff  }
0x58e: {  	v44 =	vadd.f32 v57, v44  }
0x58f: {  	v61 =	vld.idx.msk [tilespmem:v50+s10+$0x0], $0xffff  }
0x590: {  	v44 =	vadd.f32 v59, v44;
	_ =	sdelay $0x1  }
0x591: {  	v44 =	vadd.f32 v60, v44;
	_ =	sdelay $0x1  }
0x592: {  	v44 =	vadd.f32 v61, v44;
	_ =	sdelay $0x1  }
0x593: {  	v44 =	vmul.f32 $1.250000000e-01, v44;
	_ =	sdelay $0x1  }
0x594: {  	v44 =	vmul.f32 $1.442695020e+00, v44;
	_ =	sdelay $0x1  }
0x595: {  	s8 =	sadd.s32 $0x10, s8;
	(erf) = vpow2.f32 v44  }
0x596: {  	v62 =	vmov s8  }
0x597: {  	v44 =	vmul.u32 $0x50, v62;
	_ =	sdelay $0x1  }
0x598: {  	v44 =	vbroadcast v44, $0x0;
	_ =	sdelay $0x1  }
0x599: {  	v44 =	vadd.s32 v42, v44;
	_ =	sdelay $0x2  }
0x59a: {  	s26 =	sadd.s32 $0x10, s15;
	v63 =	vpop (erf)  }
0x59b: {  	[tilespmem:s26+$0x0] =	vst v63  }
0x59c: {  	s15 =	simm.s32 $0x5760;
	s8 =	simm.s32 $0x0;
	s18 =	simm.s32 $0x96A0;
	[tilespmem:v44+s20+$0x0] =	vst.idx.msk $0xffff, v63  }
.LBB2_18:
0x59d: {  	v44 =	vmov s8;
	_ =	sdelay $0x3  }
0x59e: {  	v46 =	vld [tilespmem:s15+$0xFFFFFC00]  }
0x59f: {  	v45 =	vld.idx.msk [tilespmem:v44+s14+$0x0], $0xffff;
	_ =	sdelay $0x4  }
0x5a0: {  	v46 =	vmul.f32 v46, v45;
	_ =	sdelay $0x1  }
0x5a1: {  	[tilespmem:s18+$0xFFFFFD80] =	vst v46  }
0x5a2: {  	v46 =	vld [tilespmem:s15+$0xFFFFFC10];
	_ =	sdelay $0x4  }
0x5a3: {  	v46 =	vmul.f32 v46, v45;
	_ =	sdelay $0x1  }
0x5a4: {  	[tilespmem:s18+$0xFFFFFD90] =	vst v46  }
0x5a5: {  	v46 =	vld [tilespmem:s15+$0xFFFFFC20];
	_ =	sdelay $0x4  }
0x5a6: {  	v46 =	vmul.f32 v46, v45;
	_ =	sdelay $0x1  }
0x5a7: {  	[tilespmem:s18+$0xFFFFFDA0] =	vst v46  }
0x5a8: {  	v46 =	vld [tilespmem:s15+$0xFFFFFC30];
	_ =	sdelay $0x2  }
0x5a9: {  	v47 =	vor.u32 $0x1, v44;
	_ =	sdelay $0x1  }
0x5aa: {  	v45 =	vmul.f32 v46, v45;
	_ =	sdelay $0x1  }
0x5ab: {  	[tilespmem:s18+$0xFFFFFDB0] =	vst v45  }
0x5ac: {  	v45 =	vld.idx.msk [tilespmem:v47+s14+$0x0], $0xffff  }
0x5ad: {  	v53 =	vld [tilespmem:s15+$0xFFFFFC80];
	_ =	sdelay $0x4  }
0x5ae: {  	v46 =	vmul.f32 v53, v45;
	_ =	sdelay $0x1  }
0x5af: {  	[tilespmem:s18+$0xFFFFFDD0] =	vst v46  }
0x5b0: {  	v46 =	vld [tilespmem:s15+$0xFFFFFC90];
	_ =	sdelay $0x4  }
0x5b1: {  	v46 =	vmul.f32 v46, v45;
	_ =	sdelay $0x1  }
0x5b2: {  	[tilespmem:s18+$0xFFFFFDE0] =	vst v46  }
0x5b3: {  	v46 =	vld [tilespmem:s15+$0xFFFFFCA0];
	_ =	sdelay $0x4  }
0x5b4: {  	v46 =	vmul.f32 v46, v45;
	_ =	sdelay $0x1  }
0x5b5: {  	[tilespmem:s18+$0xFFFFFDF0] =	vst v46  }
0x5b6: {  	v46 =	vld [tilespmem:s15+$0xFFFFFCB0];
	_ =	sdelay $0x2  }
0x5b7: {  	v54 =	vor.u32 $0x2, v44;
	_ =	sdelay $0x1  }
0x5b8: {  	v45 =	vmul.f32 v46, v45;
	_ =	sdelay $0x1  }
0x5b9: {  	[tilespmem:s18+$0xFFFFFE00] =	vst v45  }
0x5ba: {  	v45 =	vld.idx.msk [tilespmem:v54+s14+$0x0], $0xffff  }
0x5bb: {  	v55 =	vld [tilespmem:s15+$0xFFFFFD00];
	_ =	sdelay $0x4  }
0x5bc: {  	v46 =	vmul.f32 v55, v45;
	_ =	sdelay $0x1  }
0x5bd: {  	[tilespmem:s18+$0xFFFFFE20] =	vst v46  }
0x5be: {  	v46 =	vld [tilespmem:s15+$0xFFFFFD10];
	_ =	sdelay $0x4  }
0x5bf: {  	v46 =	vmul.f32 v46, v45;
	_ =	sdelay $0x1  }
0x5c0: {  	[tilespmem:s18+$0xFFFFFE30] =	vst v46  }
0x5c1: {  	v46 =	vld [tilespmem:s15+$0xFFFFFD20];
	_ =	sdelay $0x4  }
0x5c2: {  	v46 =	vmul.f32 v46, v45;
	_ =	sdelay $0x1  }
0x5c3: {  	[tilespmem:s18+$0xFFFFFE40] =	vst v46  }
0x5c4: {  	v46 =	vld [tilespmem:s15+$0xFFFFFD30];
	_ =	sdelay $0x2  }
0x5c5: {  	v56 =	vor.u32 $0x3, v44;
	_ =	sdelay $0x1  }
0x5c6: {  	v45 =	vmul.f32 v46, v45;
	_ =	sdelay $0x1  }
0x5c7: {  	[tilespmem:s18+$0xFFFFFE50] =	vst v45  }
0x5c8: {  	v45 =	vld.idx.msk [tilespmem:v56+s14+$0x0], $0xffff  }
0x5c9: {  	v57 =	vld [tilespmem:s15+$0xFFFFFD80];
	_ =	sdelay $0x4  }
0x5ca: {  	v46 =	vmul.f32 v57, v45;
	_ =	sdelay $0x1  }
0x5cb: {  	[tilespmem:s18+$0xFFFFFE70] =	vst v46  }
0x5cc: {  	v46 =	vld [tilespmem:s15+$0xFFFFFD90];
	_ =	sdelay $0x4  }
0x5cd: {  	v46 =	vmul.f32 v46, v45;
	_ =	sdelay $0x1  }
0x5ce: {  	[tilespmem:s18+$0xFFFFFE80] =	vst v46  }
0x5cf: {  	v46 =	vld [tilespmem:s15+$0xFFFFFDA0];
	_ =	sdelay $0x4  }
0x5d0: {  	v46 =	vmul.f32 v46, v45;
	_ =	sdelay $0x1  }
0x5d1: {  	[tilespmem:s18+$0xFFFFFE90] =	vst v46  }
0x5d2: {  	v46 =	vld [tilespmem:s15+$0xFFFFFDB0];
	_ =	sdelay $0x2  }
0x5d3: {  	v58 =	vor.u32 $0x4, v44;
	_ =	sdelay $0x1  }
0x5d4: {  	v45 =	vmul.f32 v46, v45;
	_ =	sdelay $0x1  }
0x5d5: {  	[tilespmem:s18+$0xFFFFFEA0] =	vst v45  }
0x5d6: {  	v45 =	vld.idx.msk [tilespmem:v58+s14+$0x0], $0xffff  }
0x5d7: {  	v59 =	vld [tilespmem:s15+$0xFFFFFE00];
	_ =	sdelay $0x4  }
0x5d8: {  	v46 =	vmul.f32 v59, v45;
	_ =	sdelay $0x1  }
0x5d9: {  	[tilespmem:s18+$0xFFFFFEC0] =	vst v46  }
0x5da: {  	v46 =	vld [tilespmem:s15+$0xFFFFFE10];
	_ =	sdelay $0x4  }
0x5db: {  	v46 =	vmul.f32 v46, v45;
	_ =	sdelay $0x1  }
0x5dc: {  	[tilespmem:s18+$0xFFFFFED0] =	vst v46  }
0x5dd: {  	v46 =	vld [tilespmem:s15+$0xFFFFFE20];
	_ =	sdelay $0x4  }
0x5de: {  	v46 =	vmul.f32 v46, v45;
	_ =	sdelay $0x1  }
0x5df: {  	[tilespmem:s18+$0xFFFFFEE0] =	vst v46  }
0x5e0: {  	v46 =	vld [tilespmem:s15+$0xFFFFFE30];
	_ =	sdelay $0x2  }
0x5e1: {  	v60 =	vor.u32 $0x5, v44;
	_ =	sdelay $0x1  }
0x5e2: {  	v45 =	vmul.f32 v46, v45;
	_ =	sdelay $0x1  }
0x5e3: {  	[tilespmem:s18+$0xFFFFFEF0] =	vst v45  }
0x5e4: {  	v45 =	vld.idx.msk [tilespmem:v60+s14+$0x0], $0xffff  }
0x5e5: {  	v61 =	vld [tilespmem:s15+$0xFFFFFE80];
	_ =	sdelay $0x4  }
0x5e6: {  	v46 =	vmul.f32 v61, v45;
	_ =	sdelay $0x1  }
0x5e7: {  	[tilespmem:s18+$0xFFFFFF10] =	vst v46  }
0x5e8: {  	v46 =	vld [tilespmem:s15+$0xFFFFFE90];
	_ =	sdelay $0x4  }
0x5e9: {  	v46 =	vmul.f32 v46, v45;
	_ =	sdelay $0x1  }
0x5ea: {  	[tilespmem:s18+$0xFFFFFF20] =	vst v46  }
0x5eb: {  	v46 =	vld [tilespmem:s15+$0xFFFFFEA0];
	_ =	sdelay $0x4  }
0x5ec: {  	v46 =	vmul.f32 v46, v45;
	_ =	sdelay $0x1  }
0x5ed: {  	[tilespmem:s18+$0xFFFFFF30] =	vst v46  }
0x5ee: {  	v46 =	vld [tilespmem:s15+$0xFFFFFEB0];
	_ =	sdelay $0x2  }
0x5ef: {  	v62 =	vor.u32 $0x6, v44;
	_ =	sdelay $0x1  }
0x5f0: {  	v45 =	vmul.f32 v46, v45;
	_ =	sdelay $0x1  }
0x5f1: {  	[tilespmem:s18+$0xFFFFFF40] =	vst v45  }
0x5f2: {  	v45 =	vld.idx.msk [tilespmem:v62+s14+$0x0], $0xffff  }
0x5f3: {  	v63 =	vld [tilespmem:s15+$0xFFFFFF00];
	_ =	sdelay $0x4  }
0x5f4: {  	v46 =	vmul.f32 v63, v45;
	_ =	sdelay $0x1  }
0x5f5: {  	[tilespmem:s18+$0xFFFFFF60] =	vst v46  }
0x5f6: {  	v46 =	vld [tilespmem:s15+$0xFFFFFF10];
	_ =	sdelay $0x4  }
0x5f7: {  	v46 =	vmul.f32 v46, v45;
	_ =	sdelay $0x1  }
0x5f8: {  	[tilespmem:s18+$0xFFFFFF70] =	vst v46  }
0x5f9: {  	v46 =	vld [tilespmem:s15+$0xFFFFFF20];
	_ =	sdelay $0x4  }
0x5fa: {  	v46 =	vmul.f32 v46, v45;
	_ =	sdelay $0x1  }
0x5fb: {  	[tilespmem:s18+$0xFFFFFF80] =	vst v46  }
0x5fc: {  	v46 =	vld [tilespmem:s15+$0xFFFFFF30];
	_ =	sdelay $0x2  }
0x5fd: {  	v48 =	vor.u32 $0x7, v44;
	_ =	sdelay $0x1  }
0x5fe: {  	v45 =	vmul.f32 v46, v45;
	_ =	sdelay $0x1  }
0x5ff: {  	[tilespmem:s18+$0xFFFFFF90] =	vst v45  }
0x600: {  	v45 =	vld.idx.msk [tilespmem:v48+s14+$0x0], $0xffff  }
0x601: {  	v49 =	vld [tilespmem:s15+$0xFFFFFF80];
	_ =	sdelay $0x4  }
0x602: {  	v46 =	vmul.f32 v49, v45;
	_ =	sdelay $0x1  }
0x603: {  	[tilespmem:s18+$0xFFFFFFB0] =	vst v46  }
0x604: {  	v46 =	vld [tilespmem:s15+$0xFFFFFF90];
	_ =	sdelay $0x4  }
0x605: {  	v46 =	vmul.f32 v46, v45;
	_ =	sdelay $0x1  }
0x606: {  	[tilespmem:s18+$0xFFFFFFC0] =	vst v46  }
0x607: {  	v46 =	vld [tilespmem:s15+$0xFFFFFFA0];
	_ =	sdelay $0x4  }
0x608: {  	v46 =	vmul.f32 v46, v45;
	_ =	sdelay $0x1  }
0x609: {  	[tilespmem:s18+$0xFFFFFFD0] =	vst v46  }
0x60a: {  	v46 =	vld [tilespmem:s15+$0xFFFFFFB0];
	_ =	sdelay $0x2  }
0x60b: {  	v50 =	vor.u32 $0x8, v44;
	_ =	sdelay $0x1  }
0x60c: {  	v45 =	vmul.f32 v46, v45;
	_ =	sdelay $0x1  }
0x60d: {  	[tilespmem:s18+$0xFFFFFFE0] =	vst v45  }
0x60e: {  	v45 =	vld.idx.msk [tilespmem:v50+s14+$0x0], $0xffff  }
0x60f: {  	v51 =	vld [tilespmem:s15+$0x0];
	_ =	sdelay $0x4  }
0x610: {  	v46 =	vmul.f32 v51, v45;
	_ =	sdelay $0x1  }
0x611: {  	[tilespmem:s18+$0x0] =	vst v46  }
0x612: {  	v46 =	vld [tilespmem:s15+$0x10];
	_ =	sdelay $0x4  }
0x613: {  	v46 =	vmul.f32 v46, v45;
	_ =	sdelay $0x1  }
0x614: {  	[tilespmem:s18+$0x10] =	vst v46  }
0x615: {  	v46 =	vld [tilespmem:s15+$0x20];
	_ =	sdelay $0x4  }
0x616: {  	v46 =	vmul.f32 v46, v45;
	_ =	sdelay $0x1  }
0x617: {  	[tilespmem:s18+$0x20] =	vst v46  }
0x618: {  	v46 =	vld [tilespmem:s15+$0x30];
	_ =	sdelay $0x2  }
0x619: {  	v52 =	vor.u32 $0x9, v44;
	_ =	sdelay $0x1  }
0x61a: {  	v45 =	vmul.f32 v46, v45;
	_ =	sdelay $0x1  }
0x61b: {  	[tilespmem:s18+$0x30] =	vst v45  }
0x61c: {  	v45 =	vld.idx.msk [tilespmem:v52+s14+$0x0], $0xffff  }
0x61d: {  	v53 =	vld [tilespmem:s15+$0x80];
	_ =	sdelay $0x4  }
0x61e: {  	v46 =	vmul.f32 v53, v45;
	_ =	sdelay $0x1  }
0x61f: {  	[tilespmem:s18+$0x50] =	vst v46  }
0x620: {  	v46 =	vld [tilespmem:s15+$0x90];
	_ =	sdelay $0x4  }
0x621: {  	v46 =	vmul.f32 v46, v45;
	_ =	sdelay $0x1  }
0x622: {  	[tilespmem:s18+$0x60] =	vst v46  }
0x623: {  	v46 =	vld [tilespmem:s15+$0xA0];
	_ =	sdelay $0x4  }
0x624: {  	v46 =	vmul.f32 v46, v45;
	_ =	sdelay $0x1  }
0x625: {  	[tilespmem:s18+$0x70] =	vst v46  }
0x626: {  	v46 =	vld [tilespmem:s15+$0xB0];
	_ =	sdelay $0x2  }
0x627: {  	v54 =	vor.u32 $0xA, v44;
	_ =	sdelay $0x1  }
0x628: {  	v45 =	vmul.f32 v46, v45;
	_ =	sdelay $0x1  }
0x629: {  	[tilespmem:s18+$0x80] =	vst v45  }
0x62a: {  	v45 =	vld.idx.msk [tilespmem:v54+s14+$0x0], $0xffff  }
0x62b: {  	v55 =	vld [tilespmem:s15+$0x100];
	_ =	sdelay $0x4  }
0x62c: {  	v46 =	vmul.f32 v55, v45;
	_ =	sdelay $0x1  }
0x62d: {  	[tilespmem:s18+$0xA0] =	vst v46  }
0x62e: {  	v46 =	vld [tilespmem:s15+$0x110];
	_ =	sdelay $0x4  }
0x62f: {  	v46 =	vmul.f32 v46, v45;
	_ =	sdelay $0x1  }
0x630: {  	[tilespmem:s18+$0xB0] =	vst v46  }
0x631: {  	v46 =	vld [tilespmem:s15+$0x120];
	_ =	sdelay $0x4  }
0x632: {  	v46 =	vmul.f32 v46, v45;
	_ =	sdelay $0x1  }
0x633: {  	[tilespmem:s18+$0xC0] =	vst v46  }
0x634: {  	v46 =	vld [tilespmem:s15+$0x130];
	_ =	sdelay $0x2  }
0x635: {  	v56 =	vor.u32 $0xB, v44;
	_ =	sdelay $0x1  }
0x636: {  	v45 =	vmul.f32 v46, v45;
	_ =	sdelay $0x1  }
0x637: {  	[tilespmem:s18+$0xD0] =	vst v45  }
0x638: {  	v45 =	vld.idx.msk [tilespmem:v56+s14+$0x0], $0xffff  }
0x639: {  	v57 =	vld [tilespmem:s15+$0x180];
	_ =	sdelay $0x4  }
0x63a: {  	v46 =	vmul.f32 v57, v45;
	_ =	sdelay $0x1  }
0x63b: {  	[tilespmem:s18+$0xF0] =	vst v46  }
0x63c: {  	v46 =	vld [tilespmem:s15+$0x190];
	_ =	sdelay $0x4  }
0x63d: {  	v46 =	vmul.f32 v46, v45;
	_ =	sdelay $0x1  }
0x63e: {  	[tilespmem:s18+$0x100] =	vst v46  }
0x63f: {  	v46 =	vld [tilespmem:s15+$0x1A0];
	_ =	sdelay $0x4  }
0x640: {  	v46 =	vmul.f32 v46, v45;
	_ =	sdelay $0x1  }
0x641: {  	[tilespmem:s18+$0x110] =	vst v46  }
0x642: {  	v46 =	vld [tilespmem:s15+$0x1B0];
	_ =	sdelay $0x2  }
0x643: {  	v58 =	vor.u32 $0xC, v44;
	_ =	sdelay $0x1  }
0x644: {  	v45 =	vmul.f32 v46, v45;
	_ =	sdelay $0x1  }
0x645: {  	[tilespmem:s18+$0x120] =	vst v45  }
0x646: {  	v45 =	vld.idx.msk [tilespmem:v58+s14+$0x0], $0xffff  }
0x647: {  	v59 =	vld [tilespmem:s15+$0x200];
	_ =	sdelay $0x4  }
0x648: {  	v46 =	vmul.f32 v59, v45;
	_ =	sdelay $0x1  }
0x649: {  	[tilespmem:s18+$0x140] =	vst v46  }
0x64a: {  	v46 =	vld [tilespmem:s15+$0x210];
	_ =	sdelay $0x4  }
0x64b: {  	v46 =	vmul.f32 v46, v45;
	_ =	sdelay $0x1  }
0x64c: {  	[tilespmem:s18+$0x150] =	vst v46  }
0x64d: {  	v46 =	vld [tilespmem:s15+$0x220];
	_ =	sdelay $0x4  }
0x64e: {  	v46 =	vmul.f32 v46, v45;
	_ =	sdelay $0x1  }
0x64f: {  	[tilespmem:s18+$0x160] =	vst v46  }
0x650: {  	v46 =	vld [tilespmem:s15+$0x230];
	_ =	sdelay $0x2  }
0x651: {  	v60 =	vor.u32 $0xD, v44;
	_ =	sdelay $0x1  }
0x652: {  	v45 =	vmul.f32 v46, v45;
	_ =	sdelay $0x1  }
0x653: {  	[tilespmem:s18+$0x170] =	vst v45  }
0x654: {  	v45 =	vld.idx.msk [tilespmem:v60+s14+$0x0], $0xffff  }
0x655: {  	v61 =	vld [tilespmem:s15+$0x280];
	_ =	sdelay $0x4  }
0x656: {  	v46 =	vmul.f32 v61, v45;
	_ =	sdelay $0x1  }
0x657: {  	[tilespmem:s18+$0x190] =	vst v46  }
0x658: {  	v46 =	vld [tilespmem:s15+$0x290];
	_ =	sdelay $0x4  }
0x659: {  	v46 =	vmul.f32 v46, v45;
	_ =	sdelay $0x1  }
0x65a: {  	[tilespmem:s18+$0x1A0] =	vst v46  }
0x65b: {  	v46 =	vld [tilespmem:s15+$0x2A0];
	_ =	sdelay $0x4  }
0x65c: {  	v46 =	vmul.f32 v46, v45;
	_ =	sdelay $0x1  }
0x65d: {  	[tilespmem:s18+$0x1B0] =	vst v46  }
0x65e: {  	v46 =	vld [tilespmem:s15+$0x2B0];
	_ =	sdelay $0x2  }
0x65f: {  	v62 =	vor.u32 $0xE, v44;
	_ =	sdelay $0x1  }
0x660: {  	v45 =	vmul.f32 v46, v45;
	_ =	sdelay $0x1  }
0x661: {  	[tilespmem:s18+$0x1C0] =	vst v45  }
0x662: {  	v45 =	vld.idx.msk [tilespmem:v62+s14+$0x0], $0xffff  }
0x663: {  	v63 =	vld [tilespmem:s15+$0x300];
	_ =	sdelay $0x4  }
0x664: {  	v46 =	vmul.f32 v63, v45;
	_ =	sdelay $0x1  }
0x665: {  	[tilespmem:s18+$0x1E0] =	vst v46  }
0x666: {  	v46 =	vld [tilespmem:s15+$0x310];
	_ =	sdelay $0x4  }
0x667: {  	v46 =	vmul.f32 v46, v45;
	_ =	sdelay $0x1  }
0x668: {  	[tilespmem:s18+$0x1F0] =	vst v46  }
0x669: {  	v46 =	vld [tilespmem:s15+$0x320];
	_ =	sdelay $0x4  }
0x66a: {  	v46 =	vmul.f32 v46, v45;
	_ =	sdelay $0x1  }
0x66b: {  	[tilespmem:s18+$0x200] =	vst v46  }
0x66c: {  	v46 =	vld [tilespmem:s15+$0x330];
	_ =	sdelay $0x2  }
0x66d: {  	v44 =	vor.u32 $0xF, v44;
	_ =	sdelay $0x1  }
0x66e: {  	v45 =	vmul.f32 v46, v45;
	_ =	sdelay $0x1  }
0x66f: {  	[tilespmem:s18+$0x210] =	vst v45  }
0x670: {  	v44 =	vld.idx.msk [tilespmem:v44+s14+$0x0], $0xffff  }
0x671: {  	v45 =	vld [tilespmem:s15+$0x380];
	_ =	sdelay $0x4  }
0x672: {  	v45 =	vmul.f32 v45, v44;
	_ =	sdelay $0x1  }
0x673: {  	[tilespmem:s18+$0x230] =	vst v45  }
0x674: {  	v45 =	vld [tilespmem:s15+$0x390];
	_ =	sdelay $0x4  }
0x675: {  	v45 =	vmul.f32 v45, v44;
	_ =	sdelay $0x1  }
0x676: {  	[tilespmem:s18+$0x240] =	vst v45  }
0x677: {  	v45 =	vld [tilespmem:s15+$0x3A0];
	_ =	sdelay $0x4  }
0x678: {  	v45 =	vmul.f32 v45, v44;
	_ =	sdelay $0x1  }
0x679: {  	[tilespmem:s18+$0x250] =	vst v45  }
0x67a: {  	v45 =	vld [tilespmem:s15+$0x3B0];
	_ =	sdelay $0x1  }
0x67b: {  	p0 =	sne.s32 s8, $0x40  }
.Ltmp11:
0x67c: {  	_ = 	snop;
	(pc) =	sbr.rel @p0 .LBB2_18-.Ltmp11, $3  }
0x67d: {  	_ = 	snop  }
0x67e: {  	v44 =	vmul.f32 v45, v44;
	_ =	sdelay $0x1  }
0x67f: {  	s8 =	sadd.s32 $0x10, s8;
	s15 =	sadd.s32 $0x800, s15;
	[tilespmem:s18+$0x260] =	vst v44;
	s18 =	sadd.s32 $0x500, s18  }
.Ltmp12:
0x680: {  	(pc) =	sbr.rel @p1 .LBB2_21-.Ltmp12, $2  }
0x681: {  	_ =	sdelay $0x2  }
0x682: {  	[spmem:s2] =	stream.indirect.scatter.add.f32 [tilespmem:s20], [sflag:$0x6], $0x50, s13, s24, $0xb8;
	[tilespmem:$0x17DE0] =	vst v63  }
0x683: {  	s8 =	smul.u32 $0xA0, s21;
	_ =	sdelay $0x1  }
0x684: {  	s8 =	sadd.s32 s8, s12  }
.Ltmp13:
0x685: {  	s8 =	sshrl.u32 s8, $0x3;
	(pc) =	sbr.rel .LBB2_7-.Ltmp13, $4  }
0x686: {  	s15 =	sadd.s32 s5, s8  }
0x687: {  	[tilespmem:s24], [sflag:$0x2] =	stream.linear.gather [hbm4b:s15+s4], $0x50, $0x38;
	[tilespmem:$0x17DE0] =	vst v63  }
0x688: {  	s21 =	sadd.s32 $0x1, s21;
	s8 =	sadd.s32 s1, s8  }
0x689: {  	[tilespmem:s29], [sflag:$0x2] =	stream.linear.gather [hbm4b:s8+s4], $0x50, $0x38;
	[tilespmem:$0x17DE0] =	vst v63  }
.LBB2_23:
0x68a: {  	_ =	sfence.sel $0x180000  }
0x68b: {  	[bflag:$0x0] =	sbarrier.arrive $0xFFFF  }
0x68c: {  	_ =	strace $0x9000004A  }
0x68d: {  	s0 =	stileid.u32;
	[bflag:$0x2] =	sbarrier.arrive $0xFFFF  }
0x68e: {  	p0 =	sne.s32 s0, $0x0;
	s0 =	rddreg [dreg:$0x3]  }
0x68f: {  	s0 =	sadd.s32 @!p0 $0x100000, s0  }
0x690: {  	[sflag:s0] =	ssyncadd.tile.s32 @!p0 $0x1;
	_ =	shalt  }
.Lfunc_end2:
_tile_overlayer_lowered:
.L_overlay_start_2:
0x691: {  	(tag) =	ssettag $0x2  }
0x692: {  	s0 =	rddreg [dreg:$0x0];
	s2 =	stileid.u32  }
0x693: {  	s1 =	rddreg [dreg:$0x1];
	p0 =	sne.s32 s2, $0x0  }
0x694: {  	s3 =	rddreg [dreg:$0x2];
	[bflag:$0x3] =	sbarrier.arrive $0xFFFF;
	s2 =	simm.s32 @!p0 $0x1C07  }
0x695: {  	[timem:s3], [sflag:s2] =	dma.local @!p0 [hbm:s0], s1  }
0x696: {  	s0 =	simm.s32 @!p0 $0x7  }
0x697: {  	_ =	swait.ge @!p0 [sflag:s0], s1  }
0x698: {  	s1 =	ssub.s32 @!p0 $0x0, s1;
	[sflag:s0] =	ssyncset.done @!p0 $0x0  }
0x699: {  	[sflag:s0] =	ssyncadd.s32 @!p0 s1  }
0x69a: {  	[bflag:$0x3] =	sbarrier.arrive $0xFFFF  }
0x69b: {  	_ =	shalt  }

// kernel: sparse-core-data-format-call.cloned.1.call-start
scs
called_computation_lowered:
.L_overlay_start_0:
0x0: {  	s1 =	sld [smem:$0x3FD9]  }
0x1: {  	s2 =	sld [smem:$0x3FFE];
	_ =	sdelay $0x1  }
0x2: {  	s3 =	srdreg.scid  }
0x3: {  	s0 =	sand.u32 $0x1, s3  }
0x4: {  	s17 =	sshll.u32 s0, $0xA;
	s1 =	sadd.s32 s2, s1  }
0x5: {  	s1 =	sadd.s32 s1, s17  }
0x6: {  	[smem:$0x3FBE] =	sst s1  }
0x7: {  	_ = 	snop  }
0x8: {  	(tm) =	ssettm $0x1  }
0x9: {  	s18 =	sld [smem:$0x3FFB];
	_ =	sdelay $0x3  }
0xa: {  	_ =	strace s18  }
0xb: {  	s1 =	sld [smem:$0x3FFC];
	_ =	sdelay $0x3  }
0xc: {  	_ =	strace s1  }
0xd: {  	s1 =	sld [smem:$0x3FFD];
	_ =	sdelay $0x3  }
0xe: {  	_ =	strace s1  }
0xf: {  	_ =	strace $0x8FFFFFFF  }
0x10: {  	s19 =	sld [smem:$0x3FDB];
	_ =	sdelay $0x1  }
0x11: {  	s20 =	simm.s32 $_scs_section_size  }
0x12: {  	s4 =	simm.s32 $_size__tile_overlayer_lowered;
	s5 =	simm.s32 $_tile_overlayer_lowered  }
0x13: {  	s23 =	simm.s32 $0x1BFF;
	s22 =	sshll.u32 s5, $0x1;
	s1 =	sadd.s32 s20, s19  }
0x14: {  	s6 =	simm.s32 $0x0;
	s21 =	sshll.u32 s4, $0x1;
	s4 =	sadd.s32 s22, s1  }
0x15: {  	[timem:s6], [sflag:s23] =	dma.local [hbm:s4], s21  }
0x16: {  	_ =	swait.ge [sflag:s23], s21  }
0x17: {  	s2 =	ssub.s32 $0x0, s21;
	[sflag:s23] =	ssyncset.done $0x0  }
0x18: {  	[sflag:s23] =	ssyncadd.s32 s2;
	_ =	sdelay $0x1  }
0x19: {  	s24 =	simm.s32 $0x1B8B  }
0x1a: {  	_ =	swait.ge [sflag:s24], $0x1  }
0x1b: {  	[sflag:s24] =	ssyncset.done $0x0  }
0x1c: {  	s26 =	simm.s32 $0x1B8E;
	s25 =	sld [smem:$0x3FFE];
	[sflag:s24] =	ssyncadd.s32 $0xFFFFFFFF  }
0x1d: {  	s27 =	simm.s32 $execute0_lowered;
	[smem:$0x3FD2] =	sst s26  }
0x1e: {  	s4 =	sshll.u32 s27, $0x1;
	_ =	strace $0x80000046;
	[dreg:$0x1] =	wrdreg $0xFFFFFFFF  }
0x1f: {  	s28 =	simm.s32 $_size_execute0_lowered;
	s1 =	sadd.s32 s1, s4;
	[dreg:$0x0] =	wrdreg $0x0  }
0x20: {  	s4 =	sshll.u32 s28, $0x1;
	[dreg:$0x2] =	wrdreg s1  }
0x21: {  	[dreg:$0x3] =	wrdreg s4  }
0x22: {  	[dreg:$0x4] =	wrdreg $0xC0  }
0x23: {  	_ =	task [dreg:s6], $0x5FFFF  }
0x24: {  	[dreg:$0x1] =	wrdreg $0xFFFFFFFF  }
0x25: {  	[dreg:$0x0] =	wrdreg $0x60  }
0x26: {  	[dreg:$0x2] =	wrdreg s25  }
0x27: {  	[dreg:$0x3] =	wrdreg $0x9  }
0x28: {  	_ =	task.clear_ibuf [dreg:s6], $0x4FFFF;
	_ =	strace $0x90000046  }
0x29: {  	s29 =	simm.s32 $0x9;
	_ =	strace $0x80000048  }
0x2a: {  	_ =	swait.ge [sflag:s29], $0x1  }
0x2b: {  	[sflag:s29] =	ssyncadd.s32 $0xFFFFFFFF  }
0x2c: {  	_ =	strace $0x90000048  }
0x2d: {  	_ =	sfence  }
0x2e: {  	s30 =	sld [smem:$0x0];
	_ =	sdelay $0x2  }
0x2f: {  	s31 =	sshll.u32 s3, $0xD;
	s3 =	sshrl.u32 s3, $0x2  }
0x30: {  	s2 =	sand.u32 $0x4000, s31;
	s1 =	sadd.s32 s3, s30  }
0x31: {  	s0 =	sor.u32 s2, s0;
	s1 =	sshll.u32 s1, $0x11  }
0x32: {  	s0 =	sor.u32 s1, s0  }
0x33: {  	s0 =	sadd.s32 $0x8F2B, s0  }
0x34: {  	[sflag:s0] =	ssyncadd.remote.s32 $0x1  }
0x35: {  	_ =	sfence.sel $0xFFFF  }
0x36: {  	[dreg:$0x0] =	wrdreg $0xFFFFFFFF;
	(pc) =	sbr.abs _section_cstart, $3  }
0x37: {  	[dreg:$0x1] =	wrdreg $0xFFFFFFFF  }
0x38: {  	_ =	task.clear_ibuf [dreg:s6], $0x2FFFF;
	_ =	strace $0x9FFFFFFF  }
0x39: {  	(tm) =	ssettm $0x7FFFFFFF  }
tec
execute0_lowered:
.L_overlay_start_1:
0x0: {  	(tag) =	ssettag $0x1  }
0x1: {  	s0 =	srdreg.scid  }
0x2: {  	s1 =	sshll.u32 s0, $0x4  }
0x3: {  	s4 =	rddreg [dreg:$0x0];
	s0 =	stileid.u32;
	s1 =	sand.u32 $0x10, s1  }
0x4: {  	s7 =	simm.s32 $0x1;
	s8 =	simm.s32 $0x2;
	s1 =	sor.u32 s0, s1  }
0x5: {  	s9 =	simm.s32 $0x0;
	s12 =	simm.s32 $0x0;
	s2 =	sshll.u32 s1, $0x1  }
0x6: {  	s11 =	simm.s32 $0x0;
	s3 =	sadd.s32 $0x9E400, s4;
	s6 =	ssub.s32 $0x4E2, s2  }
.Ltmp0:
0x7: {  	s4 =	sadd.s32 $0x1D6C00, s4;
	s5 =	sand.u32 $0x3E, s6;
	(pc) =	sbr.rel .LBB1_1-.Ltmp0, $4  }
0x8: {  	s1 =	rddreg [dreg:$0x1];
	_ =	strace $0x80000047;
	p0 =	sne.s32 s5, $0x0  }
0x9: {  	s6 =	sshrl.u32 s6, $0x6;
	s5 =	simm.s32 $0x1;
	s7 =	simm.s32 @!p0 $0x0  }
0xa: {  	s10 =	smov.u32 s2;
	[sflag:s5] =	ssyncpa.u1 $0x0;
	s6 =	sadd.s32 s7, s6  }
0xb: {  	[sflag:s8] =	ssyncpa.u1 $0x0;
	s8 =	simm.s32 $0x0;
	s7 =	sadd.s32 $0x1, s6  }
.LBB1_9:
0xc: {  	s14 =	sadd.s32 $0x40, s10  }
0xd: {  	p1 =	sgt.s32 s14, $0x4E1  }
0xe: {  	s14 =	smov.u32 @p1 s2;
	p1 =	sne.s32 s11, s7  }
.Ltmp1:
0xf: {  	p0 =	slt.u32 s11, $0x2;
	(pc) =	sbr.rel @!p1 .LBB1_10-.Ltmp1, $4  }
0x10: {  	s13 =	simm.s32 @!p0 $0x2  }
0x11: {  	s15 =	sadd.s32 $0x1, s11;
	_ =	swait.ge @!p0 [sflag:s13], $0x4000  }
0x12: {  	s12 =	smov.u32 s10;
	s9 =	sadd.s32 $0x4000, s9;
	[sflag:s13] =	ssyncset.done @!p0 $0x0  }
0x13: {  	s11 =	smov.u32 s15;
	s10 =	smov.u32 s14;
	[sflag:s13] =	ssyncadd.s32 @!p0 $0xFFFFC000  }
.LBB1_1:
0x14: {  	p0 =	sge.u32 s11, s6  }
0x15: {  	s13 =	sxor.u32 @!p0 $0xFFFFFFFF, s11  }
0x16: {  	s31 =	sadd.s32 $0xFFFFFFFF, s11;
	s14 =	sshll.u32 @!p0 s10, $0xA;
	s13 =	sshll.u32 @!p0 s13, $0xE  }
0x17: {  	s15 =	simm.s32 @!p0 $0x0;
	s14 =	sadd.s32 @!p0 s3, s14;
	s13 =	sand.u32 @!p0 $0x4000, s13  }
0x18: {  	[tilespmem:s13], [sflag:$0x1] =	stream.linear.gather @!p0 [hbm4b:s14+s15], $0x4000, $0x38;
	[tilespmem:$0x10000] =	vst v63  }
0x19: {  	p0 =	sge.u32 s31, s6  }
.Ltmp2:
0x1a: {  	_ = 	snop;
	(pc) =	sbr.rel @p0 .LBB1_9-.Ltmp2, $1  }
0x1b: {  	_ =	sdelay $0x3  }
0x1c: {  	s13 =	sshll.u32 s9, $0x2  }
0x1d: {  	_ =	swait.ge [sflag:s5], $0x4000;
	s14 =	sshll.u32 s11, $0xE;
	s16 =	simm.s32 $0x0  }
0x1e: {  	p1 =	por $0x1, $0x1;
	s13 =	sand.u32 $0x10000, s13;
	[sflag:s5] =	ssyncset.done $0x0  }
0x1f: {  	s14 =	sand.u32 $0x4000, s14;
	s15 =	sshrl.u32 s13, $0x2;
	[sflag:s5] =	ssyncadd.s32 $0xFFFFC000  }
0x20: {  	s13 =	sor.u32 $0x8000, s14;
	s14 =	sadd.s32 $0x8040, s15;
	s15 =	sadd.s32 $0x40, s15  }
.LBB1_3:
0x21: {  	s16 =	sshll.u32 s16, $0x2  }
0x22: {  	p0 =	por p1, p1;
	s17 =	sshra.s32 s16, $0x2  }
0x23: {  	s18 =	simm.s32 $0x0;
	s16 =	sadd.s32 s17, s14;
	s17 =	sadd.s32 s17, s15  }
.LBB1_4:
0x24: {  	v0 =	vmov s17;
	_ =	sdelay $0x3  }
0x25: {  	s20 =	simm.s32 $0x0  }
0x26: {  	v6 =	vld.idx.msk [tilespmem:v0+s20+$0x30 ss:$0x1], $0xffff  }
0x27: {  	v7 =	vld.idx.msk [tilespmem:v0+s20+$0xFFFFFFC0 ss:$0x1], $0xffff  }
0x28: {  	v5 =	vld.idx.msk [tilespmem:v0+s20+$0xFFFFFFD0 ss:$0x1], $0xffff  }
0x29: {  	v4 =	vld.idx.msk [tilespmem:v0+s20+$0xFFFFFFE0 ss:$0x1], $0xffff  }
0x2a: {  	v3 =	vld.idx.msk [tilespmem:v0+s20+$0xFFFFFFF0 ss:$0x1], $0xffff  }
0x2b: {  	v1 =	vld.idx.msk [tilespmem:v0+s20+$0x0 ss:$0x1], $0xffff  }
0x2c: {  	v2 =	vld.idx.msk [tilespmem:v0+s20+$0x10 ss:$0x1], $0xffff;
	[tilespmem:s16+$0x30] =	vst v6  }
0x2d: {  	s19 =	simm.s32 $0x80;
	s21 =	simm.s32 $0x400;
	[tilespmem:s16+$0xFFFFFFC0] =	vst v7;
	v6 =	vld.idx.msk [tilespmem:v0+s20+$0x20 ss:$0x1], $0xffff;
	s20 =	smov.u32 s16  }
.LBB1_5:
0x2e: {  	p1 =	sne.s32 s21, $0xE00;
	v7 =	vld.idx.msk [tilespmem:v0+s19+$0x30 ss:$0x1], $0xffff;
	[tilespmem:s20+$0xFFFFFFD0] =	vst v5  }
0x2f: {  	v8 =	vld.idx.msk [tilespmem:v0+s19+$0xFFFFFFC0 ss:$0x1], $0xffff;
	[tilespmem:s20+$0xFFFFFFE0] =	vst v4  }
0x30: {  	v5 =	vld.idx.msk [tilespmem:v0+s19+$0xFFFFFFD0 ss:$0x1], $0xffff;
	[tilespmem:s20+$0xFFFFFFF0] =	vst v3  }
.Ltmp3:
0x31: {  	v4 =	vld.idx.msk [tilespmem:v0+s19+$0xFFFFFFE0 ss:$0x1], $0xffff;
	[tilespmem:s20+$0x0] =	vst v1;
	(pc) =	sbr.rel @p1 .LBB1_5-.Ltmp3, $4  }
0x32: {  	v3 =	vld.idx.msk [tilespmem:v0+s19+$0xFFFFFFF0 ss:$0x1], $0xffff;
	[tilespmem:s20+$0x10] =	vst v2  }
0x33: {  	v1 =	vld.idx.msk [tilespmem:v0+s19+$0x0 ss:$0x1], $0xffff;
	[tilespmem:s20+$0x20] =	vst v6;
	s20 =	sadd.s32 $0x400, s20  }
0x34: {  	v2 =	vld.idx.msk [tilespmem:v0+s19+$0x10 ss:$0x1], $0xffff;
	[tilespmem:s20+$0x30] =	vst v7  }
0x35: {  	[tilespmem:s20+$0xFFFFFFC0] =	vst v8;
	v6 =	vld.idx.msk [tilespmem:v0+s19+$0x20 ss:$0x1], $0xffff;
	s19 =	sshra.s32 s21, $0x2;
	s21 =	sadd.s32 $0x200, s21  }
0x36: {  	_ =	sdelay $0x2  }
0x37: {  	[tilespmem:s20+$0xFFFFFFD0] =	vst v5  }
0x38: {  	v56 =	vld.idx.msk [tilespmem:v0+s19+$0x30 ss:$0x1], $0xffff;
	[tilespmem:s20+$0xFFFFFFE0] =	vst v4  }
0x39: {  	v57 =	vld.idx.msk [tilespmem:v0+s19+$0xFFFFFFC0 ss:$0x1], $0xffff;
	[tilespmem:s20+$0xFFFFFFF0] =	vst v3  }
0x3a: {  	v58 =	vld.idx.msk [tilespmem:v0+s19+$0xFFFFFFD0 ss:$0x1], $0xffff;
	[tilespmem:s20+$0x0] =	vst v1  }
0x3b: {  	v59 =	vld.idx.msk [tilespmem:v0+s19+$0xFFFFFFE0 ss:$0x1], $0xffff;
	[tilespmem:s20+$0x10] =	vst v2  }
0x3c: {  	v60 =	vld.idx.msk [tilespmem:v0+s19+$0xFFFFFFF0 ss:$0x1], $0xffff;
	s31 =	sadd.s32 $0x400, s20;
	[tilespmem:s20+$0x20] =	vst v6  }
0x3d: {  	v61 =	vld.idx.msk [tilespmem:v0+s19+$0x0 ss:$0x1], $0xffff;
	[tilespmem:s31+$0x30] =	vst v56  }
0x3e: {  	v62 =	vld.idx.msk [tilespmem:v0+s19+$0x10 ss:$0x1], $0xffff;
	s18 =	sadd.s32 $0x1, s18;
	[tilespmem:s31+$0xFFFFFFC0] =	vst v57  }
0x3f: {  	v63 =	vld.idx.msk [tilespmem:v0+s19+$0x20 ss:$0x1], $0xffff;
	p1 =	sne.s32 s18, $0x8;
	[tilespmem:s31+$0xFFFFFFD0] =	vst v58  }
.Ltmp4:
0x40: {  	[tilespmem:s31+$0xFFFFFFE0] =	vst v59;
	(pc) =	sbr.rel @p1 .LBB1_4-.Ltmp4, $4  }
0x41: {  	[tilespmem:s31+$0xFFFFFFF0] =	vst v60  }
0x42: {  	[tilespmem:s31+$0x0] =	vst v61  }
0x43: {  	[tilespmem:s31+$0x10] =	vst v62  }
0x44: {  	s16 =	sadd.s32 $0x80, s16;
	s17 =	sadd.s32 $0x400, s17;
	[tilespmem:s31+$0x20] =	vst v63  }
.Ltmp5:
0x45: {  	(pc) =	sbr.rel @p0 .LBB1_3-.Ltmp5, $2  }
0x46: {  	_ =	sdelay $0x2  }
0x47: {  	s16 =	simm.s32 $0x2000;
	p1 =	por $0x0, $0x0  }
.Ltmp6:
0x48: {  	(pc) =	sbr.rel .LBB1_9-.Ltmp6, $4  }
0x49: {  	_ = 	snop  }
0x4a: {  	s12 =	sshll.u32 s12, $0xA  }
0x4b: {  	s12 =	sadd.s32 s4, s12  }
0x4c: {  	[hbm4b:s12+s8] =	stream.linear.scatter [tilespmem:s13], [sflag:$0x2], $0x4000, $0x38;
	[tilespmem:$0x10000] =	vst v63  }
.LBB1_10:
0x4d: {  	_ =	sfence.sel $0x180000  }
0x4e: {  	s2 =	simm.s32 $0x1;
	[bflag:$0x0] =	sbarrier.arrive $0xFFFF  }
0x4f: {  	s31 =	simm.s32 $0x2;
	[sflag:s2] =	ssyncpa.u1 $0x1  }
0x50: {  	[sflag:s31] =	ssyncpa.u1 $0x1  }
0x51: {  	p0 =	sne.s32 s0, $0x0;
	_ =	strace $0x90000047  }
0x52: {  	s0 =	sadd.s32 @!p0 $0x100000, s1;
	[bflag:$0x2] =	sbarrier.arrive $0xFFFF  }
0x53: {  	[sflag:s0] =	ssyncadd.tile.s32 @!p0 $0x1;
	_ =	shalt  }
.Lfunc_end1:
_tile_overlayer_lowered:
.L_overlay_start_2:
0x54: {  	(tag) =	ssettag $0x2  }
0x55: {  	s0 =	rddreg [dreg:$0x0];
	s2 =	stileid.u32  }
0x56: {  	s1 =	rddreg [dreg:$0x1];
	p0 =	sne.s32 s2, $0x0  }
0x57: {  	s3 =	rddreg [dreg:$0x2];
	[bflag:$0x3] =	sbarrier.arrive $0xFFFF;
	s2 =	simm.s32 @!p0 $0x1C01  }
0x58: {  	[timem:s3], [sflag:s2] =	dma.local @!p0 [hbm:s0], s1  }
0x59: {  	s0 =	simm.s32 @!p0 $0x1  }
0x5a: {  	_ =	swait.ge @!p0 [sflag:s0], s1  }
0x5b: {  	s1 =	ssub.s32 @!p0 $0x0, s1;
	[sflag:s0] =	ssyncset.done @!p0 $0x0  }
0x5c: {  	[sflag:s0] =	ssyncadd.s32 @!p0 s1  }
0x5d: {  	[bflag:$0x3] =	sbarrier.arrive $0xFFFF  }
0x5e: {  	_ =	shalt  }

</sc_bundles>
